<compile_context>
chip_gen: v7x
topology: tpu7x:2x2x1
jax: 0.10.2.dev20260603
libtpu: 0.0.44.dev20260713+nightly
codegen_flags: <defaults>
</compile_context>

<pallas_src>
import functools

import jax
import jax.numpy as jnp
from jax import lax
from jax.experimental import pallas as pl
from jax.experimental.pallas import tpu as pltpu
from jax.experimental.pallas import tpu_sc as plsc

_TOKENS = 409600
_PARTS = 4
_PTOK = _TOKENS // _PARTS
_D = 64
_USERS = 4096
_CW = 16
_NC = 2
_NS = 16
_NW = _NC * _NS
_TPW = _PTOK // _NW
_SUB = 128
_NSUB = 5
_CHUNK = _SUB * _NSUB
_NCH = _TPW // _CHUNK
_RPT = _USERS // _NS
_ITPW = _TOKENS // _NW
_INCH = _ITPW // _CHUNK


def _sc_counts(idx_full):
  mesh = plsc.VectorSubcoreMesh(core_axis_name="c", subcore_axis_name="s",
                                num_cores=_NC, num_subcores=_NS)
  scratch = ([pltpu.VMEM_SHARED((_USERS, _CW), jnp.float32)]
             + [pltpu.VMEM((_SUB,), jnp.int32) for _ in range(_NSUB)]
             + [pltpu.VMEM((_SUB, _CW), jnp.float32)]
             + [pltpu.SemaphoreType.DMA for _ in range(2 * _NSUB)])

  @functools.partial(
      pl.kernel,
      out_type=jax.ShapeDtypeStruct((_NC, _USERS, _CW), jnp.float32),
      mesh=mesh,
      scratch_types=scratch,
  )
  def run(idx_hbm, cnts_hbm, accc, *bufs):
    ib = bufs[:_NSUB]
    ones = bufs[_NSUB]
    sems = bufs[_NSUB + 1:]
    six = sems[:_NSUB]
    ssc = sems[_NSUB:]
    c = lax.axis_index("c")
    s = lax.axis_index("s")
    base = (c * _NS + s) * _ITPW

    zf = jnp.zeros((16,), jnp.float32)
    onesv = jnp.full((16,), 1.0, jnp.float32)

    def zcrow(r, carry):
      ones[r, pl.ds(0, 16)] = zf
      return carry
    lax.fori_loop(0, _SUB, zcrow, 0)
    for r in range(_RPT // _SUB):
      pltpu.sync_copy(ones, accc.at[pl.ds(s * _RPT + r * _SUB, _SUB)])
    def orow(r, carry):
      ones[r, pl.ds(0, 16)] = onesv
      return carry
    lax.fori_loop(0, _SUB, orow, 0)
    plsc.subcore_barrier()

    def body(i, carry):
      t0 = base + i * _CHUNK
      ins = []
      for j in range(_NSUB):
        @pl.when(i > 0)
        def _(j=j):
          pltpu.make_async_copy(ones, accc.at[ib[j]], ssc[j]).wait()
        ins.append(pltpu.async_copy(idx_hbm.at[pl.ds(t0 + j * _SUB, _SUB)],
                                    ib[j], six[j]))
      for j in range(_NSUB):
        ins[j].wait()
        pltpu.async_copy(ones, accc.at[ib[j]], ssc[j], add=True)
      return carry

    lax.fori_loop(0, _INCH, body, 0)
    for j in range(_NSUB):
      pltpu.make_async_copy(ones, accc.at[ib[j]], ssc[j]).wait()
    plsc.subcore_barrier()
    pltpu.sync_copy(accc.at[pl.ds(s * _RPT, _RPT)],
                    cnts_hbm.at[c, pl.ds(s * _RPT, _RPT)])

  return run(idx_full)


def _sc_part_sums(x_part, idx_full, part, cnts_dep):
  mesh = plsc.VectorSubcoreMesh(core_axis_name="c", subcore_axis_name="s",
                                num_cores=_NC, num_subcores=_NS)

  scratch = ([pltpu.VMEM_SHARED((_USERS, _D), jnp.float32)]
             + [pltpu.VMEM((_SUB, _D), jnp.float32) for _ in range(_NSUB)]
             + [pltpu.VMEM((_SUB,), jnp.int32) for _ in range(_NSUB)]
             + [pltpu.SemaphoreType.DMA for _ in range(3 * _NSUB)])

  @functools.partial(
      pl.kernel,
      out_type=jax.ShapeDtypeStruct((_NC, _USERS, _D), jnp.float32),
      mesh=mesh,
      scratch_types=scratch,
  )
  def run(x_hbm, idx_hbm, dep_hbm, sums_hbm, acc, *bufs):
    xb = bufs[:_NSUB]
    ib = bufs[_NSUB:2 * _NSUB]
    sems = bufs[2 * _NSUB:]
    sxx = sems[:_NSUB]
    six = sems[_NSUB:2 * _NSUB]
    ssx = sems[2 * _NSUB:3 * _NSUB]
    c = lax.axis_index("c")
    s = lax.axis_index("s")
    base = (c * _NS + s) * _TPW
    ibase = part * _PTOK + base

    zf = jnp.zeros((16,), jnp.float32)

    def zrow(r, carry):
      for k in range(_D // 16):
        xb[0][r, pl.ds(16 * k, 16)] = zf
      return carry
    lax.fori_loop(0, _SUB, zrow, 0)
    for r in range(_RPT // _SUB):
      pltpu.sync_copy(xb[0], acc.at[pl.ds(s * _RPT + r * _SUB, _SUB)])
    plsc.subcore_barrier()

    def body(i, carry):
      t0 = base + i * _CHUNK
      i0 = ibase + i * _CHUNK
      ins = []
      for j in range(_NSUB):
        @pl.when(i > 0)
        def _(j=j):
          pltpu.make_async_copy(xb[j], acc.at[ib[j]], ssx[j]).wait()
        hi = pltpu.async_copy(idx_hbm.at[pl.ds(i0 + j * _SUB, _SUB)],
                              ib[j], six[j])
        hx = pltpu.async_copy(x_hbm.at[pl.ds(t0 + j * _SUB, _SUB)], xb[j],
                              sxx[j])
        ins.append((hi, hx))
      for j in range(_NSUB):
        hi, hx = ins[j]
        hi.wait()
        hx.wait()
        pltpu.async_copy(xb[j], acc.at[ib[j]], ssx[j], add=True)
      return carry

    lax.fori_loop(0, _NCH, body, 0)
    for j in range(_NSUB):
      pltpu.make_async_copy(xb[j], acc.at[ib[j]], ssx[j]).wait()
    plsc.subcore_barrier()
    pltpu.sync_copy(acc.at[pl.ds(s * _RPT, _RPT)],
                    sums_hbm.at[c, pl.ds(s * _RPT, _RPT)])

  return run(x_part, idx_full, cnts_dep)


_RB = 4096


def _repack_part(xt, part):
  nb = _PTOK // _RB

  def body(x_ref, o_ref):
    o_ref[...] = x_ref[...].T

  return pl.pallas_call(
      body,
      grid=(nb,),
      in_specs=[pl.BlockSpec((_D, _RB),
                             lambda b, part=part: (0, part * nb + b))],
      out_specs=pl.BlockSpec((_RB, _D), lambda b: (b, 0)),
      out_shape=jax.ShapeDtypeStruct((_PTOK, _D), jnp.float32),
  )(xt)


def _finalize(parts, cnts):
  def body(*refs):
    o_ref = refs[-1]
    q = refs[_PARTS][...]
    tot = None
    for k in range(_PARTS):
      p = refs[k][...]
      for i in range(_NC):
        tot = p[i] if tot is None else tot + p[i]
    cnt = q[0, :, 0:1] + q[1, :, 0:1]
    val = tot / cnt
    o_ref[...] = jnp.concatenate(
        [val, jnp.zeros((_USERS, 1), jnp.float32)], axis=1)

  return pl.pallas_call(
      body,
      out_shape=jax.ShapeDtypeStruct((_USERS, _D + 1), jnp.float32),
  )(*parts, cnts)


@jax.jit
def kernel(x_hist, batch_hist):
  idx = batch_hist.astype(jnp.int32)
  xt = jnp.swapaxes(x_hist, 0, 1)
  cnts = _sc_counts(idx)
  parts = [
      _sc_part_sums(_repack_part(xt, k), idx, k, cnts)
      for k in range(_PARTS)
  ]
  return _finalize(parts, cnts)

# --- scband reference (transcript-rebuilt; emitter-appended) ---
"""Pipeline reference for scband-users-encoder-79903571575232 (READ-ONLY COPY).

The authoritative reference and input builder live on the scoring server;
editing this copy changes nothing except your own understanding.
"""

import jax, jax.numpy as jnp
import numpy as np

TOTAL_TOKENS = 409600
D = 64
NUM_USERS = 4096


def setup_inputs(seed: int = 0) -> dict:
    key = jax.random.key(seed)
    k1, k2 = jax.random.split(key)
    x_hist = jax.random.normal(k1, (TOTAL_TOKENS, D), dtype=jnp.float32)
    batch_hist = jnp.sort(jax.random.randint(k2, (TOTAL_TOKENS,), 0, NUM_USERS, dtype=jnp.int32))
    return {"x_hist": x_hist, "batch_hist": batch_hist}


def reference(x_hist, batch_hist):
    # to_dense_batch(x_hist, batch_hist) -> dense [B, Lmax, D] + mask, then
    # sum over seq dim / mask count == segment mean. Equivalent faithful math:
    sums = jax.ops.segment_sum(x_hist, batch_hist, num_segments=NUM_USERS)
    counts = jax.ops.segment_sum(jnp.ones((x_hist.shape[0],), dtype=x_hist.dtype), batch_hist, num_segments=NUM_USERS)
    user_embeddings = sums / counts[:, None]
    zeros_column = jnp.zeros((user_embeddings.shape[0], 1), dtype=user_embeddings.dtype)
    user_embeddings = jnp.concatenate([user_embeddings, zeros_column], axis=1)
    return user_embeddings

if __name__ == "__main__":
    import jax
    _d = setup_inputs()
    print(jax.jit(kernel)(*tuple(_d.values())))

</pallas_src>

<mosaic_0001>
#map = affine_map<(d0, d1) -> (0)>
#map1 = affine_map<(d0, d1) -> (0, 0, 0)>
module attributes {stable_mosaic.version = 14 : i64} {
  func.func @run(%arg0: i32, %arg1: i32, %arg2: memref<409600xi32, #tpu.memory_space<hbm>>, %arg3: memref<2x4096x16xf32, #tpu.memory_space<hbm>>, %arg4: memref<4096x16xf32, #tpu.memory_space<vmem_shared>>, %arg5: memref<128xi32, #tpu.memory_space<vmem>>, %arg6: memref<128xi32, #tpu.memory_space<vmem>>, %arg7: memref<128xi32, #tpu.memory_space<vmem>>, %arg8: memref<128xi32, #tpu.memory_space<vmem>>, %arg9: memref<128xi32, #tpu.memory_space<vmem>>, %arg10: memref<128x16xf32, #tpu.memory_space<vmem>>, %arg11: memref<!tpu.dma_semaphore, #tpu.memory_space<semaphore_mem>>, %arg12: memref<!tpu.dma_semaphore, #tpu.memory_space<semaphore_mem>>, %arg13: memref<!tpu.dma_semaphore, #tpu.memory_space<semaphore_mem>>, %arg14: memref<!tpu.dma_semaphore, #tpu.memory_space<semaphore_mem>>, %arg15: memref<!tpu.dma_semaphore, #tpu.memory_space<semaphore_mem>>, %arg16: memref<!tpu.dma_semaphore, #tpu.memory_space<semaphore_mem>>, %arg17: memref<!tpu.dma_semaphore, #tpu.memory_space<semaphore_mem>>, %arg18: memref<!tpu.dma_semaphore, #tpu.memory_space<semaphore_mem>>, %arg19: memref<!tpu.dma_semaphore, #tpu.memory_space<semaphore_mem>>, %arg20: memref<!tpu.dma_semaphore, #tpu.memory_space<semaphore_mem>>) attributes {dimension_semantics = [#tpu.dimension_semantics<core_parallel>, #tpu.dimension_semantics<subcore_parallel>], iteration_bounds = array<i64: 2, 16>, scalar_prefetch = 0 : i64, scratch_operands = 17 : i64, tpu.core_type = #tpu.core_type<sc_vector_subcore>, window_params = [{transform_indices = #map}, {transform_indices = #map1}]} {
    %mul3A = arith.constant 16 : i32
    %mul3A_0 = arith.muli %arg0, %mul3A : i32
    %add3A = arith.addi %mul3A_0, %arg1 : i32
    %mul3A_1 = arith.constant 12800 : i32
    %mul3A_2 = arith.muli %add3A, %mul3A_1 : i32
    %broadcast_in_dim3A = arith.constant 0.000000e+00 : f32
    %broadcast_in_dim3A_3 = vector.broadcast %broadcast_in_dim3A : f32 to vector<16xf32>
    %broadcast_in_dim3A_4 = arith.constant 1.000000e+00 : f32
    %broadcast_in_dim3A_5 = vector.broadcast %broadcast_in_dim3A_4 : f32 to vector<16xf32>
    %scan3A = arith.constant 0 : i32
    %scan3A_6 = arith.constant 0 : i32
    %scan3A_7 = arith.constant 128 : i32
    %scan3A_8 = arith.addi %scan3A_6, %scan3A_7 : i32
    %scan3A_9 = arith.constant 1 : i32
    scf.for %scan3A_50 = %scan3A_6 to %scan3A_8 step %scan3A_9  : i32 {
      %swap3A = arith.index_cast %scan3A_50 : i32 to index
      %swap3A_51 = arith.constant 0 : index
      %swap3A_52 = tpu.vector_load %arg10[%swap3A, %swap3A_51] {strides = array<i32>} : memref<128x16xf32, #tpu.memory_space<vmem>>, vector<1x16xf32>,
      %swap3A_53 = vector.shape_cast %swap3A_52 : vector<1x16xf32> to vector<16xf32>
      %swap3A_54 = vector.shape_cast %broadcast_in_dim3A_3 : vector<16xf32> to vector<1x16xf32>
      tpu.vector_store %arg10[%swap3A, %swap3A_51], %swap3A_54 {strides = array<i32>} : memref<128x16xf32, #tpu.memory_space<vmem>>, vector<1x16xf32>,
    }
    %scan3A_10 = arith.constant 128 : i32
    %mul3A_11 = arith.constant 256 : i32
    %mul3A_12 = arith.muli %arg1, %mul3A_11 : i32
    %add3A_13 = arith.constant 0 : i32
    %add3A_14 = arith.addi %mul3A_12, %add3A_13 : i32
    "tpu.region"() ({
      %run_scoped3A = tpu.sem_alloc : memref<!tpu.dma_semaphore, #tpu.memory_space<semaphore_mem>>
      %dma_start3A = arith.constant 0 : i32
      %dma_start3A_50 = tpu.memref_slice %arg4[%add3A_14, %dma_start3A] : memref<4096x16xf32, #tpu.memory_space<vmem_shared>> -> memref<128x16xf32, #tpu.memory_space<vmem_shared>>
      %dma_start3A_51 = arith.constant 0 : i32
      %dma_start3A_52 = tpu.memref_slice %arg4[%add3A_14, %dma_start3A_51] : memref<4096x16xf32, #tpu.memory_space<vmem_shared>> -> memref<128x16xf32, #tpu.memory_space<vmem_shared>>
      tpu.enqueue_dma source(%arg10 : memref<128x16xf32, #tpu.memory_space<vmem>>) target(%dma_start3A_52 : memref<128x16xf32, #tpu.memory_space<vmem_shared>>) target_semaphore(%run_scoped3A : memref<!tpu.dma_semaphore, #tpu.memory_space<semaphore_mem>>)
      %dma_wait3A_53 = arith.constant 0 : i32
      %dma_wait3A_54 = tpu.memref_slice %arg4[%add3A_14, %dma_wait3A_53] : memref<4096x16xf32, #tpu.memory_space<vmem_shared>> -> memref<128x16xf32, #tpu.memory_space<vmem_shared>>
      %dma_wait3A_55 = arith.constant 0 : i32
      %dma_wait3A_56 = tpu.memref_slice %arg4[%add3A_14, %dma_wait3A_55] : memref<4096x16xf32, #tpu.memory_space<vmem_shared>> -> memref<128x16xf32, #tpu.memory_space<vmem_shared>>
      tpu.wait_dma2 semaphore(%run_scoped3A : memref<!tpu.dma_semaphore, #tpu.memory_space<semaphore_mem>>) src(%arg10 : memref<128x16xf32, #tpu.memory_space<vmem>>) dst(%dma_wait3A_56 : memref<128x16xf32, #tpu.memory_space<vmem_shared>>)
      tpu.yield
    }) : () -> ()
    %mul3A_15 = arith.constant 256 : i32
    %mul3A_16 = arith.muli %arg1, %mul3A_15 : i32
    %add3A_17 = arith.constant 128 : i32
    %add3A_18 = arith.addi %mul3A_16, %add3A_17 : i32
    "tpu.region"() ({
      %run_scoped3A = tpu.sem_alloc : memref<!tpu.dma_semaphore, #tpu.memory_space<semaphore_mem>>
      %dma_start3A = arith.constant 0 : i32
      %dma_start3A_50 = tpu.memref_slice %arg4[%add3A_18, %dma_start3A] : memref<4096x16xf32, #tpu.memory_space<vmem_shared>> -> memref<128x16xf32, #tpu.memory_space<vmem_shared>>
      %dma_start3A_51 = arith.constant 0 : i32
      %dma_start3A_52 = tpu.memref_slice %arg4[%add3A_18, %dma_start3A_51] : memref<4096x16xf32, #tpu.memory_space<vmem_shared>> -> memref<128x16xf32, #tpu.memory_space<vmem_shared>>
      tpu.enqueue_dma source(%arg10 : memref<128x16xf32, #tpu.memory_space<vmem>>) target(%dma_start3A_52 : memref<128x16xf32, #tpu.memory_space<vmem_shared>>) target_semaphore(%run_scoped3A : memref<!tpu.dma_semaphore, #tpu.memory_space<semaphore_mem>>)
      %dma_wait3A_53 = arith.constant 0 : i32
      %dma_wait3A_54 = tpu.memref_slice %arg4[%add3A_18, %dma_wait3A_53] : memref<4096x16xf32, #tpu.memory_space<vmem_shared>> -> memref<128x16xf32, #tpu.memory_space<vmem_shared>>
      %dma_wait3A_55 = arith.constant 0 : i32
      %dma_wait3A_56 = tpu.memref_slice %arg4[%add3A_18, %dma_wait3A_55] : memref<4096x16xf32, #tpu.memory_space<vmem_shared>> -> memref<128x16xf32, #tpu.memory_space<vmem_shared>>
      tpu.wait_dma2 semaphore(%run_scoped3A : memref<!tpu.dma_semaphore, #tpu.memory_space<semaphore_mem>>) src(%arg10 : memref<128x16xf32, #tpu.memory_space<vmem>>) dst(%dma_wait3A_56 : memref<128x16xf32, #tpu.memory_space<vmem_shared>>)
      tpu.yield
    }) : () -> ()
    %scan3A_19 = arith.constant 0 : i32
    %scan3A_20 = arith.constant 0 : i32
    %scan3A_21 = arith.constant 128 : i32
    %scan3A_22 = arith.addi %scan3A_20, %scan3A_21 : i32
    %scan3A_23 = arith.constant 1 : i32
    scf.for %scan3A_50 = %scan3A_20 to %scan3A_22 step %scan3A_23  : i32 {
      %swap3A = arith.index_cast %scan3A_50 : i32 to index
      %swap3A_51 = arith.constant 0 : index
      %swap3A_52 = tpu.vector_load %arg10[%swap3A, %swap3A_51] {strides = array<i32>} : memref<128x16xf32, #tpu.memory_space<vmem>>, vector<1x16xf32>,
      %swap3A_53 = vector.shape_cast %swap3A_52 : vector<1x16xf32> to vector<16xf32>
      %swap3A_54 = vector.shape_cast %broadcast_in_dim3A_5 : vector<16xf32> to vector<1x16xf32>
      tpu.vector_store %arg10[%swap3A, %swap3A_51], %swap3A_54 {strides = array<i32>} : memref<128x16xf32, #tpu.memory_space<vmem>>, vector<1x16xf32>,
    }
    %scan3A_24 = arith.constant 128 : i32
    %barrier3A = arith.constant 0 : index
    tpu.barrier barrier_id(%barrier3A)
    %scan3A_25 = arith.constant 0 : i32
    %scan3A_26 = arith.constant 0 : i32
    %scan3A_27 = arith.constant 20 : i32
    %scan3A_28 = arith.addi %scan3A_26, %scan3A_27 : i32
    %scan3A_29 = arith.constant 1 : i32
    scf.for %scan3A_50 = %scan3A_26 to %scan3A_28 step %scan3A_29  : i32 {
      %mul3A_51 = arith.constant 640 : i32
      %mul3A_52 = arith.muli %scan3A_50, %mul3A_51 : i32
      %add3A_53 = arith.addi %mul3A_2, %mul3A_52 : i32
      %gt3A = arith.constant 0 : i32
      %gt3A_54 = arith.cmpi sgt, %scan3A_50, %gt3A : i32
      %convert_element_type3A = arith.extui %gt3A_54 : i1 to i32
      %cond3A = arith.constant 0 : i32
      %cond3A_55 = arith.cmpi ne, %convert_element_type3A, %cond3A : i32
      scf.if %cond3A_55 {
        %dma_wait3A_120 = arith.constant 0 : i32
        %dma_wait3A_121 = arith.constant 0 : i32
        %dma_wait3A_122 = tpu.memref_slice %arg4[%dma_wait3A_120, %dma_wait3A_121] : memref<4096x16xf32, #tpu.memory_space<vmem_shared>> -> memref<4096x16xf32, #tpu.memory_space<vmem_shared>>
        tpu.wait_indirect_dma semaphore(%arg16 : memref<!tpu.dma_semaphore, #tpu.memory_space<semaphore_mem>>) src(%arg10 : memref<128x16xf32, #tpu.memory_space<vmem>>) dst(%dma_wait3A_122 : memref<4096x16xf32, #tpu.memory_space<vmem_shared>>)
      } else {
      }
      %add3A_56 = arith.constant 0 : i32
      %add3A_57 = arith.addi %add3A_53, %add3A_56 : i32
      %dma_start3A = tpu.memref_slice %arg2[%add3A_57] : memref<409600xi32, #tpu.memory_space<hbm>> -> memref<128xi32, #tpu.memory_space<hbm>>
      %dma_start3A_58 = tpu.memref_slice %arg2[%add3A_57] : memref<409600xi32, #tpu.memory_space<hbm>> -> memref<128xi32, #tpu.memory_space<hbm>>
      tpu.enqueue_dma source(%dma_start3A_58 : memref<128xi32, #tpu.memory_space<hbm>>) target(%arg5 : memref<128xi32, #tpu.memory_space<vmem>>) target_semaphore(%arg11 : memref<!tpu.dma_semaphore, #tpu.memory_space<semaphore_mem>>)
      %gt3A_59 = arith.constant 0 : i32
      %gt3A_60 = arith.cmpi sgt, %scan3A_50, %gt3A_59 : i32
      %convert_element_type3A_61 = arith.extui %gt3A_60 : i1 to i32
      %cond3A_62 = arith.constant 0 : i32
      %cond3A_63 = arith.cmpi ne, %convert_element_type3A_61, %cond3A_62 : i32
      scf.if %cond3A_63 {
        %dma_wait3A_120 = arith.constant 0 : i32
        %dma_wait3A_121 = arith.constant 0 : i32
        %dma_wait3A_122 = tpu.memref_slice %arg4[%dma_wait3A_120, %dma_wait3A_121] : memref<4096x16xf32, #tpu.memory_space<vmem_shared>> -> memref<4096x16xf32, #tpu.memory_space<vmem_shared>>
        tpu.wait_indirect_dma semaphore(%arg17 : memref<!tpu.dma_semaphore, #tpu.memory_space<semaphore_mem>>) src(%arg10 : memref<128x16xf32, #tpu.memory_space<vmem>>) dst(%dma_wait3A_122 : memref<4096x16xf32, #tpu.memory_space<vmem_shared>>)
      } else {
      }
      %add3A_64 = arith.constant 128 : i32
      %add3A_65 = arith.addi %add3A_53, %add3A_64 : i32
      %dma_start3A_66 = tpu.memref_slice %arg2[%add3A_65] : memref<409600xi32, #tpu.memory_space<hbm>> -> memref<128xi32, #tpu.memory_space<hbm>>
      %dma_start3A_67 = tpu.memref_slice %arg2[%add3A_65] : memref<409600xi32, #tpu.memory_space<hbm>> -> memref<128xi32, #tpu.memory_space<hbm>>
      tpu.enqueue_dma source(%dma_start3A_67 : memref<128xi32, #tpu.memory_space<hbm>>) target(%arg6 : memref<128xi32, #tpu.memory_space<vmem>>) target_semaphore(%arg12 : memref<!tpu.dma_semaphore, #tpu.memory_space<semaphore_mem>>)
      %gt3A_68 = arith.constant 0 : i32
      %gt3A_69 = arith.cmpi sgt, %scan3A_50, %gt3A_68 : i32
      %convert_element_type3A_70 = arith.extui %gt3A_69 : i1 to i32
      %cond3A_71 = arith.constant 0 : i32
      %cond3A_72 = arith.cmpi ne, %convert_element_type3A_70, %cond3A_71 : i32
      scf.if %cond3A_72 {
        %dma_wait3A_120 = arith.constant 0 : i32
        %dma_wait3A_121 = arith.constant 0 : i32
        %dma_wait3A_122 = tpu.memref_slice %arg4[%dma_wait3A_120, %dma_wait3A_121] : memref<4096x16xf32, #tpu.memory_space<vmem_shared>> -> memref<4096x16xf32, #tpu.memory_space<vmem_shared>>
        tpu.wait_indirect_dma semaphore(%arg18 : memref<!tpu.dma_semaphore, #tpu.memory_space<semaphore_mem>>) src(%arg10 : memref<128x16xf32, #tpu.memory_space<vmem>>) dst(%dma_wait3A_122 : memref<4096x16xf32, #tpu.memory_space<vmem_shared>>)
      } else {
      }
      %add3A_73 = arith.constant 256 : i32
      %add3A_74 = arith.addi %add3A_53, %add3A_73 : i32
      %dma_start3A_75 = tpu.memref_slice %arg2[%add3A_74] : memref<409600xi32, #tpu.memory_space<hbm>> -> memref<128xi32, #tpu.memory_space<hbm>>
      %dma_start3A_76 = tpu.memref_slice %arg2[%add3A_74] : memref<409600xi32, #tpu.memory_space<hbm>> -> memref<128xi32, #tpu.memory_space<hbm>>
      tpu.enqueue_dma source(%dma_start3A_76 : memref<128xi32, #tpu.memory_space<hbm>>) target(%arg7 : memref<128xi32, #tpu.memory_space<vmem>>) target_semaphore(%arg13 : memref<!tpu.dma_semaphore, #tpu.memory_space<semaphore_mem>>)
      %gt3A_77 = arith.constant 0 : i32
      %gt3A_78 = arith.cmpi sgt, %scan3A_50, %gt3A_77 : i32
      %convert_element_type3A_79 = arith.extui %gt3A_78 : i1 to i32
      %cond3A_80 = arith.constant 0 : i32
      %cond3A_81 = arith.cmpi ne, %convert_element_type3A_79, %cond3A_80 : i32
      scf.if %cond3A_81 {
        %dma_wait3A_120 = arith.constant 0 : i32
        %dma_wait3A_121 = arith.constant 0 : i32
        %dma_wait3A_122 = tpu.memref_slice %arg4[%dma_wait3A_120, %dma_wait3A_121] : memref<4096x16xf32, #tpu.memory_space<vmem_shared>> -> memref<4096x16xf32, #tpu.memory_space<vmem_shared>>
        tpu.wait_indirect_dma semaphore(%arg19 : memref<!tpu.dma_semaphore, #tpu.memory_space<semaphore_mem>>) src(%arg10 : memref<128x16xf32, #tpu.memory_space<vmem>>) dst(%dma_wait3A_122 : memref<4096x16xf32, #tpu.memory_space<vmem_shared>>)
      } else {
      }
      %add3A_82 = arith.constant 384 : i32
      %add3A_83 = arith.addi %add3A_53, %add3A_82 : i32
      %dma_start3A_84 = tpu.memref_slice %arg2[%add3A_83] : memref<409600xi32, #tpu.memory_space<hbm>> -> memref<128xi32, #tpu.memory_space<hbm>>
      %dma_start3A_85 = tpu.memref_slice %arg2[%add3A_83] : memref<409600xi32, #tpu.memory_space<hbm>> -> memref<128xi32, #tpu.memory_space<hbm>>
      tpu.enqueue_dma source(%dma_start3A_85 : memref<128xi32, #tpu.memory_space<hbm>>) target(%arg8 : memref<128xi32, #tpu.memory_space<vmem>>) target_semaphore(%arg14 : memref<!tpu.dma_semaphore, #tpu.memory_space<semaphore_mem>>)
      %gt3A_86 = arith.constant 0 : i32
      %gt3A_87 = arith.cmpi sgt, %scan3A_50, %gt3A_86 : i32
      %convert_element_type3A_88 = arith.extui %gt3A_87 : i1 to i32
      %cond3A_89 = arith.constant 0 : i32
      %cond3A_90 = arith.cmpi ne, %convert_element_type3A_88, %cond3A_89 : i32
      scf.if %cond3A_90 {
        %dma_wait3A_120 = arith.constant 0 : i32
        %dma_wait3A_121 = arith.constant 0 : i32
        %dma_wait3A_122 = tpu.memref_slice %arg4[%dma_wait3A_120, %dma_wait3A_121] : memref<4096x16xf32, #tpu.memory_space<vmem_shared>> -> memref<4096x16xf32, #tpu.memory_space<vmem_shared>>
        tpu.wait_indirect_dma semaphore(%arg20 : memref<!tpu.dma_semaphore, #tpu.memory_space<semaphore_mem>>) src(%arg10 : memref<128x16xf32, #tpu.memory_space<vmem>>) dst(%dma_wait3A_122 : memref<4096x16xf32, #tpu.memory_space<vmem_shared>>)
      } else {
      }
      %add3A_91 = arith.constant 512 : i32
      %add3A_92 = arith.addi %add3A_53, %add3A_91 : i32
      %dma_start3A_93 = tpu.memref_slice %arg2[%add3A_92] : memref<409600xi32, #tpu.memory_space<hbm>> -> memref<128xi32, #tpu.memory_space<hbm>>
      %dma_start3A_94 = tpu.memref_slice %arg2[%add3A_92] : memref<409600xi32, #tpu.memory_space<hbm>> -> memref<128xi32, #tpu.memory_space<hbm>>
      tpu.enqueue_dma source(%dma_start3A_94 : memref<128xi32, #tpu.memory_space<hbm>>) target(%arg9 : memref<128xi32, #tpu.memory_space<vmem>>) target_semaphore(%arg15 : memref<!tpu.dma_semaphore, #tpu.memory_space<semaphore_mem>>)
      %dma_wait3A_95 = tpu.memref_slice %arg2[%add3A_57] : memref<409600xi32, #tpu.memory_space<hbm>> -> memref<128xi32, #tpu.memory_space<hbm>>
      %dma_wait3A_96 = tpu.memref_slice %arg2[%add3A_57] : memref<409600xi32, #tpu.memory_space<hbm>> -> memref<128xi32, #tpu.memory_space<hbm>>
      tpu.wait_dma2 semaphore(%arg11 : memref<!tpu.dma_semaphore, #tpu.memory_space<semaphore_mem>>) src(%dma_wait3A_96 : memref<128xi32, #tpu.memory_space<hbm>>) dst(%arg5 : memref<128xi32, #tpu.memory_space<vmem>>)
      %dma_start3A_97 = arith.constant 0 : i32
      %dma_start3A_98 = arith.constant 0 : i32
      %dma_start3A_99 = tpu.memref_slice %arg4[%dma_start3A_97, %dma_start3A_98] : memref<4096x16xf32, #tpu.memory_space<vmem_shared>> -> memref<4096x16xf32, #tpu.memory_space<vmem_shared>>
      tpu.enqueue_indirect_dma source(%arg10 : memref<128x16xf32, #tpu.memory_space<vmem>>) target(%dma_start3A_99 : memref<4096x16xf32, #tpu.memory_space<vmem_shared>>) offsets(%arg5 : memref<128xi32, #tpu.memory_space<vmem>>) semaphore(%arg16 : memref<!tpu.dma_semaphore, #tpu.memory_space<semaphore_mem>>) {add = true}
      %dma_wait3A_100 = tpu.memref_slice %arg2[%add3A_65] : memref<409600xi32, #tpu.memory_space<hbm>> -> memref<128xi32, #tpu.memory_space<hbm>>
      %dma_wait3A_101 = tpu.memref_slice %arg2[%add3A_65] : memref<409600xi32, #tpu.memory_space<hbm>> -> memref<128xi32, #tpu.memory_space<hbm>>
      tpu.wait_dma2 semaphore(%arg12 : memref<!tpu.dma_semaphore, #tpu.memory_space<semaphore_mem>>) src(%dma_wait3A_101 : memref<128xi32, #tpu.memory_space<hbm>>) dst(%arg6 : memref<128xi32, #tpu.memory_space<vmem>>)
      %dma_start3A_102 = arith.constant 0 : i32
      %dma_start3A_103 = arith.constant 0 : i32
      %dma_start3A_104 = tpu.memref_slice %arg4[%dma_start3A_102, %dma_start3A_103] : memref<4096x16xf32, #tpu.memory_space<vmem_shared>> -> memref<4096x16xf32, #tpu.memory_space<vmem_shared>>
      tpu.enqueue_indirect_dma source(%arg10 : memref<128x16xf32, #tpu.memory_space<vmem>>) target(%dma_start3A_104 : memref<4096x16xf32, #tpu.memory_space<vmem_shared>>) offsets(%arg6 : memref<128xi32, #tpu.memory_space<vmem>>) semaphore(%arg17 : memref<!tpu.dma_semaphore, #tpu.memory_space<semaphore_mem>>) {add = true}
      %dma_wait3A_105 = tpu.memref_slice %arg2[%add3A_74] : memref<409600xi32, #tpu.memory_space<hbm>> -> memref<128xi32, #tpu.memory_space<hbm>>
      %dma_wait3A_106 = tpu.memref_slice %arg2[%add3A_74] : memref<409600xi32, #tpu.memory_space<hbm>> -> memref<128xi32, #tpu.memory_space<hbm>>
      tpu.wait_dma2 semaphore(%arg13 : memref<!tpu.dma_semaphore, #tpu.memory_space<semaphore_mem>>) src(%dma_wait3A_106 : memref<128xi32, #tpu.memory_space<hbm>>) dst(%arg7 : memref<128xi32, #tpu.memory_space<vmem>>)
      %dma_start3A_107 = arith.constant 0 : i32
      %dma_start3A_108 = arith.constant 0 : i32
      %dma_start3A_109 = tpu.memref_slice %arg4[%dma_start3A_107, %dma_start3A_108] : memref<4096x16xf32, #tpu.memory_space<vmem_shared>> -> memref<4096x16xf32, #tpu.memory_space<vmem_shared>>
      tpu.enqueue_indirect_dma source(%arg10 : memref<128x16xf32, #tpu.memory_space<vmem>>) target(%dma_start3A_109 : memref<4096x16xf32, #tpu.memory_space<vmem_shared>>) offsets(%arg7 : memref<128xi32, #tpu.memory_space<vmem>>) semaphore(%arg18 : memref<!tpu.dma_semaphore, #tpu.memory_space<semaphore_mem>>) {add = true}
      %dma_wait3A_110 = tpu.memref_slice %arg2[%add3A_83] : memref<409600xi32, #tpu.memory_space<hbm>> -> memref<128xi32, #tpu.memory_space<hbm>>
      %dma_wait3A_111 = tpu.memref_slice %arg2[%add3A_83] : memref<409600xi32, #tpu.memory_space<hbm>> -> memref<128xi32, #tpu.memory_space<hbm>>
      tpu.wait_dma2 semaphore(%arg14 : memref<!tpu.dma_semaphore, #tpu.memory_space<semaphore_mem>>) src(%dma_wait3A_111 : memref<128xi32, #tpu.memory_space<hbm>>) dst(%arg8 : memref<128xi32, #tpu.memory_space<vmem>>)
      %dma_start3A_112 = arith.constant 0 : i32
      %dma_start3A_113 = arith.constant 0 : i32
      %dma_start3A_114 = tpu.memref_slice %arg4[%dma_start3A_112, %dma_start3A_113] : memref<4096x16xf32, #tpu.memory_space<vmem_shared>> -> memref<4096x16xf32, #tpu.memory_space<vmem_shared>>
      tpu.enqueue_indirect_dma source(%arg10 : memref<128x16xf32, #tpu.memory_space<vmem>>) target(%dma_start3A_114 : memref<4096x16xf32, #tpu.memory_space<vmem_shared>>) offsets(%arg8 : memref<128xi32, #tpu.memory_space<vmem>>) semaphore(%arg19 : memref<!tpu.dma_semaphore, #tpu.memory_space<semaphore_mem>>) {add = true}
      %dma_wait3A_115 = tpu.memref_slice %arg2[%add3A_92] : memref<409600xi32, #tpu.memory_space<hbm>> -> memref<128xi32, #tpu.memory_space<hbm>>
      %dma_wait3A_116 = tpu.memref_slice %arg2[%add3A_92] : memref<409600xi32, #tpu.memory_space<hbm>> -> memref<128xi32, #tpu.memory_space<hbm>>
      tpu.wait_dma2 semaphore(%arg15 : memref<!tpu.dma_semaphore, #tpu.memory_space<semaphore_mem>>) src(%dma_wait3A_116 : memref<128xi32, #tpu.memory_space<hbm>>) dst(%arg9 : memref<128xi32, #tpu.memory_space<vmem>>)
      %dma_start3A_117 = arith.constant 0 : i32
      %dma_start3A_118 = arith.constant 0 : i32
      %dma_start3A_119 = tpu.memref_slice %arg4[%dma_start3A_117, %dma_start3A_118] : memref<4096x16xf32, #tpu.memory_space<vmem_shared>> -> memref<4096x16xf32, #tpu.memory_space<vmem_shared>>
      tpu.enqueue_indirect_dma source(%arg10 : memref<128x16xf32, #tpu.memory_space<vmem>>) target(%dma_start3A_119 : memref<4096x16xf32, #tpu.memory_space<vmem_shared>>) offsets(%arg9 : memref<128xi32, #tpu.memory_space<vmem>>) semaphore(%arg20 : memref<!tpu.dma_semaphore, #tpu.memory_space<semaphore_mem>>) {add = true}
    }
    %scan3A_30 = arith.constant 20 : i32
    %dma_wait3A = arith.constant 0 : i32
    %dma_wait3A_31 = arith.constant 0 : i32
    %dma_wait3A_32 = tpu.memref_slice %arg4[%dma_wait3A, %dma_wait3A_31] : memref<4096x16xf32, #tpu.memory_space<vmem_shared>> -> memref<4096x16xf32, #tpu.memory_space<vmem_shared>>
    tpu.wait_indirect_dma semaphore(%arg16 : memref<!tpu.dma_semaphore, #tpu.memory_space<semaphore_mem>>) src(%arg10 : memref<128x16xf32, #tpu.memory_space<vmem>>) dst(%dma_wait3A_32 : memref<4096x16xf32, #tpu.memory_space<vmem_shared>>)
    %dma_wait3A_33 = arith.constant 0 : i32
    %dma_wait3A_34 = arith.constant 0 : i32
    %dma_wait3A_35 = tpu.memref_slice %arg4[%dma_wait3A_33, %dma_wait3A_34] : memref<4096x16xf32, #tpu.memory_space<vmem_shared>> -> memref<4096x16xf32, #tpu.memory_space<vmem_shared>>
    tpu.wait_indirect_dma semaphore(%arg17 : memref<!tpu.dma_semaphore, #tpu.memory_space<semaphore_mem>>) src(%arg10 : memref<128x16xf32, #tpu.memory_space<vmem>>) dst(%dma_wait3A_35 : memref<4096x16xf32, #tpu.memory_space<vmem_shared>>)
    %dma_wait3A_36 = arith.constant 0 : i32
    %dma_wait3A_37 = arith.constant 0 : i32
    %dma_wait3A_38 = tpu.memref_slice %arg4[%dma_wait3A_36, %dma_wait3A_37] : memref<4096x16xf32, #tpu.memory_space<vmem_shared>> -> memref<4096x16xf32, #tpu.memory_space<vmem_shared>>
    tpu.wait_indirect_dma semaphore(%arg18 : memref<!tpu.dma_semaphore, #tpu.memory_space<semaphore_mem>>) src(%arg10 : memref<128x16xf32, #tpu.memory_space<vmem>>) dst(%dma_wait3A_38 : memref<4096x16xf32, #tpu.memory_space<vmem_shared>>)
    %dma_wait3A_39 = arith.constant 0 : i32
    %dma_wait3A_40 = arith.constant 0 : i32
    %dma_wait3A_41 = tpu.memref_slice %arg4[%dma_wait3A_39, %dma_wait3A_40] : memref<4096x16xf32, #tpu.memory_space<vmem_shared>> -> memref<4096x16xf32, #tpu.memory_space<vmem_shared>>
    tpu.wait_indirect_dma semaphore(%arg19 : memref<!tpu.dma_semaphore, #tpu.memory_space<semaphore_mem>>) src(%arg10 : memref<128x16xf32, #tpu.memory_space<vmem>>) dst(%dma_wait3A_41 : memref<4096x16xf32, #tpu.memory_space<vmem_shared>>)
    %dma_wait3A_42 = arith.constant 0 : i32
    %dma_wait3A_43 = arith.constant 0 : i32
    %dma_wait3A_44 = tpu.memref_slice %arg4[%dma_wait3A_42, %dma_wait3A_43] : memref<4096x16xf32, #tpu.memory_space<vmem_shared>> -> memref<4096x16xf32, #tpu.memory_space<vmem_shared>>
    tpu.wait_indirect_dma semaphore(%arg20 : memref<!tpu.dma_semaphore, #tpu.memory_space<semaphore_mem>>) src(%arg10 : memref<128x16xf32, #tpu.memory_space<vmem>>) dst(%dma_wait3A_44 : memref<4096x16xf32, #tpu.memory_space<vmem_shared>>)
    %barrier3A_45 = arith.constant 0 : index
    tpu.barrier barrier_id(%barrier3A_45)
    %mul3A_46 = arith.constant 256 : i32
    %mul3A_47 = arith.muli %arg1, %mul3A_46 : i32
    %mul3A_48 = arith.constant 256 : i32
    %mul3A_49 = arith.muli %arg1, %mul3A_48 : i32
    "tpu.region"() ({
      %run_scoped3A = tpu.sem_alloc : memref<!tpu.dma_semaphore, #tpu.memory_space<semaphore_mem>>
      %dma_start3A = arith.constant 0 : i32
      %dma_start3A_50 = tpu.memref_slice %arg3[%arg0, %mul3A_49, %dma_start3A] : memref<2x4096x16xf32, #tpu.memory_space<hbm>> -> memref<1x256x16xf32, #tpu.memory_space<hbm>>
      %dma_start3A_51 = tpu.memref_squeeze %dma_start3A_50 : memref<1x256x16xf32, #tpu.memory_space<hbm>> -> memref<256x16xf32, #tpu.memory_space<hbm>>
      %dma_start3A_52 = arith.constant 0 : i32
      %dma_start3A_53 = tpu.memref_slice %arg4[%mul3A_47, %dma_start3A_52] : memref<4096x16xf32, #tpu.memory_space<vmem_shared>> -> memref<256x16xf32, #tpu.memory_space<vmem_shared>>
      tpu.enqueue_dma source(%dma_start3A_53 : memref<256x16xf32, #tpu.memory_space<vmem_shared>>) target(%dma_start3A_51 : memref<256x16xf32, #tpu.memory_space<hbm>>) target_semaphore(%run_scoped3A : memref<!tpu.dma_semaphore, #tpu.memory_space<semaphore_mem>>)
      %dma_wait3A_54 = arith.constant 0 : i32
      %dma_wait3A_55 = tpu.memref_slice %arg3[%arg0, %mul3A_49, %dma_wait3A_54] : memref<2x4096x16xf32, #tpu.memory_space<hbm>> -> memref<1x256x16xf32, #tpu.memory_space<hbm>>
      %dma_wait3A_56 = tpu.memref_squeeze %dma_wait3A_55 : memref<1x256x16xf32, #tpu.memory_space<hbm>> -> memref<256x16xf32, #tpu.memory_space<hbm>>
      %dma_wait3A_57 = arith.constant 0 : i32
      %dma_wait3A_58 = tpu.memref_slice %arg4[%mul3A_47, %dma_wait3A_57] : memref<4096x16xf32, #tpu.memory_space<vmem_shared>> -> memref<256x16xf32, #tpu.memory_space<vmem_shared>>
      tpu.wait_dma2 semaphore(%run_scoped3A : memref<!tpu.dma_semaphore, #tpu.memory_space<semaphore_mem>>) src(%dma_wait3A_58 : memref<256x16xf32, #tpu.memory_space<vmem_shared>>) dst(%dma_wait3A_56 : memref<256x16xf32, #tpu.memory_space<hbm>>)
      tpu.yield
    }) : () -> ()
    return
  }
}

#map = affine_map<(d0, d1) -> (0, 0)>
#map1 = affine_map<(d0, d1) -> (0)>
#map2 = affine_map<(d0, d1) -> (0, 0, 0)>
module attributes {stable_mosaic.version = 14 : i64} {
  func.func @run(%arg0: i32, %arg1: i32, %arg2: memref<102400x64xf32, #tpu.memory_space<hbm>>, %arg3: memref<409600xi32, #tpu.memory_space<hbm>>, %arg4: memref<2x4096x16xf32, #tpu.memory_space<hbm>>, %arg5: memref<2x4096x64xf32, #tpu.memory_space<hbm>>, %arg6: memref<4096x64xf32, #tpu.memory_space<vmem_shared>>, %arg7: memref<128x64xf32, #tpu.memory_space<vmem>>, %arg8: memref<128x64xf32, #tpu.memory_space<vmem>>, %arg9: memref<128x64xf32, #tpu.memory_space<vmem>>, %arg10: memref<128x64xf32, #tpu.memory_space<vmem>>, %arg11: memref<128x64xf32, #tpu.memory_space<vmem>>, %arg12: memref<128xi32, #tpu.memory_space<vmem>>, %arg13: memref<128xi32, #tpu.memory_space<vmem>>, %arg14: memref<128xi32, #tpu.memory_space<vmem>>, %arg15: memref<128xi32, #tpu.memory_space<vmem>>, %arg16: memref<128xi32, #tpu.memory_space<vmem>>, %arg17: memref<!tpu.dma_semaphore, #tpu.memory_space<semaphore_mem>>, %arg18: memref<!tpu.dma_semaphore, #tpu.memory_space<semaphore_mem>>, %arg19: memref<!tpu.dma_semaphore, #tpu.memory_space<semaphore_mem>>, %arg20: memref<!tpu.dma_semaphore, #tpu.memory_space<semaphore_mem>>, %arg21: memref<!tpu.dma_semaphore, #tpu.memory_space<semaphore_mem>>, %arg22: memref<!tpu.dma_semaphore, #tpu.memory_space<semaphore_mem>>, %arg23: memref<!tpu.dma_semaphore, #tpu.memory_space<semaphore_mem>>, %arg24: memref<!tpu.dma_semaphore, #tpu.memory_space<semaphore_mem>>, %arg25: memref<!tpu.dma_semaphore, #tpu.memory_space<semaphore_mem>>, %arg26: memref<!tpu.dma_semaphore, #tpu.memory_space<semaphore_mem>>, %arg27: memref<!tpu.dma_semaphore, #tpu.memory_space<semaphore_mem>>, %arg28: memref<!tpu.dma_semaphore, #tpu.memory_space<semaphore_mem>>, %arg29: memref<!tpu.dma_semaphore, #tpu.memory_space<semaphore_mem>>, %arg30: memref<!tpu.dma_semaphore, #tpu.memory_space<semaphore_mem>>, %arg31: memref<!tpu.dma_semaphore, #tpu.memory_space<semaphore_mem>>) attributes {dimension_semantics = [#tpu.dimension_semantics<core_parallel>, #tpu.dimension_semantics<subcore_parallel>], iteration_bounds = array<i64: 2, 16>, scalar_prefetch = 0 : i64, scratch_operands = 26 : i64, tpu.core_type = #tpu.core_type<sc_vector_subcore>, window_params = [{transform_indices = #map}, {transform_indices = #map1}, {transform_indices = #map2}, {transform_indices = #map2}]} {
    %mul3A = arith.constant 16 : i32
    %mul3A_0 = arith.muli %arg0, %mul3A : i32
    %add3A = arith.addi %mul3A_0, %arg1 : i32
    %mul3A_1 = arith.constant 3200 : i32
    %mul3A_2 = arith.muli %add3A, %mul3A_1 : i32
    %add3A_3 = arith.constant 307200 : i32
    %add3A_4 = arith.addi %add3A_3, %mul3A_2 : i32
    %broadcast_in_dim3A = arith.constant 0.000000e+00 : f32
    %broadcast_in_dim3A_5 = vector.broadcast %broadcast_in_dim3A : f32 to vector<16xf32>
    %scan3A = arith.constant 0 : i32
    %scan3A_6 = arith.constant 0 : i32
    %scan3A_7 = arith.constant 128 : i32
    %scan3A_8 = arith.addi %scan3A_6, %scan3A_7 : i32
    %scan3A_9 = arith.constant 1 : i32
    scf.for %scan3A_44 = %scan3A_6 to %scan3A_8 step %scan3A_9  : i32 {
      %swap3A = arith.index_cast %scan3A_44 : i32 to index
      %swap3A_45 = arith.constant 0 : index
      %swap3A_46 = tpu.vector_load %arg7[%swap3A, %swap3A_45] {strides = array<i32>} : memref<128x64xf32, #tpu.memory_space<vmem>>, vector<1x16xf32>,
      %swap3A_47 = vector.shape_cast %swap3A_46 : vector<1x16xf32> to vector<16xf32>
      %swap3A_48 = vector.shape_cast %broadcast_in_dim3A_5 : vector<16xf32> to vector<1x16xf32>
      tpu.vector_store %arg7[%swap3A, %swap3A_45], %swap3A_48 {strides = array<i32>} : memref<128x64xf32, #tpu.memory_space<vmem>>, vector<1x16xf32>,
      %swap3A_49 = arith.index_cast %scan3A_44 : i32 to index
      %swap3A_50 = arith.constant 16 : index
      %swap3A_51 = tpu.vector_load %arg7[%swap3A_49, %swap3A_50] {strides = array<i32>} : memref<128x64xf32, #tpu.memory_space<vmem>>, vector<1x16xf32>,
      %swap3A_52 = vector.shape_cast %swap3A_51 : vector<1x16xf32> to vector<16xf32>
      %swap3A_53 = vector.shape_cast %broadcast_in_dim3A_5 : vector<16xf32> to vector<1x16xf32>
      tpu.vector_store %arg7[%swap3A_49, %swap3A_50], %swap3A_53 {strides = array<i32>} : memref<128x64xf32, #tpu.memory_space<vmem>>, vector<1x16xf32>,
      %swap3A_54 = arith.index_cast %scan3A_44 : i32 to index
      %swap3A_55 = arith.constant 32 : index
      %swap3A_56 = tpu.vector_load %arg7[%swap3A_54, %swap3A_55] {strides = array<i32>} : memref<128x64xf32, #tpu.memory_space<vmem>>, vector<1x16xf32>,
      %swap3A_57 = vector.shape_cast %swap3A_56 : vector<1x16xf32> to vector<16xf32>
      %swap3A_58 = vector.shape_cast %broadcast_in_dim3A_5 : vector<16xf32> to vector<1x16xf32>
      tpu.vector_store %arg7[%swap3A_54, %swap3A_55], %swap3A_58 {strides = array<i32>} : memref<128x64xf32, #tpu.memory_space<vmem>>, vector<1x16xf32>,
      %swap3A_59 = arith.index_cast %scan3A_44 : i32 to index
      %swap3A_60 = arith.constant 48 : index
      %swap3A_61 = tpu.vector_load %arg7[%swap3A_59, %swap3A_60] {strides = array<i32>} : memref<128x64xf32, #tpu.memory_space<vmem>>, vector<1x16xf32>,
      %swap3A_62 = vector.shape_cast %swap3A_61 : vector<1x16xf32> to vector<16xf32>
      %swap3A_63 = vector.shape_cast %broadcast_in_dim3A_5 : vector<16xf32> to vector<1x16xf32>
      tpu.vector_store %arg7[%swap3A_59, %swap3A_60], %swap3A_63 {strides = array<i32>} : memref<128x64xf32, #tpu.memory_space<vmem>>, vector<1x16xf32>,
    }
    %scan3A_10 = arith.constant 128 : i32
    %mul3A_11 = arith.constant 256 : i32
    %mul3A_12 = arith.muli %arg1, %mul3A_11 : i32
    %add3A_13 = arith.constant 0 : i32
    %add3A_14 = arith.addi %mul3A_12, %add3A_13 : i32
    "tpu.region"() ({
      %run_scoped3A = tpu.sem_alloc : memref<!tpu.dma_semaphore, #tpu.memory_space<semaphore_mem>>
      %dma_start3A = arith.constant 0 : i32
      %dma_start3A_44 = tpu.memref_slice %arg6[%add3A_14, %dma_start3A] : memref<4096x64xf32, #tpu.memory_space<vmem_shared>> -> memref<128x64xf32, #tpu.memory_space<vmem_shared>>
      %dma_start3A_45 = arith.constant 0 : i32
      %dma_start3A_46 = tpu.memref_slice %arg6[%add3A_14, %dma_start3A_45] : memref<4096x64xf32, #tpu.memory_space<vmem_shared>> -> memref<128x64xf32, #tpu.memory_space<vmem_shared>>
      tpu.enqueue_dma source(%arg7 : memref<128x64xf32, #tpu.memory_space<vmem>>) target(%dma_start3A_46 : memref<128x64xf32, #tpu.memory_space<vmem_shared>>) target_semaphore(%run_scoped3A : memref<!tpu.dma_semaphore, #tpu.memory_space<semaphore_mem>>)
      %dma_wait3A_47 = arith.constant 0 : i32
      %dma_wait3A_48 = tpu.memref_slice %arg6[%add3A_14, %dma_wait3A_47] : memref<4096x64xf32, #tpu.memory_space<vmem_shared>> -> memref<128x64xf32, #tpu.memory_space<vmem_shared>>
      %dma_wait3A_49 = arith.constant 0 : i32
      %dma_wait3A_50 = tpu.memref_slice %arg6[%add3A_14, %dma_wait3A_49] : memref<4096x64xf32, #tpu.memory_space<vmem_shared>> -> memref<128x64xf32, #tpu.memory_space<vmem_shared>>
      tpu.wait_dma2 semaphore(%run_scoped3A : memref<!tpu.dma_semaphore, #tpu.memory_space<semaphore_mem>>) src(%arg7 : memref<128x64xf32, #tpu.memory_space<vmem>>) dst(%dma_wait3A_50 : memref<128x64xf32, #tpu.memory_space<vmem_shared>>)
      tpu.yield
    }) : () -> ()
    %mul3A_15 = arith.constant 256 : i32
    %mul3A_16 = arith.muli %arg1, %mul3A_15 : i32
    %add3A_17 = arith.constant 128 : i32
    %add3A_18 = arith.addi %mul3A_16, %add3A_17 : i32
    "tpu.region"() ({
      %run_scoped3A = tpu.sem_alloc : memref<!tpu.dma_semaphore, #tpu.memory_space<semaphore_mem>>
      %dma_start3A = arith.constant 0 : i32
      %dma_start3A_44 = tpu.memref_slice %arg6[%add3A_18, %dma_start3A] : memref<4096x64xf32, #tpu.memory_space<vmem_shared>> -> memref<128x64xf32, #tpu.memory_space<vmem_shared>>
      %dma_start3A_45 = arith.constant 0 : i32
      %dma_start3A_46 = tpu.memref_slice %arg6[%add3A_18, %dma_start3A_45] : memref<4096x64xf32, #tpu.memory_space<vmem_shared>> -> memref<128x64xf32, #tpu.memory_space<vmem_shared>>
      tpu.enqueue_dma source(%arg7 : memref<128x64xf32, #tpu.memory_space<vmem>>) target(%dma_start3A_46 : memref<128x64xf32, #tpu.memory_space<vmem_shared>>) target_semaphore(%run_scoped3A : memref<!tpu.dma_semaphore, #tpu.memory_space<semaphore_mem>>)
      %dma_wait3A_47 = arith.constant 0 : i32
      %dma_wait3A_48 = tpu.memref_slice %arg6[%add3A_18, %dma_wait3A_47] : memref<4096x64xf32, #tpu.memory_space<vmem_shared>> -> memref<128x64xf32, #tpu.memory_space<vmem_shared>>
      %dma_wait3A_49 = arith.constant 0 : i32
      %dma_wait3A_50 = tpu.memref_slice %arg6[%add3A_18, %dma_wait3A_49] : memref<4096x64xf32, #tpu.memory_space<vmem_shared>> -> memref<128x64xf32, #tpu.memory_space<vmem_shared>>
      tpu.wait_dma2 semaphore(%run_scoped3A : memref<!tpu.dma_semaphore, #tpu.memory_space<semaphore_mem>>) src(%arg7 : memref<128x64xf32, #tpu.memory_space<vmem>>) dst(%dma_wait3A_50 : memref<128x64xf32, #tpu.memory_space<vmem_shared>>)
      tpu.yield
    }) : () -> ()
    %barrier3A = arith.constant 0 : index
    tpu.barrier barrier_id(%barrier3A)
    %scan3A_19 = arith.constant 0 : i32
    %scan3A_20 = arith.constant 0 : i32
    %scan3A_21 = arith.constant 5 : i32
    %scan3A_22 = arith.addi %scan3A_20, %scan3A_21 : i32
    %scan3A_23 = arith.constant 1 : i32
    scf.for %scan3A_44 = %scan3A_20 to %scan3A_22 step %scan3A_23  : i32 {
      %mul3A_45 = arith.constant 640 : i32
      %mul3A_46 = arith.muli %scan3A_44, %mul3A_45 : i32
      %add3A_47 = arith.addi %mul3A_2, %mul3A_46 : i32
      %mul3A_48 = arith.constant 640 : i32
      %mul3A_49 = arith.muli %scan3A_44, %mul3A_48 : i32
      %add3A_50 = arith.addi %add3A_4, %mul3A_49 : i32
      %gt3A = arith.constant 0 : i32
      %gt3A_51 = arith.cmpi sgt, %scan3A_44, %gt3A : i32
      %convert_element_type3A = arith.extui %gt3A_51 : i1 to i32
      %cond3A = arith.constant 0 : i32
      %cond3A_52 = arith.cmpi ne, %convert_element_type3A, %cond3A : i32
      scf.if %cond3A_52 {
        %dma_wait3A_167 = arith.constant 0 : i32
        %dma_wait3A_168 = arith.constant 0 : i32
        %dma_wait3A_169 = tpu.memref_slice %arg6[%dma_wait3A_167, %dma_wait3A_168] : memref<4096x64xf32, #tpu.memory_space<vmem_shared>> -> memref<4096x64xf32, #tpu.memory_space<vmem_shared>>
        tpu.wait_indirect_dma semaphore(%arg27 : memref<!tpu.dma_semaphore, #tpu.memory_space<semaphore_mem>>) src(%arg7 : memref<128x64xf32, #tpu.memory_space<vmem>>) dst(%dma_wait3A_169 : memref<4096x64xf32, #tpu.memory_space<vmem_shared>>)
      } else {
      }
      %add3A_53 = arith.constant 0 : i32
      %add3A_54 = arith.addi %add3A_50, %add3A_53 : i32
      %dma_start3A = tpu.memref_slice %arg3[%add3A_54] : memref<409600xi32, #tpu.memory_space<hbm>> -> memref<128xi32, #tpu.memory_space<hbm>>
      %dma_start3A_55 = tpu.memref_slice %arg3[%add3A_54] : memref<409600xi32, #tpu.memory_space<hbm>> -> memref<128xi32, #tpu.memory_space<hbm>>
      tpu.enqueue_dma source(%dma_start3A_55 : memref<128xi32, #tpu.memory_space<hbm>>) target(%arg12 : memref<128xi32, #tpu.memory_space<vmem>>) target_semaphore(%arg22 : memref<!tpu.dma_semaphore, #tpu.memory_space<semaphore_mem>>)
      %add3A_56 = arith.constant 0 : i32
      %add3A_57 = arith.addi %add3A_47, %add3A_56 : i32
      %dma_start3A_58 = arith.constant 0 : i32
      %dma_start3A_59 = tpu.memref_slice %arg2[%add3A_57, %dma_start3A_58] : memref<102400x64xf32, #tpu.memory_space<hbm>> -> memref<128x64xf32, #tpu.memory_space<hbm>>
      %dma_start3A_60 = arith.constant 0 : i32
      %dma_start3A_61 = tpu.memref_slice %arg2[%add3A_57, %dma_start3A_60] : memref<102400x64xf32, #tpu.memory_space<hbm>> -> memref<128x64xf32, #tpu.memory_space<hbm>>
      tpu.enqueue_dma source(%dma_start3A_61 : memref<128x64xf32, #tpu.memory_space<hbm>>) target(%arg7 : memref<128x64xf32, #tpu.memory_space<vmem>>) target_semaphore(%arg17 : memref<!tpu.dma_semaphore, #tpu.memory_space<semaphore_mem>>)
      %gt3A_62 = arith.constant 0 : i32
      %gt3A_63 = arith.cmpi sgt, %scan3A_44, %gt3A_62 : i32
      %convert_element_type3A_64 = arith.extui %gt3A_63 : i1 to i32
      %cond3A_65 = arith.constant 0 : i32
      %cond3A_66 = arith.cmpi ne, %convert_element_type3A_64, %cond3A_65 : i32
      scf.if %cond3A_66 {
        %dma_wait3A_167 = arith.constant 0 : i32
        %dma_wait3A_168 = arith.constant 0 : i32
        %dma_wait3A_169 = tpu.memref_slice %arg6[%dma_wait3A_167, %dma_wait3A_168] : memref<4096x64xf32, #tpu.memory_space<vmem_shared>> -> memref<4096x64xf32, #tpu.memory_space<vmem_shared>>
        tpu.wait_indirect_dma semaphore(%arg28 : memref<!tpu.dma_semaphore, #tpu.memory_space<semaphore_mem>>) src(%arg8 : memref<128x64xf32, #tpu.memory_space<vmem>>) dst(%dma_wait3A_169 : memref<4096x64xf32, #tpu.memory_space<vmem_shared>>)
      } else {
      }
      %add3A_67 = arith.constant 128 : i32
      %add3A_68 = arith.addi %add3A_50, %add3A_67 : i32
      %dma_start3A_69 = tpu.memref_slice %arg3[%add3A_68] : memref<409600xi32, #tpu.memory_space<hbm>> -> memref<128xi32, #tpu.memory_space<hbm>>
      %dma_start3A_70 = tpu.memref_slice %arg3[%add3A_68] : memref<409600xi32, #tpu.memory_space<hbm>> -> memref<128xi32, #tpu.memory_space<hbm>>
      tpu.enqueue_dma source(%dma_start3A_70 : memref<128xi32, #tpu.memory_space<hbm>>) target(%arg13 : memref<128xi32, #tpu.memory_space<vmem>>) target_semaphore(%arg23 : memref<!tpu.dma_semaphore, #tpu.memory_space<semaphore_mem>>)
      %add3A_71 = arith.constant 128 : i32
      %add3A_72 = arith.addi %add3A_47, %add3A_71 : i32
      %dma_start3A_73 = arith.constant 0 : i32
      %dma_start3A_74 = tpu.memref_slice %arg2[%add3A_72, %dma_start3A_73] : memref<102400x64xf32, #tpu.memory_space<hbm>> -> memref<128x64xf32, #tpu.memory_space<hbm>>
      %dma_start3A_75 = arith.constant 0 : i32
      %dma_start3A_76 = tpu.memref_slice %arg2[%add3A_72, %dma_start3A_75] : memref<102400x64xf32, #tpu.memory_space<hbm>> -> memref<128x64xf32, #tpu.memory_space<hbm>>
      tpu.enqueue_dma source(%dma_start3A_76 : memref<128x64xf32, #tpu.memory_space<hbm>>) target(%arg8 : memref<128x64xf32, #tpu.memory_space<vmem>>) target_semaphore(%arg18 : memref<!tpu.dma_semaphore, #tpu.memory_space<semaphore_mem>>)
      %gt3A_77 = arith.constant 0 : i32
      %gt3A_78 = arith.cmpi sgt, %scan3A_44, %gt3A_77 : i32
      %convert_element_type3A_79 = arith.extui %gt3A_78 : i1 to i32
      %cond3A_80 = arith.constant 0 : i32
      %cond3A_81 = arith.cmpi ne, %convert_element_type3A_79, %cond3A_80 : i32
      scf.if %cond3A_81 {
        %dma_wait3A_167 = arith.constant 0 : i32
        %dma_wait3A_168 = arith.constant 0 : i32
        %dma_wait3A_169 = tpu.memref_slice %arg6[%dma_wait3A_167, %dma_wait3A_168] : memref<4096x64xf32, #tpu.memory_space<vmem_shared>> -> memref<4096x64xf32, #tpu.memory_space<vmem_shared>>
        tpu.wait_indirect_dma semaphore(%arg29 : memref<!tpu.dma_semaphore, #tpu.memory_space<semaphore_mem>>) src(%arg9 : memref<128x64xf32, #tpu.memory_space<vmem>>) dst(%dma_wait3A_169 : memref<4096x64xf32, #tpu.memory_space<vmem_shared>>)
      } else {
      }
      %add3A_82 = arith.constant 256 : i32
      %add3A_83 = arith.addi %add3A_50, %add3A_82 : i32
      %dma_start3A_84 = tpu.memref_slice %arg3[%add3A_83] : memref<409600xi32, #tpu.memory_space<hbm>> -> memref<128xi32, #tpu.memory_space<hbm>>
      %dma_start3A_85 = tpu.memref_slice %arg3[%add3A_83] : memref<409600xi32, #tpu.memory_space<hbm>> -> memref<128xi32, #tpu.memory_space<hbm>>
      tpu.enqueue_dma source(%dma_start3A_85 : memref<128xi32, #tpu.memory_space<hbm>>) target(%arg14 : memref<128xi32, #tpu.memory_space<vmem>>) target_semaphore(%arg24 : memref<!tpu.dma_semaphore, #tpu.memory_space<semaphore_mem>>)
      %add3A_86 = arith.constant 256 : i32
      %add3A_87 = arith.addi %add3A_47, %add3A_86 : i32
      %dma_start3A_88 = arith.constant 0 : i32
      %dma_start3A_89 = tpu.memref_slice %arg2[%add3A_87, %dma_start3A_88] : memref<102400x64xf32, #tpu.memory_space<hbm>> -> memref<128x64xf32, #tpu.memory_space<hbm>>
      %dma_start3A_90 = arith.constant 0 : i32
      %dma_start3A_91 = tpu.memref_slice %arg2[%add3A_87, %dma_start3A_90] : memref<102400x64xf32, #tpu.memory_space<hbm>> -> memref<128x64xf32, #tpu.memory_space<hbm>>
      tpu.enqueue_dma source(%dma_start3A_91 : memref<128x64xf32, #tpu.memory_space<hbm>>) target(%arg9 : memref<128x64xf32, #tpu.memory_space<vmem>>) target_semaphore(%arg19 : memref<!tpu.dma_semaphore, #tpu.memory_space<semaphore_mem>>)
      %gt3A_92 = arith.constant 0 : i32
      %gt3A_93 = arith.cmpi sgt, %scan3A_44, %gt3A_92 : i32
      %convert_element_type3A_94 = arith.extui %gt3A_93 : i1 to i32
      %cond3A_95 = arith.constant 0 : i32
      %cond3A_96 = arith.cmpi ne, %convert_element_type3A_94, %cond3A_95 : i32
      scf.if %cond3A_96 {
        %dma_wait3A_167 = arith.constant 0 : i32
        %dma_wait3A_168 = arith.constant 0 : i32
        %dma_wait3A_169 = tpu.memref_slice %arg6[%dma_wait3A_167, %dma_wait3A_168] : memref<4096x64xf32, #tpu.memory_space<vmem_shared>> -> memref<4096x64xf32, #tpu.memory_space<vmem_shared>>
        tpu.wait_indirect_dma semaphore(%arg30 : memref<!tpu.dma_semaphore, #tpu.memory_space<semaphore_mem>>) src(%arg10 : memref<128x64xf32, #tpu.memory_space<vmem>>) dst(%dma_wait3A_169 : memref<4096x64xf32, #tpu.memory_space<vmem_shared>>)
      } else {
      }
      %add3A_97 = arith.constant 384 : i32
      %add3A_98 = arith.addi %add3A_50, %add3A_97 : i32
      %dma_start3A_99 = tpu.memref_slice %arg3[%add3A_98] : memref<409600xi32, #tpu.memory_space<hbm>> -> memref<128xi32, #tpu.memory_space<hbm>>
      %dma_start3A_100 = tpu.memref_slice %arg3[%add3A_98] : memref<409600xi32, #tpu.memory_space<hbm>> -> memref<128xi32, #tpu.memory_space<hbm>>
      tpu.enqueue_dma source(%dma_start3A_100 : memref<128xi32, #tpu.memory_space<hbm>>) target(%arg15 : memref<128xi32, #tpu.memory_space<vmem>>) target_semaphore(%arg25 : memref<!tpu.dma_semaphore, #tpu.memory_space<semaphore_mem>>)
      %add3A_101 = arith.constant 384 : i32
      %add3A_102 = arith.addi %add3A_47, %add3A_101 : i32
      %dma_start3A_103 = arith.constant 0 : i32
      %dma_start3A_104 = tpu.memref_slice %arg2[%add3A_102, %dma_start3A_103] : memref<102400x64xf32, #tpu.memory_space<hbm>> -> memref<128x64xf32, #tpu.memory_space<hbm>>
      %dma_start3A_105 = arith.constant 0 : i32
      %dma_start3A_106 = tpu.memref_slice %arg2[%add3A_102, %dma_start3A_105] : memref<102400x64xf32, #tpu.memory_space<hbm>> -> memref<128x64xf32, #tpu.memory_space<hbm>>
      tpu.enqueue_dma source(%dma_start3A_106 : memref<128x64xf32, #tpu.memory_space<hbm>>) target(%arg10 : memref<128x64xf32, #tpu.memory_space<vmem>>) target_semaphore(%arg20 : memref<!tpu.dma_semaphore, #tpu.memory_space<semaphore_mem>>)
      %gt3A_107 = arith.constant 0 : i32
      %gt3A_108 = arith.cmpi sgt, %scan3A_44, %gt3A_107 : i32
      %convert_element_type3A_109 = arith.extui %gt3A_108 : i1 to i32
      %cond3A_110 = arith.constant 0 : i32
      %cond3A_111 = arith.cmpi ne, %convert_element_type3A_109, %cond3A_110 : i32
      scf.if %cond3A_111 {
        %dma_wait3A_167 = arith.constant 0 : i32
        %dma_wait3A_168 = arith.constant 0 : i32
        %dma_wait3A_169 = tpu.memref_slice %arg6[%dma_wait3A_167, %dma_wait3A_168] : memref<4096x64xf32, #tpu.memory_space<vmem_shared>> -> memref<4096x64xf32, #tpu.memory_space<vmem_shared>>
        tpu.wait_indirect_dma semaphore(%arg31 : memref<!tpu.dma_semaphore, #tpu.memory_space<semaphore_mem>>) src(%arg11 : memref<128x64xf32, #tpu.memory_space<vmem>>) dst(%dma_wait3A_169 : memref<4096x64xf32, #tpu.memory_space<vmem_shared>>)
      } else {
      }
      %add3A_112 = arith.constant 512 : i32
      %add3A_113 = arith.addi %add3A_50, %add3A_112 : i32
      %dma_start3A_114 = tpu.memref_slice %arg3[%add3A_113] : memref<409600xi32, #tpu.memory_space<hbm>> -> memref<128xi32, #tpu.memory_space<hbm>>
      %dma_start3A_115 = tpu.memref_slice %arg3[%add3A_113] : memref<409600xi32, #tpu.memory_space<hbm>> -> memref<128xi32, #tpu.memory_space<hbm>>
      tpu.enqueue_dma source(%dma_start3A_115 : memref<128xi32, #tpu.memory_space<hbm>>) target(%arg16 : memref<128xi32, #tpu.memory_space<vmem>>) target_semaphore(%arg26 : memref<!tpu.dma_semaphore, #tpu.memory_space<semaphore_mem>>)
      %add3A_116 = arith.constant 512 : i32
      %add3A_117 = arith.addi %add3A_47, %add3A_116 : i32
      %dma_start3A_118 = arith.constant 0 : i32
      %dma_start3A_119 = tpu.memref_slice %arg2[%add3A_117, %dma_start3A_118] : memref<102400x64xf32, #tpu.memory_space<hbm>> -> memref<128x64xf32, #tpu.memory_space<hbm>>
      %dma_start3A_120 = arith.constant 0 : i32
      %dma_start3A_121 = tpu.memref_slice %arg2[%add3A_117, %dma_start3A_120] : memref<102400x64xf32, #tpu.memory_space<hbm>> -> memref<128x64xf32, #tpu.memory_space<hbm>>
      tpu.enqueue_dma source(%dma_start3A_121 : memref<128x64xf32, #tpu.memory_space<hbm>>) target(%arg11 : memref<128x64xf32, #tpu.memory_space<vmem>>) target_semaphore(%arg21 : memref<!tpu.dma_semaphore, #tpu.memory_space<semaphore_mem>>)
      %dma_wait3A_122 = tpu.memref_slice %arg3[%add3A_54] : memref<409600xi32, #tpu.memory_space<hbm>> -> memref<128xi32, #tpu.memory_space<hbm>>
      %dma_wait3A_123 = tpu.memref_slice %arg3[%add3A_54] : memref<409600xi32, #tpu.memory_space<hbm>> -> memref<128xi32, #tpu.memory_space<hbm>>
      tpu.wait_dma2 semaphore(%arg22 : memref<!tpu.dma_semaphore, #tpu.memory_space<semaphore_mem>>) src(%dma_wait3A_123 : memref<128xi32, #tpu.memory_space<hbm>>) dst(%arg12 : memref<128xi32, #tpu.memory_space<vmem>>)
      %dma_wait3A_124 = arith.constant 0 : i32
      %dma_wait3A_125 = tpu.memref_slice %arg2[%add3A_57, %dma_wait3A_124] : memref<102400x64xf32, #tpu.memory_space<hbm>> -> memref<128x64xf32, #tpu.memory_space<hbm>>
      %dma_wait3A_126 = arith.constant 0 : i32
      %dma_wait3A_127 = tpu.memref_slice %arg2[%add3A_57, %dma_wait3A_126] : memref<102400x64xf32, #tpu.memory_space<hbm>> -> memref<128x64xf32, #tpu.memory_space<hbm>>
      tpu.wait_dma2 semaphore(%arg17 : memref<!tpu.dma_semaphore, #tpu.memory_space<semaphore_mem>>) src(%dma_wait3A_127 : memref<128x64xf32, #tpu.memory_space<hbm>>) dst(%arg7 : memref<128x64xf32, #tpu.memory_space<vmem>>)
      %dma_start3A_128 = arith.constant 0 : i32
      %dma_start3A_129 = arith.constant 0 : i32
      %dma_start3A_130 = tpu.memref_slice %arg6[%dma_start3A_128, %dma_start3A_129] : memref<4096x64xf32, #tpu.memory_space<vmem_shared>> -> memref<4096x64xf32, #tpu.memory_space<vmem_shared>>
      tpu.enqueue_indirect_dma source(%arg7 : memref<128x64xf32, #tpu.memory_space<vmem>>) target(%dma_start3A_130 : memref<4096x64xf32, #tpu.memory_space<vmem_shared>>) offsets(%arg12 : memref<128xi32, #tpu.memory_space<vmem>>) semaphore(%arg27 : memref<!tpu.dma_semaphore, #tpu.memory_space<semaphore_mem>>) {add = true}
      %dma_wait3A_131 = tpu.memref_slice %arg3[%add3A_68] : memref<409600xi32, #tpu.memory_space<hbm>> -> memref<128xi32, #tpu.memory_space<hbm>>
      %dma_wait3A_132 = tpu.memref_slice %arg3[%add3A_68] : memref<409600xi32, #tpu.memory_space<hbm>> -> memref<128xi32, #tpu.memory_space<hbm>>
      tpu.wait_dma2 semaphore(%arg23 : memref<!tpu.dma_semaphore, #tpu.memory_space<semaphore_mem>>) src(%dma_wait3A_132 : memref<128xi32, #tpu.memory_space<hbm>>) dst(%arg13 : memref<128xi32, #tpu.memory_space<vmem>>)
      %dma_wait3A_133 = arith.constant 0 : i32
      %dma_wait3A_134 = tpu.memref_slice %arg2[%add3A_72, %dma_wait3A_133] : memref<102400x64xf32, #tpu.memory_space<hbm>> -> memref<128x64xf32, #tpu.memory_space<hbm>>
      %dma_wait3A_135 = arith.constant 0 : i32
      %dma_wait3A_136 = tpu.memref_slice %arg2[%add3A_72, %dma_wait3A_135] : memref<102400x64xf32, #tpu.memory_space<hbm>> -> memref<128x64xf32, #tpu.memory_space<hbm>>
      tpu.wait_dma2 semaphore(%arg18 : memref<!tpu.dma_semaphore, #tpu.memory_space<semaphore_mem>>) src(%dma_wait3A_136 : memref<128x64xf32, #tpu.memory_space<hbm>>) dst(%arg8 : memref<128x64xf32, #tpu.memory_space<vmem>>)
      %dma_start3A_137 = arith.constant 0 : i32
      %dma_start3A_138 = arith.constant 0 : i32
      %dma_start3A_139 = tpu.memref_slice %arg6[%dma_start3A_137, %dma_start3A_138] : memref<4096x64xf32, #tpu.memory_space<vmem_shared>> -> memref<4096x64xf32, #tpu.memory_space<vmem_shared>>
      tpu.enqueue_indirect_dma source(%arg8 : memref<128x64xf32, #tpu.memory_space<vmem>>) target(%dma_start3A_139 : memref<4096x64xf32, #tpu.memory_space<vmem_shared>>) offsets(%arg13 : memref<128xi32, #tpu.memory_space<vmem>>) semaphore(%arg28 : memref<!tpu.dma_semaphore, #tpu.memory_space<semaphore_mem>>) {add = true}
      %dma_wait3A_140 = tpu.memref_slice %arg3[%add3A_83] : memref<409600xi32, #tpu.memory_space<hbm>> -> memref<128xi32, #tpu.memory_space<hbm>>
      %dma_wait3A_141 = tpu.memref_slice %arg3[%add3A_83] : memref<409600xi32, #tpu.memory_space<hbm>> -> memref<128xi32, #tpu.memory_space<hbm>>
      tpu.wait_dma2 semaphore(%arg24 : memref<!tpu.dma_semaphore, #tpu.memory_space<semaphore_mem>>) src(%dma_wait3A_141 : memref<128xi32, #tpu.memory_space<hbm>>) dst(%arg14 : memref<128xi32, #tpu.memory_space<vmem>>)
      %dma_wait3A_142 = arith.constant 0 : i32
      %dma_wait3A_143 = tpu.memref_slice %arg2[%add3A_87, %dma_wait3A_142] : memref<102400x64xf32, #tpu.memory_space<hbm>> -> memref<128x64xf32, #tpu.memory_space<hbm>>
      %dma_wait3A_144 = arith.constant 0 : i32
      %dma_wait3A_145 = tpu.memref_slice %arg2[%add3A_87, %dma_wait3A_144] : memref<102400x64xf32, #tpu.memory_space<hbm>> -> memref<128x64xf32, #tpu.memory_space<hbm>>
      tpu.wait_dma2 semaphore(%arg19 : memref<!tpu.dma_semaphore, #tpu.memory_space<semaphore_mem>>) src(%dma_wait3A_145 : memref<128x64xf32, #tpu.memory_space<hbm>>) dst(%arg9 : memref<128x64xf32, #tpu.memory_space<vmem>>)
      %dma_start3A_146 = arith.constant 0 : i32
      %dma_start3A_147 = arith.constant 0 : i32
      %dma_start3A_148 = tpu.memref_slice %arg6[%dma_start3A_146, %dma_start3A_147] : memref<4096x64xf32, #tpu.memory_space<vmem_shared>> -> memref<4096x64xf32, #tpu.memory_space<vmem_shared>>
      tpu.enqueue_indirect_dma source(%arg9 : memref<128x64xf32, #tpu.memory_space<vmem>>) target(%dma_start3A_148 : memref<4096x64xf32, #tpu.memory_space<vmem_shared>>) offsets(%arg14 : memref<128xi32, #tpu.memory_space<vmem>>) semaphore(%arg29 : memref<!tpu.dma_semaphore, #tpu.memory_space<semaphore_mem>>) {add = true}
      %dma_wait3A_149 = tpu.memref_slice %arg3[%add3A_98] : memref<409600xi32, #tpu.memory_space<hbm>> -> memref<128xi32, #tpu.memory_space<hbm>>
      %dma_wait3A_150 = tpu.memref_slice %arg3[%add3A_98] : memref<409600xi32, #tpu.memory_space<hbm>> -> memref<128xi32, #tpu.memory_space<hbm>>
      tpu.wait_dma2 semaphore(%arg25 : memref<!tpu.dma_semaphore, #tpu.memory_space<semaphore_mem>>) src(%dma_wait3A_150 : memref<128xi32, #tpu.memory_space<hbm>>) dst(%arg15 : memref<128xi32, #tpu.memory_space<vmem>>)
      %dma_wait3A_151 = arith.constant 0 : i32
      %dma_wait3A_152 = tpu.memref_slice %arg2[%add3A_102, %dma_wait3A_151] : memref<102400x64xf32, #tpu.memory_space<hbm>> -> memref<128x64xf32, #tpu.memory_space<hbm>>
      %dma_wait3A_153 = arith.constant 0 : i32
      %dma_wait3A_154 = tpu.memref_slice %arg2[%add3A_102, %dma_wait3A_153] : memref<102400x64xf32, #tpu.memory_space<hbm>> -> memref<128x64xf32, #tpu.memory_space<hbm>>
      tpu.wait_dma2 semaphore(%arg20 : memref<!tpu.dma_semaphore, #tpu.memory_space<semaphore_mem>>) src(%dma_wait3A_154 : memref<128x64xf32, #tpu.memory_space<hbm>>) dst(%arg10 : memref<128x64xf32, #tpu.memory_space<vmem>>)
      %dma_start3A_155 = arith.constant 0 : i32
      %dma_start3A_156 = arith.constant 0 : i32
      %dma_start3A_157 = tpu.memref_slice %arg6[%dma_start3A_155, %dma_start3A_156] : memref<4096x64xf32, #tpu.memory_space<vmem_shared>> -> memref<4096x64xf32, #tpu.memory_space<vmem_shared>>
      tpu.enqueue_indirect_dma source(%arg10 : memref<128x64xf32, #tpu.memory_space<vmem>>) target(%dma_start3A_157 : memref<4096x64xf32, #tpu.memory_space<vmem_shared>>) offsets(%arg15 : memref<128xi32, #tpu.memory_space<vmem>>) semaphore(%arg30 : memref<!tpu.dma_semaphore, #tpu.memory_space<semaphore_mem>>) {add = true}
      %dma_wait3A_158 = tpu.memref_slice %arg3[%add3A_113] : memref<409600xi32, #tpu.memory_space<hbm>> -> memref<128xi32, #tpu.memory_space<hbm>>
      %dma_wait3A_159 = tpu.memref_slice %arg3[%add3A_113] : memref<409600xi32, #tpu.memory_space<hbm>> -> memref<128xi32, #tpu.memory_space<hbm>>
      tpu.wait_dma2 semaphore(%arg26 : memref<!tpu.dma_semaphore, #tpu.memory_space<semaphore_mem>>) src(%dma_wait3A_159 : memref<128xi32, #tpu.memory_space<hbm>>) dst(%arg16 : memref<128xi32, #tpu.memory_space<vmem>>)
      %dma_wait3A_160 = arith.constant 0 : i32
      %dma_wait3A_161 = tpu.memref_slice %arg2[%add3A_117, %dma_wait3A_160] : memref<102400x64xf32, #tpu.memory_space<hbm>> -> memref<128x64xf32, #tpu.memory_space<hbm>>
      %dma_wait3A_162 = arith.constant 0 : i32
      %dma_wait3A_163 = tpu.memref_slice %arg2[%add3A_117, %dma_wait3A_162] : memref<102400x64xf32, #tpu.memory_space<hbm>> -> memref<128x64xf32, #tpu.memory_space<hbm>>
      tpu.wait_dma2 semaphore(%arg21 : memref<!tpu.dma_semaphore, #tpu.memory_space<semaphore_mem>>) src(%dma_wait3A_163 : memref<128x64xf32, #tpu.memory_space<hbm>>) dst(%arg11 : memref<128x64xf32, #tpu.memory_space<vmem>>)
      %dma_start3A_164 = arith.constant 0 : i32
      %dma_start3A_165 = arith.constant 0 : i32
      %dma_start3A_166 = tpu.memref_slice %arg6[%dma_start3A_164, %dma_start3A_165] : memref<4096x64xf32, #tpu.memory_space<vmem_shared>> -> memref<4096x64xf32, #tpu.memory_space<vmem_shared>>
      tpu.enqueue_indirect_dma source(%arg11 : memref<128x64xf32, #tpu.memory_space<vmem>>) target(%dma_start3A_166 : memref<4096x64xf32, #tpu.memory_space<vmem_shared>>) offsets(%arg16 : memref<128xi32, #tpu.memory_space<vmem>>) semaphore(%arg31 : memref<!tpu.dma_semaphore, #tpu.memory_space<semaphore_mem>>) {add = true}
    }
    %scan3A_24 = arith.constant 5 : i32
    %dma_wait3A = arith.constant 0 : i32
    %dma_wait3A_25 = arith.constant 0 : i32
    %dma_wait3A_26 = tpu.memref_slice %arg6[%dma_wait3A, %dma_wait3A_25] : memref<4096x64xf32, #tpu.memory_space<vmem_shared>> -> memref<4096x64xf32, #tpu.memory_space<vmem_shared>>
    tpu.wait_indirect_dma semaphore(%arg27 : memref<!tpu.dma_semaphore, #tpu.memory_space<semaphore_mem>>) src(%arg7 : memref<128x64xf32, #tpu.memory_space<vmem>>) dst(%dma_wait3A_26 : memref<4096x64xf32, #tpu.memory_space<vmem_shared>>)
    %dma_wait3A_27 = arith.constant 0 : i32
    %dma_wait3A_28 = arith.constant 0 : i32
    %dma_wait3A_29 = tpu.memref_slice %arg6[%dma_wait3A_27, %dma_wait3A_28] : memref<4096x64xf32, #tpu.memory_space<vmem_shared>> -> memref<4096x64xf32, #tpu.memory_space<vmem_shared>>
    tpu.wait_indirect_dma semaphore(%arg28 : memref<!tpu.dma_semaphore, #tpu.memory_space<semaphore_mem>>) src(%arg8 : memref<128x64xf32, #tpu.memory_space<vmem>>) dst(%dma_wait3A_29 : memref<4096x64xf32, #tpu.memory_space<vmem_shared>>)
    %dma_wait3A_30 = arith.constant 0 : i32
    %dma_wait3A_31 = arith.constant 0 : i32
    %dma_wait3A_32 = tpu.memref_slice %arg6[%dma_wait3A_30, %dma_wait3A_31] : memref<4096x64xf32, #tpu.memory_space<vmem_shared>> -> memref<4096x64xf32, #tpu.memory_space<vmem_shared>>
    tpu.wait_indirect_dma semaphore(%arg29 : memref<!tpu.dma_semaphore, #tpu.memory_space<semaphore_mem>>) src(%arg9 : memref<128x64xf32, #tpu.memory_space<vmem>>) dst(%dma_wait3A_32 : memref<4096x64xf32, #tpu.memory_space<vmem_shared>>)
    %dma_wait3A_33 = arith.constant 0 : i32
    %dma_wait3A_34 = arith.constant 0 : i32
    %dma_wait3A_35 = tpu.memref_slice %arg6[%dma_wait3A_33, %dma_wait3A_34] : memref<4096x64xf32, #tpu.memory_space<vmem_shared>> -> memref<4096x64xf32, #tpu.memory_space<vmem_shared>>
    tpu.wait_indirect_dma semaphore(%arg30 : memref<!tpu.dma_semaphore, #tpu.memory_space<semaphore_mem>>) src(%arg10 : memref<128x64xf32, #tpu.memory_space<vmem>>) dst(%dma_wait3A_35 : memref<4096x64xf32, #tpu.memory_space<vmem_shared>>)
    %dma_wait3A_36 = arith.constant 0 : i32
    %dma_wait3A_37 = arith.constant 0 : i32
    %dma_wait3A_38 = tpu.memref_slice %arg6[%dma_wait3A_36, %dma_wait3A_37] : memref<4096x64xf32, #tpu.memory_space<vmem_shared>> -> memref<4096x64xf32, #tpu.memory_space<vmem_shared>>
    tpu.wait_indirect_dma semaphore(%arg31 : memref<!tpu.dma_semaphore, #tpu.memory_space<semaphore_mem>>) src(%arg11 : memref<128x64xf32, #tpu.memory_space<vmem>>) dst(%dma_wait3A_38 : memref<4096x64xf32, #tpu.memory_space<vmem_shared>>)
    %barrier3A_39 = arith.constant 0 : index
    tpu.barrier barrier_id(%barrier3A_39)
    %mul3A_40 = arith.constant 256 : i32
    %mul3A_41 = arith.muli %arg1, %mul3A_40 : i32
    %mul3A_42 = arith.constant 256 : i32
    %mul3A_43 = arith.muli %arg1, %mul3A_42 : i32
    "tpu.region"() ({
      %run_scoped3A = tpu.sem_alloc : memref<!tpu.dma_semaphore, #tpu.memory_space<semaphore_mem>>
      %dma_start3A = arith.constant 0 : i32
      %dma_start3A_44 = tpu.memref_slice %arg5[%arg0, %mul3A_43, %dma_start3A] : memref<2x4096x64xf32, #tpu.memory_space<hbm>> -> memref<1x256x64xf32, #tpu.memory_space<hbm>>
      %dma_start3A_45 = tpu.memref_squeeze %dma_start3A_44 : memref<1x256x64xf32, #tpu.memory_space<hbm>> -> memref<256x64xf32, #tpu.memory_space<hbm>>
      %dma_start3A_46 = arith.constant 0 : i32
      %dma_start3A_47 = tpu.memref_slice %arg6[%mul3A_41, %dma_start3A_46] : memref<4096x64xf32, #tpu.memory_space<vmem_shared>> -> memref<256x64xf32, #tpu.memory_space<vmem_shared>>
      tpu.enqueue_dma source(%dma_start3A_47 : memref<256x64xf32, #tpu.memory_space<vmem_shared>>) target(%dma_start3A_45 : memref<256x64xf32, #tpu.memory_space<hbm>>) target_semaphore(%run_scoped3A : memref<!tpu.dma_semaphore, #tpu.memory_space<semaphore_mem>>)
      %dma_wait3A_48 = arith.constant 0 : i32
      %dma_wait3A_49 = tpu.memref_slice %arg5[%arg0, %mul3A_43, %dma_wait3A_48] : memref<2x4096x64xf32, #tpu.memory_space<hbm>> -> memref<1x256x64xf32, #tpu.memory_space<hbm>>
      %dma_wait3A_50 = tpu.memref_squeeze %dma_wait3A_49 : memref<1x256x64xf32, #tpu.memory_space<hbm>> -> memref<256x64xf32, #tpu.memory_space<hbm>>
      %dma_wait3A_51 = arith.constant 0 : i32
      %dma_wait3A_52 = tpu.memref_slice %arg6[%mul3A_41, %dma_wait3A_51] : memref<4096x64xf32, #tpu.memory_space<vmem_shared>> -> memref<256x64xf32, #tpu.memory_space<vmem_shared>>
      tpu.wait_dma2 semaphore(%run_scoped3A : memref<!tpu.dma_semaphore, #tpu.memory_space<semaphore_mem>>) src(%dma_wait3A_52 : memref<256x64xf32, #tpu.memory_space<vmem_shared>>) dst(%dma_wait3A_50 : memref<256x64xf32, #tpu.memory_space<hbm>>)
      tpu.yield
    }) : () -> ()
    return
  }
}

#map = affine_map<(d0, d1) -> (0, 0)>
#map1 = affine_map<(d0, d1) -> (0)>
#map2 = affine_map<(d0, d1) -> (0, 0, 0)>
module attributes {stable_mosaic.version = 14 : i64} {
  func.func @run(%arg0: i32, %arg1: i32, %arg2: memref<102400x64xf32, #tpu.memory_space<hbm>>, %arg3: memref<409600xi32, #tpu.memory_space<hbm>>, %arg4: memref<2x4096x16xf32, #tpu.memory_space<hbm>>, %arg5: memref<2x4096x64xf32, #tpu.memory_space<hbm>>, %arg6: memref<4096x64xf32, #tpu.memory_space<vmem_shared>>, %arg7: memref<128x64xf32, #tpu.memory_space<vmem>>, %arg8: memref<128x64xf32, #tpu.memory_space<vmem>>, %arg9: memref<128x64xf32, #tpu.memory_space<vmem>>, %arg10: memref<128x64xf32, #tpu.memory_space<vmem>>, %arg11: memref<128x64xf32, #tpu.memory_space<vmem>>, %arg12: memref<128xi32, #tpu.memory_space<vmem>>, %arg13: memref<128xi32, #tpu.memory_space<vmem>>, %arg14: memref<128xi32, #tpu.memory_space<vmem>>, %arg15: memref<128xi32, #tpu.memory_space<vmem>>, %arg16: memref<128xi32, #tpu.memory_space<vmem>>, %arg17: memref<!tpu.dma_semaphore, #tpu.memory_space<semaphore_mem>>, %arg18: memref<!tpu.dma_semaphore, #tpu.memory_space<semaphore_mem>>, %arg19: memref<!tpu.dma_semaphore, #tpu.memory_space<semaphore_mem>>, %arg20: memref<!tpu.dma_semaphore, #tpu.memory_space<semaphore_mem>>, %arg21: memref<!tpu.dma_semaphore, #tpu.memory_space<semaphore_mem>>, %arg22: memref<!tpu.dma_semaphore, #tpu.memory_space<semaphore_mem>>, %arg23: memref<!tpu.dma_semaphore, #tpu.memory_space<semaphore_mem>>, %arg24: memref<!tpu.dma_semaphore, #tpu.memory_space<semaphore_mem>>, %arg25: memref<!tpu.dma_semaphore, #tpu.memory_space<semaphore_mem>>, %arg26: memref<!tpu.dma_semaphore, #tpu.memory_space<semaphore_mem>>, %arg27: memref<!tpu.dma_semaphore, #tpu.memory_space<semaphore_mem>>, %arg28: memref<!tpu.dma_semaphore, #tpu.memory_space<semaphore_mem>>, %arg29: memref<!tpu.dma_semaphore, #tpu.memory_space<semaphore_mem>>, %arg30: memref<!tpu.dma_semaphore, #tpu.memory_space<semaphore_mem>>, %arg31: memref<!tpu.dma_semaphore, #tpu.memory_space<semaphore_mem>>) attributes {dimension_semantics = [#tpu.dimension_semantics<core_parallel>, #tpu.dimension_semantics<subcore_parallel>], iteration_bounds = array<i64: 2, 16>, scalar_prefetch = 0 : i64, scratch_operands = 26 : i64, tpu.core_type = #tpu.core_type<sc_vector_subcore>, window_params = [{transform_indices = #map}, {transform_indices = #map1}, {transform_indices = #map2}, {transform_indices = #map2}]} {
    %mul3A = arith.constant 16 : i32
    %mul3A_0 = arith.muli %arg0, %mul3A : i32
    %add3A = arith.addi %mul3A_0, %arg1 : i32
    %mul3A_1 = arith.constant 3200 : i32
    %mul3A_2 = arith.muli %add3A, %mul3A_1 : i32
    %add3A_3 = arith.constant 204800 : i32
    %add3A_4 = arith.addi %add3A_3, %mul3A_2 : i32
    %broadcast_in_dim3A = arith.constant 0.000000e+00 : f32
    %broadcast_in_dim3A_5 = vector.broadcast %broadcast_in_dim3A : f32 to vector<16xf32>
    %scan3A = arith.constant 0 : i32
    %scan3A_6 = arith.constant 0 : i32
    %scan3A_7 = arith.constant 128 : i32
    %scan3A_8 = arith.addi %scan3A_6, %scan3A_7 : i32
    %scan3A_9 = arith.constant 1 : i32
    scf.for %scan3A_44 = %scan3A_6 to %scan3A_8 step %scan3A_9  : i32 {
      %swap3A = arith.index_cast %scan3A_44 : i32 to index
      %swap3A_45 = arith.constant 0 : index
      %swap3A_46 = tpu.vector_load %arg7[%swap3A, %swap3A_45] {strides = array<i32>} : memref<128x64xf32, #tpu.memory_space<vmem>>, vector<1x16xf32>,
      %swap3A_47 = vector.shape_cast %swap3A_46 : vector<1x16xf32> to vector<16xf32>
      %swap3A_48 = vector.shape_cast %broadcast_in_dim3A_5 : vector<16xf32> to vector<1x16xf32>
      tpu.vector_store %arg7[%swap3A, %swap3A_45], %swap3A_48 {strides = array<i32>} : memref<128x64xf32, #tpu.memory_space<vmem>>, vector<1x16xf32>,
      %swap3A_49 = arith.index_cast %scan3A_44 : i32 to index
      %swap3A_50 = arith.constant 16 : index
      %swap3A_51 = tpu.vector_load %arg7[%swap3A_49, %swap3A_50] {strides = array<i32>} : memref<128x64xf32, #tpu.memory_space<vmem>>, vector<1x16xf32>,
      %swap3A_52 = vector.shape_cast %swap3A_51 : vector<1x16xf32> to vector<16xf32>
      %swap3A_53 = vector.shape_cast %broadcast_in_dim3A_5 : vector<16xf32> to vector<1x16xf32>
      tpu.vector_store %arg7[%swap3A_49, %swap3A_50], %swap3A_53 {strides = array<i32>} : memref<128x64xf32, #tpu.memory_space<vmem>>, vector<1x16xf32>,
      %swap3A_54 = arith.index_cast %scan3A_44 : i32 to index
      %swap3A_55 = arith.constant 32 : index
      %swap3A_56 = tpu.vector_load %arg7[%swap3A_54, %swap3A_55] {strides = array<i32>} : memref<128x64xf32, #tpu.memory_space<vmem>>, vector<1x16xf32>,
      %swap3A_57 = vector.shape_cast %swap3A_56 : vector<1x16xf32> to vector<16xf32>
      %swap3A_58 = vector.shape_cast %broadcast_in_dim3A_5 : vector<16xf32> to vector<1x16xf32>
      tpu.vector_store %arg7[%swap3A_54, %swap3A_55], %swap3A_58 {strides = array<i32>} : memref<128x64xf32, #tpu.memory_space<vmem>>, vector<1x16xf32>,
      %swap3A_59 = arith.index_cast %scan3A_44 : i32 to index
      %swap3A_60 = arith.constant 48 : index
      %swap3A_61 = tpu.vector_load %arg7[%swap3A_59, %swap3A_60] {strides = array<i32>} : memref<128x64xf32, #tpu.memory_space<vmem>>, vector<1x16xf32>,
      %swap3A_62 = vector.shape_cast %swap3A_61 : vector<1x16xf32> to vector<16xf32>
      %swap3A_63 = vector.shape_cast %broadcast_in_dim3A_5 : vector<16xf32> to vector<1x16xf32>
      tpu.vector_store %arg7[%swap3A_59, %swap3A_60], %swap3A_63 {strides = array<i32>} : memref<128x64xf32, #tpu.memory_space<vmem>>, vector<1x16xf32>,
    }
    %scan3A_10 = arith.constant 128 : i32
    %mul3A_11 = arith.constant 256 : i32
    %mul3A_12 = arith.muli %arg1, %mul3A_11 : i32
    %add3A_13 = arith.constant 0 : i32
    %add3A_14 = arith.addi %mul3A_12, %add3A_13 : i32
    "tpu.region"() ({
      %run_scoped3A = tpu.sem_alloc : memref<!tpu.dma_semaphore, #tpu.memory_space<semaphore_mem>>
      %dma_start3A = arith.constant 0 : i32
      %dma_start3A_44 = tpu.memref_slice %arg6[%add3A_14, %dma_start3A] : memref<4096x64xf32, #tpu.memory_space<vmem_shared>> -> memref<128x64xf32, #tpu.memory_space<vmem_shared>>
      %dma_start3A_45 = arith.constant 0 : i32
      %dma_start3A_46 = tpu.memref_slice %arg6[%add3A_14, %dma_start3A_45] : memref<4096x64xf32, #tpu.memory_space<vmem_shared>> -> memref<128x64xf32, #tpu.memory_space<vmem_shared>>
      tpu.enqueue_dma source(%arg7 : memref<128x64xf32, #tpu.memory_space<vmem>>) target(%dma_start3A_46 : memref<128x64xf32, #tpu.memory_space<vmem_shared>>) target_semaphore(%run_scoped3A : memref<!tpu.dma_semaphore, #tpu.memory_space<semaphore_mem>>)
      %dma_wait3A_47 = arith.constant 0 : i32
      %dma_wait3A_48 = tpu.memref_slice %arg6[%add3A_14, %dma_wait3A_47] : memref<4096x64xf32, #tpu.memory_space<vmem_shared>> -> memref<128x64xf32, #tpu.memory_space<vmem_shared>>
      %dma_wait3A_49 = arith.constant 0 : i32
      %dma_wait3A_50 = tpu.memref_slice %arg6[%add3A_14, %dma_wait3A_49] : memref<4096x64xf32, #tpu.memory_space<vmem_shared>> -> memref<128x64xf32, #tpu.memory_space<vmem_shared>>
      tpu.wait_dma2 semaphore(%run_scoped3A : memref<!tpu.dma_semaphore, #tpu.memory_space<semaphore_mem>>) src(%arg7 : memref<128x64xf32, #tpu.memory_space<vmem>>) dst(%dma_wait3A_50 : memref<128x64xf32, #tpu.memory_space<vmem_shared>>)
      tpu.yield
    }) : () -> ()
    %mul3A_15 = arith.constant 256 : i32
    %mul3A_16 = arith.muli %arg1, %mul3A_15 : i32
    %add3A_17 = arith.constant 128 : i32
    %add3A_18 = arith.addi %mul3A_16, %add3A_17 : i32
    "tpu.region"() ({
      %run_scoped3A = tpu.sem_alloc : memref<!tpu.dma_semaphore, #tpu.memory_space<semaphore_mem>>
      %dma_start3A = arith.constant 0 : i32
      %dma_start3A_44 = tpu.memref_slice %arg6[%add3A_18, %dma_start3A] : memref<4096x64xf32, #tpu.memory_space<vmem_shared>> -> memref<128x64xf32, #tpu.memory_space<vmem_shared>>
      %dma_start3A_45 = arith.constant 0 : i32
      %dma_start3A_46 = tpu.memref_slice %arg6[%add3A_18, %dma_start3A_45] : memref<4096x64xf32, #tpu.memory_space<vmem_shared>> -> memref<128x64xf32, #tpu.memory_space<vmem_shared>>
      tpu.enqueue_dma source(%arg7 : memref<128x64xf32, #tpu.memory_space<vmem>>) target(%dma_start3A_46 : memref<128x64xf32, #tpu.memory_space<vmem_shared>>) target_semaphore(%run_scoped3A : memref<!tpu.dma_semaphore, #tpu.memory_space<semaphore_mem>>)
      %dma_wait3A_47 = arith.constant 0 : i32
      %dma_wait3A_48 = tpu.memref_slice %arg6[%add3A_18, %dma_wait3A_47] : memref<4096x64xf32, #tpu.memory_space<vmem_shared>> -> memref<128x64xf32, #tpu.memory_space<vmem_shared>>
      %dma_wait3A_49 = arith.constant 0 : i32
      %dma_wait3A_50 = tpu.memref_slice %arg6[%add3A_18, %dma_wait3A_49] : memref<4096x64xf32, #tpu.memory_space<vmem_shared>> -> memref<128x64xf32, #tpu.memory_space<vmem_shared>>
      tpu.wait_dma2 semaphore(%run_scoped3A : memref<!tpu.dma_semaphore, #tpu.memory_space<semaphore_mem>>) src(%arg7 : memref<128x64xf32, #tpu.memory_space<vmem>>) dst(%dma_wait3A_50 : memref<128x64xf32, #tpu.memory_space<vmem_shared>>)
      tpu.yield
    }) : () -> ()
    %barrier3A = arith.constant 0 : index
    tpu.barrier barrier_id(%barrier3A)
    %scan3A_19 = arith.constant 0 : i32
    %scan3A_20 = arith.constant 0 : i32
    %scan3A_21 = arith.constant 5 : i32
    %scan3A_22 = arith.addi %scan3A_20, %scan3A_21 : i32
    %scan3A_23 = arith.constant 1 : i32
    scf.for %scan3A_44 = %scan3A_20 to %scan3A_22 step %scan3A_23  : i32 {
      %mul3A_45 = arith.constant 640 : i32
      %mul3A_46 = arith.muli %scan3A_44, %mul3A_45 : i32
      %add3A_47 = arith.addi %mul3A_2, %mul3A_46 : i32
      %mul3A_48 = arith.constant 640 : i32
      %mul3A_49 = arith.muli %scan3A_44, %mul3A_48 : i32
      %add3A_50 = arith.addi %add3A_4, %mul3A_49 : i32
      %gt3A = arith.constant 0 : i32
      %gt3A_51 = arith.cmpi sgt, %scan3A_44, %gt3A : i32
      %convert_element_type3A = arith.extui %gt3A_51 : i1 to i32
      %cond3A = arith.constant 0 : i32
      %cond3A_52 = arith.cmpi ne, %convert_element_type3A, %cond3A : i32
      scf.if %cond3A_52 {
        %dma_wait3A_167 = arith.constant 0 : i32
        %dma_wait3A_168 = arith.constant 0 : i32
        %dma_wait3A_169 = tpu.memref_slice %arg6[%dma_wait3A_167, %dma_wait3A_168] : memref<4096x64xf32, #tpu.memory_space<vmem_shared>> -> memref<4096x64xf32, #tpu.memory_space<vmem_shared>>
        tpu.wait_indirect_dma semaphore(%arg27 : memref<!tpu.dma_semaphore, #tpu.memory_space<semaphore_mem>>) src(%arg7 : memref<128x64xf32, #tpu.memory_space<vmem>>) dst(%dma_wait3A_169 : memref<4096x64xf32, #tpu.memory_space<vmem_shared>>)
      } else {
      }
      %add3A_53 = arith.constant 0 : i32
      %add3A_54 = arith.addi %add3A_50, %add3A_53 : i32
      %dma_start3A = tpu.memref_slice %arg3[%add3A_54] : memref<409600xi32, #tpu.memory_space<hbm>> -> memref<128xi32, #tpu.memory_space<hbm>>
      %dma_start3A_55 = tpu.memref_slice %arg3[%add3A_54] : memref<409600xi32, #tpu.memory_space<hbm>> -> memref<128xi32, #tpu.memory_space<hbm>>
      tpu.enqueue_dma source(%dma_start3A_55 : memref<128xi32, #tpu.memory_space<hbm>>) target(%arg12 : memref<128xi32, #tpu.memory_space<vmem>>) target_semaphore(%arg22 : memref<!tpu.dma_semaphore, #tpu.memory_space<semaphore_mem>>)
      %add3A_56 = arith.constant 0 : i32
      %add3A_57 = arith.addi %add3A_47, %add3A_56 : i32
      %dma_start3A_58 = arith.constant 0 : i32
      %dma_start3A_59 = tpu.memref_slice %arg2[%add3A_57, %dma_start3A_58] : memref<102400x64xf32, #tpu.memory_space<hbm>> -> memref<128x64xf32, #tpu.memory_space<hbm>>
      %dma_start3A_60 = arith.constant 0 : i32
      %dma_start3A_61 = tpu.memref_slice %arg2[%add3A_57, %dma_start3A_60] : memref<102400x64xf32, #tpu.memory_space<hbm>> -> memref<128x64xf32, #tpu.memory_space<hbm>>
      tpu.enqueue_dma source(%dma_start3A_61 : memref<128x64xf32, #tpu.memory_space<hbm>>) target(%arg7 : memref<128x64xf32, #tpu.memory_space<vmem>>) target_semaphore(%arg17 : memref<!tpu.dma_semaphore, #tpu.memory_space<semaphore_mem>>)
      %gt3A_62 = arith.constant 0 : i32
      %gt3A_63 = arith.cmpi sgt, %scan3A_44, %gt3A_62 : i32
      %convert_element_type3A_64 = arith.extui %gt3A_63 : i1 to i32
      %cond3A_65 = arith.constant 0 : i32
      %cond3A_66 = arith.cmpi ne, %convert_element_type3A_64, %cond3A_65 : i32
      scf.if %cond3A_66 {
        %dma_wait3A_167 = arith.constant 0 : i32
        %dma_wait3A_168 = arith.constant 0 : i32
        %dma_wait3A_169 = tpu.memref_slice %arg6[%dma_wait3A_167, %dma_wait3A_168] : memref<4096x64xf32, #tpu.memory_space<vmem_shared>> -> memref<4096x64xf32, #tpu.memory_space<vmem_shared>>
        tpu.wait_indirect_dma semaphore(%arg28 : memref<!tpu.dma_semaphore, #tpu.memory_space<semaphore_mem>>) src(%arg8 : memref<128x64xf32, #tpu.memory_space<vmem>>) dst(%dma_wait3A_169 : memref<4096x64xf32, #tpu.memory_space<vmem_shared>>)
      } else {
      }
      %add3A_67 = arith.constant 128 : i32
      %add3A_68 = arith.addi %add3A_50, %add3A_67 : i32
      %dma_start3A_69 = tpu.memref_slice %arg3[%add3A_68] : memref<409600xi32, #tpu.memory_space<hbm>> -> memref<128xi32, #tpu.memory_space<hbm>>
      %dma_start3A_70 = tpu.memref_slice %arg3[%add3A_68] : memref<409600xi32, #tpu.memory_space<hbm>> -> memref<128xi32, #tpu.memory_space<hbm>>
      tpu.enqueue_dma source(%dma_start3A_70 : memref<128xi32, #tpu.memory_space<hbm>>) target(%arg13 : memref<128xi32, #tpu.memory_space<vmem>>) target_semaphore(%arg23 : memref<!tpu.dma_semaphore, #tpu.memory_space<semaphore_mem>>)
      %add3A_71 = arith.constant 128 : i32
      %add3A_72 = arith.addi %add3A_47, %add3A_71 : i32
      %dma_start3A_73 = arith.constant 0 : i32
      %dma_start3A_74 = tpu.memref_slice %arg2[%add3A_72, %dma_start3A_73] : memref<102400x64xf32, #tpu.memory_space<hbm>> -> memref<128x64xf32, #tpu.memory_space<hbm>>
      %dma_start3A_75 = arith.constant 0 : i32
      %dma_start3A_76 = tpu.memref_slice %arg2[%add3A_72, %dma_start3A_75] : memref<102400x64xf32, #tpu.memory_space<hbm>> -> memref<128x64xf32, #tpu.memory_space<hbm>>
      tpu.enqueue_dma source(%dma_start3A_76 : memref<128x64xf32, #tpu.memory_space<hbm>>) target(%arg8 : memref<128x64xf32, #tpu.memory_space<vmem>>) target_semaphore(%arg18 : memref<!tpu.dma_semaphore, #tpu.memory_space<semaphore_mem>>)
      %gt3A_77 = arith.constant 0 : i32
      %gt3A_78 = arith.cmpi sgt, %scan3A_44, %gt3A_77 : i32
      %convert_element_type3A_79 = arith.extui %gt3A_78 : i1 to i32
      %cond3A_80 = arith.constant 0 : i32
      %cond3A_81 = arith.cmpi ne, %convert_element_type3A_79, %cond3A_80 : i32
      scf.if %cond3A_81 {
        %dma_wait3A_167 = arith.constant 0 : i32
        %dma_wait3A_168 = arith.constant 0 : i32
        %dma_wait3A_169 = tpu.memref_slice %arg6[%dma_wait3A_167, %dma_wait3A_168] : memref<4096x64xf32, #tpu.memory_space<vmem_shared>> -> memref<4096x64xf32, #tpu.memory_space<vmem_shared>>
        tpu.wait_indirect_dma semaphore(%arg29 : memref<!tpu.dma_semaphore, #tpu.memory_space<semaphore_mem>>) src(%arg9 : memref<128x64xf32, #tpu.memory_space<vmem>>) dst(%dma_wait3A_169 : memref<4096x64xf32, #tpu.memory_space<vmem_shared>>)
      } else {
      }
      %add3A_82 = arith.constant 256 : i32
      %add3A_83 = arith.addi %add3A_50, %add3A_82 : i32
      %dma_start3A_84 = tpu.memref_slice %arg3[%add3A_83] : memref<409600xi32, #tpu.memory_space<hbm>> -> memref<128xi32, #tpu.memory_space<hbm>>
      %dma_start3A_85 = tpu.memref_slice %arg3[%add3A_83] : memref<409600xi32, #tpu.memory_space<hbm>> -> memref<128xi32, #tpu.memory_space<hbm>>
      tpu.enqueue_dma source(%dma_start3A_85 : memref<128xi32, #tpu.memory_space<hbm>>) target(%arg14 : memref<128xi32, #tpu.memory_space<vmem>>) target_semaphore(%arg24 : memref<!tpu.dma_semaphore, #tpu.memory_space<semaphore_mem>>)
      %add3A_86 = arith.constant 256 : i32
      %add3A_87 = arith.addi %add3A_47, %add3A_86 : i32
      %dma_start3A_88 = arith.constant 0 : i32
      %dma_start3A_89 = tpu.memref_slice %arg2[%add3A_87, %dma_start3A_88] : memref<102400x64xf32, #tpu.memory_space<hbm>> -> memref<128x64xf32, #tpu.memory_space<hbm>>
      %dma_start3A_90 = arith.constant 0 : i32
      %dma_start3A_91 = tpu.memref_slice %arg2[%add3A_87, %dma_start3A_90] : memref<102400x64xf32, #tpu.memory_space<hbm>> -> memref<128x64xf32, #tpu.memory_space<hbm>>
      tpu.enqueue_dma source(%dma_start3A_91 : memref<128x64xf32, #tpu.memory_space<hbm>>) target(%arg9 : memref<128x64xf32, #tpu.memory_space<vmem>>) target_semaphore(%arg19 : memref<!tpu.dma_semaphore, #tpu.memory_space<semaphore_mem>>)
      %gt3A_92 = arith.constant 0 : i32
      %gt3A_93 = arith.cmpi sgt, %scan3A_44, %gt3A_92 : i32
      %convert_element_type3A_94 = arith.extui %gt3A_93 : i1 to i32
      %cond3A_95 = arith.constant 0 : i32
      %cond3A_96 = arith.cmpi ne, %convert_element_type3A_94, %cond3A_95 : i32
      scf.if %cond3A_96 {
        %dma_wait3A_167 = arith.constant 0 : i32
        %dma_wait3A_168 = arith.constant 0 : i32
        %dma_wait3A_169 = tpu.memref_slice %arg6[%dma_wait3A_167, %dma_wait3A_168] : memref<4096x64xf32, #tpu.memory_space<vmem_shared>> -> memref<4096x64xf32, #tpu.memory_space<vmem_shared>>
        tpu.wait_indirect_dma semaphore(%arg30 : memref<!tpu.dma_semaphore, #tpu.memory_space<semaphore_mem>>) src(%arg10 : memref<128x64xf32, #tpu.memory_space<vmem>>) dst(%dma_wait3A_169 : memref<4096x64xf32, #tpu.memory_space<vmem_shared>>)
      } else {
      }
      %add3A_97 = arith.constant 384 : i32
      %add3A_98 = arith.addi %add3A_50, %add3A_97 : i32
      %dma_start3A_99 = tpu.memref_slice %arg3[%add3A_98] : memref<409600xi32, #tpu.memory_space<hbm>> -> memref<128xi32, #tpu.memory_space<hbm>>
      %dma_start3A_100 = tpu.memref_slice %arg3[%add3A_98] : memref<409600xi32, #tpu.memory_space<hbm>> -> memref<128xi32, #tpu.memory_space<hbm>>
      tpu.enqueue_dma source(%dma_start3A_100 : memref<128xi32, #tpu.memory_space<hbm>>) target(%arg15 : memref<128xi32, #tpu.memory_space<vmem>>) target_semaphore(%arg25 : memref<!tpu.dma_semaphore, #tpu.memory_space<semaphore_mem>>)
      %add3A_101 = arith.constant 384 : i32
      %add3A_102 = arith.addi %add3A_47, %add3A_101 : i32
      %dma_start3A_103 = arith.constant 0 : i32
      %dma_start3A_104 = tpu.memref_slice %arg2[%add3A_102, %dma_start3A_103] : memref<102400x64xf32, #tpu.memory_space<hbm>> -> memref<128x64xf32, #tpu.memory_space<hbm>>
      %dma_start3A_105 = arith.constant 0 : i32
      %dma_start3A_106 = tpu.memref_slice %arg2[%add3A_102, %dma_start3A_105] : memref<102400x64xf32, #tpu.memory_space<hbm>> -> memref<128x64xf32, #tpu.memory_space<hbm>>
      tpu.enqueue_dma source(%dma_start3A_106 : memref<128x64xf32, #tpu.memory_space<hbm>>) target(%arg10 : memref<128x64xf32, #tpu.memory_space<vmem>>) target_semaphore(%arg20 : memref<!tpu.dma_semaphore, #tpu.memory_space<semaphore_mem>>)
      %gt3A_107 = arith.constant 0 : i32
      %gt3A_108 = arith.cmpi sgt, %scan3A_44, %gt3A_107 : i32
      %convert_element_type3A_109 = arith.extui %gt3A_108 : i1 to i32
      %cond3A_110 = arith.constant 0 : i32
      %cond3A_111 = arith.cmpi ne, %convert_element_type3A_109, %cond3A_110 : i32
      scf.if %cond3A_111 {
        %dma_wait3A_167 = arith.constant 0 : i32
        %dma_wait3A_168 = arith.constant 0 : i32
        %dma_wait3A_169 = tpu.memref_slice %arg6[%dma_wait3A_167, %dma_wait3A_168] : memref<4096x64xf32, #tpu.memory_space<vmem_shared>> -> memref<4096x64xf32, #tpu.memory_space<vmem_shared>>
        tpu.wait_indirect_dma semaphore(%arg31 : memref<!tpu.dma_semaphore, #tpu.memory_space<semaphore_mem>>) src(%arg11 : memref<128x64xf32, #tpu.memory_space<vmem>>) dst(%dma_wait3A_169 : memref<4096x64xf32, #tpu.memory_space<vmem_shared>>)
      } else {
      }
      %add3A_112 = arith.constant 512 : i32
      %add3A_113 = arith.addi %add3A_50, %add3A_112 : i32
      %dma_start3A_114 = tpu.memref_slice %arg3[%add3A_113] : memref<409600xi32, #tpu.memory_space<hbm>> -> memref<128xi32, #tpu.memory_space<hbm>>
      %dma_start3A_115 = tpu.memref_slice %arg3[%add3A_113] : memref<409600xi32, #tpu.memory_space<hbm>> -> memref<128xi32, #tpu.memory_space<hbm>>
      tpu.enqueue_dma source(%dma_start3A_115 : memref<128xi32, #tpu.memory_space<hbm>>) target(%arg16 : memref<128xi32, #tpu.memory_space<vmem>>) target_semaphore(%arg26 : memref<!tpu.dma_semaphore, #tpu.memory_space<semaphore_mem>>)
      %add3A_116 = arith.constant 512 : i32
      %add3A_117 = arith.addi %add3A_47, %add3A_116 : i32
      %dma_start3A_118 = arith.constant 0 : i32
      %dma_start3A_119 = tpu.memref_slice %arg2[%add3A_117, %dma_start3A_118] : memref<102400x64xf32, #tpu.memory_space<hbm>> -> memref<128x64xf32, #tpu.memory_space<hbm>>
      %dma_start3A_120 = arith.constant 0 : i32
      %dma_start3A_121 = tpu.memref_slice %arg2[%add3A_117, %dma_start3A_120] : memref<102400x64xf32, #tpu.memory_space<hbm>> -> memref<128x64xf32, #tpu.memory_space<hbm>>
      tpu.enqueue_dma source(%dma_start3A_121 : memref<128x64xf32, #tpu.memory_space<hbm>>) target(%arg11 : memref<128x64xf32, #tpu.memory_space<vmem>>) target_semaphore(%arg21 : memref<!tpu.dma_semaphore, #tpu.memory_space<semaphore_mem>>)
      %dma_wait3A_122 = tpu.memref_slice %arg3[%add3A_54] : memref<409600xi32, #tpu.memory_space<hbm>> -> memref<128xi32, #tpu.memory_space<hbm>>
      %dma_wait3A_123 = tpu.memref_slice %arg3[%add3A_54] : memref<409600xi32, #tpu.memory_space<hbm>> -> memref<128xi32, #tpu.memory_space<hbm>>
      tpu.wait_dma2 semaphore(%arg22 : memref<!tpu.dma_semaphore, #tpu.memory_space<semaphore_mem>>) src(%dma_wait3A_123 : memref<128xi32, #tpu.memory_space<hbm>>) dst(%arg12 : memref<128xi32, #tpu.memory_space<vmem>>)
      %dma_wait3A_124 = arith.constant 0 : i32
      %dma_wait3A_125 = tpu.memref_slice %arg2[%add3A_57, %dma_wait3A_124] : memref<102400x64xf32, #tpu.memory_space<hbm>> -> memref<128x64xf32, #tpu.memory_space<hbm>>
      %dma_wait3A_126 = arith.constant 0 : i32
      %dma_wait3A_127 = tpu.memref_slice %arg2[%add3A_57, %dma_wait3A_126] : memref<102400x64xf32, #tpu.memory_space<hbm>> -> memref<128x64xf32, #tpu.memory_space<hbm>>
      tpu.wait_dma2 semaphore(%arg17 : memref<!tpu.dma_semaphore, #tpu.memory_space<semaphore_mem>>) src(%dma_wait3A_127 : memref<128x64xf32, #tpu.memory_space<hbm>>) dst(%arg7 : memref<128x64xf32, #tpu.memory_space<vmem>>)
      %dma_start3A_128 = arith.constant 0 : i32
      %dma_start3A_129 = arith.constant 0 : i32
      %dma_start3A_130 = tpu.memref_slice %arg6[%dma_start3A_128, %dma_start3A_129] : memref<4096x64xf32, #tpu.memory_space<vmem_shared>> -> memref<4096x64xf32, #tpu.memory_space<vmem_shared>>
      tpu.enqueue_indirect_dma source(%arg7 : memref<128x64xf32, #tpu.memory_space<vmem>>) target(%dma_start3A_130 : memref<4096x64xf32, #tpu.memory_space<vmem_shared>>) offsets(%arg12 : memref<128xi32, #tpu.memory_space<vmem>>) semaphore(%arg27 : memref<!tpu.dma_semaphore, #tpu.memory_space<semaphore_mem>>) {add = true}
      %dma_wait3A_131 = tpu.memref_slice %arg3[%add3A_68] : memref<409600xi32, #tpu.memory_space<hbm>> -> memref<128xi32, #tpu.memory_space<hbm>>
      %dma_wait3A_132 = tpu.memref_slice %arg3[%add3A_68] : memref<409600xi32, #tpu.memory_space<hbm>> -> memref<128xi32, #tpu.memory_space<hbm>>
      tpu.wait_dma2 semaphore(%arg23 : memref<!tpu.dma_semaphore, #tpu.memory_space<semaphore_mem>>) src(%dma_wait3A_132 : memref<128xi32, #tpu.memory_space<hbm>>) dst(%arg13 : memref<128xi32, #tpu.memory_space<vmem>>)
      %dma_wait3A_133 = arith.constant 0 : i32
      %dma_wait3A_134 = tpu.memref_slice %arg2[%add3A_72, %dma_wait3A_133] : memref<102400x64xf32, #tpu.memory_space<hbm>> -> memref<128x64xf32, #tpu.memory_space<hbm>>
      %dma_wait3A_135 = arith.constant 0 : i32
      %dma_wait3A_136 = tpu.memref_slice %arg2[%add3A_72, %dma_wait3A_135] : memref<102400x64xf32, #tpu.memory_space<hbm>> -> memref<128x64xf32, #tpu.memory_space<hbm>>
      tpu.wait_dma2 semaphore(%arg18 : memref<!tpu.dma_semaphore, #tpu.memory_space<semaphore_mem>>) src(%dma_wait3A_136 : memref<128x64xf32, #tpu.memory_space<hbm>>) dst(%arg8 : memref<128x64xf32, #tpu.memory_space<vmem>>)
      %dma_start3A_137 = arith.constant 0 : i32
      %dma_start3A_138 = arith.constant 0 : i32
      %dma_start3A_139 = tpu.memref_slice %arg6[%dma_start3A_137, %dma_start3A_138] : memref<4096x64xf32, #tpu.memory_space<vmem_shared>> -> memref<4096x64xf32, #tpu.memory_space<vmem_shared>>
      tpu.enqueue_indirect_dma source(%arg8 : memref<128x64xf32, #tpu.memory_space<vmem>>) target(%dma_start3A_139 : memref<4096x64xf32, #tpu.memory_space<vmem_shared>>) offsets(%arg13 : memref<128xi32, #tpu.memory_space<vmem>>) semaphore(%arg28 : memref<!tpu.dma_semaphore, #tpu.memory_space<semaphore_mem>>) {add = true}
      %dma_wait3A_140 = tpu.memref_slice %arg3[%add3A_83] : memref<409600xi32, #tpu.memory_space<hbm>> -> memref<128xi32, #tpu.memory_space<hbm>>
      %dma_wait3A_141 = tpu.memref_slice %arg3[%add3A_83] : memref<409600xi32, #tpu.memory_space<hbm>> -> memref<128xi32, #tpu.memory_space<hbm>>
      tpu.wait_dma2 semaphore(%arg24 : memref<!tpu.dma_semaphore, #tpu.memory_space<semaphore_mem>>) src(%dma_wait3A_141 : memref<128xi32, #tpu.memory_space<hbm>>) dst(%arg14 : memref<128xi32, #tpu.memory_space<vmem>>)
      %dma_wait3A_142 = arith.constant 0 : i32
      %dma_wait3A_143 = tpu.memref_slice %arg2[%add3A_87, %dma_wait3A_142] : memref<102400x64xf32, #tpu.memory_space<hbm>> -> memref<128x64xf32, #tpu.memory_space<hbm>>
      %dma_wait3A_144 = arith.constant 0 : i32
      %dma_wait3A_145 = tpu.memref_slice %arg2[%add3A_87, %dma_wait3A_144] : memref<102400x64xf32, #tpu.memory_space<hbm>> -> memref<128x64xf32, #tpu.memory_space<hbm>>
      tpu.wait_dma2 semaphore(%arg19 : memref<!tpu.dma_semaphore, #tpu.memory_space<semaphore_mem>>) src(%dma_wait3A_145 : memref<128x64xf32, #tpu.memory_space<hbm>>) dst(%arg9 : memref<128x64xf32, #tpu.memory_space<vmem>>)
      %dma_start3A_146 = arith.constant 0 : i32
      %dma_start3A_147 = arith.constant 0 : i32
      %dma_start3A_148 = tpu.memref_slice %arg6[%dma_start3A_146, %dma_start3A_147] : memref<4096x64xf32, #tpu.memory_space<vmem_shared>> -> memref<4096x64xf32, #tpu.memory_space<vmem_shared>>
      tpu.enqueue_indirect_dma source(%arg9 : memref<128x64xf32, #tpu.memory_space<vmem>>) target(%dma_start3A_148 : memref<4096x64xf32, #tpu.memory_space<vmem_shared>>) offsets(%arg14 : memref<128xi32, #tpu.memory_space<vmem>>) semaphore(%arg29 : memref<!tpu.dma_semaphore, #tpu.memory_space<semaphore_mem>>) {add = true}
      %dma_wait3A_149 = tpu.memref_slice %arg3[%add3A_98] : memref<409600xi32, #tpu.memory_space<hbm>> -> memref<128xi32, #tpu.memory_space<hbm>>
      %dma_wait3A_150 = tpu.memref_slice %arg3[%add3A_98] : memref<409600xi32, #tpu.memory_space<hbm>> -> memref<128xi32, #tpu.memory_space<hbm>>
      tpu.wait_dma2 semaphore(%arg25 : memref<!tpu.dma_semaphore, #tpu.memory_space<semaphore_mem>>) src(%dma_wait3A_150 : memref<128xi32, #tpu.memory_space<hbm>>) dst(%arg15 : memref<128xi32, #tpu.memory_space<vmem>>)
      %dma_wait3A_151 = arith.constant 0 : i32
      %dma_wait3A_152 = tpu.memref_slice %arg2[%add3A_102, %dma_wait3A_151] : memref<102400x64xf32, #tpu.memory_space<hbm>> -> memref<128x64xf32, #tpu.memory_space<hbm>>
      %dma_wait3A_153 = arith.constant 0 : i32
      %dma_wait3A_154 = tpu.memref_slice %arg2[%add3A_102, %dma_wait3A_153] : memref<102400x64xf32, #tpu.memory_space<hbm>> -> memref<128x64xf32, #tpu.memory_space<hbm>>
      tpu.wait_dma2 semaphore(%arg20 : memref<!tpu.dma_semaphore, #tpu.memory_space<semaphore_mem>>) src(%dma_wait3A_154 : memref<128x64xf32, #tpu.memory_space<hbm>>) dst(%arg10 : memref<128x64xf32, #tpu.memory_space<vmem>>)
      %dma_start3A_155 = arith.constant 0 : i32
      %dma_start3A_156 = arith.constant 0 : i32
      %dma_start3A_157 = tpu.memref_slice %arg6[%dma_start3A_155, %dma_start3A_156] : memref<4096x64xf32, #tpu.memory_space<vmem_shared>> -> memref<4096x64xf32, #tpu.memory_space<vmem_shared>>
      tpu.enqueue_indirect_dma source(%arg10 : memref<128x64xf32, #tpu.memory_space<vmem>>) target(%dma_start3A_157 : memref<4096x64xf32, #tpu.memory_space<vmem_shared>>) offsets(%arg15 : memref<128xi32, #tpu.memory_space<vmem>>) semaphore(%arg30 : memref<!tpu.dma_semaphore, #tpu.memory_space<semaphore_mem>>) {add = true}
      %dma_wait3A_158 = tpu.memref_slice %arg3[%add3A_113] : memref<409600xi32, #tpu.memory_space<hbm>> -> memref<128xi32, #tpu.memory_space<hbm>>
      %dma_wait3A_159 = tpu.memref_slice %arg3[%add3A_113] : memref<409600xi32, #tpu.memory_space<hbm>> -> memref<128xi32, #tpu.memory_space<hbm>>
      tpu.wait_dma2 semaphore(%arg26 : memref<!tpu.dma_semaphore, #tpu.memory_space<semaphore_mem>>) src(%dma_wait3A_159 : memref<128xi32, #tpu.memory_space<hbm>>) dst(%arg16 : memref<128xi32, #tpu.memory_space<vmem>>)
      %dma_wait3A_160 = arith.constant 0 : i32
      %dma_wait3A_161 = tpu.memref_slice %arg2[%add3A_117, %dma_wait3A_160] : memref<102400x64xf32, #tpu.memory_space<hbm>> -> memref<128x64xf32, #tpu.memory_space<hbm>>
      %dma_wait3A_162 = arith.constant 0 : i32
      %dma_wait3A_163 = tpu.memref_slice %arg2[%add3A_117, %dma_wait3A_162] : memref<102400x64xf32, #tpu.memory_space<hbm>> -> memref<128x64xf32, #tpu.memory_space<hbm>>
      tpu.wait_dma2 semaphore(%arg21 : memref<!tpu.dma_semaphore, #tpu.memory_space<semaphore_mem>>) src(%dma_wait3A_163 : memref<128x64xf32, #tpu.memory_space<hbm>>) dst(%arg11 : memref<128x64xf32, #tpu.memory_space<vmem>>)
      %dma_start3A_164 = arith.constant 0 : i32
      %dma_start3A_165 = arith.constant 0 : i32
      %dma_start3A_166 = tpu.memref_slice %arg6[%dma_start3A_164, %dma_start3A_165] : memref<4096x64xf32, #tpu.memory_space<vmem_shared>> -> memref<4096x64xf32, #tpu.memory_space<vmem_shared>>
      tpu.enqueue_indirect_dma source(%arg11 : memref<128x64xf32, #tpu.memory_space<vmem>>) target(%dma_start3A_166 : memref<4096x64xf32, #tpu.memory_space<vmem_shared>>) offsets(%arg16 : memref<128xi32, #tpu.memory_space<vmem>>) semaphore(%arg31 : memref<!tpu.dma_semaphore, #tpu.memory_space<semaphore_mem>>) {add = true}
    }
    %scan3A_24 = arith.constant 5 : i32
    %dma_wait3A = arith.constant 0 : i32
    %dma_wait3A_25 = arith.constant 0 : i32
    %dma_wait3A_26 = tpu.memref_slice %arg6[%dma_wait3A, %dma_wait3A_25] : memref<4096x64xf32, #tpu.memory_space<vmem_shared>> -> memref<4096x64xf32, #tpu.memory_space<vmem_shared>>
    tpu.wait_indirect_dma semaphore(%arg27 : memref<!tpu.dma_semaphore, #tpu.memory_space<semaphore_mem>>) src(%arg7 : memref<128x64xf32, #tpu.memory_space<vmem>>) dst(%dma_wait3A_26 : memref<4096x64xf32, #tpu.memory_space<vmem_shared>>)
    %dma_wait3A_27 = arith.constant 0 : i32
    %dma_wait3A_28 = arith.constant 0 : i32
    %dma_wait3A_29 = tpu.memref_slice %arg6[%dma_wait3A_27, %dma_wait3A_28] : memref<4096x64xf32, #tpu.memory_space<vmem_shared>> -> memref<4096x64xf32, #tpu.memory_space<vmem_shared>>
    tpu.wait_indirect_dma semaphore(%arg28 : memref<!tpu.dma_semaphore, #tpu.memory_space<semaphore_mem>>) src(%arg8 : memref<128x64xf32, #tpu.memory_space<vmem>>) dst(%dma_wait3A_29 : memref<4096x64xf32, #tpu.memory_space<vmem_shared>>)
    %dma_wait3A_30 = arith.constant 0 : i32
    %dma_wait3A_31 = arith.constant 0 : i32
    %dma_wait3A_32 = tpu.memref_slice %arg6[%dma_wait3A_30, %dma_wait3A_31] : memref<4096x64xf32, #tpu.memory_space<vmem_shared>> -> memref<4096x64xf32, #tpu.memory_space<vmem_shared>>
    tpu.wait_indirect_dma semaphore(%arg29 : memref<!tpu.dma_semaphore, #tpu.memory_space<semaphore_mem>>) src(%arg9 : memref<128x64xf32, #tpu.memory_space<vmem>>) dst(%dma_wait3A_32 : memref<4096x64xf32, #tpu.memory_space<vmem_shared>>)
    %dma_wait3A_33 = arith.constant 0 : i32
    %dma_wait3A_34 = arith.constant 0 : i32
    %dma_wait3A_35 = tpu.memref_slice %arg6[%dma_wait3A_33, %dma_wait3A_34] : memref<4096x64xf32, #tpu.memory_space<vmem_shared>> -> memref<4096x64xf32, #tpu.memory_space<vmem_shared>>
    tpu.wait_indirect_dma semaphore(%arg30 : memref<!tpu.dma_semaphore, #tpu.memory_space<semaphore_mem>>) src(%arg10 : memref<128x64xf32, #tpu.memory_space<vmem>>) dst(%dma_wait3A_35 : memref<4096x64xf32, #tpu.memory_space<vmem_shared>>)
    %dma_wait3A_36 = arith.constant 0 : i32
    %dma_wait3A_37 = arith.constant 0 : i32
    %dma_wait3A_38 = tpu.memref_slice %arg6[%dma_wait3A_36, %dma_wait3A_37] : memref<4096x64xf32, #tpu.memory_space<vmem_shared>> -> memref<4096x64xf32, #tpu.memory_space<vmem_shared>>
    tpu.wait_indirect_dma semaphore(%arg31 : memref<!tpu.dma_semaphore, #tpu.memory_space<semaphore_mem>>) src(%arg11 : memref<128x64xf32, #tpu.memory_space<vmem>>) dst(%dma_wait3A_38 : memref<4096x64xf32, #tpu.memory_space<vmem_shared>>)
    %barrier3A_39 = arith.constant 0 : index
    tpu.barrier barrier_id(%barrier3A_39)
    %mul3A_40 = arith.constant 256 : i32
    %mul3A_41 = arith.muli %arg1, %mul3A_40 : i32
    %mul3A_42 = arith.constant 256 : i32
    %mul3A_43 = arith.muli %arg1, %mul3A_42 : i32
    "tpu.region"() ({
      %run_scoped3A = tpu.sem_alloc : memref<!tpu.dma_semaphore, #tpu.memory_space<semaphore_mem>>
      %dma_start3A = arith.constant 0 : i32
      %dma_start3A_44 = tpu.memref_slice %arg5[%arg0, %mul3A_43, %dma_start3A] : memref<2x4096x64xf32, #tpu.memory_space<hbm>> -> memref<1x256x64xf32, #tpu.memory_space<hbm>>
      %dma_start3A_45 = tpu.memref_squeeze %dma_start3A_44 : memref<1x256x64xf32, #tpu.memory_space<hbm>> -> memref<256x64xf32, #tpu.memory_space<hbm>>
      %dma_start3A_46 = arith.constant 0 : i32
      %dma_start3A_47 = tpu.memref_slice %arg6[%mul3A_41, %dma_start3A_46] : memref<4096x64xf32, #tpu.memory_space<vmem_shared>> -> memref<256x64xf32, #tpu.memory_space<vmem_shared>>
      tpu.enqueue_dma source(%dma_start3A_47 : memref<256x64xf32, #tpu.memory_space<vmem_shared>>) target(%dma_start3A_45 : memref<256x64xf32, #tpu.memory_space<hbm>>) target_semaphore(%run_scoped3A : memref<!tpu.dma_semaphore, #tpu.memory_space<semaphore_mem>>)
      %dma_wait3A_48 = arith.constant 0 : i32
      %dma_wait3A_49 = tpu.memref_slice %arg5[%arg0, %mul3A_43, %dma_wait3A_48] : memref<2x4096x64xf32, #tpu.memory_space<hbm>> -> memref<1x256x64xf32, #tpu.memory_space<hbm>>
      %dma_wait3A_50 = tpu.memref_squeeze %dma_wait3A_49 : memref<1x256x64xf32, #tpu.memory_space<hbm>> -> memref<256x64xf32, #tpu.memory_space<hbm>>
      %dma_wait3A_51 = arith.constant 0 : i32
      %dma_wait3A_52 = tpu.memref_slice %arg6[%mul3A_41, %dma_wait3A_51] : memref<4096x64xf32, #tpu.memory_space<vmem_shared>> -> memref<256x64xf32, #tpu.memory_space<vmem_shared>>
      tpu.wait_dma2 semaphore(%run_scoped3A : memref<!tpu.dma_semaphore, #tpu.memory_space<semaphore_mem>>) src(%dma_wait3A_52 : memref<256x64xf32, #tpu.memory_space<vmem_shared>>) dst(%dma_wait3A_50 : memref<256x64xf32, #tpu.memory_space<hbm>>)
      tpu.yield
    }) : () -> ()
    return
  }
}

#map = affine_map<(d0, d1) -> (0, 0)>
#map1 = affine_map<(d0, d1) -> (0)>
#map2 = affine_map<(d0, d1) -> (0, 0, 0)>
module attributes {stable_mosaic.version = 14 : i64} {
  func.func @run(%arg0: i32, %arg1: i32, %arg2: memref<102400x64xf32, #tpu.memory_space<hbm>>, %arg3: memref<409600xi32, #tpu.memory_space<hbm>>, %arg4: memref<2x4096x16xf32, #tpu.memory_space<hbm>>, %arg5: memref<2x4096x64xf32, #tpu.memory_space<hbm>>, %arg6: memref<4096x64xf32, #tpu.memory_space<vmem_shared>>, %arg7: memref<128x64xf32, #tpu.memory_space<vmem>>, %arg8: memref<128x64xf32, #tpu.memory_space<vmem>>, %arg9: memref<128x64xf32, #tpu.memory_space<vmem>>, %arg10: memref<128x64xf32, #tpu.memory_space<vmem>>, %arg11: memref<128x64xf32, #tpu.memory_space<vmem>>, %arg12: memref<128xi32, #tpu.memory_space<vmem>>, %arg13: memref<128xi32, #tpu.memory_space<vmem>>, %arg14: memref<128xi32, #tpu.memory_space<vmem>>, %arg15: memref<128xi32, #tpu.memory_space<vmem>>, %arg16: memref<128xi32, #tpu.memory_space<vmem>>, %arg17: memref<!tpu.dma_semaphore, #tpu.memory_space<semaphore_mem>>, %arg18: memref<!tpu.dma_semaphore, #tpu.memory_space<semaphore_mem>>, %arg19: memref<!tpu.dma_semaphore, #tpu.memory_space<semaphore_mem>>, %arg20: memref<!tpu.dma_semaphore, #tpu.memory_space<semaphore_mem>>, %arg21: memref<!tpu.dma_semaphore, #tpu.memory_space<semaphore_mem>>, %arg22: memref<!tpu.dma_semaphore, #tpu.memory_space<semaphore_mem>>, %arg23: memref<!tpu.dma_semaphore, #tpu.memory_space<semaphore_mem>>, %arg24: memref<!tpu.dma_semaphore, #tpu.memory_space<semaphore_mem>>, %arg25: memref<!tpu.dma_semaphore, #tpu.memory_space<semaphore_mem>>, %arg26: memref<!tpu.dma_semaphore, #tpu.memory_space<semaphore_mem>>, %arg27: memref<!tpu.dma_semaphore, #tpu.memory_space<semaphore_mem>>, %arg28: memref<!tpu.dma_semaphore, #tpu.memory_space<semaphore_mem>>, %arg29: memref<!tpu.dma_semaphore, #tpu.memory_space<semaphore_mem>>, %arg30: memref<!tpu.dma_semaphore, #tpu.memory_space<semaphore_mem>>, %arg31: memref<!tpu.dma_semaphore, #tpu.memory_space<semaphore_mem>>) attributes {dimension_semantics = [#tpu.dimension_semantics<core_parallel>, #tpu.dimension_semantics<subcore_parallel>], iteration_bounds = array<i64: 2, 16>, scalar_prefetch = 0 : i64, scratch_operands = 26 : i64, tpu.core_type = #tpu.core_type<sc_vector_subcore>, window_params = [{transform_indices = #map}, {transform_indices = #map1}, {transform_indices = #map2}, {transform_indices = #map2}]} {
    %mul3A = arith.constant 16 : i32
    %mul3A_0 = arith.muli %arg0, %mul3A : i32
    %add3A = arith.addi %mul3A_0, %arg1 : i32
    %mul3A_1 = arith.constant 3200 : i32
    %mul3A_2 = arith.muli %add3A, %mul3A_1 : i32
    %add3A_3 = arith.constant 102400 : i32
    %add3A_4 = arith.addi %add3A_3, %mul3A_2 : i32
    %broadcast_in_dim3A = arith.constant 0.000000e+00 : f32
    %broadcast_in_dim3A_5 = vector.broadcast %broadcast_in_dim3A : f32 to vector<16xf32>
    %scan3A = arith.constant 0 : i32
    %scan3A_6 = arith.constant 0 : i32
    %scan3A_7 = arith.constant 128 : i32
    %scan3A_8 = arith.addi %scan3A_6, %scan3A_7 : i32
    %scan3A_9 = arith.constant 1 : i32
    scf.for %scan3A_44 = %scan3A_6 to %scan3A_8 step %scan3A_9  : i32 {
      %swap3A = arith.index_cast %scan3A_44 : i32 to index
      %swap3A_45 = arith.constant 0 : index
      %swap3A_46 = tpu.vector_load %arg7[%swap3A, %swap3A_45] {strides = array<i32>} : memref<128x64xf32, #tpu.memory_space<vmem>>, vector<1x16xf32>,
      %swap3A_47 = vector.shape_cast %swap3A_46 : vector<1x16xf32> to vector<16xf32>
      %swap3A_48 = vector.shape_cast %broadcast_in_dim3A_5 : vector<16xf32> to vector<1x16xf32>
      tpu.vector_store %arg7[%swap3A, %swap3A_45], %swap3A_48 {strides = array<i32>} : memref<128x64xf32, #tpu.memory_space<vmem>>, vector<1x16xf32>,
      %swap3A_49 = arith.index_cast %scan3A_44 : i32 to index
      %swap3A_50 = arith.constant 16 : index
      %swap3A_51 = tpu.vector_load %arg7[%swap3A_49, %swap3A_50] {strides = array<i32>} : memref<128x64xf32, #tpu.memory_space<vmem>>, vector<1x16xf32>,
      %swap3A_52 = vector.shape_cast %swap3A_51 : vector<1x16xf32> to vector<16xf32>
      %swap3A_53 = vector.shape_cast %broadcast_in_dim3A_5 : vector<16xf32> to vector<1x16xf32>
      tpu.vector_store %arg7[%swap3A_49, %swap3A_50], %swap3A_53 {strides = array<i32>} : memref<128x64xf32, #tpu.memory_space<vmem>>, vector<1x16xf32>,
      %swap3A_54 = arith.index_cast %scan3A_44 : i32 to index
      %swap3A_55 = arith.constant 32 : index
      %swap3A_56 = tpu.vector_load %arg7[%swap3A_54, %swap3A_55] {strides = array<i32>} : memref<128x64xf32, #tpu.memory_space<vmem>>, vector<1x16xf32>,
      %swap3A_57 = vector.shape_cast %swap3A_56 : vector<1x16xf32> to vector<16xf32>
      %swap3A_58 = vector.shape_cast %broadcast_in_dim3A_5 : vector<16xf32> to vector<1x16xf32>
      tpu.vector_store %arg7[%swap3A_54, %swap3A_55], %swap3A_58 {strides = array<i32>} : memref<128x64xf32, #tpu.memory_space<vmem>>, vector<1x16xf32>,
      %swap3A_59 = arith.index_cast %scan3A_44 : i32 to index
      %swap3A_60 = arith.constant 48 : index
      %swap3A_61 = tpu.vector_load %arg7[%swap3A_59, %swap3A_60] {strides = array<i32>} : memref<128x64xf32, #tpu.memory_space<vmem>>, vector<1x16xf32>,
      %swap3A_62 = vector.shape_cast %swap3A_61 : vector<1x16xf32> to vector<16xf32>
      %swap3A_63 = vector.shape_cast %broadcast_in_dim3A_5 : vector<16xf32> to vector<1x16xf32>
      tpu.vector_store %arg7[%swap3A_59, %swap3A_60], %swap3A_63 {strides = array<i32>} : memref<128x64xf32, #tpu.memory_space<vmem>>, vector<1x16xf32>,
    }
    %scan3A_10 = arith.constant 128 : i32
    %mul3A_11 = arith.constant 256 : i32
    %mul3A_12 = arith.muli %arg1, %mul3A_11 : i32
    %add3A_13 = arith.constant 0 : i32
    %add3A_14 = arith.addi %mul3A_12, %add3A_13 : i32
    "tpu.region"() ({
      %run_scoped3A = tpu.sem_alloc : memref<!tpu.dma_semaphore, #tpu.memory_space<semaphore_mem>>
      %dma_start3A = arith.constant 0 : i32
      %dma_start3A_44 = tpu.memref_slice %arg6[%add3A_14, %dma_start3A] : memref<4096x64xf32, #tpu.memory_space<vmem_shared>> -> memref<128x64xf32, #tpu.memory_space<vmem_shared>>
      %dma_start3A_45 = arith.constant 0 : i32
      %dma_start3A_46 = tpu.memref_slice %arg6[%add3A_14, %dma_start3A_45] : memref<4096x64xf32, #tpu.memory_space<vmem_shared>> -> memref<128x64xf32, #tpu.memory_space<vmem_shared>>
      tpu.enqueue_dma source(%arg7 : memref<128x64xf32, #tpu.memory_space<vmem>>) target(%dma_start3A_46 : memref<128x64xf32, #tpu.memory_space<vmem_shared>>) target_semaphore(%run_scoped3A : memref<!tpu.dma_semaphore, #tpu.memory_space<semaphore_mem>>)
      %dma_wait3A_47 = arith.constant 0 : i32
      %dma_wait3A_48 = tpu.memref_slice %arg6[%add3A_14, %dma_wait3A_47] : memref<4096x64xf32, #tpu.memory_space<vmem_shared>> -> memref<128x64xf32, #tpu.memory_space<vmem_shared>>
      %dma_wait3A_49 = arith.constant 0 : i32
      %dma_wait3A_50 = tpu.memref_slice %arg6[%add3A_14, %dma_wait3A_49] : memref<4096x64xf32, #tpu.memory_space<vmem_shared>> -> memref<128x64xf32, #tpu.memory_space<vmem_shared>>
      tpu.wait_dma2 semaphore(%run_scoped3A : memref<!tpu.dma_semaphore, #tpu.memory_space<semaphore_mem>>) src(%arg7 : memref<128x64xf32, #tpu.memory_space<vmem>>) dst(%dma_wait3A_50 : memref<128x64xf32, #tpu.memory_space<vmem_shared>>)
      tpu.yield
    }) : () -> ()
    %mul3A_15 = arith.constant 256 : i32
    %mul3A_16 = arith.muli %arg1, %mul3A_15 : i32
    %add3A_17 = arith.constant 128 : i32
    %add3A_18 = arith.addi %mul3A_16, %add3A_17 : i32
    "tpu.region"() ({
      %run_scoped3A = tpu.sem_alloc : memref<!tpu.dma_semaphore, #tpu.memory_space<semaphore_mem>>
      %dma_start3A = arith.constant 0 : i32
      %dma_start3A_44 = tpu.memref_slice %arg6[%add3A_18, %dma_start3A] : memref<4096x64xf32, #tpu.memory_space<vmem_shared>> -> memref<128x64xf32, #tpu.memory_space<vmem_shared>>
      %dma_start3A_45 = arith.constant 0 : i32
      %dma_start3A_46 = tpu.memref_slice %arg6[%add3A_18, %dma_start3A_45] : memref<4096x64xf32, #tpu.memory_space<vmem_shared>> -> memref<128x64xf32, #tpu.memory_space<vmem_shared>>
      tpu.enqueue_dma source(%arg7 : memref<128x64xf32, #tpu.memory_space<vmem>>) target(%dma_start3A_46 : memref<128x64xf32, #tpu.memory_space<vmem_shared>>) target_semaphore(%run_scoped3A : memref<!tpu.dma_semaphore, #tpu.memory_space<semaphore_mem>>)
      %dma_wait3A_47 = arith.constant 0 : i32
      %dma_wait3A_48 = tpu.memref_slice %arg6[%add3A_18, %dma_wait3A_47] : memref<4096x64xf32, #tpu.memory_space<vmem_shared>> -> memref<128x64xf32, #tpu.memory_space<vmem_shared>>
      %dma_wait3A_49 = arith.constant 0 : i32
      %dma_wait3A_50 = tpu.memref_slice %arg6[%add3A_18, %dma_wait3A_49] : memref<4096x64xf32, #tpu.memory_space<vmem_shared>> -> memref<128x64xf32, #tpu.memory_space<vmem_shared>>
      tpu.wait_dma2 semaphore(%run_scoped3A : memref<!tpu.dma_semaphore, #tpu.memory_space<semaphore_mem>>) src(%arg7 : memref<128x64xf32, #tpu.memory_space<vmem>>) dst(%dma_wait3A_50 : memref<128x64xf32, #tpu.memory_space<vmem_shared>>)
      tpu.yield
    }) : () -> ()
    %barrier3A = arith.constant 0 : index
    tpu.barrier barrier_id(%barrier3A)
    %scan3A_19 = arith.constant 0 : i32
    %scan3A_20 = arith.constant 0 : i32
    %scan3A_21 = arith.constant 5 : i32
    %scan3A_22 = arith.addi %scan3A_20, %scan3A_21 : i32
    %scan3A_23 = arith.constant 1 : i32
    scf.for %scan3A_44 = %scan3A_20 to %scan3A_22 step %scan3A_23  : i32 {
      %mul3A_45 = arith.constant 640 : i32
      %mul3A_46 = arith.muli %scan3A_44, %mul3A_45 : i32
      %add3A_47 = arith.addi %mul3A_2, %mul3A_46 : i32
      %mul3A_48 = arith.constant 640 : i32
      %mul3A_49 = arith.muli %scan3A_44, %mul3A_48 : i32
      %add3A_50 = arith.addi %add3A_4, %mul3A_49 : i32
      %gt3A = arith.constant 0 : i32
      %gt3A_51 = arith.cmpi sgt, %scan3A_44, %gt3A : i32
      %convert_element_type3A = arith.extui %gt3A_51 : i1 to i32
      %cond3A = arith.constant 0 : i32
      %cond3A_52 = arith.cmpi ne, %convert_element_type3A, %cond3A : i32
      scf.if %cond3A_52 {
        %dma_wait3A_167 = arith.constant 0 : i32
        %dma_wait3A_168 = arith.constant 0 : i32
        %dma_wait3A_169 = tpu.memref_slice %arg6[%dma_wait3A_167, %dma_wait3A_168] : memref<4096x64xf32, #tpu.memory_space<vmem_shared>> -> memref<4096x64xf32, #tpu.memory_space<vmem_shared>>
        tpu.wait_indirect_dma semaphore(%arg27 : memref<!tpu.dma_semaphore, #tpu.memory_space<semaphore_mem>>) src(%arg7 : memref<128x64xf32, #tpu.memory_space<vmem>>) dst(%dma_wait3A_169 : memref<4096x64xf32, #tpu.memory_space<vmem_shared>>)
      } else {
      }
      %add3A_53 = arith.constant 0 : i32
      %add3A_54 = arith.addi %add3A_50, %add3A_53 : i32
      %dma_start3A = tpu.memref_slice %arg3[%add3A_54] : memref<409600xi32, #tpu.memory_space<hbm>> -> memref<128xi32, #tpu.memory_space<hbm>>
      %dma_start3A_55 = tpu.memref_slice %arg3[%add3A_54] : memref<409600xi32, #tpu.memory_space<hbm>> -> memref<128xi32, #tpu.memory_space<hbm>>
      tpu.enqueue_dma source(%dma_start3A_55 : memref<128xi32, #tpu.memory_space<hbm>>) target(%arg12 : memref<128xi32, #tpu.memory_space<vmem>>) target_semaphore(%arg22 : memref<!tpu.dma_semaphore, #tpu.memory_space<semaphore_mem>>)
      %add3A_56 = arith.constant 0 : i32
      %add3A_57 = arith.addi %add3A_47, %add3A_56 : i32
      %dma_start3A_58 = arith.constant 0 : i32
      %dma_start3A_59 = tpu.memref_slice %arg2[%add3A_57, %dma_start3A_58] : memref<102400x64xf32, #tpu.memory_space<hbm>> -> memref<128x64xf32, #tpu.memory_space<hbm>>
      %dma_start3A_60 = arith.constant 0 : i32
      %dma_start3A_61 = tpu.memref_slice %arg2[%add3A_57, %dma_start3A_60] : memref<102400x64xf32, #tpu.memory_space<hbm>> -> memref<128x64xf32, #tpu.memory_space<hbm>>
      tpu.enqueue_dma source(%dma_start3A_61 : memref<128x64xf32, #tpu.memory_space<hbm>>) target(%arg7 : memref<128x64xf32, #tpu.memory_space<vmem>>) target_semaphore(%arg17 : memref<!tpu.dma_semaphore, #tpu.memory_space<semaphore_mem>>)
      %gt3A_62 = arith.constant 0 : i32
      %gt3A_63 = arith.cmpi sgt, %scan3A_44, %gt3A_62 : i32
      %convert_element_type3A_64 = arith.extui %gt3A_63 : i1 to i32
      %cond3A_65 = arith.constant 0 : i32
      %cond3A_66 = arith.cmpi ne, %convert_element_type3A_64, %cond3A_65 : i32
      scf.if %cond3A_66 {
        %dma_wait3A_167 = arith.constant 0 : i32
        %dma_wait3A_168 = arith.constant 0 : i32
        %dma_wait3A_169 = tpu.memref_slice %arg6[%dma_wait3A_167, %dma_wait3A_168] : memref<4096x64xf32, #tpu.memory_space<vmem_shared>> -> memref<4096x64xf32, #tpu.memory_space<vmem_shared>>
        tpu.wait_indirect_dma semaphore(%arg28 : memref<!tpu.dma_semaphore, #tpu.memory_space<semaphore_mem>>) src(%arg8 : memref<128x64xf32, #tpu.memory_space<vmem>>) dst(%dma_wait3A_169 : memref<4096x64xf32, #tpu.memory_space<vmem_shared>>)
      } else {
      }
      %add3A_67 = arith.constant 128 : i32
      %add3A_68 = arith.addi %add3A_50, %add3A_67 : i32
      %dma_start3A_69 = tpu.memref_slice %arg3[%add3A_68] : memref<409600xi32, #tpu.memory_space<hbm>> -> memref<128xi32, #tpu.memory_space<hbm>>
      %dma_start3A_70 = tpu.memref_slice %arg3[%add3A_68] : memref<409600xi32, #tpu.memory_space<hbm>> -> memref<128xi32, #tpu.memory_space<hbm>>
      tpu.enqueue_dma source(%dma_start3A_70 : memref<128xi32, #tpu.memory_space<hbm>>) target(%arg13 : memref<128xi32, #tpu.memory_space<vmem>>) target_semaphore(%arg23 : memref<!tpu.dma_semaphore, #tpu.memory_space<semaphore_mem>>)
      %add3A_71 = arith.constant 128 : i32
      %add3A_72 = arith.addi %add3A_47, %add3A_71 : i32
      %dma_start3A_73 = arith.constant 0 : i32
      %dma_start3A_74 = tpu.memref_slice %arg2[%add3A_72, %dma_start3A_73] : memref<102400x64xf32, #tpu.memory_space<hbm>> -> memref<128x64xf32, #tpu.memory_space<hbm>>
      %dma_start3A_75 = arith.constant 0 : i32
      %dma_start3A_76 = tpu.memref_slice %arg2[%add3A_72, %dma_start3A_75] : memref<102400x64xf32, #tpu.memory_space<hbm>> -> memref<128x64xf32, #tpu.memory_space<hbm>>
      tpu.enqueue_dma source(%dma_start3A_76 : memref<128x64xf32, #tpu.memory_space<hbm>>) target(%arg8 : memref<128x64xf32, #tpu.memory_space<vmem>>) target_semaphore(%arg18 : memref<!tpu.dma_semaphore, #tpu.memory_space<semaphore_mem>>)
      %gt3A_77 = arith.constant 0 : i32
      %gt3A_78 = arith.cmpi sgt, %scan3A_44, %gt3A_77 : i32
      %convert_element_type3A_79 = arith.extui %gt3A_78 : i1 to i32
      %cond3A_80 = arith.constant 0 : i32
      %cond3A_81 = arith.cmpi ne, %convert_element_type3A_79, %cond3A_80 : i32
      scf.if %cond3A_81 {
        %dma_wait3A_167 = arith.constant 0 : i32
        %dma_wait3A_168 = arith.constant 0 : i32
        %dma_wait3A_169 = tpu.memref_slice %arg6[%dma_wait3A_167, %dma_wait3A_168] : memref<4096x64xf32, #tpu.memory_space<vmem_shared>> -> memref<4096x64xf32, #tpu.memory_space<vmem_shared>>
        tpu.wait_indirect_dma semaphore(%arg29 : memref<!tpu.dma_semaphore, #tpu.memory_space<semaphore_mem>>) src(%arg9 : memref<128x64xf32, #tpu.memory_space<vmem>>) dst(%dma_wait3A_169 : memref<4096x64xf32, #tpu.memory_space<vmem_shared>>)
      } else {
      }
      %add3A_82 = arith.constant 256 : i32
      %add3A_83 = arith.addi %add3A_50, %add3A_82 : i32
      %dma_start3A_84 = tpu.memref_slice %arg3[%add3A_83] : memref<409600xi32, #tpu.memory_space<hbm>> -> memref<128xi32, #tpu.memory_space<hbm>>
      %dma_start3A_85 = tpu.memref_slice %arg3[%add3A_83] : memref<409600xi32, #tpu.memory_space<hbm>> -> memref<128xi32, #tpu.memory_space<hbm>>
      tpu.enqueue_dma source(%dma_start3A_85 : memref<128xi32, #tpu.memory_space<hbm>>) target(%arg14 : memref<128xi32, #tpu.memory_space<vmem>>) target_semaphore(%arg24 : memref<!tpu.dma_semaphore, #tpu.memory_space<semaphore_mem>>)
      %add3A_86 = arith.constant 256 : i32
      %add3A_87 = arith.addi %add3A_47, %add3A_86 : i32
      %dma_start3A_88 = arith.constant 0 : i32
      %dma_start3A_89 = tpu.memref_slice %arg2[%add3A_87, %dma_start3A_88] : memref<102400x64xf32, #tpu.memory_space<hbm>> -> memref<128x64xf32, #tpu.memory_space<hbm>>
      %dma_start3A_90 = arith.constant 0 : i32
      %dma_start3A_91 = tpu.memref_slice %arg2[%add3A_87, %dma_start3A_90] : memref<102400x64xf32, #tpu.memory_space<hbm>> -> memref<128x64xf32, #tpu.memory_space<hbm>>
      tpu.enqueue_dma source(%dma_start3A_91 : memref<128x64xf32, #tpu.memory_space<hbm>>) target(%arg9 : memref<128x64xf32, #tpu.memory_space<vmem>>) target_semaphore(%arg19 : memref<!tpu.dma_semaphore, #tpu.memory_space<semaphore_mem>>)
      %gt3A_92 = arith.constant 0 : i32
      %gt3A_93 = arith.cmpi sgt, %scan3A_44, %gt3A_92 : i32
      %convert_element_type3A_94 = arith.extui %gt3A_93 : i1 to i32
      %cond3A_95 = arith.constant 0 : i32
      %cond3A_96 = arith.cmpi ne, %convert_element_type3A_94, %cond3A_95 : i32
      scf.if %cond3A_96 {
        %dma_wait3A_167 = arith.constant 0 : i32
        %dma_wait3A_168 = arith.constant 0 : i32
        %dma_wait3A_169 = tpu.memref_slice %arg6[%dma_wait3A_167, %dma_wait3A_168] : memref<4096x64xf32, #tpu.memory_space<vmem_shared>> -> memref<4096x64xf32, #tpu.memory_space<vmem_shared>>
        tpu.wait_indirect_dma semaphore(%arg30 : memref<!tpu.dma_semaphore, #tpu.memory_space<semaphore_mem>>) src(%arg10 : memref<128x64xf32, #tpu.memory_space<vmem>>) dst(%dma_wait3A_169 : memref<4096x64xf32, #tpu.memory_space<vmem_shared>>)
      } else {
      }
      %add3A_97 = arith.constant 384 : i32
      %add3A_98 = arith.addi %add3A_50, %add3A_97 : i32
      %dma_start3A_99 = tpu.memref_slice %arg3[%add3A_98] : memref<409600xi32, #tpu.memory_space<hbm>> -> memref<128xi32, #tpu.memory_space<hbm>>
      %dma_start3A_100 = tpu.memref_slice %arg3[%add3A_98] : memref<409600xi32, #tpu.memory_space<hbm>> -> memref<128xi32, #tpu.memory_space<hbm>>
      tpu.enqueue_dma source(%dma_start3A_100 : memref<128xi32, #tpu.memory_space<hbm>>) target(%arg15 : memref<128xi32, #tpu.memory_space<vmem>>) target_semaphore(%arg25 : memref<!tpu.dma_semaphore, #tpu.memory_space<semaphore_mem>>)
      %add3A_101 = arith.constant 384 : i32
      %add3A_102 = arith.addi %add3A_47, %add3A_101 : i32
      %dma_start3A_103 = arith.constant 0 : i32
      %dma_start3A_104 = tpu.memref_slice %arg2[%add3A_102, %dma_start3A_103] : memref<102400x64xf32, #tpu.memory_space<hbm>> -> memref<128x64xf32, #tpu.memory_space<hbm>>
      %dma_start3A_105 = arith.constant 0 : i32
      %dma_start3A_106 = tpu.memref_slice %arg2[%add3A_102, %dma_start3A_105] : memref<102400x64xf32, #tpu.memory_space<hbm>> -> memref<128x64xf32, #tpu.memory_space<hbm>>
      tpu.enqueue_dma source(%dma_start3A_106 : memref<128x64xf32, #tpu.memory_space<hbm>>) target(%arg10 : memref<128x64xf32, #tpu.memory_space<vmem>>) target_semaphore(%arg20 : memref<!tpu.dma_semaphore, #tpu.memory_space<semaphore_mem>>)
      %gt3A_107 = arith.constant 0 : i32
      %gt3A_108 = arith.cmpi sgt, %scan3A_44, %gt3A_107 : i32
      %convert_element_type3A_109 = arith.extui %gt3A_108 : i1 to i32
      %cond3A_110 = arith.constant 0 : i32
      %cond3A_111 = arith.cmpi ne, %convert_element_type3A_109, %cond3A_110 : i32
      scf.if %cond3A_111 {
        %dma_wait3A_167 = arith.constant 0 : i32
        %dma_wait3A_168 = arith.constant 0 : i32
        %dma_wait3A_169 = tpu.memref_slice %arg6[%dma_wait3A_167, %dma_wait3A_168] : memref<4096x64xf32, #tpu.memory_space<vmem_shared>> -> memref<4096x64xf32, #tpu.memory_space<vmem_shared>>
        tpu.wait_indirect_dma semaphore(%arg31 : memref<!tpu.dma_semaphore, #tpu.memory_space<semaphore_mem>>) src(%arg11 : memref<128x64xf32, #tpu.memory_space<vmem>>) dst(%dma_wait3A_169 : memref<4096x64xf32, #tpu.memory_space<vmem_shared>>)
      } else {
      }
      %add3A_112 = arith.constant 512 : i32
      %add3A_113 = arith.addi %add3A_50, %add3A_112 : i32
      %dma_start3A_114 = tpu.memref_slice %arg3[%add3A_113] : memref<409600xi32, #tpu.memory_space<hbm>> -> memref<128xi32, #tpu.memory_space<hbm>>
      %dma_start3A_115 = tpu.memref_slice %arg3[%add3A_113] : memref<409600xi32, #tpu.memory_space<hbm>> -> memref<128xi32, #tpu.memory_space<hbm>>
      tpu.enqueue_dma source(%dma_start3A_115 : memref<128xi32, #tpu.memory_space<hbm>>) target(%arg16 : memref<128xi32, #tpu.memory_space<vmem>>) target_semaphore(%arg26 : memref<!tpu.dma_semaphore, #tpu.memory_space<semaphore_mem>>)
      %add3A_116 = arith.constant 512 : i32
      %add3A_117 = arith.addi %add3A_47, %add3A_116 : i32
      %dma_start3A_118 = arith.constant 0 : i32
      %dma_start3A_119 = tpu.memref_slice %arg2[%add3A_117, %dma_start3A_118] : memref<102400x64xf32, #tpu.memory_space<hbm>> -> memref<128x64xf32, #tpu.memory_space<hbm>>
      %dma_start3A_120 = arith.constant 0 : i32
      %dma_start3A_121 = tpu.memref_slice %arg2[%add3A_117, %dma_start3A_120] : memref<102400x64xf32, #tpu.memory_space<hbm>> -> memref<128x64xf32, #tpu.memory_space<hbm>>
      tpu.enqueue_dma source(%dma_start3A_121 : memref<128x64xf32, #tpu.memory_space<hbm>>) target(%arg11 : memref<128x64xf32, #tpu.memory_space<vmem>>) target_semaphore(%arg21 : memref<!tpu.dma_semaphore, #tpu.memory_space<semaphore_mem>>)
      %dma_wait3A_122 = tpu.memref_slice %arg3[%add3A_54] : memref<409600xi32, #tpu.memory_space<hbm>> -> memref<128xi32, #tpu.memory_space<hbm>>
      %dma_wait3A_123 = tpu.memref_slice %arg3[%add3A_54] : memref<409600xi32, #tpu.memory_space<hbm>> -> memref<128xi32, #tpu.memory_space<hbm>>
      tpu.wait_dma2 semaphore(%arg22 : memref<!tpu.dma_semaphore, #tpu.memory_space<semaphore_mem>>) src(%dma_wait3A_123 : memref<128xi32, #tpu.memory_space<hbm>>) dst(%arg12 : memref<128xi32, #tpu.memory_space<vmem>>)
      %dma_wait3A_124 = arith.constant 0 : i32
      %dma_wait3A_125 = tpu.memref_slice %arg2[%add3A_57, %dma_wait3A_124] : memref<102400x64xf32, #tpu.memory_space<hbm>> -> memref<128x64xf32, #tpu.memory_space<hbm>>
      %dma_wait3A_126 = arith.constant 0 : i32
      %dma_wait3A_127 = tpu.memref_slice %arg2[%add3A_57, %dma_wait3A_126] : memref<102400x64xf32, #tpu.memory_space<hbm>> -> memref<128x64xf32, #tpu.memory_space<hbm>>
      tpu.wait_dma2 semaphore(%arg17 : memref<!tpu.dma_semaphore, #tpu.memory_space<semaphore_mem>>) src(%dma_wait3A_127 : memref<128x64xf32, #tpu.memory_space<hbm>>) dst(%arg7 : memref<128x64xf32, #tpu.memory_space<vmem>>)
      %dma_start3A_128 = arith.constant 0 : i32
      %dma_start3A_129 = arith.constant 0 : i32
      %dma_start3A_130 = tpu.memref_slice %arg6[%dma_start3A_128, %dma_start3A_129] : memref<4096x64xf32, #tpu.memory_space<vmem_shared>> -> memref<4096x64xf32, #tpu.memory_space<vmem_shared>>
      tpu.enqueue_indirect_dma source(%arg7 : memref<128x64xf32, #tpu.memory_space<vmem>>) target(%dma_start3A_130 : memref<4096x64xf32, #tpu.memory_space<vmem_shared>>) offsets(%arg12 : memref<128xi32, #tpu.memory_space<vmem>>) semaphore(%arg27 : memref<!tpu.dma_semaphore, #tpu.memory_space<semaphore_mem>>) {add = true}
      %dma_wait3A_131 = tpu.memref_slice %arg3[%add3A_68] : memref<409600xi32, #tpu.memory_space<hbm>> -> memref<128xi32, #tpu.memory_space<hbm>>
      %dma_wait3A_132 = tpu.memref_slice %arg3[%add3A_68] : memref<409600xi32, #tpu.memory_space<hbm>> -> memref<128xi32, #tpu.memory_space<hbm>>
      tpu.wait_dma2 semaphore(%arg23 : memref<!tpu.dma_semaphore, #tpu.memory_space<semaphore_mem>>) src(%dma_wait3A_132 : memref<128xi32, #tpu.memory_space<hbm>>) dst(%arg13 : memref<128xi32, #tpu.memory_space<vmem>>)
      %dma_wait3A_133 = arith.constant 0 : i32
      %dma_wait3A_134 = tpu.memref_slice %arg2[%add3A_72, %dma_wait3A_133] : memref<102400x64xf32, #tpu.memory_space<hbm>> -> memref<128x64xf32, #tpu.memory_space<hbm>>
      %dma_wait3A_135 = arith.constant 0 : i32
      %dma_wait3A_136 = tpu.memref_slice %arg2[%add3A_72, %dma_wait3A_135] : memref<102400x64xf32, #tpu.memory_space<hbm>> -> memref<128x64xf32, #tpu.memory_space<hbm>>
      tpu.wait_dma2 semaphore(%arg18 : memref<!tpu.dma_semaphore, #tpu.memory_space<semaphore_mem>>) src(%dma_wait3A_136 : memref<128x64xf32, #tpu.memory_space<hbm>>) dst(%arg8 : memref<128x64xf32, #tpu.memory_space<vmem>>)
      %dma_start3A_137 = arith.constant 0 : i32
      %dma_start3A_138 = arith.constant 0 : i32
      %dma_start3A_139 = tpu.memref_slice %arg6[%dma_start3A_137, %dma_start3A_138] : memref<4096x64xf32, #tpu.memory_space<vmem_shared>> -> memref<4096x64xf32, #tpu.memory_space<vmem_shared>>
      tpu.enqueue_indirect_dma source(%arg8 : memref<128x64xf32, #tpu.memory_space<vmem>>) target(%dma_start3A_139 : memref<4096x64xf32, #tpu.memory_space<vmem_shared>>) offsets(%arg13 : memref<128xi32, #tpu.memory_space<vmem>>) semaphore(%arg28 : memref<!tpu.dma_semaphore, #tpu.memory_space<semaphore_mem>>) {add = true}
      %dma_wait3A_140 = tpu.memref_slice %arg3[%add3A_83] : memref<409600xi32, #tpu.memory_space<hbm>> -> memref<128xi32, #tpu.memory_space<hbm>>
      %dma_wait3A_141 = tpu.memref_slice %arg3[%add3A_83] : memref<409600xi32, #tpu.memory_space<hbm>> -> memref<128xi32, #tpu.memory_space<hbm>>
      tpu.wait_dma2 semaphore(%arg24 : memref<!tpu.dma_semaphore, #tpu.memory_space<semaphore_mem>>) src(%dma_wait3A_141 : memref<128xi32, #tpu.memory_space<hbm>>) dst(%arg14 : memref<128xi32, #tpu.memory_space<vmem>>)
      %dma_wait3A_142 = arith.constant 0 : i32
      %dma_wait3A_143 = tpu.memref_slice %arg2[%add3A_87, %dma_wait3A_142] : memref<102400x64xf32, #tpu.memory_space<hbm>> -> memref<128x64xf32, #tpu.memory_space<hbm>>
      %dma_wait3A_144 = arith.constant 0 : i32
      %dma_wait3A_145 = tpu.memref_slice %arg2[%add3A_87, %dma_wait3A_144] : memref<102400x64xf32, #tpu.memory_space<hbm>> -> memref<128x64xf32, #tpu.memory_space<hbm>>
      tpu.wait_dma2 semaphore(%arg19 : memref<!tpu.dma_semaphore, #tpu.memory_space<semaphore_mem>>) src(%dma_wait3A_145 : memref<128x64xf32, #tpu.memory_space<hbm>>) dst(%arg9 : memref<128x64xf32, #tpu.memory_space<vmem>>)
      %dma_start3A_146 = arith.constant 0 : i32
      %dma_start3A_147 = arith.constant 0 : i32
      %dma_start3A_148 = tpu.memref_slice %arg6[%dma_start3A_146, %dma_start3A_147] : memref<4096x64xf32, #tpu.memory_space<vmem_shared>> -> memref<4096x64xf32, #tpu.memory_space<vmem_shared>>
      tpu.enqueue_indirect_dma source(%arg9 : memref<128x64xf32, #tpu.memory_space<vmem>>) target(%dma_start3A_148 : memref<4096x64xf32, #tpu.memory_space<vmem_shared>>) offsets(%arg14 : memref<128xi32, #tpu.memory_space<vmem>>) semaphore(%arg29 : memref<!tpu.dma_semaphore, #tpu.memory_space<semaphore_mem>>) {add = true}
      %dma_wait3A_149 = tpu.memref_slice %arg3[%add3A_98] : memref<409600xi32, #tpu.memory_space<hbm>> -> memref<128xi32, #tpu.memory_space<hbm>>
      %dma_wait3A_150 = tpu.memref_slice %arg3[%add3A_98] : memref<409600xi32, #tpu.memory_space<hbm>> -> memref<128xi32, #tpu.memory_space<hbm>>
      tpu.wait_dma2 semaphore(%arg25 : memref<!tpu.dma_semaphore, #tpu.memory_space<semaphore_mem>>) src(%dma_wait3A_150 : memref<128xi32, #tpu.memory_space<hbm>>) dst(%arg15 : memref<128xi32, #tpu.memory_space<vmem>>)
      %dma_wait3A_151 = arith.constant 0 : i32
      %dma_wait3A_152 = tpu.memref_slice %arg2[%add3A_102, %dma_wait3A_151] : memref<102400x64xf32, #tpu.memory_space<hbm>> -> memref<128x64xf32, #tpu.memory_space<hbm>>
      %dma_wait3A_153 = arith.constant 0 : i32
      %dma_wait3A_154 = tpu.memref_slice %arg2[%add3A_102, %dma_wait3A_153] : memref<102400x64xf32, #tpu.memory_space<hbm>> -> memref<128x64xf32, #tpu.memory_space<hbm>>
      tpu.wait_dma2 semaphore(%arg20 : memref<!tpu.dma_semaphore, #tpu.memory_space<semaphore_mem>>) src(%dma_wait3A_154 : memref<128x64xf32, #tpu.memory_space<hbm>>) dst(%arg10 : memref<128x64xf32, #tpu.memory_space<vmem>>)
      %dma_start3A_155 = arith.constant 0 : i32
      %dma_start3A_156 = arith.constant 0 : i32
      %dma_start3A_157 = tpu.memref_slice %arg6[%dma_start3A_155, %dma_start3A_156] : memref<4096x64xf32, #tpu.memory_space<vmem_shared>> -> memref<4096x64xf32, #tpu.memory_space<vmem_shared>>
      tpu.enqueue_indirect_dma source(%arg10 : memref<128x64xf32, #tpu.memory_space<vmem>>) target(%dma_start3A_157 : memref<4096x64xf32, #tpu.memory_space<vmem_shared>>) offsets(%arg15 : memref<128xi32, #tpu.memory_space<vmem>>) semaphore(%arg30 : memref<!tpu.dma_semaphore, #tpu.memory_space<semaphore_mem>>) {add = true}
      %dma_wait3A_158 = tpu.memref_slice %arg3[%add3A_113] : memref<409600xi32, #tpu.memory_space<hbm>> -> memref<128xi32, #tpu.memory_space<hbm>>
      %dma_wait3A_159 = tpu.memref_slice %arg3[%add3A_113] : memref<409600xi32, #tpu.memory_space<hbm>> -> memref<128xi32, #tpu.memory_space<hbm>>
      tpu.wait_dma2 semaphore(%arg26 : memref<!tpu.dma_semaphore, #tpu.memory_space<semaphore_mem>>) src(%dma_wait3A_159 : memref<128xi32, #tpu.memory_space<hbm>>) dst(%arg16 : memref<128xi32, #tpu.memory_space<vmem>>)
      %dma_wait3A_160 = arith.constant 0 : i32
      %dma_wait3A_161 = tpu.memref_slice %arg2[%add3A_117, %dma_wait3A_160] : memref<102400x64xf32, #tpu.memory_space<hbm>> -> memref<128x64xf32, #tpu.memory_space<hbm>>
      %dma_wait3A_162 = arith.constant 0 : i32
      %dma_wait3A_163 = tpu.memref_slice %arg2[%add3A_117, %dma_wait3A_162] : memref<102400x64xf32, #tpu.memory_space<hbm>> -> memref<128x64xf32, #tpu.memory_space<hbm>>
      tpu.wait_dma2 semaphore(%arg21 : memref<!tpu.dma_semaphore, #tpu.memory_space<semaphore_mem>>) src(%dma_wait3A_163 : memref<128x64xf32, #tpu.memory_space<hbm>>) dst(%arg11 : memref<128x64xf32, #tpu.memory_space<vmem>>)
      %dma_start3A_164 = arith.constant 0 : i32
      %dma_start3A_165 = arith.constant 0 : i32
      %dma_start3A_166 = tpu.memref_slice %arg6[%dma_start3A_164, %dma_start3A_165] : memref<4096x64xf32, #tpu.memory_space<vmem_shared>> -> memref<4096x64xf32, #tpu.memory_space<vmem_shared>>
      tpu.enqueue_indirect_dma source(%arg11 : memref<128x64xf32, #tpu.memory_space<vmem>>) target(%dma_start3A_166 : memref<4096x64xf32, #tpu.memory_space<vmem_shared>>) offsets(%arg16 : memref<128xi32, #tpu.memory_space<vmem>>) semaphore(%arg31 : memref<!tpu.dma_semaphore, #tpu.memory_space<semaphore_mem>>) {add = true}
    }
    %scan3A_24 = arith.constant 5 : i32
    %dma_wait3A = arith.constant 0 : i32
    %dma_wait3A_25 = arith.constant 0 : i32
    %dma_wait3A_26 = tpu.memref_slice %arg6[%dma_wait3A, %dma_wait3A_25] : memref<4096x64xf32, #tpu.memory_space<vmem_shared>> -> memref<4096x64xf32, #tpu.memory_space<vmem_shared>>
    tpu.wait_indirect_dma semaphore(%arg27 : memref<!tpu.dma_semaphore, #tpu.memory_space<semaphore_mem>>) src(%arg7 : memref<128x64xf32, #tpu.memory_space<vmem>>) dst(%dma_wait3A_26 : memref<4096x64xf32, #tpu.memory_space<vmem_shared>>)
    %dma_wait3A_27 = arith.constant 0 : i32
    %dma_wait3A_28 = arith.constant 0 : i32
    %dma_wait3A_29 = tpu.memref_slice %arg6[%dma_wait3A_27, %dma_wait3A_28] : memref<4096x64xf32, #tpu.memory_space<vmem_shared>> -> memref<4096x64xf32, #tpu.memory_space<vmem_shared>>
    tpu.wait_indirect_dma semaphore(%arg28 : memref<!tpu.dma_semaphore, #tpu.memory_space<semaphore_mem>>) src(%arg8 : memref<128x64xf32, #tpu.memory_space<vmem>>) dst(%dma_wait3A_29 : memref<4096x64xf32, #tpu.memory_space<vmem_shared>>)
    %dma_wait3A_30 = arith.constant 0 : i32
    %dma_wait3A_31 = arith.constant 0 : i32
    %dma_wait3A_32 = tpu.memref_slice %arg6[%dma_wait3A_30, %dma_wait3A_31] : memref<4096x64xf32, #tpu.memory_space<vmem_shared>> -> memref<4096x64xf32, #tpu.memory_space<vmem_shared>>
    tpu.wait_indirect_dma semaphore(%arg29 : memref<!tpu.dma_semaphore, #tpu.memory_space<semaphore_mem>>) src(%arg9 : memref<128x64xf32, #tpu.memory_space<vmem>>) dst(%dma_wait3A_32 : memref<4096x64xf32, #tpu.memory_space<vmem_shared>>)
    %dma_wait3A_33 = arith.constant 0 : i32
    %dma_wait3A_34 = arith.constant 0 : i32
    %dma_wait3A_35 = tpu.memref_slice %arg6[%dma_wait3A_33, %dma_wait3A_34] : memref<4096x64xf32, #tpu.memory_space<vmem_shared>> -> memref<4096x64xf32, #tpu.memory_space<vmem_shared>>
    tpu.wait_indirect_dma semaphore(%arg30 : memref<!tpu.dma_semaphore, #tpu.memory_space<semaphore_mem>>) src(%arg10 : memref<128x64xf32, #tpu.memory_space<vmem>>) dst(%dma_wait3A_35 : memref<4096x64xf32, #tpu.memory_space<vmem_shared>>)
    %dma_wait3A_36 = arith.constant 0 : i32
    %dma_wait3A_37 = arith.constant 0 : i32
    %dma_wait3A_38 = tpu.memref_slice %arg6[%dma_wait3A_36, %dma_wait3A_37] : memref<4096x64xf32, #tpu.memory_space<vmem_shared>> -> memref<4096x64xf32, #tpu.memory_space<vmem_shared>>
    tpu.wait_indirect_dma semaphore(%arg31 : memref<!tpu.dma_semaphore, #tpu.memory_space<semaphore_mem>>) src(%arg11 : memref<128x64xf32, #tpu.memory_space<vmem>>) dst(%dma_wait3A_38 : memref<4096x64xf32, #tpu.memory_space<vmem_shared>>)
    %barrier3A_39 = arith.constant 0 : index
    tpu.barrier barrier_id(%barrier3A_39)
    %mul3A_40 = arith.constant 256 : i32
    %mul3A_41 = arith.muli %arg1, %mul3A_40 : i32
    %mul3A_42 = arith.constant 256 : i32
    %mul3A_43 = arith.muli %arg1, %mul3A_42 : i32
    "tpu.region"() ({
      %run_scoped3A = tpu.sem_alloc : memref<!tpu.dma_semaphore, #tpu.memory_space<semaphore_mem>>
      %dma_start3A = arith.constant 0 : i32
      %dma_start3A_44 = tpu.memref_slice %arg5[%arg0, %mul3A_43, %dma_start3A] : memref<2x4096x64xf32, #tpu.memory_space<hbm>> -> memref<1x256x64xf32, #tpu.memory_space<hbm>>
      %dma_start3A_45 = tpu.memref_squeeze %dma_start3A_44 : memref<1x256x64xf32, #tpu.memory_space<hbm>> -> memref<256x64xf32, #tpu.memory_space<hbm>>
      %dma_start3A_46 = arith.constant 0 : i32
      %dma_start3A_47 = tpu.memref_slice %arg6[%mul3A_41, %dma_start3A_46] : memref<4096x64xf32, #tpu.memory_space<vmem_shared>> -> memref<256x64xf32, #tpu.memory_space<vmem_shared>>
      tpu.enqueue_dma source(%dma_start3A_47 : memref<256x64xf32, #tpu.memory_space<vmem_shared>>) target(%dma_start3A_45 : memref<256x64xf32, #tpu.memory_space<hbm>>) target_semaphore(%run_scoped3A : memref<!tpu.dma_semaphore, #tpu.memory_space<semaphore_mem>>)
      %dma_wait3A_48 = arith.constant 0 : i32
      %dma_wait3A_49 = tpu.memref_slice %arg5[%arg0, %mul3A_43, %dma_wait3A_48] : memref<2x4096x64xf32, #tpu.memory_space<hbm>> -> memref<1x256x64xf32, #tpu.memory_space<hbm>>
      %dma_wait3A_50 = tpu.memref_squeeze %dma_wait3A_49 : memref<1x256x64xf32, #tpu.memory_space<hbm>> -> memref<256x64xf32, #tpu.memory_space<hbm>>
      %dma_wait3A_51 = arith.constant 0 : i32
      %dma_wait3A_52 = tpu.memref_slice %arg6[%mul3A_41, %dma_wait3A_51] : memref<4096x64xf32, #tpu.memory_space<vmem_shared>> -> memref<256x64xf32, #tpu.memory_space<vmem_shared>>
      tpu.wait_dma2 semaphore(%run_scoped3A : memref<!tpu.dma_semaphore, #tpu.memory_space<semaphore_mem>>) src(%dma_wait3A_52 : memref<256x64xf32, #tpu.memory_space<vmem_shared>>) dst(%dma_wait3A_50 : memref<256x64xf32, #tpu.memory_space<hbm>>)
      tpu.yield
    }) : () -> ()
    return
  }
}

#map = affine_map<(d0, d1) -> (0, 0)>
#map1 = affine_map<(d0, d1) -> (0)>
#map2 = affine_map<(d0, d1) -> (0, 0, 0)>
module attributes {stable_mosaic.version = 14 : i64} {
  func.func @run(%arg0: i32, %arg1: i32, %arg2: memref<102400x64xf32, #tpu.memory_space<hbm>>, %arg3: memref<409600xi32, #tpu.memory_space<hbm>>, %arg4: memref<2x4096x16xf32, #tpu.memory_space<hbm>>, %arg5: memref<2x4096x64xf32, #tpu.memory_space<hbm>>, %arg6: memref<4096x64xf32, #tpu.memory_space<vmem_shared>>, %arg7: memref<128x64xf32, #tpu.memory_space<vmem>>, %arg8: memref<128x64xf32, #tpu.memory_space<vmem>>, %arg9: memref<128x64xf32, #tpu.memory_space<vmem>>, %arg10: memref<128x64xf32, #tpu.memory_space<vmem>>, %arg11: memref<128x64xf32, #tpu.memory_space<vmem>>, %arg12: memref<128xi32, #tpu.memory_space<vmem>>, %arg13: memref<128xi32, #tpu.memory_space<vmem>>, %arg14: memref<128xi32, #tpu.memory_space<vmem>>, %arg15: memref<128xi32, #tpu.memory_space<vmem>>, %arg16: memref<128xi32, #tpu.memory_space<vmem>>, %arg17: memref<!tpu.dma_semaphore, #tpu.memory_space<semaphore_mem>>, %arg18: memref<!tpu.dma_semaphore, #tpu.memory_space<semaphore_mem>>, %arg19: memref<!tpu.dma_semaphore, #tpu.memory_space<semaphore_mem>>, %arg20: memref<!tpu.dma_semaphore, #tpu.memory_space<semaphore_mem>>, %arg21: memref<!tpu.dma_semaphore, #tpu.memory_space<semaphore_mem>>, %arg22: memref<!tpu.dma_semaphore, #tpu.memory_space<semaphore_mem>>, %arg23: memref<!tpu.dma_semaphore, #tpu.memory_space<semaphore_mem>>, %arg24: memref<!tpu.dma_semaphore, #tpu.memory_space<semaphore_mem>>, %arg25: memref<!tpu.dma_semaphore, #tpu.memory_space<semaphore_mem>>, %arg26: memref<!tpu.dma_semaphore, #tpu.memory_space<semaphore_mem>>, %arg27: memref<!tpu.dma_semaphore, #tpu.memory_space<semaphore_mem>>, %arg28: memref<!tpu.dma_semaphore, #tpu.memory_space<semaphore_mem>>, %arg29: memref<!tpu.dma_semaphore, #tpu.memory_space<semaphore_mem>>, %arg30: memref<!tpu.dma_semaphore, #tpu.memory_space<semaphore_mem>>, %arg31: memref<!tpu.dma_semaphore, #tpu.memory_space<semaphore_mem>>) attributes {dimension_semantics = [#tpu.dimension_semantics<core_parallel>, #tpu.dimension_semantics<subcore_parallel>], iteration_bounds = array<i64: 2, 16>, scalar_prefetch = 0 : i64, scratch_operands = 26 : i64, tpu.core_type = #tpu.core_type<sc_vector_subcore>, window_params = [{transform_indices = #map}, {transform_indices = #map1}, {transform_indices = #map2}, {transform_indices = #map2}]} {
    %mul3A = arith.constant 16 : i32
    %mul3A_0 = arith.muli %arg0, %mul3A : i32
    %add3A = arith.addi %mul3A_0, %arg1 : i32
    %mul3A_1 = arith.constant 3200 : i32
    %mul3A_2 = arith.muli %add3A, %mul3A_1 : i32
    %add3A_3 = arith.constant 0 : i32
    %add3A_4 = arith.addi %add3A_3, %mul3A_2 : i32
    %broadcast_in_dim3A = arith.constant 0.000000e+00 : f32
    %broadcast_in_dim3A_5 = vector.broadcast %broadcast_in_dim3A : f32 to vector<16xf32>
    %scan3A = arith.constant 0 : i32
    %scan3A_6 = arith.constant 0 : i32
    %scan3A_7 = arith.constant 128 : i32
    %scan3A_8 = arith.addi %scan3A_6, %scan3A_7 : i32
    %scan3A_9 = arith.constant 1 : i32
    scf.for %scan3A_44 = %scan3A_6 to %scan3A_8 step %scan3A_9  : i32 {
      %swap3A = arith.index_cast %scan3A_44 : i32 to index
      %swap3A_45 = arith.constant 0 : index
      %swap3A_46 = tpu.vector_load %arg7[%swap3A, %swap3A_45] {strides = array<i32>} : memref<128x64xf32, #tpu.memory_space<vmem>>, vector<1x16xf32>,
      %swap3A_47 = vector.shape_cast %swap3A_46 : vector<1x16xf32> to vector<16xf32>
      %swap3A_48 = vector.shape_cast %broadcast_in_dim3A_5 : vector<16xf32> to vector<1x16xf32>
      tpu.vector_store %arg7[%swap3A, %swap3A_45], %swap3A_48 {strides = array<i32>} : memref<128x64xf32, #tpu.memory_space<vmem>>, vector<1x16xf32>,
      %swap3A_49 = arith.index_cast %scan3A_44 : i32 to index
      %swap3A_50 = arith.constant 16 : index
      %swap3A_51 = tpu.vector_load %arg7[%swap3A_49, %swap3A_50] {strides = array<i32>} : memref<128x64xf32, #tpu.memory_space<vmem>>, vector<1x16xf32>,
      %swap3A_52 = vector.shape_cast %swap3A_51 : vector<1x16xf32> to vector<16xf32>
      %swap3A_53 = vector.shape_cast %broadcast_in_dim3A_5 : vector<16xf32> to vector<1x16xf32>
      tpu.vector_store %arg7[%swap3A_49, %swap3A_50], %swap3A_53 {strides = array<i32>} : memref<128x64xf32, #tpu.memory_space<vmem>>, vector<1x16xf32>,
      %swap3A_54 = arith.index_cast %scan3A_44 : i32 to index
      %swap3A_55 = arith.constant 32 : index
      %swap3A_56 = tpu.vector_load %arg7[%swap3A_54, %swap3A_55] {strides = array<i32>} : memref<128x64xf32, #tpu.memory_space<vmem>>, vector<1x16xf32>,
      %swap3A_57 = vector.shape_cast %swap3A_56 : vector<1x16xf32> to vector<16xf32>
      %swap3A_58 = vector.shape_cast %broadcast_in_dim3A_5 : vector<16xf32> to vector<1x16xf32>
      tpu.vector_store %arg7[%swap3A_54, %swap3A_55], %swap3A_58 {strides = array<i32>} : memref<128x64xf32, #tpu.memory_space<vmem>>, vector<1x16xf32>,
      %swap3A_59 = arith.index_cast %scan3A_44 : i32 to index
      %swap3A_60 = arith.constant 48 : index
      %swap3A_61 = tpu.vector_load %arg7[%swap3A_59, %swap3A_60] {strides = array<i32>} : memref<128x64xf32, #tpu.memory_space<vmem>>, vector<1x16xf32>,
      %swap3A_62 = vector.shape_cast %swap3A_61 : vector<1x16xf32> to vector<16xf32>
      %swap3A_63 = vector.shape_cast %broadcast_in_dim3A_5 : vector<16xf32> to vector<1x16xf32>
      tpu.vector_store %arg7[%swap3A_59, %swap3A_60], %swap3A_63 {strides = array<i32>} : memref<128x64xf32, #tpu.memory_space<vmem>>, vector<1x16xf32>,
    }
    %scan3A_10 = arith.constant 128 : i32
    %mul3A_11 = arith.constant 256 : i32
    %mul3A_12 = arith.muli %arg1, %mul3A_11 : i32
    %add3A_13 = arith.constant 0 : i32
    %add3A_14 = arith.addi %mul3A_12, %add3A_13 : i32
    "tpu.region"() ({
      %run_scoped3A = tpu.sem_alloc : memref<!tpu.dma_semaphore, #tpu.memory_space<semaphore_mem>>
      %dma_start3A = arith.constant 0 : i32
      %dma_start3A_44 = tpu.memref_slice %arg6[%add3A_14, %dma_start3A] : memref<4096x64xf32, #tpu.memory_space<vmem_shared>> -> memref<128x64xf32, #tpu.memory_space<vmem_shared>>
      %dma_start3A_45 = arith.constant 0 : i32
      %dma_start3A_46 = tpu.memref_slice %arg6[%add3A_14, %dma_start3A_45] : memref<4096x64xf32, #tpu.memory_space<vmem_shared>> -> memref<128x64xf32, #tpu.memory_space<vmem_shared>>
      tpu.enqueue_dma source(%arg7 : memref<128x64xf32, #tpu.memory_space<vmem>>) target(%dma_start3A_46 : memref<128x64xf32, #tpu.memory_space<vmem_shared>>) target_semaphore(%run_scoped3A : memref<!tpu.dma_semaphore, #tpu.memory_space<semaphore_mem>>)
      %dma_wait3A_47 = arith.constant 0 : i32
      %dma_wait3A_48 = tpu.memref_slice %arg6[%add3A_14, %dma_wait3A_47] : memref<4096x64xf32, #tpu.memory_space<vmem_shared>> -> memref<128x64xf32, #tpu.memory_space<vmem_shared>>
      %dma_wait3A_49 = arith.constant 0 : i32
      %dma_wait3A_50 = tpu.memref_slice %arg6[%add3A_14, %dma_wait3A_49] : memref<4096x64xf32, #tpu.memory_space<vmem_shared>> -> memref<128x64xf32, #tpu.memory_space<vmem_shared>>
      tpu.wait_dma2 semaphore(%run_scoped3A : memref<!tpu.dma_semaphore, #tpu.memory_space<semaphore_mem>>) src(%arg7 : memref<128x64xf32, #tpu.memory_space<vmem>>) dst(%dma_wait3A_50 : memref<128x64xf32, #tpu.memory_space<vmem_shared>>)
      tpu.yield
    }) : () -> ()
    %mul3A_15 = arith.constant 256 : i32
    %mul3A_16 = arith.muli %arg1, %mul3A_15 : i32
    %add3A_17 = arith.constant 128 : i32
    %add3A_18 = arith.addi %mul3A_16, %add3A_17 : i32
    "tpu.region"() ({
      %run_scoped3A = tpu.sem_alloc : memref<!tpu.dma_semaphore, #tpu.memory_space<semaphore_mem>>
      %dma_start3A = arith.constant 0 : i32
      %dma_start3A_44 = tpu.memref_slice %arg6[%add3A_18, %dma_start3A] : memref<4096x64xf32, #tpu.memory_space<vmem_shared>> -> memref<128x64xf32, #tpu.memory_space<vmem_shared>>
      %dma_start3A_45 = arith.constant 0 : i32
      %dma_start3A_46 = tpu.memref_slice %arg6[%add3A_18, %dma_start3A_45] : memref<4096x64xf32, #tpu.memory_space<vmem_shared>> -> memref<128x64xf32, #tpu.memory_space<vmem_shared>>
      tpu.enqueue_dma source(%arg7 : memref<128x64xf32, #tpu.memory_space<vmem>>) target(%dma_start3A_46 : memref<128x64xf32, #tpu.memory_space<vmem_shared>>) target_semaphore(%run_scoped3A : memref<!tpu.dma_semaphore, #tpu.memory_space<semaphore_mem>>)
      %dma_wait3A_47 = arith.constant 0 : i32
      %dma_wait3A_48 = tpu.memref_slice %arg6[%add3A_18, %dma_wait3A_47] : memref<4096x64xf32, #tpu.memory_space<vmem_shared>> -> memref<128x64xf32, #tpu.memory_space<vmem_shared>>
      %dma_wait3A_49 = arith.constant 0 : i32
      %dma_wait3A_50 = tpu.memref_slice %arg6[%add3A_18, %dma_wait3A_49] : memref<4096x64xf32, #tpu.memory_space<vmem_shared>> -> memref<128x64xf32, #tpu.memory_space<vmem_shared>>
      tpu.wait_dma2 semaphore(%run_scoped3A : memref<!tpu.dma_semaphore, #tpu.memory_space<semaphore_mem>>) src(%arg7 : memref<128x64xf32, #tpu.memory_space<vmem>>) dst(%dma_wait3A_50 : memref<128x64xf32, #tpu.memory_space<vmem_shared>>)
      tpu.yield
    }) : () -> ()
    %barrier3A = arith.constant 0 : index
    tpu.barrier barrier_id(%barrier3A)
    %scan3A_19 = arith.constant 0 : i32
    %scan3A_20 = arith.constant 0 : i32
    %scan3A_21 = arith.constant 5 : i32
    %scan3A_22 = arith.addi %scan3A_20, %scan3A_21 : i32
    %scan3A_23 = arith.constant 1 : i32
    scf.for %scan3A_44 = %scan3A_20 to %scan3A_22 step %scan3A_23  : i32 {
      %mul3A_45 = arith.constant 640 : i32
      %mul3A_46 = arith.muli %scan3A_44, %mul3A_45 : i32
      %add3A_47 = arith.addi %mul3A_2, %mul3A_46 : i32
      %mul3A_48 = arith.constant 640 : i32
      %mul3A_49 = arith.muli %scan3A_44, %mul3A_48 : i32
      %add3A_50 = arith.addi %add3A_4, %mul3A_49 : i32
      %gt3A = arith.constant 0 : i32
      %gt3A_51 = arith.cmpi sgt, %scan3A_44, %gt3A : i32
      %convert_element_type3A = arith.extui %gt3A_51 : i1 to i32
      %cond3A = arith.constant 0 : i32
      %cond3A_52 = arith.cmpi ne, %convert_element_type3A, %cond3A : i32
      scf.if %cond3A_52 {
        %dma_wait3A_167 = arith.constant 0 : i32
        %dma_wait3A_168 = arith.constant 0 : i32
        %dma_wait3A_169 = tpu.memref_slice %arg6[%dma_wait3A_167, %dma_wait3A_168] : memref<4096x64xf32, #tpu.memory_space<vmem_shared>> -> memref<4096x64xf32, #tpu.memory_space<vmem_shared>>
        tpu.wait_indirect_dma semaphore(%arg27 : memref<!tpu.dma_semaphore, #tpu.memory_space<semaphore_mem>>) src(%arg7 : memref<128x64xf32, #tpu.memory_space<vmem>>) dst(%dma_wait3A_169 : memref<4096x64xf32, #tpu.memory_space<vmem_shared>>)
      } else {
      }
      %add3A_53 = arith.constant 0 : i32
      %add3A_54 = arith.addi %add3A_50, %add3A_53 : i32
      %dma_start3A = tpu.memref_slice %arg3[%add3A_54] : memref<409600xi32, #tpu.memory_space<hbm>> -> memref<128xi32, #tpu.memory_space<hbm>>
      %dma_start3A_55 = tpu.memref_slice %arg3[%add3A_54] : memref<409600xi32, #tpu.memory_space<hbm>> -> memref<128xi32, #tpu.memory_space<hbm>>
      tpu.enqueue_dma source(%dma_start3A_55 : memref<128xi32, #tpu.memory_space<hbm>>) target(%arg12 : memref<128xi32, #tpu.memory_space<vmem>>) target_semaphore(%arg22 : memref<!tpu.dma_semaphore, #tpu.memory_space<semaphore_mem>>)
      %add3A_56 = arith.constant 0 : i32
      %add3A_57 = arith.addi %add3A_47, %add3A_56 : i32
      %dma_start3A_58 = arith.constant 0 : i32
      %dma_start3A_59 = tpu.memref_slice %arg2[%add3A_57, %dma_start3A_58] : memref<102400x64xf32, #tpu.memory_space<hbm>> -> memref<128x64xf32, #tpu.memory_space<hbm>>
      %dma_start3A_60 = arith.constant 0 : i32
      %dma_start3A_61 = tpu.memref_slice %arg2[%add3A_57, %dma_start3A_60] : memref<102400x64xf32, #tpu.memory_space<hbm>> -> memref<128x64xf32, #tpu.memory_space<hbm>>
      tpu.enqueue_dma source(%dma_start3A_61 : memref<128x64xf32, #tpu.memory_space<hbm>>) target(%arg7 : memref<128x64xf32, #tpu.memory_space<vmem>>) target_semaphore(%arg17 : memref<!tpu.dma_semaphore, #tpu.memory_space<semaphore_mem>>)
      %gt3A_62 = arith.constant 0 : i32
      %gt3A_63 = arith.cmpi sgt, %scan3A_44, %gt3A_62 : i32
      %convert_element_type3A_64 = arith.extui %gt3A_63 : i1 to i32
      %cond3A_65 = arith.constant 0 : i32
      %cond3A_66 = arith.cmpi ne, %convert_element_type3A_64, %cond3A_65 : i32
      scf.if %cond3A_66 {
        %dma_wait3A_167 = arith.constant 0 : i32
        %dma_wait3A_168 = arith.constant 0 : i32
        %dma_wait3A_169 = tpu.memref_slice %arg6[%dma_wait3A_167, %dma_wait3A_168] : memref<4096x64xf32, #tpu.memory_space<vmem_shared>> -> memref<4096x64xf32, #tpu.memory_space<vmem_shared>>
        tpu.wait_indirect_dma semaphore(%arg28 : memref<!tpu.dma_semaphore, #tpu.memory_space<semaphore_mem>>) src(%arg8 : memref<128x64xf32, #tpu.memory_space<vmem>>) dst(%dma_wait3A_169 : memref<4096x64xf32, #tpu.memory_space<vmem_shared>>)
      } else {
      }
      %add3A_67 = arith.constant 128 : i32
      %add3A_68 = arith.addi %add3A_50, %add3A_67 : i32
      %dma_start3A_69 = tpu.memref_slice %arg3[%add3A_68] : memref<409600xi32, #tpu.memory_space<hbm>> -> memref<128xi32, #tpu.memory_space<hbm>>
      %dma_start3A_70 = tpu.memref_slice %arg3[%add3A_68] : memref<409600xi32, #tpu.memory_space<hbm>> -> memref<128xi32, #tpu.memory_space<hbm>>
      tpu.enqueue_dma source(%dma_start3A_70 : memref<128xi32, #tpu.memory_space<hbm>>) target(%arg13 : memref<128xi32, #tpu.memory_space<vmem>>) target_semaphore(%arg23 : memref<!tpu.dma_semaphore, #tpu.memory_space<semaphore_mem>>)
      %add3A_71 = arith.constant 128 : i32
      %add3A_72 = arith.addi %add3A_47, %add3A_71 : i32
      %dma_start3A_73 = arith.constant 0 : i32
      %dma_start3A_74 = tpu.memref_slice %arg2[%add3A_72, %dma_start3A_73] : memref<102400x64xf32, #tpu.memory_space<hbm>> -> memref<128x64xf32, #tpu.memory_space<hbm>>
      %dma_start3A_75 = arith.constant 0 : i32
      %dma_start3A_76 = tpu.memref_slice %arg2[%add3A_72, %dma_start3A_75] : memref<102400x64xf32, #tpu.memory_space<hbm>> -> memref<128x64xf32, #tpu.memory_space<hbm>>
      tpu.enqueue_dma source(%dma_start3A_76 : memref<128x64xf32, #tpu.memory_space<hbm>>) target(%arg8 : memref<128x64xf32, #tpu.memory_space<vmem>>) target_semaphore(%arg18 : memref<!tpu.dma_semaphore, #tpu.memory_space<semaphore_mem>>)
      %gt3A_77 = arith.constant 0 : i32
      %gt3A_78 = arith.cmpi sgt, %scan3A_44, %gt3A_77 : i32
      %convert_element_type3A_79 = arith.extui %gt3A_78 : i1 to i32
      %cond3A_80 = arith.constant 0 : i32
      %cond3A_81 = arith.cmpi ne, %convert_element_type3A_79, %cond3A_80 : i32
      scf.if %cond3A_81 {
        %dma_wait3A_167 = arith.constant 0 : i32
        %dma_wait3A_168 = arith.constant 0 : i32
        %dma_wait3A_169 = tpu.memref_slice %arg6[%dma_wait3A_167, %dma_wait3A_168] : memref<4096x64xf32, #tpu.memory_space<vmem_shared>> -> memref<4096x64xf32, #tpu.memory_space<vmem_shared>>
        tpu.wait_indirect_dma semaphore(%arg29 : memref<!tpu.dma_semaphore, #tpu.memory_space<semaphore_mem>>) src(%arg9 : memref<128x64xf32, #tpu.memory_space<vmem>>) dst(%dma_wait3A_169 : memref<4096x64xf32, #tpu.memory_space<vmem_shared>>)
      } else {
      }
      %add3A_82 = arith.constant 256 : i32
      %add3A_83 = arith.addi %add3A_50, %add3A_82 : i32
      %dma_start3A_84 = tpu.memref_slice %arg3[%add3A_83] : memref<409600xi32, #tpu.memory_space<hbm>> -> memref<128xi32, #tpu.memory_space<hbm>>
      %dma_start3A_85 = tpu.memref_slice %arg3[%add3A_83] : memref<409600xi32, #tpu.memory_space<hbm>> -> memref<128xi32, #tpu.memory_space<hbm>>
      tpu.enqueue_dma source(%dma_start3A_85 : memref<128xi32, #tpu.memory_space<hbm>>) target(%arg14 : memref<128xi32, #tpu.memory_space<vmem>>) target_semaphore(%arg24 : memref<!tpu.dma_semaphore, #tpu.memory_space<semaphore_mem>>)
      %add3A_86 = arith.constant 256 : i32
      %add3A_87 = arith.addi %add3A_47, %add3A_86 : i32
      %dma_start3A_88 = arith.constant 0 : i32
      %dma_start3A_89 = tpu.memref_slice %arg2[%add3A_87, %dma_start3A_88] : memref<102400x64xf32, #tpu.memory_space<hbm>> -> memref<128x64xf32, #tpu.memory_space<hbm>>
      %dma_start3A_90 = arith.constant 0 : i32
      %dma_start3A_91 = tpu.memref_slice %arg2[%add3A_87, %dma_start3A_90] : memref<102400x64xf32, #tpu.memory_space<hbm>> -> memref<128x64xf32, #tpu.memory_space<hbm>>
      tpu.enqueue_dma source(%dma_start3A_91 : memref<128x64xf32, #tpu.memory_space<hbm>>) target(%arg9 : memref<128x64xf32, #tpu.memory_space<vmem>>) target_semaphore(%arg19 : memref<!tpu.dma_semaphore, #tpu.memory_space<semaphore_mem>>)
      %gt3A_92 = arith.constant 0 : i32
      %gt3A_93 = arith.cmpi sgt, %scan3A_44, %gt3A_92 : i32
      %convert_element_type3A_94 = arith.extui %gt3A_93 : i1 to i32
      %cond3A_95 = arith.constant 0 : i32
      %cond3A_96 = arith.cmpi ne, %convert_element_type3A_94, %cond3A_95 : i32
      scf.if %cond3A_96 {
        %dma_wait3A_167 = arith.constant 0 : i32
        %dma_wait3A_168 = arith.constant 0 : i32
        %dma_wait3A_169 = tpu.memref_slice %arg6[%dma_wait3A_167, %dma_wait3A_168] : memref<4096x64xf32, #tpu.memory_space<vmem_shared>> -> memref<4096x64xf32, #tpu.memory_space<vmem_shared>>
        tpu.wait_indirect_dma semaphore(%arg30 : memref<!tpu.dma_semaphore, #tpu.memory_space<semaphore_mem>>) src(%arg10 : memref<128x64xf32, #tpu.memory_space<vmem>>) dst(%dma_wait3A_169 : memref<4096x64xf32, #tpu.memory_space<vmem_shared>>)
      } else {
      }
      %add3A_97 = arith.constant 384 : i32
      %add3A_98 = arith.addi %add3A_50, %add3A_97 : i32
      %dma_start3A_99 = tpu.memref_slice %arg3[%add3A_98] : memref<409600xi32, #tpu.memory_space<hbm>> -> memref<128xi32, #tpu.memory_space<hbm>>
      %dma_start3A_100 = tpu.memref_slice %arg3[%add3A_98] : memref<409600xi32, #tpu.memory_space<hbm>> -> memref<128xi32, #tpu.memory_space<hbm>>
      tpu.enqueue_dma source(%dma_start3A_100 : memref<128xi32, #tpu.memory_space<hbm>>) target(%arg15 : memref<128xi32, #tpu.memory_space<vmem>>) target_semaphore(%arg25 : memref<!tpu.dma_semaphore, #tpu.memory_space<semaphore_mem>>)
      %add3A_101 = arith.constant 384 : i32
      %add3A_102 = arith.addi %add3A_47, %add3A_101 : i32
      %dma_start3A_103 = arith.constant 0 : i32
      %dma_start3A_104 = tpu.memref_slice %arg2[%add3A_102, %dma_start3A_103] : memref<102400x64xf32, #tpu.memory_space<hbm>> -> memref<128x64xf32, #tpu.memory_space<hbm>>
      %dma_start3A_105 = arith.constant 0 : i32
      %dma_start3A_106 = tpu.memref_slice %arg2[%add3A_102, %dma_start3A_105] : memref<102400x64xf32, #tpu.memory_space<hbm>> -> memref<128x64xf32, #tpu.memory_space<hbm>>
      tpu.enqueue_dma source(%dma_start3A_106 : memref<128x64xf32, #tpu.memory_space<hbm>>) target(%arg10 : memref<128x64xf32, #tpu.memory_space<vmem>>) target_semaphore(%arg20 : memref<!tpu.dma_semaphore, #tpu.memory_space<semaphore_mem>>)
      %gt3A_107 = arith.constant 0 : i32
      %gt3A_108 = arith.cmpi sgt, %scan3A_44, %gt3A_107 : i32
      %convert_element_type3A_109 = arith.extui %gt3A_108 : i1 to i32
      %cond3A_110 = arith.constant 0 : i32
      %cond3A_111 = arith.cmpi ne, %convert_element_type3A_109, %cond3A_110 : i32
      scf.if %cond3A_111 {
        %dma_wait3A_167 = arith.constant 0 : i32
        %dma_wait3A_168 = arith.constant 0 : i32
        %dma_wait3A_169 = tpu.memref_slice %arg6[%dma_wait3A_167, %dma_wait3A_168] : memref<4096x64xf32, #tpu.memory_space<vmem_shared>> -> memref<4096x64xf32, #tpu.memory_space<vmem_shared>>
        tpu.wait_indirect_dma semaphore(%arg31 : memref<!tpu.dma_semaphore, #tpu.memory_space<semaphore_mem>>) src(%arg11 : memref<128x64xf32, #tpu.memory_space<vmem>>) dst(%dma_wait3A_169 : memref<4096x64xf32, #tpu.memory_space<vmem_shared>>)
      } else {
      }
      %add3A_112 = arith.constant 512 : i32
      %add3A_113 = arith.addi %add3A_50, %add3A_112 : i32
      %dma_start3A_114 = tpu.memref_slice %arg3[%add3A_113] : memref<409600xi32, #tpu.memory_space<hbm>> -> memref<128xi32, #tpu.memory_space<hbm>>
      %dma_start3A_115 = tpu.memref_slice %arg3[%add3A_113] : memref<409600xi32, #tpu.memory_space<hbm>> -> memref<128xi32, #tpu.memory_space<hbm>>
      tpu.enqueue_dma source(%dma_start3A_115 : memref<128xi32, #tpu.memory_space<hbm>>) target(%arg16 : memref<128xi32, #tpu.memory_space<vmem>>) target_semaphore(%arg26 : memref<!tpu.dma_semaphore, #tpu.memory_space<semaphore_mem>>)
      %add3A_116 = arith.constant 512 : i32
      %add3A_117 = arith.addi %add3A_47, %add3A_116 : i32
      %dma_start3A_118 = arith.constant 0 : i32
      %dma_start3A_119 = tpu.memref_slice %arg2[%add3A_117, %dma_start3A_118] : memref<102400x64xf32, #tpu.memory_space<hbm>> -> memref<128x64xf32, #tpu.memory_space<hbm>>
      %dma_start3A_120 = arith.constant 0 : i32
      %dma_start3A_121 = tpu.memref_slice %arg2[%add3A_117, %dma_start3A_120] : memref<102400x64xf32, #tpu.memory_space<hbm>> -> memref<128x64xf32, #tpu.memory_space<hbm>>
      tpu.enqueue_dma source(%dma_start3A_121 : memref<128x64xf32, #tpu.memory_space<hbm>>) target(%arg11 : memref<128x64xf32, #tpu.memory_space<vmem>>) target_semaphore(%arg21 : memref<!tpu.dma_semaphore, #tpu.memory_space<semaphore_mem>>)
      %dma_wait3A_122 = tpu.memref_slice %arg3[%add3A_54] : memref<409600xi32, #tpu.memory_space<hbm>> -> memref<128xi32, #tpu.memory_space<hbm>>
      %dma_wait3A_123 = tpu.memref_slice %arg3[%add3A_54] : memref<409600xi32, #tpu.memory_space<hbm>> -> memref<128xi32, #tpu.memory_space<hbm>>
      tpu.wait_dma2 semaphore(%arg22 : memref<!tpu.dma_semaphore, #tpu.memory_space<semaphore_mem>>) src(%dma_wait3A_123 : memref<128xi32, #tpu.memory_space<hbm>>) dst(%arg12 : memref<128xi32, #tpu.memory_space<vmem>>)
      %dma_wait3A_124 = arith.constant 0 : i32
      %dma_wait3A_125 = tpu.memref_slice %arg2[%add3A_57, %dma_wait3A_124] : memref<102400x64xf32, #tpu.memory_space<hbm>> -> memref<128x64xf32, #tpu.memory_space<hbm>>
      %dma_wait3A_126 = arith.constant 0 : i32
      %dma_wait3A_127 = tpu.memref_slice %arg2[%add3A_57, %dma_wait3A_126] : memref<102400x64xf32, #tpu.memory_space<hbm>> -> memref<128x64xf32, #tpu.memory_space<hbm>>
      tpu.wait_dma2 semaphore(%arg17 : memref<!tpu.dma_semaphore, #tpu.memory_space<semaphore_mem>>) src(%dma_wait3A_127 : memref<128x64xf32, #tpu.memory_space<hbm>>) dst(%arg7 : memref<128x64xf32, #tpu.memory_space<vmem>>)
      %dma_start3A_128 = arith.constant 0 : i32
      %dma_start3A_129 = arith.constant 0 : i32
      %dma_start3A_130 = tpu.memref_slice %arg6[%dma_start3A_128, %dma_start3A_129] : memref<4096x64xf32, #tpu.memory_space<vmem_shared>> -> memref<4096x64xf32, #tpu.memory_space<vmem_shared>>
      tpu.enqueue_indirect_dma source(%arg7 : memref<128x64xf32, #tpu.memory_space<vmem>>) target(%dma_start3A_130 : memref<4096x64xf32, #tpu.memory_space<vmem_shared>>) offsets(%arg12 : memref<128xi32, #tpu.memory_space<vmem>>) semaphore(%arg27 : memref<!tpu.dma_semaphore, #tpu.memory_space<semaphore_mem>>) {add = true}
      %dma_wait3A_131 = tpu.memref_slice %arg3[%add3A_68] : memref<409600xi32, #tpu.memory_space<hbm>> -> memref<128xi32, #tpu.memory_space<hbm>>
      %dma_wait3A_132 = tpu.memref_slice %arg3[%add3A_68] : memref<409600xi32, #tpu.memory_space<hbm>> -> memref<128xi32, #tpu.memory_space<hbm>>
      tpu.wait_dma2 semaphore(%arg23 : memref<!tpu.dma_semaphore, #tpu.memory_space<semaphore_mem>>) src(%dma_wait3A_132 : memref<128xi32, #tpu.memory_space<hbm>>) dst(%arg13 : memref<128xi32, #tpu.memory_space<vmem>>)
      %dma_wait3A_133 = arith.constant 0 : i32
      %dma_wait3A_134 = tpu.memref_slice %arg2[%add3A_72, %dma_wait3A_133] : memref<102400x64xf32, #tpu.memory_space<hbm>> -> memref<128x64xf32, #tpu.memory_space<hbm>>
      %dma_wait3A_135 = arith.constant 0 : i32
      %dma_wait3A_136 = tpu.memref_slice %arg2[%add3A_72, %dma_wait3A_135] : memref<102400x64xf32, #tpu.memory_space<hbm>> -> memref<128x64xf32, #tpu.memory_space<hbm>>
      tpu.wait_dma2 semaphore(%arg18 : memref<!tpu.dma_semaphore, #tpu.memory_space<semaphore_mem>>) src(%dma_wait3A_136 : memref<128x64xf32, #tpu.memory_space<hbm>>) dst(%arg8 : memref<128x64xf32, #tpu.memory_space<vmem>>)
      %dma_start3A_137 = arith.constant 0 : i32
      %dma_start3A_138 = arith.constant 0 : i32
      %dma_start3A_139 = tpu.memref_slice %arg6[%dma_start3A_137, %dma_start3A_138] : memref<4096x64xf32, #tpu.memory_space<vmem_shared>> -> memref<4096x64xf32, #tpu.memory_space<vmem_shared>>
      tpu.enqueue_indirect_dma source(%arg8 : memref<128x64xf32, #tpu.memory_space<vmem>>) target(%dma_start3A_139 : memref<4096x64xf32, #tpu.memory_space<vmem_shared>>) offsets(%arg13 : memref<128xi32, #tpu.memory_space<vmem>>) semaphore(%arg28 : memref<!tpu.dma_semaphore, #tpu.memory_space<semaphore_mem>>) {add = true}
      %dma_wait3A_140 = tpu.memref_slice %arg3[%add3A_83] : memref<409600xi32, #tpu.memory_space<hbm>> -> memref<128xi32, #tpu.memory_space<hbm>>
      %dma_wait3A_141 = tpu.memref_slice %arg3[%add3A_83] : memref<409600xi32, #tpu.memory_space<hbm>> -> memref<128xi32, #tpu.memory_space<hbm>>
      tpu.wait_dma2 semaphore(%arg24 : memref<!tpu.dma_semaphore, #tpu.memory_space<semaphore_mem>>) src(%dma_wait3A_141 : memref<128xi32, #tpu.memory_space<hbm>>) dst(%arg14 : memref<128xi32, #tpu.memory_space<vmem>>)
      %dma_wait3A_142 = arith.constant 0 : i32
      %dma_wait3A_143 = tpu.memref_slice %arg2[%add3A_87, %dma_wait3A_142] : memref<102400x64xf32, #tpu.memory_space<hbm>> -> memref<128x64xf32, #tpu.memory_space<hbm>>
      %dma_wait3A_144 = arith.constant 0 : i32
      %dma_wait3A_145 = tpu.memref_slice %arg2[%add3A_87, %dma_wait3A_144] : memref<102400x64xf32, #tpu.memory_space<hbm>> -> memref<128x64xf32, #tpu.memory_space<hbm>>
      tpu.wait_dma2 semaphore(%arg19 : memref<!tpu.dma_semaphore, #tpu.memory_space<semaphore_mem>>) src(%dma_wait3A_145 : memref<128x64xf32, #tpu.memory_space<hbm>>) dst(%arg9 : memref<128x64xf32, #tpu.memory_space<vmem>>)
      %dma_start3A_146 = arith.constant 0 : i32
      %dma_start3A_147 = arith.constant 0 : i32
      %dma_start3A_148 = tpu.memref_slice %arg6[%dma_start3A_146, %dma_start3A_147] : memref<4096x64xf32, #tpu.memory_space<vmem_shared>> -> memref<4096x64xf32, #tpu.memory_space<vmem_shared>>
      tpu.enqueue_indirect_dma source(%arg9 : memref<128x64xf32, #tpu.memory_space<vmem>>) target(%dma_start3A_148 : memref<4096x64xf32, #tpu.memory_space<vmem_shared>>) offsets(%arg14 : memref<128xi32, #tpu.memory_space<vmem>>) semaphore(%arg29 : memref<!tpu.dma_semaphore, #tpu.memory_space<semaphore_mem>>) {add = true}
      %dma_wait3A_149 = tpu.memref_slice %arg3[%add3A_98] : memref<409600xi32, #tpu.memory_space<hbm>> -> memref<128xi32, #tpu.memory_space<hbm>>
      %dma_wait3A_150 = tpu.memref_slice %arg3[%add3A_98] : memref<409600xi32, #tpu.memory_space<hbm>> -> memref<128xi32, #tpu.memory_space<hbm>>
      tpu.wait_dma2 semaphore(%arg25 : memref<!tpu.dma_semaphore, #tpu.memory_space<semaphore_mem>>) src(%dma_wait3A_150 : memref<128xi32, #tpu.memory_space<hbm>>) dst(%arg15 : memref<128xi32, #tpu.memory_space<vmem>>)
      %dma_wait3A_151 = arith.constant 0 : i32
      %dma_wait3A_152 = tpu.memref_slice %arg2[%add3A_102, %dma_wait3A_151] : memref<102400x64xf32, #tpu.memory_space<hbm>> -> memref<128x64xf32, #tpu.memory_space<hbm>>
      %dma_wait3A_153 = arith.constant 0 : i32
      %dma_wait3A_154 = tpu.memref_slice %arg2[%add3A_102, %dma_wait3A_153] : memref<102400x64xf32, #tpu.memory_space<hbm>> -> memref<128x64xf32, #tpu.memory_space<hbm>>
      tpu.wait_dma2 semaphore(%arg20 : memref<!tpu.dma_semaphore, #tpu.memory_space<semaphore_mem>>) src(%dma_wait3A_154 : memref<128x64xf32, #tpu.memory_space<hbm>>) dst(%arg10 : memref<128x64xf32, #tpu.memory_space<vmem>>)
      %dma_start3A_155 = arith.constant 0 : i32
      %dma_start3A_156 = arith.constant 0 : i32
      %dma_start3A_157 = tpu.memref_slice %arg6[%dma_start3A_155, %dma_start3A_156] : memref<4096x64xf32, #tpu.memory_space<vmem_shared>> -> memref<4096x64xf32, #tpu.memory_space<vmem_shared>>
      tpu.enqueue_indirect_dma source(%arg10 : memref<128x64xf32, #tpu.memory_space<vmem>>) target(%dma_start3A_157 : memref<4096x64xf32, #tpu.memory_space<vmem_shared>>) offsets(%arg15 : memref<128xi32, #tpu.memory_space<vmem>>) semaphore(%arg30 : memref<!tpu.dma_semaphore, #tpu.memory_space<semaphore_mem>>) {add = true}
      %dma_wait3A_158 = tpu.memref_slice %arg3[%add3A_113] : memref<409600xi32, #tpu.memory_space<hbm>> -> memref<128xi32, #tpu.memory_space<hbm>>
      %dma_wait3A_159 = tpu.memref_slice %arg3[%add3A_113] : memref<409600xi32, #tpu.memory_space<hbm>> -> memref<128xi32, #tpu.memory_space<hbm>>
      tpu.wait_dma2 semaphore(%arg26 : memref<!tpu.dma_semaphore, #tpu.memory_space<semaphore_mem>>) src(%dma_wait3A_159 : memref<128xi32, #tpu.memory_space<hbm>>) dst(%arg16 : memref<128xi32, #tpu.memory_space<vmem>>)
      %dma_wait3A_160 = arith.constant 0 : i32
      %dma_wait3A_161 = tpu.memref_slice %arg2[%add3A_117, %dma_wait3A_160] : memref<102400x64xf32, #tpu.memory_space<hbm>> -> memref<128x64xf32, #tpu.memory_space<hbm>>
      %dma_wait3A_162 = arith.constant 0 : i32
      %dma_wait3A_163 = tpu.memref_slice %arg2[%add3A_117, %dma_wait3A_162] : memref<102400x64xf32, #tpu.memory_space<hbm>> -> memref<128x64xf32, #tpu.memory_space<hbm>>
      tpu.wait_dma2 semaphore(%arg21 : memref<!tpu.dma_semaphore, #tpu.memory_space<semaphore_mem>>) src(%dma_wait3A_163 : memref<128x64xf32, #tpu.memory_space<hbm>>) dst(%arg11 : memref<128x64xf32, #tpu.memory_space<vmem>>)
      %dma_start3A_164 = arith.constant 0 : i32
      %dma_start3A_165 = arith.constant 0 : i32
      %dma_start3A_166 = tpu.memref_slice %arg6[%dma_start3A_164, %dma_start3A_165] : memref<4096x64xf32, #tpu.memory_space<vmem_shared>> -> memref<4096x64xf32, #tpu.memory_space<vmem_shared>>
      tpu.enqueue_indirect_dma source(%arg11 : memref<128x64xf32, #tpu.memory_space<vmem>>) target(%dma_start3A_166 : memref<4096x64xf32, #tpu.memory_space<vmem_shared>>) offsets(%arg16 : memref<128xi32, #tpu.memory_space<vmem>>) semaphore(%arg31 : memref<!tpu.dma_semaphore, #tpu.memory_space<semaphore_mem>>) {add = true}
    }
    %scan3A_24 = arith.constant 5 : i32
    %dma_wait3A = arith.constant 0 : i32
    %dma_wait3A_25 = arith.constant 0 : i32
    %dma_wait3A_26 = tpu.memref_slice %arg6[%dma_wait3A, %dma_wait3A_25] : memref<4096x64xf32, #tpu.memory_space<vmem_shared>> -> memref<4096x64xf32, #tpu.memory_space<vmem_shared>>
    tpu.wait_indirect_dma semaphore(%arg27 : memref<!tpu.dma_semaphore, #tpu.memory_space<semaphore_mem>>) src(%arg7 : memref<128x64xf32, #tpu.memory_space<vmem>>) dst(%dma_wait3A_26 : memref<4096x64xf32, #tpu.memory_space<vmem_shared>>)
    %dma_wait3A_27 = arith.constant 0 : i32
    %dma_wait3A_28 = arith.constant 0 : i32
    %dma_wait3A_29 = tpu.memref_slice %arg6[%dma_wait3A_27, %dma_wait3A_28] : memref<4096x64xf32, #tpu.memory_space<vmem_shared>> -> memref<4096x64xf32, #tpu.memory_space<vmem_shared>>
    tpu.wait_indirect_dma semaphore(%arg28 : memref<!tpu.dma_semaphore, #tpu.memory_space<semaphore_mem>>) src(%arg8 : memref<128x64xf32, #tpu.memory_space<vmem>>) dst(%dma_wait3A_29 : memref<4096x64xf32, #tpu.memory_space<vmem_shared>>)
    %dma_wait3A_30 = arith.constant 0 : i32
    %dma_wait3A_31 = arith.constant 0 : i32
    %dma_wait3A_32 = tpu.memref_slice %arg6[%dma_wait3A_30, %dma_wait3A_31] : memref<4096x64xf32, #tpu.memory_space<vmem_shared>> -> memref<4096x64xf32, #tpu.memory_space<vmem_shared>>
    tpu.wait_indirect_dma semaphore(%arg29 : memref<!tpu.dma_semaphore, #tpu.memory_space<semaphore_mem>>) src(%arg9 : memref<128x64xf32, #tpu.memory_space<vmem>>) dst(%dma_wait3A_32 : memref<4096x64xf32, #tpu.memory_space<vmem_shared>>)
    %dma_wait3A_33 = arith.constant 0 : i32
    %dma_wait3A_34 = arith.constant 0 : i32
    %dma_wait3A_35 = tpu.memref_slice %arg6[%dma_wait3A_33, %dma_wait3A_34] : memref<4096x64xf32, #tpu.memory_space<vmem_shared>> -> memref<4096x64xf32, #tpu.memory_space<vmem_shared>>
    tpu.wait_indirect_dma semaphore(%arg30 : memref<!tpu.dma_semaphore, #tpu.memory_space<semaphore_mem>>) src(%arg10 : memref<128x64xf32, #tpu.memory_space<vmem>>) dst(%dma_wait3A_35 : memref<4096x64xf32, #tpu.memory_space<vmem_shared>>)
    %dma_wait3A_36 = arith.constant 0 : i32
    %dma_wait3A_37 = arith.constant 0 : i32
    %dma_wait3A_38 = tpu.memref_slice %arg6[%dma_wait3A_36, %dma_wait3A_37] : memref<4096x64xf32, #tpu.memory_space<vmem_shared>> -> memref<4096x64xf32, #tpu.memory_space<vmem_shared>>
    tpu.wait_indirect_dma semaphore(%arg31 : memref<!tpu.dma_semaphore, #tpu.memory_space<semaphore_mem>>) src(%arg11 : memref<128x64xf32, #tpu.memory_space<vmem>>) dst(%dma_wait3A_38 : memref<4096x64xf32, #tpu.memory_space<vmem_shared>>)
    %barrier3A_39 = arith.constant 0 : index
    tpu.barrier barrier_id(%barrier3A_39)
    %mul3A_40 = arith.constant 256 : i32
    %mul3A_41 = arith.muli %arg1, %mul3A_40 : i32
    %mul3A_42 = arith.constant 256 : i32
    %mul3A_43 = arith.muli %arg1, %mul3A_42 : i32
    "tpu.region"() ({
      %run_scoped3A = tpu.sem_alloc : memref<!tpu.dma_semaphore, #tpu.memory_space<semaphore_mem>>
      %dma_start3A = arith.constant 0 : i32
      %dma_start3A_44 = tpu.memref_slice %arg5[%arg0, %mul3A_43, %dma_start3A] : memref<2x4096x64xf32, #tpu.memory_space<hbm>> -> memref<1x256x64xf32, #tpu.memory_space<hbm>>
      %dma_start3A_45 = tpu.memref_squeeze %dma_start3A_44 : memref<1x256x64xf32, #tpu.memory_space<hbm>> -> memref<256x64xf32, #tpu.memory_space<hbm>>
      %dma_start3A_46 = arith.constant 0 : i32
      %dma_start3A_47 = tpu.memref_slice %arg6[%mul3A_41, %dma_start3A_46] : memref<4096x64xf32, #tpu.memory_space<vmem_shared>> -> memref<256x64xf32, #tpu.memory_space<vmem_shared>>
      tpu.enqueue_dma source(%dma_start3A_47 : memref<256x64xf32, #tpu.memory_space<vmem_shared>>) target(%dma_start3A_45 : memref<256x64xf32, #tpu.memory_space<hbm>>) target_semaphore(%run_scoped3A : memref<!tpu.dma_semaphore, #tpu.memory_space<semaphore_mem>>)
      %dma_wait3A_48 = arith.constant 0 : i32
      %dma_wait3A_49 = tpu.memref_slice %arg5[%arg0, %mul3A_43, %dma_wait3A_48] : memref<2x4096x64xf32, #tpu.memory_space<hbm>> -> memref<1x256x64xf32, #tpu.memory_space<hbm>>
      %dma_wait3A_50 = tpu.memref_squeeze %dma_wait3A_49 : memref<1x256x64xf32, #tpu.memory_space<hbm>> -> memref<256x64xf32, #tpu.memory_space<hbm>>
      %dma_wait3A_51 = arith.constant 0 : i32
      %dma_wait3A_52 = tpu.memref_slice %arg6[%mul3A_41, %dma_wait3A_51] : memref<4096x64xf32, #tpu.memory_space<vmem_shared>> -> memref<256x64xf32, #tpu.memory_space<vmem_shared>>
      tpu.wait_dma2 semaphore(%run_scoped3A : memref<!tpu.dma_semaphore, #tpu.memory_space<semaphore_mem>>) src(%dma_wait3A_52 : memref<256x64xf32, #tpu.memory_space<vmem_shared>>) dst(%dma_wait3A_50 : memref<256x64xf32, #tpu.memory_space<hbm>>)
      tpu.yield
    }) : () -> ()
    return
  }
}

module attributes {stable_mosaic.version = 14 : i64} {
  func.func @body(%arg0: i32, %arg1: memref<64x4096xf32, #tpu.memory_space<vmem>>, %arg2: memref<4096x64xf32, #tpu.memory_space<vmem>>) attributes {dimension_semantics = [#tpu.dimension_semantics<arbitrary>], iteration_bounds = array<i64: 25>, scalar_prefetch = 0 : i64, scratch_operands = 0 : i64, tpu.core_type = #tpu.core_type<tc>, window_params = [{transform_indices = @transform_0, window_bounds = array<i64: 64, 4096>}, {transform_indices = @transform_1, window_bounds = array<i64: 4096, 64>}]} {
    %get3A = arith.constant 0 : index
    %get3A_0 = arith.constant 0 : index
    %get3A_1 = vector.load %arg1[%get3A, %get3A_0] : memref<64x4096xf32, #tpu.memory_space<vmem>>, vector<64x4096xf32>
    %transpose3A = tpu.transpose %get3A_1, [1, 0] : vector<64x4096xf32> -> vector<4096x64xf32>
    %swap3A = arith.constant 0 : index
    %swap3A_2 = arith.constant 0 : index
    %swap3A_3 = vector.load %arg2[%swap3A, %swap3A_2] : memref<4096x64xf32, #tpu.memory_space<vmem>>, vector<4096x64xf32>
    tpu.vector_store %arg2[%swap3A, %swap3A_2], %transpose3A {strides = array<i32>} : memref<4096x64xf32, #tpu.memory_space<vmem>>, vector<4096x64xf32>,
    return
  }
  func.func @transform_0(%arg0: i32) -> (i32, i32) {
    %add3A = arith.constant 50 : i32
    %add3A_0 = arith.addi %add3A, %arg0 : i32
    %c0_i32 = arith.constant 0 : i32
    %c0_i32_1 = arith.constant 0 : i32
    return %c0_i32, %add3A_0 : i32, i32
  }
  func.func @transform_1(%arg0: i32) -> (i32, i32) {
    %c0_i32 = arith.constant 0 : i32
    %c0_i32_0 = arith.constant 0 : i32
    return %arg0, %c0_i32 : i32, i32
  }
}

module attributes {stable_mosaic.version = 14 : i64} {
  func.func @body(%arg0: i32, %arg1: memref<64x4096xf32, #tpu.memory_space<vmem>>, %arg2: memref<4096x64xf32, #tpu.memory_space<vmem>>) attributes {dimension_semantics = [#tpu.dimension_semantics<arbitrary>], iteration_bounds = array<i64: 25>, scalar_prefetch = 0 : i64, scratch_operands = 0 : i64, tpu.core_type = #tpu.core_type<tc>, window_params = [{transform_indices = @transform_0, window_bounds = array<i64: 64, 4096>}, {transform_indices = @transform_1, window_bounds = array<i64: 4096, 64>}]} {
    %get3A = arith.constant 0 : index
    %get3A_0 = arith.constant 0 : index
    %get3A_1 = vector.load %arg1[%get3A, %get3A_0] : memref<64x4096xf32, #tpu.memory_space<vmem>>, vector<64x4096xf32>
    %transpose3A = tpu.transpose %get3A_1, [1, 0] : vector<64x4096xf32> -> vector<4096x64xf32>
    %swap3A = arith.constant 0 : index
    %swap3A_2 = arith.constant 0 : index
    %swap3A_3 = vector.load %arg2[%swap3A, %swap3A_2] : memref<4096x64xf32, #tpu.memory_space<vmem>>, vector<4096x64xf32>
    tpu.vector_store %arg2[%swap3A, %swap3A_2], %transpose3A {strides = array<i32>} : memref<4096x64xf32, #tpu.memory_space<vmem>>, vector<4096x64xf32>,
    return
  }
  func.func @transform_0(%arg0: i32) -> (i32, i32) {
    %add3A = arith.constant 75 : i32
    %add3A_0 = arith.addi %add3A, %arg0 : i32
    %c0_i32 = arith.constant 0 : i32
    %c0_i32_1 = arith.constant 0 : i32
    return %c0_i32, %add3A_0 : i32, i32
  }
  func.func @transform_1(%arg0: i32) -> (i32, i32) {
    %c0_i32 = arith.constant 0 : i32
    %c0_i32_0 = arith.constant 0 : i32
    return %arg0, %c0_i32 : i32, i32
  }
}

module attributes {stable_mosaic.version = 14 : i64} {
  func.func @body(%arg0: i32, %arg1: memref<64x4096xf32, #tpu.memory_space<vmem>>, %arg2: memref<4096x64xf32, #tpu.memory_space<vmem>>) attributes {dimension_semantics = [#tpu.dimension_semantics<arbitrary>], iteration_bounds = array<i64: 25>, scalar_prefetch = 0 : i64, scratch_operands = 0 : i64, tpu.core_type = #tpu.core_type<tc>, window_params = [{transform_indices = @transform_0, window_bounds = array<i64: 64, 4096>}, {transform_indices = @transform_1, window_bounds = array<i64: 4096, 64>}]} {
    %get3A = arith.constant 0 : index
    %get3A_0 = arith.constant 0 : index
    %get3A_1 = vector.load %arg1[%get3A, %get3A_0] : memref<64x4096xf32, #tpu.memory_space<vmem>>, vector<64x4096xf32>
    %transpose3A = tpu.transpose %get3A_1, [1, 0] : vector<64x4096xf32> -> vector<4096x64xf32>
    %swap3A = arith.constant 0 : index
    %swap3A_2 = arith.constant 0 : index
    %swap3A_3 = vector.load %arg2[%swap3A, %swap3A_2] : memref<4096x64xf32, #tpu.memory_space<vmem>>, vector<4096x64xf32>
    tpu.vector_store %arg2[%swap3A, %swap3A_2], %transpose3A {strides = array<i32>} : memref<4096x64xf32, #tpu.memory_space<vmem>>, vector<4096x64xf32>,
    return
  }
  func.func @transform_0(%arg0: i32) -> (i32, i32) {
    %add3A = arith.constant 0 : i32
    %add3A_0 = arith.addi %add3A, %arg0 : i32
    %c0_i32 = arith.constant 0 : i32
    %c0_i32_1 = arith.constant 0 : i32
    return %c0_i32, %add3A_0 : i32, i32
  }
  func.func @transform_1(%arg0: i32) -> (i32, i32) {
    %c0_i32 = arith.constant 0 : i32
    %c0_i32_0 = arith.constant 0 : i32
    return %arg0, %c0_i32 : i32, i32
  }
}

module attributes {stable_mosaic.version = 14 : i64} {
  func.func @body(%arg0: i32, %arg1: memref<64x4096xf32, #tpu.memory_space<vmem>>, %arg2: memref<4096x64xf32, #tpu.memory_space<vmem>>) attributes {dimension_semantics = [#tpu.dimension_semantics<arbitrary>], iteration_bounds = array<i64: 25>, scalar_prefetch = 0 : i64, scratch_operands = 0 : i64, tpu.core_type = #tpu.core_type<tc>, window_params = [{transform_indices = @transform_0, window_bounds = array<i64: 64, 4096>}, {transform_indices = @transform_1, window_bounds = array<i64: 4096, 64>}]} {
    %get3A = arith.constant 0 : index
    %get3A_0 = arith.constant 0 : index
    %get3A_1 = vector.load %arg1[%get3A, %get3A_0] : memref<64x4096xf32, #tpu.memory_space<vmem>>, vector<64x4096xf32>
    %transpose3A = tpu.transpose %get3A_1, [1, 0] : vector<64x4096xf32> -> vector<4096x64xf32>
    %swap3A = arith.constant 0 : index
    %swap3A_2 = arith.constant 0 : index
    %swap3A_3 = vector.load %arg2[%swap3A, %swap3A_2] : memref<4096x64xf32, #tpu.memory_space<vmem>>, vector<4096x64xf32>
    tpu.vector_store %arg2[%swap3A, %swap3A_2], %transpose3A {strides = array<i32>} : memref<4096x64xf32, #tpu.memory_space<vmem>>, vector<4096x64xf32>,
    return
  }
  func.func @transform_0(%arg0: i32) -> (i32, i32) {
    %add3A = arith.constant 25 : i32
    %add3A_0 = arith.addi %add3A, %arg0 : i32
    %c0_i32 = arith.constant 0 : i32
    %c0_i32_1 = arith.constant 0 : i32
    return %c0_i32, %add3A_0 : i32, i32
  }
  func.func @transform_1(%arg0: i32) -> (i32, i32) {
    %c0_i32 = arith.constant 0 : i32
    %c0_i32_0 = arith.constant 0 : i32
    return %arg0, %c0_i32 : i32, i32
  }
}

module attributes {stable_mosaic.version = 14 : i64} {
  func.func @body(%arg0: memref<2x4096x64xf32, #tpu.memory_space<vmem>>, %arg1: memref<2x4096x64xf32, #tpu.memory_space<vmem>>, %arg2: memref<2x4096x64xf32, #tpu.memory_space<vmem>>, %arg3: memref<2x4096x64xf32, #tpu.memory_space<vmem>>, %arg4: memref<2x4096x16xf32, #tpu.memory_space<vmem>>, %arg5: memref<4096x65xf32, #tpu.memory_space<vmem>>) attributes {dimension_semantics = [], scalar_prefetch = 0 : i64, scratch_operands = 0 : i64, tpu.core_type = #tpu.core_type<tc>} {
    %get3A = arith.constant 0 : index
    %get3A_0 = arith.constant 0 : index
    %get3A_1 = arith.constant 0 : index
    %get3A_2 = vector.load %arg4[%get3A, %get3A_0, %get3A_1] : memref<2x4096x16xf32, #tpu.memory_space<vmem>>, vector<2x4096x16xf32>
    %get3A_3 = arith.constant 0 : index
    %get3A_4 = arith.constant 0 : index
    %get3A_5 = arith.constant 0 : index
    %get3A_6 = vector.load %arg0[%get3A_3, %get3A_4, %get3A_5] : memref<2x4096x64xf32, #tpu.memory_space<vmem>>, vector<2x4096x64xf32>
    %slice3A = vector.extract_strided_slice %get3A_6 {offsets = [0, 0, 0], sizes = [1, 4096, 64], strides = [1, 1, 1]} : vector<2x4096x64xf32> to vector<1x4096x64xf32>
    %squeeze3A = vector.shape_cast %slice3A : vector<1x4096x64xf32> to vector<4096x64xf32>
    %slice3A_7 = vector.extract_strided_slice %get3A_6 {offsets = [1, 0, 0], sizes = [1, 4096, 64], strides = [1, 1, 1]} : vector<2x4096x64xf32> to vector<1x4096x64xf32>
    %squeeze3A_8 = vector.shape_cast %slice3A_7 : vector<1x4096x64xf32> to vector<4096x64xf32>
    %add3A = arith.addf %squeeze3A, %squeeze3A_8 : vector<4096x64xf32>
    %get3A_9 = arith.constant 0 : index
    %get3A_10 = arith.constant 0 : index
    %get3A_11 = arith.constant 0 : index
    %get3A_12 = vector.load %arg1[%get3A_9, %get3A_10, %get3A_11] : memref<2x4096x64xf32, #tpu.memory_space<vmem>>, vector<2x4096x64xf32>
    %slice3A_13 = vector.extract_strided_slice %get3A_12 {offsets = [0, 0, 0], sizes = [1, 4096, 64], strides = [1, 1, 1]} : vector<2x4096x64xf32> to vector<1x4096x64xf32>
    %squeeze3A_14 = vector.shape_cast %slice3A_13 : vector<1x4096x64xf32> to vector<4096x64xf32>
    %add3A_15 = arith.addf %add3A, %squeeze3A_14 : vector<4096x64xf32>
    %slice3A_16 = vector.extract_strided_slice %get3A_12 {offsets = [1, 0, 0], sizes = [1, 4096, 64], strides = [1, 1, 1]} : vector<2x4096x64xf32> to vector<1x4096x64xf32>
    %squeeze3A_17 = vector.shape_cast %slice3A_16 : vector<1x4096x64xf32> to vector<4096x64xf32>
    %add3A_18 = arith.addf %add3A_15, %squeeze3A_17 : vector<4096x64xf32>
    %get3A_19 = arith.constant 0 : index
    %get3A_20 = arith.constant 0 : index
    %get3A_21 = arith.constant 0 : index
    %get3A_22 = vector.load %arg2[%get3A_19, %get3A_20, %get3A_21] : memref<2x4096x64xf32, #tpu.memory_space<vmem>>, vector<2x4096x64xf32>
    %slice3A_23 = vector.extract_strided_slice %get3A_22 {offsets = [0, 0, 0], sizes = [1, 4096, 64], strides = [1, 1, 1]} : vector<2x4096x64xf32> to vector<1x4096x64xf32>
    %squeeze3A_24 = vector.shape_cast %slice3A_23 : vector<1x4096x64xf32> to vector<4096x64xf32>
    %add3A_25 = arith.addf %add3A_18, %squeeze3A_24 : vector<4096x64xf32>
    %slice3A_26 = vector.extract_strided_slice %get3A_22 {offsets = [1, 0, 0], sizes = [1, 4096, 64], strides = [1, 1, 1]} : vector<2x4096x64xf32> to vector<1x4096x64xf32>
    %squeeze3A_27 = vector.shape_cast %slice3A_26 : vector<1x4096x64xf32> to vector<4096x64xf32>
    %add3A_28 = arith.addf %add3A_25, %squeeze3A_27 : vector<4096x64xf32>
    %get3A_29 = arith.constant 0 : index
    %get3A_30 = arith.constant 0 : index
    %get3A_31 = arith.constant 0 : index
    %get3A_32 = vector.load %arg3[%get3A_29, %get3A_30, %get3A_31] : memref<2x4096x64xf32, #tpu.memory_space<vmem>>, vector<2x4096x64xf32>
    %slice3A_33 = vector.extract_strided_slice %get3A_32 {offsets = [0, 0, 0], sizes = [1, 4096, 64], strides = [1, 1, 1]} : vector<2x4096x64xf32> to vector<1x4096x64xf32>
    %squeeze3A_34 = vector.shape_cast %slice3A_33 : vector<1x4096x64xf32> to vector<4096x64xf32>
    %add3A_35 = arith.addf %add3A_28, %squeeze3A_34 : vector<4096x64xf32>
    %slice3A_36 = vector.extract_strided_slice %get3A_32 {offsets = [1, 0, 0], sizes = [1, 4096, 64], strides = [1, 1, 1]} : vector<2x4096x64xf32> to vector<1x4096x64xf32>
    %squeeze3A_37 = vector.shape_cast %slice3A_36 : vector<1x4096x64xf32> to vector<4096x64xf32>
    %add3A_38 = arith.addf %add3A_35, %squeeze3A_37 : vector<4096x64xf32>
    %slice3A_39 = vector.extract_strided_slice %get3A_2 {offsets = [0, 0, 0], sizes = [1, 4096, 1], strides = [1, 1, 1]} : vector<2x4096x16xf32> to vector<1x4096x1xf32>
    %squeeze3A_40 = vector.shape_cast %slice3A_39 : vector<1x4096x1xf32> to vector<4096x1xf32>
    %slice3A_41 = vector.extract_strided_slice %get3A_2 {offsets = [1, 0, 0], sizes = [1, 4096, 1], strides = [1, 1, 1]} : vector<2x4096x16xf32> to vector<1x4096x1xf32>
    %squeeze3A_42 = vector.shape_cast %slice3A_41 : vector<1x4096x1xf32> to vector<4096x1xf32>
    %add3A_43 = arith.addf %squeeze3A_40, %squeeze3A_42 : vector<4096x1xf32>
    %div3A = vector.broadcast %add3A_43 : vector<4096x1xf32> to vector<4096x64xf32>
    %div3A_44 = arith.divf %add3A_38, %div3A : vector<4096x64xf32>
    %broadcast_in_dim3A = arith.constant 0.000000e+00 : f32
    %broadcast_in_dim3A_45 = vector.broadcast %broadcast_in_dim3A : f32 to vector<4096x1xf32>
    %concatenate3A = tpu.concatenate %div3A_44, %broadcast_in_dim3A_45 in 1 : vector<4096x64xf32>, vector<4096x1xf32> -> vector<4096x65xf32>
    %swap3A = arith.constant 0 : index
    %swap3A_46 = arith.constant 0 : index
    %swap3A_47 = vector.load %arg5[%swap3A, %swap3A_46] : memref<4096x65xf32, #tpu.memory_space<vmem>>, vector<4096x65xf32>
    tpu.vector_store %arg5[%swap3A, %swap3A_46], %concatenate3A {strides = array<i32>} : memref<4096x65xf32, #tpu.memory_space<vmem>>, vector<4096x65xf32>,
    return
  }
}

</mosaic_0001>

<sc_bundles>
// kernel: kernel.12.cloned.1.call-start
scs
__scs_entry_jumppad:
0x0: {  	(pc) =	sbr.rel $0x88, $3  }
0x1: {  	(tag) =	ssettag $0x0;
	lr =	simm.s32 $0x1  }
0x2: {  	[smem:$0x3F9F] =	sst lr;
	_ =	strace $0xD0000000  }
0x3: {  	_ = 	snop  }
0x4: {  	_ = 	snop  }
0x5: {  	_ = 	snop  }
0x6: {  	_ = 	snop  }
0x7: {  	_ = 	snop  }
__scs_overlays_trampoline_lowered:
0x8: {  	[smem:$0x3FAE] =	sst s0  }
0x9: {  	[smem:$0x3FAF] =	sst s1  }
0xa: {  	[smem:$0x3FB0] =	sst s2  }
0xb: {  	[smem:$0x3FB1] =	sst s3  }
0xc: {  	[smem:$0x3FB2] =	sst s4  }
0xd: {  	[smem:$0x3FB3] =	sst s5  }
0xe: {  	[smem:$0x3FB4] =	sst s6  }
0xf: {  	[smem:$0x3FB5] =	sst s7  }
0x10: {  	[smem:$0x3FB6] =	sst s8  }
0x11: {  	[smem:$0x3FB7] =	sst s9;
	s0 =	simm.s32 @!p0 $0x0  }
0x12: {  	s1 =	sld [smem:$0x3F9D];
	s0 =	simm.s32 @p0 $0x1  }
0x13: {  	[smem:$0x3FB8] =	sst s0;
	s0 =	simm.s32 @!p1 $0x0  }
0x14: {  	s2 =	sld [smem:$0x3F9C];
	s0 =	simm.s32 @p1 $0x1  }
0x15: {  	[smem:$0x3FB9] =	sst s0;
	s0 =	simm.s32 @!p2 $0x0  }
0x16: {  	s3 =	sld [smem:$0x3FDB];
	s0 =	simm.s32 @p2 $0x1  }
0x17: {  	s4 =	simm.s32 $0x1BF5;
	[smem:$0x3FBB] =	sst s0  }
0x18: {  	s0 =	sld [smem:$0x3F9E];
	_ =	swait.ge [sflag:s4], $0x0  }
0x19: {  	s7 =	sld [smem:$0x3F9F]  }
0x1a: {  	s8 =	sadd.s32 $0xFFFFE003, lr  }
0x1b: {  	s9 =	sadd.s32 $0xFFFFFEF7, lr;
	s5 =	simm.s32 $0xFFFFFFFF;
	p2 =	slt.u32 s8, $0xFFFFF086  }
0x1c: {  	p1 =	slt.u32 s9, $0xF7A;
	s5 =	simm.s32 @!p2 $0x0  }
0x1d: {  	s5 =	simm.s32 @p1 $0x1;
	p0 =	seq.s32 s7, s2  }
0x1e: {  	s7 =	smul.u32 @!p0 $0xF7A, s2;
	p2 =	seq.s32 @!p0 s5, $0x0  }
0x1f: {  	s9 =	smul.u32 $0xF7A, s1;
	s8 =	simm.s32 @!p0 $0x1BF5;
	p2 =	por !p2, p0  }
0x20: {  	[sflag:s8] =	ssyncset.s32 @!p0 $0xFFFFF086;
	s6 =	sadd.s32 @!p0 s3, s7;
	s7 =	simm.s32 @!p0 $0x108  }
0x21: {  	s3 =	sadd.s32 s3, s9;
	s6 =	sadd.s32 @!p0 $0x88, s6;
	s7 =	simm.s32 @p2 $0x1082  }
0x22: {  	[simem:s7], [sflag:s8] =	dma.local @!p0 [hbm:s6], $0xF7A  }
0x23: {  	s9 =	sor.u32 $0xD0000000, s2;
	s6 =	simm.s32 $0x108;
	_ =	swait.ge @!p0 [sflag:s8], $0x0  }
0x24: {  	s3 =	sadd.s32 $0x88, s3;
	s6 =	simm.s32 @!p1 $0x1082;
	[sflag:s4] =	ssyncset.s32 $0xFFFFF086  }
0x25: {  	[simem:s6], [sflag:s4] =	dma.local [hbm:s3], $0xF7A  }
0x26: {  	[smem:$0x3F9F] =	sst s1;
	(tag) =	ssettag s2;
	_ =	strace s9  }
0x27: {  	s1 =	sld [smem:$0x3FAF]  }
0x28: {  	s2 =	sld [smem:$0x3FB0]  }
0x29: {  	s4 =	sld [smem:$0x3FB2]  }
0x2a: {  	p0 =	seq.s32 s5, $0x0;
	s5 =	sld [smem:$0x3FB3]  }
0x2b: {  	s6 =	sld [smem:$0x3FB4]  }
0x2c: {  	s7 =	sld [smem:$0x3FB5]  }
0x2d: {  	s3 =	simm.s32 $0x108;
	s8 =	sld [smem:$0x3FB6]  }
0x2e: {  	s3 =	simm.s32 @!p0 $0x1082;
	s9 =	sld [smem:$0x3FB7]  }
0x2f: {  	lr =	sadd.s32 s0, s3;
	s0 =	sld [smem:$0x3FAE]  }
0x30: {  	s3 =	sld [smem:$0x3FB1]  }
0x31: {  	[smem:$0x3FBA] =	sst s10  }
0x32: {  	s10 =	sld [smem:$0x3FB8];
	_ =	sdelay $0x3  }
0x33: {  	p0 =	seq.s32 s10, $0x1;
	s10 =	sld [smem:$0x3FBA];
	_ =	sdelay $0x3  }
0x34: {  	[smem:$0x3FBA] =	sst s10  }
0x35: {  	s10 =	sld [smem:$0x3FB9];
	_ =	sdelay $0x3  }
0x36: {  	p1 =	seq.s32 s10, $0x1;
	s10 =	sld [smem:$0x3FBA];
	_ =	sdelay $0x3  }
0x37: {  	[smem:$0x3FBA] =	sst s10  }
0x38: {  	s10 =	sld [smem:$0x3FBB]  }
0x39: {  	_ = 	snop;
	(pc) =	sbr.ind lr, $3  }
0x3a: {  	_ = 	snop  }
0x3b: {  	_ = 	snop  }
0x3c: {  	p2 =	seq.s32 s10, $0x1;
	s10 =	sld [smem:$0x3FBA]  }
0x3d: {  	_ =	shalt  }
0x3e: {  	_ =	shalt  }
0x3f: {  	_ =	shalt  }
0x40: {  	_ =	shalt  }
0x41: {  	_ =	shalt  }
0x42: {  	_ =	shalt  }
0x43: {  	_ =	shalt  }
0x44: {  	_ =	shalt  }
0x45: {  	_ =	shalt  }
0x46: {  	_ =	shalt  }
0x47: {  	_ =	shalt  }
0x48: {  	_ =	shalt  }
0x49: {  	_ =	shalt  }
0x4a: {  	_ =	shalt  }
0x4b: {  	_ =	shalt  }
0x4c: {  	_ =	shalt  }
0x4d: {  	_ =	shalt  }
0x4e: {  	_ =	shalt  }
0x4f: {  	_ =	shalt  }
0x50: {  	_ =	shalt  }
0x51: {  	_ =	shalt  }
0x52: {  	_ =	shalt  }
0x53: {  	_ =	shalt  }
0x54: {  	_ =	shalt  }
0x55: {  	_ =	shalt  }
0x56: {  	_ =	shalt  }
0x57: {  	_ =	shalt  }
0x58: {  	_ =	shalt  }
0x59: {  	_ =	shalt  }
0x5a: {  	_ =	shalt  }
0x5b: {  	_ =	shalt  }
0x5c: {  	_ =	shalt  }
0x5d: {  	_ =	shalt  }
0x5e: {  	_ =	shalt  }
0x5f: {  	_ =	shalt  }
0x60: {  	_ =	shalt  }
0x61: {  	_ =	shalt  }
0x62: {  	_ =	shalt  }
0x63: {  	_ =	shalt  }
0x64: {  	_ =	shalt  }
0x65: {  	_ =	shalt  }
0x66: {  	_ =	shalt  }
0x67: {  	_ =	shalt  }
0x68: {  	_ =	shalt  }
0x69: {  	_ =	shalt  }
0x6a: {  	_ =	shalt  }
0x6b: {  	_ =	shalt  }
0x6c: {  	_ =	shalt  }
0x6d: {  	_ =	shalt  }
0x6e: {  	_ =	shalt  }
0x6f: {  	_ =	shalt  }
0x70: {  	_ =	shalt  }
0x71: {  	_ =	shalt  }
0x72: {  	_ =	shalt  }
0x73: {  	_ =	shalt  }
0x74: {  	_ =	shalt  }
0x75: {  	_ =	shalt  }
0x76: {  	_ =	shalt  }
0x77: {  	_ =	shalt  }
0x78: {  	_ =	shalt  }
0x79: {  	_ =	shalt  }
0x7a: {  	_ =	shalt  }
0x7b: {  	_ =	shalt  }
0x7c: {  	_ =	shalt  }
0x7d: {  	_ =	shalt  }
0x7e: {  	_ =	shalt  }
0x7f: {  	_ =	shalt  }
0x80: {  	_ =	shalt  }
0x81: {  	_ =	shalt  }
0x82: {  	_ =	shalt  }
0x83: {  	_ =	shalt  }
0x84: {  	_ =	shalt  }
0x85: {  	_ =	shalt  }
0x86: {  	_ =	shalt  }
0x87: {  	_ =	shalt  }
.Lfunc_end0:
.L_simem_size_0:
called_computation_lowered:
.L_overlay_start_0:
0x88: {  	s2 =	sld [smem:$0x3FD9]  }
0x89: {  	s3 =	sld [smem:$0x3FFE];
	_ =	sdelay $0x1  }
0x8a: {  	s1 =	srdreg.scid  }
0x8b: {  	s0 =	sand.u32 $0x1, s1  }
0x8c: {  	s17 =	sshll.u32 s0, $0xA;
	s2 =	sadd.s32 s3, s2  }
0x8d: {  	s2 =	sadd.s32 s2, s17  }
0x8e: {  	[smem:$0x3FC6] =	sst s2  }
0x8f: {  	_ = 	snop  }
0x90: {  	s2 =	sld [smem:$0x3FC8];
	(tm) =	ssettm $0x1  }
0x91: {  	s18 =	sld [smem:$0x3FFB];
	_ =	sdelay $0x3  }
0x92: {  	_ =	strace s18  }
0x93: {  	s3 =	sld [smem:$0x3FFC];
	_ =	sdelay $0x3  }
0x94: {  	_ =	strace s3  }
0x95: {  	s3 =	sld [smem:$0x3FFD];
	_ =	sdelay $0x3  }
0x96: {  	_ =	strace s3  }
0x97: {  	_ =	strace $0x8FFFFFFF  }
0x98: {  	s19 =	sld [smem:$0x3FDB];
	_ =	sdelay $0x1  }
0x99: {  	s4 =	simm.s32 $_scs_section_size  }
0x9a: {  	s5 =	simm.s32 $_size__tile_overlayer_lowered;
	s6 =	simm.s32 $_tile_overlayer_lowered  }
0x9b: {  	s22 =	simm.s32 $0x1BFF;
	s21 =	sshll.u32 s6, $0x1;
	s3 =	sadd.s32 s4, s19  }
0x9c: {  	s7 =	simm.s32 $0x0;
	s20 =	sshll.u32 s5, $0x1;
	s5 =	sadd.s32 s21, s3  }
0x9d: {  	[timem:s7], [sflag:s22] =	dma.local [hbm:s5], s20  }
0x9e: {  	_ =	swait.ge [sflag:s22], s20  }
0x9f: {  	s4 =	ssub.s32 $0x0, s20;
	[sflag:s22] =	ssyncset.done $0x0  }
0xa0: {  	[sflag:s22] =	ssyncadd.s32 s4;
	_ =	sdelay $0x1  }
0xa1: {  	s23 =	simm.s32 $0x1B8B  }
0xa2: {  	_ =	swait.ge [sflag:s23], $0x1  }
0xa3: {  	[sflag:s23] =	ssyncset.done $0x0  }
0xa4: {  	s25 =	simm.s32 $0x1B8E;
	s24 =	sld [smem:$0x3FFE];
	[sflag:s23] =	ssyncadd.s32 $0xFFFFFFFF  }
0xa5: {  	s26 =	simm.s32 $execute0_lowered;
	[smem:$0x3FD2] =	sst s25  }
0xa6: {  	s5 =	sshll.u32 s26, $0x1;
	_ =	strace $0x80000046;
	[dreg:$0x1] =	wrdreg $0xFFFFFFFF  }
0xa7: {  	s28 =	simm.s32 $_size_execute0_lowered;
	s3 =	sadd.s32 s3, s5;
	[dreg:$0x0] =	wrdreg $0x0  }
0xa8: {  	s5 =	sshll.u32 s28, $0x1;
	[dreg:$0x2] =	wrdreg s3  }
0xa9: {  	[dreg:$0x3] =	wrdreg s5  }
0xaa: {  	[dreg:$0x4] =	wrdreg $0xC0  }
0xab: {  	_ =	task [dreg:s7], $0x5FFFF  }
0xac: {  	[dreg:$0x1] =	wrdreg $0xFFFFFFFF  }
0xad: {  	[dreg:$0x0] =	wrdreg $0x60  }
0xae: {  	[dreg:$0x2] =	wrdreg s2  }
0xaf: {  	[dreg:$0x3] =	wrdreg s24  }
0xb0: {  	[dreg:$0x4] =	wrdreg $0x0  }
0xb1: {  	[dreg:$0x5] =	wrdreg $0x9  }
0xb2: {  	_ =	task.clear_ibuf [dreg:s7], $0x6FFFF;
	_ =	strace $0x90000046  }
0xb3: {  	s29 =	simm.s32 $0x9;
	_ =	strace $0x80000048  }
0xb4: {  	_ =	swait.ge [sflag:s29], $0x1  }
0xb5: {  	[sflag:s29] =	ssyncadd.s32 $0xFFFFFFFF  }
0xb6: {  	_ =	strace $0x90000048  }
0xb7: {  	_ =	sfence  }
0xb8: {  	s30 =	sld [smem:$0x0];
	_ =	sdelay $0x2  }
0xb9: {  	s31 =	sshll.u32 s1, $0xD;
	s1 =	sshrl.u32 s1, $0x2  }
0xba: {  	s3 =	sand.u32 $0x4000, s31;
	s1 =	sadd.s32 s1, s30  }
0xbb: {  	s0 =	sor.u32 s3, s0;
	s1 =	sshll.u32 s1, $0x11  }
0xbc: {  	s0 =	sor.u32 s1, s0  }
0xbd: {  	s0 =	sadd.s32 $0x8F2B, s0  }
0xbe: {  	[sflag:s0] =	ssyncadd.remote.s32 $0x1  }
0xbf: {  	_ =	sfence.sel $0xFFFF  }
0xc0: {  	[dreg:$0x0] =	wrdreg $0xFFFFFFFF;
	(pc) =	sbr.abs _section_cstart, $3  }
0xc1: {  	[dreg:$0x1] =	wrdreg $0xFFFFFFFF  }
0xc2: {  	_ =	task.clear_ibuf [dreg:s7], $0x2FFFF;
	_ =	strace $0x9FFFFFFF  }
0xc3: {  	(tm) =	ssettm $0x7FFFFFFF  }
tec
execute0_lowered:
.L_overlay_start_1:
0x0: {  	(tag) =	ssettag $0x1  }
0x1: {  	s9 =	rddreg [dreg:$0x0]  }
0x2: {  	s0 =	srdreg.scid;
	s4 =	rddreg [dreg:$0x1]  }
0x3: {  	s2 =	rddreg [dreg:$0x2];
	s19 =	stileid.u32  }
0x4: {  	s3 =	simm.s32 $0x0;
	s15 =	simm.s32 $0x1000;
	s14 =	simm.s32 $0x80  }
0x5: {  	s16 =	simm.s32 $0x1080;
	s17 =	simm.s32 $0x3;
	s18 =	simm.s32 $0x4  }
0x6: {  	s7 =	sand.u32 $0x1, s0;
	[smem:$0x7FF] =	sst s3;
	s8 =	sshll.u32 s19, $0xC  }
0x7: {  	s21 =	sshll.u32 s19, $0xF;
	s13 =	smul.u32 $0x3200, s19;
	s5 =	sshll.u32 s7, $0x4  }
0x8: {  	s6 =	ssub.s32 $0x2, s7;
	_ =	strace $0x80000047;
	s8 =	sadd.s32 s8, s4  }
0x9: {  	s11 =	smul.u32 $0x32000, s7;
	s7 =	sshll.u32 s7, $0x10;
	[dreg:$0xb] =	wrdreg s15  }
0xa: {  	s15 =	simm.s32 $0x2;
	s5 =	sor.u32 s19, s5;
	s10 =	sshrl.u32 s6, $0x1  }
0xb: {  	s7 =	sadd.s32 s7, s8;
	s19 =	simm.s32 $0x1180;
	s5 =	smul.u32 $0x3200, s5  }
0xc: {  	s10 =	ssub.s32 s6, s10;
	s11 =	sadd.s32 s13, s11;
	s26 =	sadd.s32 $0x1C00, s7  }
0xd: {  	s13 =	simm.s32 $0x1;
	s24 =	sshrl.u32 s11, $0x3;
	s25 =	sadd.s32 $0x200, s11  }
0xe: {  	[dreg:$0xd] =	wrdreg s26;
	s29 =	sor.u32 $0x180, s11;
	s31 =	sor.u32 $0x100, s11  }
0xf: {  	s11 =	sor.u32 $0x80, s11;
	s26 =	simm.s32 $0x0;
	s20 =	sshrl.u32 s5, $0x3  }
0x10: {  	s5 =	sadd.s32 s21, s2;
	s8 =	sadd.s32 s24, s9;
	s30 =	sshrl.u32 s29, $0x3  }
0x11: {  	s11 =	sshrl.u32 s11, $0x3;
	s21 =	simm.s32 $0x6;
	s24 =	simm.s32 $0x9  }
0x12: {  	s4 =	sadd.s32 s9, s20;
	s22 =	sadd.s32 $0x4000, s5;
	[dreg:$0x6] =	wrdreg s8  }
0x13: {  	s8 =	sadd.s32 s30, s9;
	s20 =	simm.s32 $0x5;
	[dreg:$0xc] =	wrdreg s22  }
0x14: {  	s12 =	sadd.s32 $0x10, s4;
	s23 =	sadd.s32 $0x30, s4;
	[dreg:$0x8] =	wrdreg s8  }
0x15: {  	s8 =	smax.u32 s10, $0x1;
	s10 =	simm.s32 $0xB;
	[dreg:$0x4] =	wrdreg s12  }
0x16: {  	s22 =	simm.s32 $0x7;
	[dreg:$0x5] =	wrdreg s23;
	s12 =	sshrl.u32 s25, $0x3  }
0x17: {  	s23 =	simm.s32 $0x8;
	s28 =	sadd.s32 s12, s9;
	s12 =	sshrl.u32 s31, $0x3  }
0x18: {  	s25 =	simm.s32 $0xA;
	[dreg:$0x7] =	wrdreg s28;
	s12 =	sadd.s32 s12, s9  }
0x19: {  	s9 =	sadd.s32 s11, s9;
	s11 =	simm.s32 $0x1100;
	[dreg:$0x9] =	wrdreg s12  }
0x1a: {  	v0 =	vimm.f32 $0.0e+00;
	v1 =	vimm.f32 $1.000000000e+00;
	[dreg:$0xa] =	wrdreg s9;
	s9 =	simm.s32 $0x1280;
	s12 =	simm.s32 $0x1200  }
.LBB2_1:
0x1b: {  	s28 =	simm.s32 $0x200;
	s29 =	simm.s32 $0x0  }
.LBB2_2:
0x1c: {  	p0 =	sne.s32 s28, $0xFE00;
	[tilespmem:s29+$0x1280] =	vst v0;
	s29 =	smov.u32 s28;
	s28 =	sadd.s32 $0x200, s28  }
.Ltmp0:
0x1d: {  	(pc) =	sbr.rel @p0 .LBB2_2-.Ltmp0, $2  }
0x1e: {  	_ =	sdelay $0x2  }
0x1f: {  	s29 =	sshra.s32 s29, $0x2  }
0x20: {  	[tilespmem:s29+$0x1280] =	vst v0  }
0x21: {  	[spmem:s5] =	stream.linear.scatter [tilespmem:s9], [sflag:$0xB], $0x4000, $0x38;
	[tilespmem:$0x5280] =	vst v63  }
0x22: {  	_ =	swait.ge [sflag:s10], $0x4000  }
0x23: {  	[sflag:s10] =	ssyncset.done $0x0  }
0x24: {  	s0 =	rddreg [dreg:$0xc];
	[sflag:s10] =	ssyncadd.s32 $0xFFFFC000  }
0x25: {  	[spmem:s0] =	stream.linear.scatter [tilespmem:s9], [sflag:$0xB], $0x4000, $0x38;
	[tilespmem:$0x5280] =	vst v63  }
0x26: {  	_ =	swait.ge [sflag:s10], $0x4000  }
0x27: {  	[sflag:s10] =	ssyncset.done $0x0  }
0x28: {  	s28 =	simm.s32 $0x200;
	s29 =	simm.s32 $0x0;
	[sflag:s10] =	ssyncadd.s32 $0xFFFFC000  }
.LBB2_4:
0x29: {  	p0 =	sne.s32 s28, $0xFE00;
	[tilespmem:s29+$0x1280] =	vst v1;
	s29 =	smov.u32 s28;
	s28 =	sadd.s32 $0x200, s28  }
.Ltmp1:
0x2a: {  	(pc) =	sbr.rel @p0 .LBB2_4-.Ltmp1, $2  }
0x2b: {  	_ =	sdelay $0x2  }
0x2c: {  	s29 =	sshra.s32 s29, $0x2  }
0x2d: {  	p0 =	por $0x1, $0x1  }
0x2e: {  	[tilespmem:s29+$0x1280] =	vst v1;
	p0 =	por p0, p0  }
0x2f: {  	[bflag:$0x0] =	sbarrier.arrive $0xFFFF;
	s28 =	simm.s32 @p0 $0x0;
	s29 =	simm.s32 @p0 $0x1000  }
0x30: {  	[tilespmem:s29], [sflag:$0x1] =	stream.linear.gather @p0 [hbm4b:s4+s28], $0x80, $0x38;
	[tilespmem:$0x5280] =	vst v63  }
0x31: {  	s30 =	rddreg [dreg:$0x4];
	s31 =	simm.s32 @!p0 $0x6;
	s29 =	simm.s32 @p0 $0x1080  }
0x32: {  	[tilespmem:s29], [sflag:$0x2] =	stream.linear.gather @p0 [hbm4b:s30+s28], $0x80, $0x38;
	[tilespmem:$0x5280] =	vst v63  }
0x33: {  	s0 =	simm.s32 @!p0 $0x7;
	_ =	swait.ge @!p0 [sflag:s31], $0x800  }
0x34: {  	s30 =	simm.s32 @!p0 $0x1000;
	s29 =	rddreg [dreg:$0x6];
	[sflag:s31] =	ssyncset.done @!p0 $0x0  }
0x35: {  	[sflag:s31] =	ssyncadd.s32 @!p0 $0xFFFFF800;
	s29 =	sadd.s32 @!p0 $0x0, s29;
	s31 =	simm.s32 @!p0 $0x0  }
0x36: {  	[tilespmem:s30], [sflag:$0x1] =	stream.linear.gather @!p0 [hbm4b:s29+s31], $0x80, $0x38;
	[tilespmem:$0x5280] =	vst v63  }
0x37: {  	_ =	swait.ge @!p0 [sflag:s0], $0x800  }
0x38: {  	s30 =	simm.s32 @!p0 $0x8;
	s29 =	rddreg [dreg:$0xa];
	[sflag:s0] =	ssyncset.done @!p0 $0x0  }
0x39: {  	[sflag:s0] =	ssyncadd.s32 @!p0 $0xFFFFF800;
	s0 =	sadd.s32 @!p0 $0x0, s29;
	s29 =	simm.s32 @!p0 $0x1080  }
0x3a: {  	[tilespmem:s29], [sflag:$0x2] =	stream.linear.gather @!p0 [hbm4b:s0+s31], $0x80, $0x38;
	[tilespmem:$0x5280] =	vst v63  }
0x3b: {  	_ =	swait.ge @!p0 [sflag:s30], $0x800  }
0x3c: {  	s7 =	rddreg [dreg:$0x9];
	[sflag:s30] =	ssyncset.done @!p0 $0x0  }
0x3d: {  	[sflag:s30] =	ssyncadd.s32 @!p0 $0xFFFFF800;
	s0 =	sadd.s32 $0x0, s7  }
0x3e: {  	[tilespmem:s11], [sflag:$0x3] =	stream.linear.gather [hbm4b:s0+s3], $0x80, $0x38;
	[tilespmem:$0x5280] =	vst v63  }
0x3f: {  	s29 =	rddreg [dreg:$0x5];
	s30 =	simm.s32 @!p0 $0x9;
	s0 =	simm.s32 @p0 $0x1180  }
0x40: {  	[tilespmem:s0], [sflag:$0x4] =	stream.linear.gather @p0 [hbm4b:s29+s28], $0x80, $0x38;
	[tilespmem:$0x5280] =	vst v63  }
0x41: {  	_ =	swait.ge @!p0 [sflag:s30], $0x800  }
0x42: {  	s28 =	simm.s32 @!p0 $0xA;
	s0 =	rddreg [dreg:$0x8];
	[sflag:s30] =	ssyncset.done @!p0 $0x0  }
0x43: {  	s29 =	simm.s32 @!p0 $0x1180;
	[sflag:s30] =	ssyncadd.s32 @!p0 $0xFFFFF800;
	s0 =	sadd.s32 @!p0 $0x0, s0  }
0x44: {  	[tilespmem:s29], [sflag:$0x4] =	stream.linear.gather @!p0 [hbm4b:s0+s31], $0x80, $0x38;
	[tilespmem:$0x5280] =	vst v63  }
0x45: {  	_ =	swait.ge @!p0 [sflag:s28], $0x800  }
0x46: {  	s30 =	rddreg [dreg:$0x7];
	[sflag:s28] =	ssyncset.done @!p0 $0x0  }
0x47: {  	[sflag:s28] =	ssyncadd.s32 @!p0 $0xFFFFF800;
	s0 =	sadd.s32 $0x0, s30  }
0x48: {  	[tilespmem:s12], [sflag:$0x5] =	stream.linear.gather [hbm4b:s0+s3], $0x80, $0x38;
	[tilespmem:$0x5280] =	vst v63  }
0x49: {  	_ =	swait.ge [sflag:s13], $0x80  }
0x4a: {  	[sflag:s13] =	ssyncset.done $0x0  }
0x4b: {  	s31 =	rddreg [dreg:$0xb];
	[sflag:s13] =	ssyncadd.s32 $0xFFFFFF80  }
0x4c: {  	[spmem:s2] =	stream.indirect.scatter.add.f32 [tilespmem:s9], [sflag:$0x6], $0x10, s31, s14, $0xb8;
	[tilespmem:$0x5280] =	vst v63  }
0x4d: {  	_ =	swait.ge [sflag:s15], $0x80  }
0x4e: {  	[sflag:s15] =	ssyncset.done $0x0  }
0x4f: {  	[sflag:s15] =	ssyncadd.s32 $0xFFFFFF80  }
0x50: {  	[spmem:s2] =	stream.indirect.scatter.add.f32 [tilespmem:s9], [sflag:$0x7], $0x10, s16, s14, $0xb8;
	[tilespmem:$0x5280] =	vst v63  }
0x51: {  	_ =	swait.ge [sflag:s17], $0x80  }
0x52: {  	[sflag:s17] =	ssyncset.done $0x0  }
0x53: {  	[sflag:s17] =	ssyncadd.s32 $0xFFFFFF80  }
0x54: {  	[spmem:s2] =	stream.indirect.scatter.add.f32 [tilespmem:s9], [sflag:$0x8], $0x10, s11, s14, $0xb8;
	[tilespmem:$0x5280] =	vst v63  }
0x55: {  	_ =	swait.ge [sflag:s18], $0x80  }
0x56: {  	[sflag:s18] =	ssyncset.done $0x0  }
0x57: {  	[sflag:s18] =	ssyncadd.s32 $0xFFFFFF80  }
0x58: {  	[spmem:s2] =	stream.indirect.scatter.add.f32 [tilespmem:s9], [sflag:$0x9], $0x10, s19, s14, $0xb8;
	[tilespmem:$0x5280] =	vst v63  }
0x59: {  	_ =	swait.ge [sflag:s20], $0x80  }
0x5a: {  	p6 =	por $0x0, $0x0;
	s29 =	simm.s32 $0xA0;
	[sflag:s20] =	ssyncset.done $0x0  }
0x5b: {  	s28 =	simm.s32 $0x50;
	p0 =	por p6, p6;
	[sflag:s20] =	ssyncadd.s32 $0xFFFFFF80  }
.LBB2_6:
0x5c: {  	[spmem:s2] =	stream.indirect.scatter.add.f32 [tilespmem:s9], [sflag:$0xA], $0x10, s12, s14, $0xb8;
	[tilespmem:$0x5280] =	vst v63  }
0x5d: {  	s0 =	simm.s32 @p0 $0x0;
	s30 =	simm.s32 @p0 $0x1000  }
0x5e: {  	[tilespmem:s30], [sflag:$0x1] =	stream.linear.gather @p0 [hbm4b:s4+s0], $0x80, $0x38;
	[tilespmem:$0x5280] =	vst v63  }
0x5f: {  	s31 =	rddreg [dreg:$0x4];
	s1 =	simm.s32 @!p0 $0x6;
	s30 =	simm.s32 @p0 $0x1080  }
0x60: {  	[tilespmem:s30], [sflag:$0x2] =	stream.linear.gather @p0 [hbm4b:s31+s0], $0x80, $0x38;
	[tilespmem:$0x5280] =	vst v63  }
0x61: {  	s6 =	simm.s32 @!p0 $0x1000;
	_ =	swait.ge @!p0 [sflag:s1], $0x800  }
0x62: {  	s7 =	simm.s32 @!p0 $0x7;
	s31 =	rddreg [dreg:$0x6];
	[sflag:s1] =	ssyncset.done @!p0 $0x0  }
0x63: {  	[sflag:s1] =	ssyncadd.s32 @!p0 $0xFFFFF800;
	s1 =	sadd.s32 @!p0 s28, s31;
	s31 =	simm.s32 @!p0 $0x0  }
0x64: {  	[tilespmem:s6], [sflag:$0x1] =	stream.linear.gather @!p0 [hbm4b:s1+s31], $0x80, $0x38;
	[tilespmem:$0x5280] =	vst v63  }
0x65: {  	_ =	swait.ge @!p0 [sflag:s7], $0x800  }
0x66: {  	s6 =	simm.s32 @!p0 $0x8;
	s1 =	rddreg [dreg:$0xa];
	[sflag:s7] =	ssyncset.done @!p0 $0x0  }
0x67: {  	[sflag:s7] =	ssyncadd.s32 @!p0 $0xFFFFF800;
	s1 =	sadd.s32 @!p0 s28, s1;
	s7 =	simm.s32 @!p0 $0x1080  }
0x68: {  	[tilespmem:s7], [sflag:$0x2] =	stream.linear.gather @!p0 [hbm4b:s1+s31], $0x80, $0x38;
	[tilespmem:$0x5280] =	vst v63  }
0x69: {  	_ =	swait.ge @!p0 [sflag:s6], $0x800  }
0x6a: {  	s7 =	rddreg [dreg:$0x9];
	[sflag:s6] =	ssyncset.done @!p0 $0x0  }
0x6b: {  	[sflag:s6] =	ssyncadd.s32 @!p0 $0xFFFFF800;
	s1 =	sadd.s32 s28, s7  }
0x6c: {  	[tilespmem:s11], [sflag:$0x3] =	stream.linear.gather [hbm4b:s1+s3], $0x80, $0x38;
	[tilespmem:$0x5280] =	vst v63  }
0x6d: {  	s6 =	rddreg [dreg:$0x5];
	s7 =	simm.s32 @!p0 $0x9;
	s1 =	simm.s32 @p0 $0x1180  }
0x6e: {  	[tilespmem:s1], [sflag:$0x4] =	stream.linear.gather @p0 [hbm4b:s6+s0], $0x80, $0x38;
	[tilespmem:$0x5280] =	vst v63  }
0x6f: {  	_ =	swait.ge @!p0 [sflag:s7], $0x800  }
0x70: {  	s1 =	simm.s32 @!p0 $0xA;
	s0 =	rddreg [dreg:$0x8];
	[sflag:s7] =	ssyncset.done @!p0 $0x0  }
0x71: {  	s6 =	simm.s32 @!p0 $0x1180;
	[sflag:s7] =	ssyncadd.s32 @!p0 $0xFFFFF800;
	s0 =	sadd.s32 @!p0 s28, s0  }
0x72: {  	[tilespmem:s6], [sflag:$0x4] =	stream.linear.gather @!p0 [hbm4b:s0+s31], $0x80, $0x38;
	[tilespmem:$0x5280] =	vst v63  }
0x73: {  	_ =	swait.ge @!p0 [sflag:s1], $0x800  }
0x74: {  	s7 =	rddreg [dreg:$0x7];
	[sflag:s1] =	ssyncset.done @!p0 $0x0  }
0x75: {  	[sflag:s1] =	ssyncadd.s32 @!p0 $0xFFFFF800;
	s0 =	sadd.s32 s28, s7  }
0x76: {  	[tilespmem:s12], [sflag:$0x5] =	stream.linear.gather [hbm4b:s0+s3], $0x80, $0x38;
	[tilespmem:$0x5280] =	vst v63  }
0x77: {  	_ =	swait.ge [sflag:s13], $0x80  }
0x78: {  	[sflag:s13] =	ssyncset.done $0x0  }
0x79: {  	s31 =	rddreg [dreg:$0xb];
	[sflag:s13] =	ssyncadd.s32 $0xFFFFFF80  }
0x7a: {  	[spmem:s2] =	stream.indirect.scatter.add.f32 [tilespmem:s9], [sflag:$0x6], $0x10, s31, s14, $0xb8;
	[tilespmem:$0x5280] =	vst v63  }
0x7b: {  	_ =	swait.ge [sflag:s15], $0x80  }
0x7c: {  	[sflag:s15] =	ssyncset.done $0x0  }
0x7d: {  	[sflag:s15] =	ssyncadd.s32 $0xFFFFFF80  }
0x7e: {  	[spmem:s2] =	stream.indirect.scatter.add.f32 [tilespmem:s9], [sflag:$0x7], $0x10, s16, s14, $0xb8;
	[tilespmem:$0x5280] =	vst v63  }
0x7f: {  	_ =	swait.ge [sflag:s17], $0x80  }
0x80: {  	[sflag:s17] =	ssyncset.done $0x0  }
0x81: {  	p2 =	seq.s32 s29, $0x0;
	[sflag:s17] =	ssyncadd.s32 $0xFFFFFF80  }
0x82: {  	[spmem:s2] =	stream.indirect.scatter.add.f32 [tilespmem:s9], [sflag:$0x8], $0x10, s11, s14, $0xb8;
	[tilespmem:$0x5280] =	vst v63  }
0x83: {  	s30 =	smov.u32 s29;
	s29 =	sadd.s32 $0x50, s29;
	_ =	swait.ge [sflag:s18], $0x80  }
0x84: {  	p1 =	sne.s32 s29, $0x640;
	[sflag:s18] =	ssyncset.done $0x0  }
.Ltmp2:
0x85: {  	[sflag:s18] =	ssyncadd.s32 $0xFFFFFF80;
	(pc) =	sbr.rel @p1 .LBB2_6-.Ltmp2, $4  }
0x86: {  	[spmem:s2] =	stream.indirect.scatter.add.f32 [tilespmem:s9], [sflag:$0x9], $0x10, s19, s14, $0xb8;
	[tilespmem:$0x5280] =	vst v63  }
0x87: {  	_ =	swait.ge [sflag:s20], $0x80  }
0x88: {  	[sflag:s20] =	ssyncset.done $0x0  }
0x89: {  	s28 =	smov.u32 s30;
	p0 =	por p2, p2;
	[sflag:s20] =	ssyncadd.s32 $0xFFFFFF80  }
0x8a: {  	[spmem:s2] =	stream.indirect.scatter.add.f32 [tilespmem:s9], [sflag:$0xA], $0x10, s12, s14, $0xb8;
	[tilespmem:$0x5280] =	vst v63  }
0x8b: {  	s0 =	simm.s32 @p0 $0x0;
	s1 =	simm.s32 @p0 $0x1000  }
0x8c: {  	[tilespmem:s1], [sflag:$0x1] =	stream.linear.gather @p0 [hbm4b:s4+s0], $0x80, $0x38;
	[tilespmem:$0x5280] =	vst v63  }
0x8d: {  	s6 =	rddreg [dreg:$0x4];
	s7 =	simm.s32 @!p0 $0x6;
	s1 =	simm.s32 @p0 $0x1080  }
0x8e: {  	[tilespmem:s1], [sflag:$0x2] =	stream.linear.gather @p0 [hbm4b:s6+s0], $0x80, $0x38;
	[tilespmem:$0x5280] =	vst v63  }
0x8f: {  	_ =	swait.ge @!p0 [sflag:s7], $0x800  }
0x90: {  	s6 =	simm.s32 @!p0 $0x1000;
	s1 =	rddreg [dreg:$0x6];
	[sflag:s7] =	ssyncset.done @!p0 $0x0  }
0x91: {  	[sflag:s7] =	ssyncadd.s32 @!p0 $0xFFFFF800;
	s1 =	sadd.s32 @!p0 s28, s1;
	s7 =	simm.s32 @!p0 $0x0  }
0x92: {  	[tilespmem:s6], [sflag:$0x1] =	stream.linear.gather @!p0 [hbm4b:s1+s7], $0x80, $0x38;
	[tilespmem:$0x5280] =	vst v63  }
0x93: {  	s1 =	simm.s32 @!p0 $0x7  }
0x94: {  	_ =	swait.ge @!p0 [sflag:s1], $0x800  }
0x95: {  	s6 =	rddreg [dreg:$0xa];
	[sflag:s1] =	ssyncset.done @!p0 $0x0  }
0x96: {  	[sflag:s1] =	ssyncadd.s32 @!p0 $0xFFFFF800;
	s1 =	sadd.s32 @!p0 s28, s6;
	s6 =	simm.s32 @!p0 $0x1080  }
0x97: {  	[tilespmem:s6], [sflag:$0x2] =	stream.linear.gather @!p0 [hbm4b:s1+s7], $0x80, $0x38;
	[tilespmem:$0x5280] =	vst v63  }
0x98: {  	s1 =	simm.s32 @!p0 $0x8  }
0x99: {  	_ =	swait.ge @!p0 [sflag:s1], $0x800  }
0x9a: {  	s30 =	rddreg [dreg:$0x9];
	[sflag:s1] =	ssyncset.done @!p0 $0x0  }
0x9b: {  	[sflag:s1] =	ssyncadd.s32 @!p0 $0xFFFFF800;
	s31 =	sadd.s32 s28, s30  }
0x9c: {  	[tilespmem:s11], [sflag:$0x3] =	stream.linear.gather [hbm4b:s31+s3], $0x80, $0x38;
	[tilespmem:$0x5280] =	vst v63  }
0x9d: {  	s6 =	rddreg [dreg:$0x5];
	s1 =	simm.s32 @p0 $0x1180  }
0x9e: {  	[tilespmem:s1], [sflag:$0x4] =	stream.linear.gather @p0 [hbm4b:s6+s0], $0x80, $0x38;
	[tilespmem:$0x5280] =	vst v63  }
0x9f: {  	s0 =	simm.s32 @!p0 $0x9  }
0xa0: {  	_ =	swait.ge @!p0 [sflag:s0], $0x800  }
0xa1: {  	s1 =	rddreg [dreg:$0x8];
	[sflag:s0] =	ssyncset.done @!p0 $0x0  }
0xa2: {  	[sflag:s0] =	ssyncadd.s32 @!p0 $0xFFFFF800;
	s0 =	sadd.s32 @!p0 s28, s1;
	s1 =	simm.s32 @!p0 $0x1180  }
0xa3: {  	[tilespmem:s1], [sflag:$0x4] =	stream.linear.gather @!p0 [hbm4b:s0+s7], $0x80, $0x38;
	[tilespmem:$0x5280] =	vst v63  }
0xa4: {  	s0 =	simm.s32 @!p0 $0xA  }
0xa5: {  	_ =	swait.ge @!p0 [sflag:s0], $0x800  }
0xa6: {  	s6 =	rddreg [dreg:$0x7];
	[sflag:s0] =	ssyncset.done @!p0 $0x0  }
0xa7: {  	[sflag:s0] =	ssyncadd.s32 @!p0 $0xFFFFF800;
	s7 =	sadd.s32 s28, s6  }
0xa8: {  	[tilespmem:s12], [sflag:$0x5] =	stream.linear.gather [hbm4b:s7+s3], $0x80, $0x38;
	[tilespmem:$0x5280] =	vst v63  }
0xa9: {  	_ =	swait.ge [sflag:s13], $0x80  }
0xaa: {  	[sflag:s13] =	ssyncset.done $0x0  }
0xab: {  	s28 =	rddreg [dreg:$0xb];
	[sflag:s13] =	ssyncadd.s32 $0xFFFFFF80  }
0xac: {  	[spmem:s2] =	stream.indirect.scatter.add.f32 [tilespmem:s9], [sflag:$0x6], $0x10, s28, s14, $0xb8;
	[tilespmem:$0x5280] =	vst v63  }
0xad: {  	_ =	swait.ge [sflag:s15], $0x80  }
0xae: {  	[sflag:s15] =	ssyncset.done $0x0  }
0xaf: {  	[sflag:s15] =	ssyncadd.s32 $0xFFFFFF80  }
0xb0: {  	[spmem:s2] =	stream.indirect.scatter.add.f32 [tilespmem:s9], [sflag:$0x7], $0x10, s16, s14, $0xb8;
	[tilespmem:$0x5280] =	vst v63  }
0xb1: {  	_ =	swait.ge [sflag:s17], $0x80  }
0xb2: {  	[sflag:s17] =	ssyncset.done $0x0  }
0xb3: {  	[sflag:s17] =	ssyncadd.s32 $0xFFFFFF80  }
0xb4: {  	[spmem:s2] =	stream.indirect.scatter.add.f32 [tilespmem:s9], [sflag:$0x8], $0x10, s11, s14, $0xb8;
	[tilespmem:$0x5280] =	vst v63  }
0xb5: {  	_ =	swait.ge [sflag:s18], $0x80  }
0xb6: {  	[sflag:s18] =	ssyncset.done $0x0  }
0xb7: {  	[sflag:s18] =	ssyncadd.s32 $0xFFFFFF80  }
0xb8: {  	[spmem:s2] =	stream.indirect.scatter.add.f32 [tilespmem:s9], [sflag:$0x9], $0x10, s19, s14, $0xb8;
	[tilespmem:$0x5280] =	vst v63  }
0xb9: {  	_ =	swait.ge [sflag:s20], $0x80  }
0xba: {  	[sflag:s20] =	ssyncset.done $0x0  }
0xbb: {  	[sflag:s20] =	ssyncadd.s32 $0xFFFFFF80  }
0xbc: {  	[spmem:s2] =	stream.indirect.scatter.add.f32 [tilespmem:s9], [sflag:$0xA], $0x10, s12, s14, $0xb8;
	[tilespmem:$0x5280] =	vst v63  }
0xbd: {  	_ =	swait.ge [sflag:s21], $0x800  }
0xbe: {  	[sflag:s21] =	ssyncset.done $0x0  }
0xbf: {  	[sflag:s21] =	ssyncadd.s32 $0xFFFFF800  }
0xc0: {  	_ =	swait.ge [sflag:s22], $0x800  }
0xc1: {  	[sflag:s22] =	ssyncset.done $0x0  }
0xc2: {  	[sflag:s22] =	ssyncadd.s32 $0xFFFFF800  }
0xc3: {  	_ =	swait.ge [sflag:s23], $0x800  }
0xc4: {  	[sflag:s23] =	ssyncset.done $0x0  }
0xc5: {  	[sflag:s23] =	ssyncadd.s32 $0xFFFFF800  }
0xc6: {  	_ =	swait.ge [sflag:s24], $0x800  }
0xc7: {  	[sflag:s24] =	ssyncset.done $0x0  }
0xc8: {  	[sflag:s24] =	ssyncadd.s32 $0xFFFFF800  }
0xc9: {  	_ =	swait.ge [sflag:s25], $0x800  }
0xca: {  	s29 =	stileid.u32;
	[sflag:s25] =	ssyncset.done $0x0  }
0xcb: {  	s26 =	sadd.s32 $0x1, s26;
	s30 =	sshrl.u32 s5, $0x3;
	[sflag:s25] =	ssyncadd.s32 $0xFFFFF800  }
0xcc: {  	s0 =	sshll.u32 s29, $0x6;
	p0 =	sne.s32 s26, s8;
	[bflag:$0x0] =	sbarrier.arrive $0xFFFF  }
.Ltmp3:
0xcd: {  	s0 =	sor.u32 $0x1C0B, s0;
	s31 =	rddreg [dreg:$0xd];
	(pc) =	sbr.rel @p0 .LBB2_1-.Ltmp3, $4  }
0xce: {  	[hbm:s31], [sflag:s0] =	dma.local [spmem:s30], $0x1000  }
0xcf: {  	_ =	swait.ge [sflag:s10], $0x1000  }
0xd0: {  	[sflag:s10] =	ssyncset.done $0x0  }
0xd1: {  	[sflag:s10] =	ssyncadd.s32 $0xFFFFF000  }
0xd2: {  	_ =	sfence.sel $0x180000  }
0xd3: {  	[bflag:$0x0] =	sbarrier.arrive $0xFFFF  }
0xd4: {  	_ =	strace $0x90000047  }
0xd5: {  	s0 =	stileid.u32;
	[bflag:$0x2] =	sbarrier.arrive $0xFFFF  }
0xd6: {  	p0 =	sne.s32 s0, $0x0;
	s0 =	rddreg [dreg:$0x3]  }
0xd7: {  	s0 =	sadd.s32 @!p0 $0x100000, s0  }
0xd8: {  	[sflag:s0] =	ssyncadd.tile.s32 @!p0 $0x1;
	_ =	shalt  }
.Lfunc_end2:
_tile_overlayer_lowered:
.L_overlay_start_2:
0xd9: {  	(tag) =	ssettag $0x2  }
0xda: {  	s0 =	rddreg [dreg:$0x0];
	s2 =	stileid.u32  }
0xdb: {  	s1 =	rddreg [dreg:$0x1];
	p0 =	sne.s32 s2, $0x0  }
0xdc: {  	s3 =	rddreg [dreg:$0x2];
	[bflag:$0x3] =	sbarrier.arrive $0xFFFF;
	s2 =	simm.s32 @!p0 $0x1C0B  }
0xdd: {  	[timem:s3], [sflag:s2] =	dma.local @!p0 [hbm:s0], s1  }
0xde: {  	s0 =	simm.s32 @!p0 $0xB  }
0xdf: {  	_ =	swait.ge @!p0 [sflag:s0], s1  }
0xe0: {  	s1 =	ssub.s32 @!p0 $0x0, s1;
	[sflag:s0] =	ssyncset.done @!p0 $0x0  }
0xe1: {  	[sflag:s0] =	ssyncadd.s32 @!p0 s1  }
0xe2: {  	[bflag:$0x3] =	sbarrier.arrive $0xFFFF  }
0xe3: {  	_ =	shalt  }

// kernel: kernel.15.cloned.1.call-start
scs
__scs_entry_jumppad:
0x0: {  	(pc) =	sbr.rel $0x88, $3  }
0x1: {  	(tag) =	ssettag $0x0;
	lr =	simm.s32 $0x1  }
0x2: {  	[smem:$0x3F9F] =	sst lr;
	_ =	strace $0xD0000000  }
0x3: {  	_ = 	snop  }
0x4: {  	_ = 	snop  }
0x5: {  	_ = 	snop  }
0x6: {  	_ = 	snop  }
0x7: {  	_ = 	snop  }
__scs_overlays_trampoline_lowered:
0x8: {  	[smem:$0x3FAE] =	sst s0  }
0x9: {  	[smem:$0x3FAF] =	sst s1  }
0xa: {  	[smem:$0x3FB0] =	sst s2  }
0xb: {  	[smem:$0x3FB1] =	sst s3  }
0xc: {  	[smem:$0x3FB2] =	sst s4  }
0xd: {  	[smem:$0x3FB3] =	sst s5  }
0xe: {  	[smem:$0x3FB4] =	sst s6  }
0xf: {  	[smem:$0x3FB5] =	sst s7  }
0x10: {  	[smem:$0x3FB6] =	sst s8  }
0x11: {  	[smem:$0x3FB7] =	sst s9;
	s0 =	simm.s32 @!p0 $0x0  }
0x12: {  	s1 =	sld [smem:$0x3F9D];
	s0 =	simm.s32 @p0 $0x1  }
0x13: {  	[smem:$0x3FB8] =	sst s0;
	s0 =	simm.s32 @!p1 $0x0  }
0x14: {  	s2 =	sld [smem:$0x3F9C];
	s0 =	simm.s32 @p1 $0x1  }
0x15: {  	[smem:$0x3FB9] =	sst s0;
	s0 =	simm.s32 @!p2 $0x0  }
0x16: {  	s3 =	sld [smem:$0x3FDB];
	s0 =	simm.s32 @p2 $0x1  }
0x17: {  	s4 =	simm.s32 $0x1BF5;
	[smem:$0x3FBB] =	sst s0  }
0x18: {  	s0 =	sld [smem:$0x3F9E];
	_ =	swait.ge [sflag:s4], $0x0  }
0x19: {  	s7 =	sld [smem:$0x3F9F]  }
0x1a: {  	s8 =	sadd.s32 $0xFFFFE003, lr  }
0x1b: {  	s9 =	sadd.s32 $0xFFFFFEF7, lr;
	s5 =	simm.s32 $0xFFFFFFFF;
	p2 =	slt.u32 s8, $0xFFFFF086  }
0x1c: {  	p1 =	slt.u32 s9, $0xF7A;
	s5 =	simm.s32 @!p2 $0x0  }
0x1d: {  	s5 =	simm.s32 @p1 $0x1;
	p0 =	seq.s32 s7, s2  }
0x1e: {  	s7 =	smul.u32 @!p0 $0xF7A, s2;
	p2 =	seq.s32 @!p0 s5, $0x0  }
0x1f: {  	s9 =	smul.u32 $0xF7A, s1;
	s8 =	simm.s32 @!p0 $0x1BF5;
	p2 =	por !p2, p0  }
0x20: {  	[sflag:s8] =	ssyncset.s32 @!p0 $0xFFFFF086;
	s6 =	sadd.s32 @!p0 s3, s7;
	s7 =	simm.s32 @!p0 $0x108  }
0x21: {  	s3 =	sadd.s32 s3, s9;
	s6 =	sadd.s32 @!p0 $0x88, s6;
	s7 =	simm.s32 @p2 $0x1082  }
0x22: {  	[simem:s7], [sflag:s8] =	dma.local @!p0 [hbm:s6], $0xF7A  }
0x23: {  	s9 =	sor.u32 $0xD0000000, s2;
	s6 =	simm.s32 $0x108;
	_ =	swait.ge @!p0 [sflag:s8], $0x0  }
0x24: {  	s3 =	sadd.s32 $0x88, s3;
	s6 =	simm.s32 @!p1 $0x1082;
	[sflag:s4] =	ssyncset.s32 $0xFFFFF086  }
0x25: {  	[simem:s6], [sflag:s4] =	dma.local [hbm:s3], $0xF7A  }
0x26: {  	[smem:$0x3F9F] =	sst s1;
	(tag) =	ssettag s2;
	_ =	strace s9  }
0x27: {  	s1 =	sld [smem:$0x3FAF]  }
0x28: {  	s2 =	sld [smem:$0x3FB0]  }
0x29: {  	s4 =	sld [smem:$0x3FB2]  }
0x2a: {  	p0 =	seq.s32 s5, $0x0;
	s5 =	sld [smem:$0x3FB3]  }
0x2b: {  	s6 =	sld [smem:$0x3FB4]  }
0x2c: {  	s7 =	sld [smem:$0x3FB5]  }
0x2d: {  	s3 =	simm.s32 $0x108;
	s8 =	sld [smem:$0x3FB6]  }
0x2e: {  	s3 =	simm.s32 @!p0 $0x1082;
	s9 =	sld [smem:$0x3FB7]  }
0x2f: {  	lr =	sadd.s32 s0, s3;
	s0 =	sld [smem:$0x3FAE]  }
0x30: {  	s3 =	sld [smem:$0x3FB1]  }
0x31: {  	[smem:$0x3FBA] =	sst s10  }
0x32: {  	s10 =	sld [smem:$0x3FB8];
	_ =	sdelay $0x3  }
0x33: {  	p0 =	seq.s32 s10, $0x1;
	s10 =	sld [smem:$0x3FBA];
	_ =	sdelay $0x3  }
0x34: {  	[smem:$0x3FBA] =	sst s10  }
0x35: {  	s10 =	sld [smem:$0x3FB9];
	_ =	sdelay $0x3  }
0x36: {  	p1 =	seq.s32 s10, $0x1;
	s10 =	sld [smem:$0x3FBA];
	_ =	sdelay $0x3  }
0x37: {  	[smem:$0x3FBA] =	sst s10  }
0x38: {  	s10 =	sld [smem:$0x3FBB]  }
0x39: {  	_ = 	snop;
	(pc) =	sbr.ind lr, $3  }
0x3a: {  	_ = 	snop  }
0x3b: {  	_ = 	snop  }
0x3c: {  	p2 =	seq.s32 s10, $0x1;
	s10 =	sld [smem:$0x3FBA]  }
0x3d: {  	_ =	shalt  }
0x3e: {  	_ =	shalt  }
0x3f: {  	_ =	shalt  }
0x40: {  	_ =	shalt  }
0x41: {  	_ =	shalt  }
0x42: {  	_ =	shalt  }
0x43: {  	_ =	shalt  }
0x44: {  	_ =	shalt  }
0x45: {  	_ =	shalt  }
0x46: {  	_ =	shalt  }
0x47: {  	_ =	shalt  }
0x48: {  	_ =	shalt  }
0x49: {  	_ =	shalt  }
0x4a: {  	_ =	shalt  }
0x4b: {  	_ =	shalt  }
0x4c: {  	_ =	shalt  }
0x4d: {  	_ =	shalt  }
0x4e: {  	_ =	shalt  }
0x4f: {  	_ =	shalt  }
0x50: {  	_ =	shalt  }
0x51: {  	_ =	shalt  }
0x52: {  	_ =	shalt  }
0x53: {  	_ =	shalt  }
0x54: {  	_ =	shalt  }
0x55: {  	_ =	shalt  }
0x56: {  	_ =	shalt  }
0x57: {  	_ =	shalt  }
0x58: {  	_ =	shalt  }
0x59: {  	_ =	shalt  }
0x5a: {  	_ =	shalt  }
0x5b: {  	_ =	shalt  }
0x5c: {  	_ =	shalt  }
0x5d: {  	_ =	shalt  }
0x5e: {  	_ =	shalt  }
0x5f: {  	_ =	shalt  }
0x60: {  	_ =	shalt  }
0x61: {  	_ =	shalt  }
0x62: {  	_ =	shalt  }
0x63: {  	_ =	shalt  }
0x64: {  	_ =	shalt  }
0x65: {  	_ =	shalt  }
0x66: {  	_ =	shalt  }
0x67: {  	_ =	shalt  }
0x68: {  	_ =	shalt  }
0x69: {  	_ =	shalt  }
0x6a: {  	_ =	shalt  }
0x6b: {  	_ =	shalt  }
0x6c: {  	_ =	shalt  }
0x6d: {  	_ =	shalt  }
0x6e: {  	_ =	shalt  }
0x6f: {  	_ =	shalt  }
0x70: {  	_ =	shalt  }
0x71: {  	_ =	shalt  }
0x72: {  	_ =	shalt  }
0x73: {  	_ =	shalt  }
0x74: {  	_ =	shalt  }
0x75: {  	_ =	shalt  }
0x76: {  	_ =	shalt  }
0x77: {  	_ =	shalt  }
0x78: {  	_ =	shalt  }
0x79: {  	_ =	shalt  }
0x7a: {  	_ =	shalt  }
0x7b: {  	_ =	shalt  }
0x7c: {  	_ =	shalt  }
0x7d: {  	_ =	shalt  }
0x7e: {  	_ =	shalt  }
0x7f: {  	_ =	shalt  }
0x80: {  	_ =	shalt  }
0x81: {  	_ =	shalt  }
0x82: {  	_ =	shalt  }
0x83: {  	_ =	shalt  }
0x84: {  	_ =	shalt  }
0x85: {  	_ =	shalt  }
0x86: {  	_ =	shalt  }
0x87: {  	_ =	shalt  }
.Lfunc_end0:
.L_simem_size_0:
called_computation.1_lowered:
.L_overlay_start_0:
0x88: {  	s2 =	sld [smem:$0x3FD9]  }
0x89: {  	s3 =	sld [smem:$0x3FFE];
	_ =	sdelay $0x1  }
0x8a: {  	s1 =	srdreg.scid  }
0x8b: {  	s0 =	sand.u32 $0x1, s1  }
0x8c: {  	s17 =	sshll.u32 s0, $0xA;
	s2 =	sadd.s32 s3, s2  }
0x8d: {  	s2 =	sadd.s32 s2, s17  }
0x8e: {  	[smem:$0x3FC6] =	sst s2  }
0x8f: {  	_ = 	snop  }
0x90: {  	s18 =	sld [smem:$0x3FC8];
	(tm) =	ssettm $0x1  }
0x91: {  	s19 =	sld [smem:$0x3FFB];
	_ =	sdelay $0x3  }
0x92: {  	_ =	strace s19  }
0x93: {  	s2 =	sld [smem:$0x3FFC];
	_ =	sdelay $0x3  }
0x94: {  	_ =	strace s2  }
0x95: {  	s2 =	sld [smem:$0x3FFD];
	_ =	sdelay $0x3  }
0x96: {  	_ =	strace s2  }
0x97: {  	_ =	strace $0x8FFFFFFF  }
0x98: {  	s20 =	sld [smem:$0x3FDB];
	_ =	sdelay $0x1  }
0x99: {  	s4 =	simm.s32 $_scs_section_size  }
0x9a: {  	s5 =	simm.s32 $_size__tile_overlayer_lowered;
	s6 =	simm.s32 $_tile_overlayer_lowered  }
0x9b: {  	s7 =	simm.s32 $0x1BFF;
	s21 =	sshll.u32 s6, $0x1;
	s4 =	sadd.s32 s4, s20  }
0x9c: {  	s22 =	simm.s32 $0x0;
	s5 =	sshll.u32 s5, $0x1;
	s6 =	sadd.s32 s21, s4  }
0x9d: {  	[timem:s22], [sflag:s7] =	dma.local [hbm:s6], s5  }
0x9e: {  	_ =	swait.ge [sflag:s7], s5  }
0x9f: {  	s5 =	ssub.s32 $0x0, s5;
	[sflag:s7] =	ssyncset.done $0x0  }
0xa0: {  	[sflag:s7] =	ssyncadd.s32 s5;
	_ =	sdelay $0x1  }
0xa1: {  	s23 =	simm.s32 $0x1B8B  }
0xa2: {  	_ =	swait.ge [sflag:s23], $0x1  }
0xa3: {  	[sflag:s23] =	ssyncset.done $0x0  }
0xa4: {  	[sflag:s23] =	ssyncadd.s32 $0xFFFFFFFF  }
0xa5: {  	s5 =	sld [smem:$0x0]  }
0xa6: {  	s6 =	sand.u32 $0xFFFFFFFE, s1  }
0xa7: {  	p0 =	sne.s32 s1, s6  }
0xa8: {  	s6 =	sshll.u32 @p0 s6, $0xE  }
0xa9: {  	s6 =	sadd.s32 @p0 $0x11B8D, s6;
	s7 =	sshll.u32 @p0 s5, $0x11  }
0xaa: {  	s6 =	sor.u32 @p0 s7, s6  }
0xab: {  	[sflag:s6] =	ssyncadd.remote.s32 @p0 $0x1;
	_ =	sdelay $0x1  }
0xac: {  	s6 =	simm.s32 @p0 $0x1B8D  }
0xad: {  	_ =	swait.eq @p0 [sflag:s6], $0x1  }
0xae: {  	[sflag:s6] =	ssyncadd.s32 @p0 $0xFFFFFFFF  }
0xaf: {  	s7 =	sshll.u32 @!p0 s1, $0xE  }
0xb0: {  	s7 =	sor.u32 @!p0 $0x4000, s7;
	s6 =	simm.s32 @!p0 $0x1B8D  }
0xb1: {  	s5 =	sshll.u32 @!p0 s5, $0x11;
	s7 =	sadd.s32 @!p0 $0x11B8D, s7;
	_ =	swait.eq @!p0 [sflag:s6], $0x1  }
0xb2: {  	s5 =	sor.u32 @!p0 s5, s7;
	[sflag:s6] =	ssyncadd.s32 @!p0 $0xFFFFFFFF  }
0xb3: {  	s25 =	simm.s32 $0x1B8E;
	s24 =	sld [smem:$0x3FFE];
	[sflag:s5] =	ssyncadd.remote.s32 @!p0 $0x1  }
0xb4: {  	s26 =	simm.s32 $execute0_lowered;
	[smem:$0x3FD2] =	sst s25  }
0xb5: {  	s6 =	sshll.u32 s26, $0x1;
	_ =	strace $0x80000052;
	[dreg:$0x1] =	wrdreg $0xFFFFFFFF  }
0xb6: {  	s28 =	simm.s32 $_size_execute0_lowered;
	s4 =	sadd.s32 s4, s6;
	[dreg:$0x0] =	wrdreg $0x0  }
0xb7: {  	s6 =	sshll.u32 s28, $0x1;
	[dreg:$0x2] =	wrdreg s4  }
0xb8: {  	[dreg:$0x3] =	wrdreg s6  }
0xb9: {  	[dreg:$0x4] =	wrdreg $0xC0  }
0xba: {  	_ =	task [dreg:s22], $0x5FFFF  }
0xbb: {  	[dreg:$0x1] =	wrdreg $0xFFFFFFFF  }
0xbc: {  	[dreg:$0x0] =	wrdreg $0x60  }
0xbd: {  	[dreg:$0x2] =	wrdreg s24  }
0xbe: {  	[dreg:$0x3] =	wrdreg s18  }
0xbf: {  	[dreg:$0x4] =	wrdreg $0x0  }
0xc0: {  	[dreg:$0x5] =	wrdreg $0x9  }
0xc1: {  	_ =	task.clear_ibuf [dreg:s22], $0x6FFFF;
	_ =	strace $0x90000052  }
0xc2: {  	s29 =	simm.s32 $0x9;
	_ =	strace $0x80000054  }
0xc3: {  	_ =	swait.ge [sflag:s29], $0x1  }
0xc4: {  	[sflag:s29] =	ssyncadd.s32 $0xFFFFFFFF  }
0xc5: {  	_ =	strace $0x90000054  }
0xc6: {  	_ =	sfence  }
0xc7: {  	s30 =	sld [smem:$0x0];
	_ =	sdelay $0x2  }
0xc8: {  	s31 =	sshll.u32 s1, $0xD;
	s1 =	sshrl.u32 s1, $0x2  }
0xc9: {  	s4 =	sand.u32 $0x4000, s31;
	s1 =	sadd.s32 s1, s30  }
0xca: {  	s0 =	sor.u32 s4, s0;
	s1 =	sshll.u32 s1, $0x11  }
0xcb: {  	s0 =	sor.u32 s1, s0  }
0xcc: {  	s0 =	sadd.s32 $0x8F2B, s0  }
0xcd: {  	[sflag:s0] =	ssyncadd.remote.s32 $0x1  }
0xce: {  	_ =	sfence.sel $0xFFFF  }
0xcf: {  	[dreg:$0x0] =	wrdreg $0xFFFFFFFF;
	(pc) =	sbr.abs _section_cstart, $3  }
0xd0: {  	[dreg:$0x1] =	wrdreg $0xFFFFFFFF  }
0xd1: {  	_ =	task.clear_ibuf [dreg:s22], $0x2FFFF;
	_ =	strace $0x9FFFFFFF  }
0xd2: {  	(tm) =	ssettm $0x7FFFFFFF  }
0xd3: {  	_ =	shalt  }
tec
execute0_lowered:
.L_overlay_start_1:
0x0: {  	(tag) =	ssettag $0x1  }
0x1: {  	s0 =	rddreg [dreg:$0x0]  }
0x2: {  	s2 =	rddreg [dreg:$0x1];
	s3 =	srdreg.scid  }
0x3: {  	s1 =	rddreg [dreg:$0x2];
	s11 =	stileid.u32  }
0x4: {  	s31 =	simm.s32 $0x3;
	s28 =	simm.s32 $0x1;
	s29 =	simm.s32 $0x7  }
0x5: {  	s30 =	simm.s32 $0x2;
	s4 =	sand.u32 $0x1, s3;
	s7 =	smul.u32 $0xC800, s11  }
0x6: {  	s3 =	simm.s32 $0x0;
	s6 =	sshll.u32 s11, $0xC;
	s15 =	smul.u32 $0xC80, s11  }
0x7: {  	s9 =	sshll.u32 s11, $0xF;
	s11 =	simm.s32 $0x4000;
	s5 =	smul.u32 $0xC8000, s4  }
0x8: {  	[smem:$0x7FF] =	sst s3;
	s14 =	ssub.s32 $0x2, s4;
	s10 =	smul.u32 $0xC800, s4  }
0x9: {  	s12 =	sadd.s32 s9, s1;
	s4 =	sshll.u32 s4, $0x10;
	_ =	strace $0x80000053  }
0xa: {  	s8 =	sshrl.u32 s14, $0x1;
	s16 =	sadd.s32 $0x4000, s12;
	[dreg:$0x5] =	wrdreg s12  }
0xb: {  	s5 =	sadd.s32 s5, s0;
	s0 =	sadd.s32 s6, s0;
	s6 =	ssub.s32 s14, s8  }
0xc: {  	[dreg:$0x6] =	wrdreg s16;
	s18 =	sadd.s32 s15, s10;
	s10 =	simm.s32 $0x18000  }
0xd: {  	s15 =	simm.s32 $0x18080;
	s16 =	simm.s32 $0x8000;
	s8 =	simm.s32 $0x0  }
0xe: {  	s0 =	sadd.s32 s4, s0;
	s17 =	sadd.s32 s7, s5;
	s19 =	smax.u32 s6, $0x1  }
0xf: {  	s20 =	sadd.s32 $0x200, s18;
	s21 =	sshrl.u32 s18, $0x3;
	s23 =	sadd.s32 $0x180, s18  }
0x10: {  	s24 =	sadd.s32 $0x100, s18;
	s4 =	sadd.s32 $0x80, s18;
	s7 =	simm.s32 $0x10  }
0x11: {  	s18 =	simm.s32 $0x18100;
	s6 =	simm.s32 $0x5;
	s0 =	sadd.s32 $0x6C1C00, s0  }
0x12: {  	[dreg:$0x8] =	wrdreg s19;
	s5 =	sshrl.u32 s20, $0x3;
	s25 =	sshrl.u32 s24, $0x3  }
0x13: {  	s4 =	sshrl.u32 s4, $0x3;
	s19 =	simm.s32 $0xC000;
	s20 =	simm.s32 $0x18180  }
0x14: {  	s24 =	simm.s32 $0x14000;
	[dreg:$0x7] =	wrdreg s0;
	s0 =	sadd.s32 $0x531C00, s17  }
0x15: {  	s22 =	sadd.s32 s5, s2;
	s26 =	sadd.s32 s4, s2;
	[dreg:$0x4] =	wrdreg s0  }
0x16: {  	s17 =	simm.s32 $0x18200;
	s5 =	simm.s32 $0xA;
	[dreg:$0xa] =	wrdreg s22  }
0x17: {  	s0 =	sadd.s32 s21, s2;
	[dreg:$0xd] =	wrdreg s26;
	s21 =	simm.s32 $0x10000  }
0x18: {  	s22 =	simm.s32 $0x14000;
	[dreg:$0x9] =	wrdreg s0;
	s0 =	sshrl.u32 s23, $0x3  }
0x19: {  	s26 =	simm.s32 $0x80;
	s23 =	simm.s32 $0x10000;
	s0 =	sadd.s32 s0, s2  }
0x1a: {  	[dreg:$0xb] =	wrdreg s0;
	s0 =	sadd.s32 s25, s2;
	s2 =	simm.s32 $0x4  }
0x1b: {  	v0 =	vimm.f32 $0.0e+00;
	s25 =	simm.s32 $0x6;
	[dreg:$0xc] =	wrdreg s0;
	s0 =	simm.s32 $0x9  }
.LBB2_1:
0x1c: {  	[dreg:$0xe] =	wrdreg s8;
	s8 =	simm.s32 $0x200;
	s4 =	simm.s32 $0x0  }
.LBB2_2:
0x1d: {  	p0 =	sne.s32 s8, $0xFE00;
	[tilespmem:s4+$0x4030] =	vst v0;
	s9 =	smov.u32 s8;
	s8 =	sadd.s32 $0x200, s8  }
.Ltmp0:
0x1e: {  	[tilespmem:s4+$0x4020] =	vst v0;
	(pc) =	sbr.rel @p0 .LBB2_2-.Ltmp0, $3  }
0x1f: {  	[tilespmem:s4+$0x4000] =	vst v0  }
0x20: {  	[tilespmem:s4+$0x4010] =	vst v0;
	_ =	sdelay $0x1  }
0x21: {  	s4 =	sshra.s32 s9, $0x2  }
0x22: {  	[tilespmem:s4+$0x4030] =	vst v0  }
0x23: {  	[tilespmem:s4+$0x4020] =	vst v0  }
0x24: {  	[tilespmem:s4+$0x4000] =	vst v0  }
0x25: {  	[tilespmem:s4+$0x4010] =	vst v0  }
0x26: {  	[spmem:s12] =	stream.linear.scatter [tilespmem:s11], [sflag:$0x10], $0x4000, $0x38;
	[tilespmem:$0x18280] =	vst v63  }
0x27: {  	_ =	swait.ge [sflag:s7], $0x4000  }
0x28: {  	[sflag:s7] =	ssyncset.done $0x0  }
0x29: {  	s9 =	rddreg [dreg:$0x6];
	[sflag:s7] =	ssyncadd.s32 $0xFFFFC000  }
0x2a: {  	[spmem:s9] =	stream.linear.scatter [tilespmem:s11], [sflag:$0x10], $0x4000, $0x38;
	[tilespmem:$0x18280] =	vst v63  }
0x2b: {  	_ =	swait.ge [sflag:s7], $0x4000  }
0x2c: {  	[sflag:s7] =	ssyncset.done $0x0  }
0x2d: {  	p0 =	por $0x1, $0x1;
	[sflag:s7] =	ssyncadd.s32 $0xFFFFC000  }
0x2e: {  	s4 =	simm.s32 @!p0 $0xB;
	[bflag:$0x0] =	sbarrier.arrive $0xFFFF  }
0x2f: {  	_ =	swait.ge @!p0 [sflag:s4], $0x2000  }
0x30: {  	[sflag:s4] =	ssyncset.done @!p0 $0x0;
	s8 =	rddreg [dreg:$0x4]  }
0x31: {  	s7 =	rddreg [dreg:$0x9];
	[sflag:s4] =	ssyncadd.s32 @!p0 $0xFFFFE000  }
0x32: {  	[tilespmem:s10], [sflag:$0x6] =	stream.linear.gather [hbm4b:s7+s3], $0x80, $0x38;
	[tilespmem:$0x18280] =	vst v63  }
0x33: {  	s4 =	sadd.s32 $0x0, s8;
	s8 =	simm.s32 @!p0 $0xC  }
0x34: {  	[tilespmem:s11], [sflag:$0x1] =	stream.linear.gather [hbm4b:s4+s3], $0x4000, $0x38;
	[tilespmem:$0x18280] =	vst v63  }
0x35: {  	_ =	swait.ge @!p0 [sflag:s8], $0x2000  }
0x36: {  	[sflag:s8] =	ssyncset.done @!p0 $0x0  }
0x37: {  	s14 =	rddreg [dreg:$0xd];
	[sflag:s8] =	ssyncadd.s32 @!p0 $0xFFFFE000  }
0x38: {  	[tilespmem:s15], [sflag:$0x7] =	stream.linear.gather [hbm4b:s14+s3], $0x80, $0x38;
	[tilespmem:$0x18280] =	vst v63  }
0x39: {  	s9 =	simm.s32 @!p0 $0xD;
	s10 =	sadd.s32 $0x800, s4  }
0x3a: {  	[tilespmem:s16], [sflag:$0x2] =	stream.linear.gather [hbm4b:s10+s3], $0x4000, $0x38;
	[tilespmem:$0x18280] =	vst v63  }
0x3b: {  	_ =	swait.ge @!p0 [sflag:s9], $0x2000  }
0x3c: {  	[sflag:s9] =	ssyncset.done @!p0 $0x0  }
0x3d: {  	s10 =	rddreg [dreg:$0xc];
	[sflag:s9] =	ssyncadd.s32 @!p0 $0xFFFFE000  }
0x3e: {  	[tilespmem:s18], [sflag:$0x8] =	stream.linear.gather [hbm4b:s10+s3], $0x80, $0x38;
	[tilespmem:$0x18280] =	vst v63  }
0x3f: {  	s13 =	sadd.s32 $0x1000, s4;
	s9 =	simm.s32 @!p0 $0xE  }
0x40: {  	[tilespmem:s19], [sflag:$0x3] =	stream.linear.gather [hbm4b:s13+s3], $0x4000, $0x38;
	[tilespmem:$0x18280] =	vst v63  }
0x41: {  	_ =	swait.ge @!p0 [sflag:s9], $0x2000  }
0x42: {  	[sflag:s9] =	ssyncset.done @!p0 $0x0  }
0x43: {  	s13 =	rddreg [dreg:$0xb];
	[sflag:s9] =	ssyncadd.s32 @!p0 $0xFFFFE000  }
0x44: {  	[tilespmem:s20], [sflag:$0x9] =	stream.linear.gather [hbm4b:s13+s3], $0x80, $0x38;
	[tilespmem:$0x18280] =	vst v63  }
0x45: {  	s8 =	sadd.s32 $0x1800, s4;
	s9 =	simm.s32 @!p0 $0xF  }
0x46: {  	[tilespmem:s21], [sflag:$0x4] =	stream.linear.gather [hbm4b:s8+s3], $0x4000, $0x38;
	[tilespmem:$0x18280] =	vst v63  }
0x47: {  	_ =	swait.ge @!p0 [sflag:s9], $0x2000  }
0x48: {  	[sflag:s9] =	ssyncset.done @!p0 $0x0  }
0x49: {  	s8 =	rddreg [dreg:$0xa];
	[sflag:s9] =	ssyncadd.s32 @!p0 $0xFFFFE000  }
0x4a: {  	[tilespmem:s17], [sflag:$0xA] =	stream.linear.gather [hbm4b:s8+s3], $0x80, $0x38;
	[tilespmem:$0x18280] =	vst v63  }
0x4b: {  	s4 =	sadd.s32 $0x2000, s4  }
0x4c: {  	[tilespmem:s22], [sflag:$0x5] =	stream.linear.gather [hbm4b:s4+s3], $0x4000, $0x38;
	[tilespmem:$0x18280] =	vst v63  }
0x4d: {  	_ =	swait.ge [sflag:s25], $0x80  }
0x4e: {  	[sflag:s25] =	ssyncset.done $0x0  }
0x4f: {  	[sflag:s25] =	ssyncadd.s32 $0xFFFFFF80  }
0x50: {  	_ =	swait.ge [sflag:s28], $0x4000  }
0x51: {  	[sflag:s28] =	ssyncset.done $0x0  }
0x52: {  	s12 =	simm.s32 $0x18000;
	[sflag:s28] =	ssyncadd.s32 $0xFFFFC000  }
0x53: {  	[spmem:s1] =	stream.indirect.scatter.add.f32 [tilespmem:s11], [sflag:$0xB], $0x40, s12, s26, $0xb8;
	[tilespmem:$0x18280] =	vst v63  }
0x54: {  	_ =	swait.ge [sflag:s29], $0x80  }
0x55: {  	[sflag:s29] =	ssyncset.done $0x0  }
0x56: {  	[sflag:s29] =	ssyncadd.s32 $0xFFFFFF80  }
0x57: {  	_ =	swait.ge [sflag:s30], $0x4000  }
0x58: {  	[sflag:s30] =	ssyncset.done $0x0  }
0x59: {  	s22 =	simm.s32 $0x8;
	[sflag:s30] =	ssyncadd.s32 $0xFFFFC000  }
0x5a: {  	[spmem:s1] =	stream.indirect.scatter.add.f32 [tilespmem:s16], [sflag:$0xC], $0x40, s15, s26, $0xb8;
	[tilespmem:$0x18280] =	vst v63  }
0x5b: {  	_ =	swait.ge [sflag:s22], $0x80  }
0x5c: {  	[sflag:s22] =	ssyncset.done $0x0  }
0x5d: {  	[sflag:s22] =	ssyncadd.s32 $0xFFFFFF80  }
0x5e: {  	_ =	swait.ge [sflag:s31], $0x4000  }
0x5f: {  	[sflag:s31] =	ssyncset.done $0x0  }
0x60: {  	[sflag:s31] =	ssyncadd.s32 $0xFFFFC000  }
0x61: {  	[spmem:s1] =	stream.indirect.scatter.add.f32 [tilespmem:s19], [sflag:$0xD], $0x40, s18, s26, $0xb8;
	[tilespmem:$0x18280] =	vst v63  }
0x62: {  	_ =	swait.ge [sflag:s0], $0x80  }
0x63: {  	[sflag:s0] =	ssyncset.done $0x0  }
0x64: {  	[sflag:s0] =	ssyncadd.s32 $0xFFFFFF80  }
0x65: {  	p1 =	por $0x0, $0x0;
	_ =	swait.ge [sflag:s2], $0x4000  }
0x66: {  	s9 =	sadd.s32 $0x50, s10;
	s10 =	sadd.s32 $0x50, s14;
	[sflag:s2] =	ssyncset.done $0x0  }
0x67: {  	s14 =	sadd.s32 $0x50, s7;
	s17 =	simm.s32 $0x18200;
	[sflag:s2] =	ssyncadd.s32 $0xFFFFC000  }
0x68: {  	[spmem:s1] =	stream.indirect.scatter.add.f32 [tilespmem:s21], [sflag:$0xE], $0x40, s20, s26, $0xb8;
	[tilespmem:$0x18280] =	vst v63  }
0x69: {  	s4 =	sadd.s32 $0x50, s8;
	s8 =	sadd.s32 $0x50, s13;
	_ =	swait.ge [sflag:s5], $0x80  }
0x6a: {  	s11 =	simm.s32 $0x2800;
	s12 =	simm.s32 $0x5000;
	[sflag:s5] =	ssyncset.done $0x0  }
0x6b: {  	s16 =	simm.s32 $0x4000;
	s22 =	simm.s32 $0x18180;
	[sflag:s5] =	ssyncadd.s32 $0xFFFFFF80  }
0x6c: {  	s18 =	simm.s32 $0x18080;
	s19 =	simm.s32 $0x8000;
	_ =	swait.ge [sflag:s6], $0x4000  }
0x6d: {  	s20 =	simm.s32 $0x18100;
	s21 =	simm.s32 $0xC000;
	[sflag:s6] =	ssyncset.done $0x0  }
.LBB2_4:
0x6e: {  	s7 =	simm.s32 @!p1 $0xB;
	[sflag:s6] =	ssyncadd.s32 $0xFFFFC000  }
0x6f: {  	[spmem:s1] =	stream.indirect.scatter.add.f32 [tilespmem:s24], [sflag:$0xF], $0x40, s17, s26, $0xb8;
	[tilespmem:$0x18280] =	vst v63  }
0x70: {  	_ =	swait.ge @!p1 [sflag:s7], $0x2000  }
0x71: {  	[sflag:s7] =	ssyncset.done @!p1 $0x0  }
0x72: {  	s31 =	simm.s32 $0x18000;
	s15 =	rddreg [dreg:$0x4];
	[sflag:s7] =	ssyncadd.s32 @!p1 $0xFFFFE000  }
0x73: {  	[tilespmem:s31], [sflag:$0x6] =	stream.linear.gather [hbm4b:s14+s3], $0x80, $0x38;
	[tilespmem:$0x18280] =	vst v63  }
0x74: {  	s7 =	sadd.s32 s11, s15;
	s15 =	simm.s32 @!p1 $0xC  }
0x75: {  	[tilespmem:s16], [sflag:$0x1] =	stream.linear.gather [hbm4b:s7+s3], $0x4000, $0x38;
	[tilespmem:$0x18280] =	vst v63  }
0x76: {  	_ =	swait.ge @!p1 [sflag:s15], $0x2000  }
0x77: {  	[sflag:s15] =	ssyncset.done @!p1 $0x0  }
0x78: {  	s13 =	smov.u32 s12;
	[sflag:s15] =	ssyncadd.s32 @!p1 $0xFFFFE000  }
0x79: {  	[tilespmem:s18], [sflag:$0x7] =	stream.linear.gather [hbm4b:s10+s3], $0x80, $0x38;
	[tilespmem:$0x18280] =	vst v63  }
0x7a: {  	s11 =	smov.u32 s13;
	s13 =	sadd.s32 $0x800, s7;
	s15 =	simm.s32 @!p1 $0xD  }
0x7b: {  	[tilespmem:s19], [sflag:$0x2] =	stream.linear.gather [hbm4b:s13+s3], $0x4000, $0x38;
	[tilespmem:$0x18280] =	vst v63  }
0x7c: {  	_ =	swait.ge @!p1 [sflag:s15], $0x2000  }
0x7d: {  	[sflag:s15] =	ssyncset.done @!p1 $0x0  }
0x7e: {  	[sflag:s15] =	ssyncadd.s32 @!p1 $0xFFFFE000  }
0x7f: {  	[tilespmem:s20], [sflag:$0x8] =	stream.linear.gather [hbm4b:s9+s3], $0x80, $0x38;
	[tilespmem:$0x18280] =	vst v63  }
0x80: {  	s13 =	sadd.s32 $0x1000, s7;
	s15 =	simm.s32 @!p1 $0xE  }
0x81: {  	[tilespmem:s21], [sflag:$0x3] =	stream.linear.gather [hbm4b:s13+s3], $0x4000, $0x38;
	[tilespmem:$0x18280] =	vst v63  }
0x82: {  	_ =	swait.ge @!p1 [sflag:s15], $0x2000  }
0x83: {  	[sflag:s15] =	ssyncset.done @!p1 $0x0  }
0x84: {  	[sflag:s15] =	ssyncadd.s32 @!p1 $0xFFFFE000  }
0x85: {  	[tilespmem:s22], [sflag:$0x9] =	stream.linear.gather [hbm4b:s8+s3], $0x80, $0x38;
	[tilespmem:$0x18280] =	vst v63  }
0x86: {  	s13 =	sadd.s32 $0x1800, s7;
	s15 =	simm.s32 @!p1 $0xF  }
0x87: {  	[tilespmem:s23], [sflag:$0x4] =	stream.linear.gather [hbm4b:s13+s3], $0x4000, $0x38;
	[tilespmem:$0x18280] =	vst v63  }
0x88: {  	_ =	swait.ge @!p1 [sflag:s15], $0x2000  }
0x89: {  	[sflag:s15] =	ssyncset.done @!p1 $0x0  }
0x8a: {  	[sflag:s15] =	ssyncadd.s32 @!p1 $0xFFFFE000  }
0x8b: {  	[tilespmem:s17], [sflag:$0xA] =	stream.linear.gather [hbm4b:s4+s3], $0x80, $0x38;
	[tilespmem:$0x18280] =	vst v63  }
0x8c: {  	s7 =	sadd.s32 $0x2000, s7  }
0x8d: {  	[tilespmem:s24], [sflag:$0x5] =	stream.linear.gather [hbm4b:s7+s3], $0x4000, $0x38;
	[tilespmem:$0x18280] =	vst v63  }
0x8e: {  	_ =	swait.ge [sflag:s25], $0x80  }
0x8f: {  	[sflag:s25] =	ssyncset.done $0x0  }
0x90: {  	[sflag:s25] =	ssyncadd.s32 $0xFFFFFF80  }
0x91: {  	_ =	swait.ge [sflag:s28], $0x4000  }
0x92: {  	[sflag:s28] =	ssyncset.done $0x0  }
0x93: {  	[sflag:s28] =	ssyncadd.s32 $0xFFFFC000  }
0x94: {  	[spmem:s1] =	stream.indirect.scatter.add.f32 [tilespmem:s16], [sflag:$0xB], $0x40, s31, s26, $0xb8;
	[tilespmem:$0x18280] =	vst v63  }
0x95: {  	_ =	swait.ge [sflag:s29], $0x80  }
0x96: {  	[sflag:s29] =	ssyncset.done $0x0  }
0x97: {  	[sflag:s29] =	ssyncadd.s32 $0xFFFFFF80  }
0x98: {  	_ =	swait.ge [sflag:s30], $0x4000  }
0x99: {  	[sflag:s30] =	ssyncset.done $0x0  }
0x9a: {  	s13 =	simm.s32 $0x8;
	[sflag:s30] =	ssyncadd.s32 $0xFFFFC000  }
0x9b: {  	[spmem:s1] =	stream.indirect.scatter.add.f32 [tilespmem:s19], [sflag:$0xC], $0x40, s18, s26, $0xb8;
	[tilespmem:$0x18280] =	vst v63  }
0x9c: {  	_ =	swait.ge [sflag:s13], $0x80  }
0x9d: {  	[sflag:s13] =	ssyncset.done $0x0  }
0x9e: {  	s31 =	simm.s32 $0x3;
	[sflag:s13] =	ssyncadd.s32 $0xFFFFFF80  }
0x9f: {  	_ =	swait.ge [sflag:s31], $0x4000  }
0xa0: {  	[sflag:s31] =	ssyncset.done $0x0  }
0xa1: {  	[sflag:s31] =	ssyncadd.s32 $0xFFFFC000  }
0xa2: {  	[spmem:s1] =	stream.indirect.scatter.add.f32 [tilespmem:s21], [sflag:$0xD], $0x40, s20, s26, $0xb8;
	[tilespmem:$0x18280] =	vst v63  }
0xa3: {  	_ =	swait.ge [sflag:s0], $0x80  }
0xa4: {  	[sflag:s0] =	ssyncset.done $0x0  }
0xa5: {  	[sflag:s0] =	ssyncadd.s32 $0xFFFFFF80  }
0xa6: {  	_ =	swait.ge [sflag:s2], $0x4000  }
0xa7: {  	s12 =	sadd.s32 $0x2800, s12;
	[sflag:s2] =	ssyncset.done $0x0  }
0xa8: {  	p0 =	sne.s32 s12, $0xC800;
	[sflag:s2] =	ssyncadd.s32 $0xFFFFC000  }
0xa9: {  	[spmem:s1] =	stream.indirect.scatter.add.f32 [tilespmem:s23], [sflag:$0xE], $0x40, s22, s26, $0xb8;
	[tilespmem:$0x18280] =	vst v63  }
.Ltmp1:
0xaa: {  	_ =	swait.ge [sflag:s5], $0x80;
	(pc) =	sbr.rel @p0 .LBB2_4-.Ltmp1, $4  }
0xab: {  	[sflag:s5] =	ssyncset.done $0x0  }
0xac: {  	s14 =	sadd.s32 $0x50, s14;
	s10 =	sadd.s32 $0x50, s10;
	[sflag:s5] =	ssyncadd.s32 $0xFFFFFF80  }
0xad: {  	s9 =	sadd.s32 $0x50, s9;
	s8 =	sadd.s32 $0x50, s8;
	_ =	swait.ge [sflag:s6], $0x4000  }
0xae: {  	p1 =	seq.s32 s11, $0x0;
	s4 =	sadd.s32 $0x50, s4;
	[sflag:s6] =	ssyncset.done $0x0  }
0xaf: {  	s7 =	simm.s32 @!p1 $0xB;
	[sflag:s6] =	ssyncadd.s32 $0xFFFFC000  }
0xb0: {  	[spmem:s1] =	stream.indirect.scatter.add.f32 [tilespmem:s24], [sflag:$0xF], $0x40, s17, s26, $0xb8;
	[tilespmem:$0x18280] =	vst v63  }
0xb1: {  	_ =	swait.ge @!p1 [sflag:s7], $0x2000  }
0xb2: {  	[sflag:s7] =	ssyncset.done @!p1 $0x0  }
0xb3: {  	s15 =	simm.s32 $0x18000;
	s12 =	rddreg [dreg:$0x4];
	[sflag:s7] =	ssyncadd.s32 @!p1 $0xFFFFE000  }
0xb4: {  	[tilespmem:s15], [sflag:$0x6] =	stream.linear.gather [hbm4b:s14+s3], $0x80, $0x38;
	[tilespmem:$0x18280] =	vst v63  }
0xb5: {  	s12 =	sadd.s32 s11, s12;
	s11 =	simm.s32 @!p1 $0xC  }
0xb6: {  	[tilespmem:s16], [sflag:$0x1] =	stream.linear.gather [hbm4b:s12+s3], $0x4000, $0x38;
	[tilespmem:$0x18280] =	vst v63  }
0xb7: {  	_ =	swait.ge @!p1 [sflag:s11], $0x2000  }
0xb8: {  	[sflag:s11] =	ssyncset.done @!p1 $0x0  }
0xb9: {  	[sflag:s11] =	ssyncadd.s32 @!p1 $0xFFFFE000  }
0xba: {  	[tilespmem:s18], [sflag:$0x7] =	stream.linear.gather [hbm4b:s10+s3], $0x80, $0x38;
	[tilespmem:$0x18280] =	vst v63  }
0xbb: {  	s14 =	sadd.s32 $0x800, s12;
	s10 =	simm.s32 @!p1 $0xD  }
0xbc: {  	[tilespmem:s19], [sflag:$0x2] =	stream.linear.gather [hbm4b:s14+s3], $0x4000, $0x38;
	[tilespmem:$0x18280] =	vst v63  }
0xbd: {  	_ =	swait.ge @!p1 [sflag:s10], $0x2000  }
0xbe: {  	[sflag:s10] =	ssyncset.done @!p1 $0x0  }
0xbf: {  	[sflag:s10] =	ssyncadd.s32 @!p1 $0xFFFFE000  }
0xc0: {  	[tilespmem:s20], [sflag:$0x8] =	stream.linear.gather [hbm4b:s9+s3], $0x80, $0x38;
	[tilespmem:$0x18280] =	vst v63  }
0xc1: {  	s10 =	sadd.s32 $0x1000, s12;
	s9 =	simm.s32 @!p1 $0xE  }
0xc2: {  	[tilespmem:s21], [sflag:$0x3] =	stream.linear.gather [hbm4b:s10+s3], $0x4000, $0x38;
	[tilespmem:$0x18280] =	vst v63  }
0xc3: {  	_ =	swait.ge @!p1 [sflag:s9], $0x2000  }
0xc4: {  	[sflag:s9] =	ssyncset.done @!p1 $0x0  }
0xc5: {  	[sflag:s9] =	ssyncadd.s32 @!p1 $0xFFFFE000  }
0xc6: {  	[tilespmem:s22], [sflag:$0x9] =	stream.linear.gather [hbm4b:s8+s3], $0x80, $0x38;
	[tilespmem:$0x18280] =	vst v63  }
0xc7: {  	s11 =	sadd.s32 $0x1800, s12;
	s8 =	simm.s32 @!p1 $0xF  }
0xc8: {  	[tilespmem:s23], [sflag:$0x4] =	stream.linear.gather [hbm4b:s11+s3], $0x4000, $0x38;
	[tilespmem:$0x18280] =	vst v63  }
0xc9: {  	_ =	swait.ge @!p1 [sflag:s8], $0x2000  }
0xca: {  	[sflag:s8] =	ssyncset.done @!p1 $0x0  }
0xcb: {  	[sflag:s8] =	ssyncadd.s32 @!p1 $0xFFFFE000  }
0xcc: {  	[tilespmem:s17], [sflag:$0xA] =	stream.linear.gather [hbm4b:s4+s3], $0x80, $0x38;
	[tilespmem:$0x18280] =	vst v63  }
0xcd: {  	s12 =	sadd.s32 $0x2000, s12  }
0xce: {  	[tilespmem:s24], [sflag:$0x5] =	stream.linear.gather [hbm4b:s12+s3], $0x4000, $0x38;
	[tilespmem:$0x18280] =	vst v63  }
0xcf: {  	_ =	swait.ge [sflag:s25], $0x80  }
0xd0: {  	[sflag:s25] =	ssyncset.done $0x0  }
0xd1: {  	[sflag:s25] =	ssyncadd.s32 $0xFFFFFF80  }
0xd2: {  	_ =	swait.ge [sflag:s28], $0x4000  }
0xd3: {  	[sflag:s28] =	ssyncset.done $0x0  }
0xd4: {  	[sflag:s28] =	ssyncadd.s32 $0xFFFFC000  }
0xd5: {  	[spmem:s1] =	stream.indirect.scatter.add.f32 [tilespmem:s16], [sflag:$0xB], $0x40, s15, s26, $0xb8;
	[tilespmem:$0x18280] =	vst v63  }
0xd6: {  	_ =	swait.ge [sflag:s29], $0x80  }
0xd7: {  	[sflag:s29] =	ssyncset.done $0x0  }
0xd8: {  	[sflag:s29] =	ssyncadd.s32 $0xFFFFFF80  }
0xd9: {  	_ =	swait.ge [sflag:s30], $0x4000  }
0xda: {  	[sflag:s30] =	ssyncset.done $0x0  }
0xdb: {  	[sflag:s30] =	ssyncadd.s32 $0xFFFFC000  }
0xdc: {  	[spmem:s1] =	stream.indirect.scatter.add.f32 [tilespmem:s19], [sflag:$0xC], $0x40, s18, s26, $0xb8;
	[tilespmem:$0x18280] =	vst v63  }
0xdd: {  	_ =	swait.ge [sflag:s13], $0x80  }
0xde: {  	[sflag:s13] =	ssyncset.done $0x0  }
0xdf: {  	[sflag:s13] =	ssyncadd.s32 $0xFFFFFF80  }
0xe0: {  	_ =	swait.ge [sflag:s31], $0x4000  }
0xe1: {  	[sflag:s31] =	ssyncset.done $0x0  }
0xe2: {  	[sflag:s31] =	ssyncadd.s32 $0xFFFFC000  }
0xe3: {  	[spmem:s1] =	stream.indirect.scatter.add.f32 [tilespmem:s21], [sflag:$0xD], $0x40, s20, s26, $0xb8;
	[tilespmem:$0x18280] =	vst v63  }
0xe4: {  	_ =	swait.ge [sflag:s0], $0x80  }
0xe5: {  	[sflag:s0] =	ssyncset.done $0x0  }
0xe6: {  	[sflag:s0] =	ssyncadd.s32 $0xFFFFFF80  }
0xe7: {  	_ =	swait.ge [sflag:s2], $0x4000  }
0xe8: {  	[sflag:s2] =	ssyncset.done $0x0  }
0xe9: {  	[sflag:s2] =	ssyncadd.s32 $0xFFFFC000  }
0xea: {  	[spmem:s1] =	stream.indirect.scatter.add.f32 [tilespmem:s23], [sflag:$0xE], $0x40, s22, s26, $0xb8;
	[tilespmem:$0x18280] =	vst v63  }
0xeb: {  	_ =	swait.ge [sflag:s5], $0x80  }
0xec: {  	[sflag:s5] =	ssyncset.done $0x0  }
0xed: {  	[sflag:s5] =	ssyncadd.s32 $0xFFFFFF80  }
0xee: {  	_ =	swait.ge [sflag:s6], $0x4000  }
0xef: {  	[sflag:s6] =	ssyncset.done $0x0  }
0xf0: {  	s13 =	simm.s32 $0xB;
	[sflag:s6] =	ssyncadd.s32 $0xFFFFC000  }
0xf1: {  	[spmem:s1] =	stream.indirect.scatter.add.f32 [tilespmem:s24], [sflag:$0xF], $0x40, s17, s26, $0xb8;
	[tilespmem:$0x18280] =	vst v63  }
0xf2: {  	_ =	swait.ge [sflag:s13], $0x2000  }
0xf3: {  	[sflag:s13] =	ssyncset.done $0x0  }
0xf4: {  	s14 =	simm.s32 $0xC;
	[sflag:s13] =	ssyncadd.s32 $0xFFFFE000  }
0xf5: {  	_ =	swait.ge [sflag:s14], $0x2000  }
0xf6: {  	[sflag:s14] =	ssyncset.done $0x0  }
0xf7: {  	s15 =	simm.s32 $0xD;
	[sflag:s14] =	ssyncadd.s32 $0xFFFFE000  }
0xf8: {  	_ =	swait.ge [sflag:s15], $0x2000  }
0xf9: {  	[sflag:s15] =	ssyncset.done $0x0  }
0xfa: {  	s16 =	simm.s32 $0xE;
	[sflag:s15] =	ssyncadd.s32 $0xFFFFE000  }
0xfb: {  	_ =	swait.ge [sflag:s16], $0x2000  }
0xfc: {  	[sflag:s16] =	ssyncset.done $0x0  }
0xfd: {  	s17 =	simm.s32 $0xF;
	[sflag:s16] =	ssyncadd.s32 $0xFFFFE000  }
0xfe: {  	_ =	swait.ge [sflag:s17], $0x2000  }
0xff: {  	[sflag:s17] =	ssyncset.done $0x0  }
0x100: {  	[sflag:s17] =	ssyncadd.s32 $0xFFFFE000  }
0x101: {  	s18 =	stileid.u32;
	[bflag:$0x0] =	sbarrier.arrive $0xFFFF  }
0x102: {  	s7 =	simm.s32 $0x10;
	s4 =	sshll.u32 s18, $0x6;
	s12 =	rddreg [dreg:$0x5]  }
0x103: {  	s4 =	sor.u32 $0x1C10, s4;
	s20 =	rddreg [dreg:$0x7];
	s19 =	sshrl.u32 s12, $0x3  }
0x104: {  	[hbm:s20], [sflag:s4] =	dma.local [spmem:s19], $0x1000  }
0x105: {  	_ =	swait.ge [sflag:s7], $0x1000  }
0x106: {  	s21 =	rddreg [dreg:$0xe]  }
0x107: {  	s22 =	rddreg [dreg:$0x8];
	s8 =	sadd.s32 $0x1, s21  }
0x108: {  	p0 =	sne.s32 s8, s22  }
.Ltmp2:
0x109: {  	_ = 	snop;
	(pc) =	sbr.rel @p0 .LBB2_1-.Ltmp2, $4  }
0x10a: {  	s10 =	simm.s32 $0x18000;
	s11 =	simm.s32 $0x4000;
	s18 =	simm.s32 $0x18100  }
0x10b: {  	s15 =	simm.s32 $0x18080;
	s16 =	simm.s32 $0x8000;
	s17 =	simm.s32 $0x18200  }
0x10c: {  	s19 =	simm.s32 $0xC000;
	s20 =	simm.s32 $0x18180;
	[sflag:s7] =	ssyncset.done $0x0  }
0x10d: {  	[sflag:s7] =	ssyncadd.s32 $0xFFFFF000;
	s21 =	simm.s32 $0x10000;
	s22 =	simm.s32 $0x14000  }
0x10e: {  	_ =	sfence.sel $0x180000  }
0x10f: {  	[bflag:$0x0] =	sbarrier.arrive $0xFFFF  }
0x110: {  	_ =	strace $0x90000053  }
0x111: {  	s0 =	stileid.u32;
	[bflag:$0x2] =	sbarrier.arrive $0xFFFF  }
0x112: {  	p0 =	sne.s32 s0, $0x0;
	s0 =	rddreg [dreg:$0x3]  }
0x113: {  	s0 =	sadd.s32 @!p0 $0x100000, s0  }
0x114: {  	[sflag:s0] =	ssyncadd.tile.s32 @!p0 $0x1;
	_ =	shalt  }
.Lfunc_end2:
_tile_overlayer_lowered:
.L_overlay_start_2:
0x115: {  	(tag) =	ssettag $0x2  }
0x116: {  	s0 =	rddreg [dreg:$0x0];
	s2 =	stileid.u32  }
0x117: {  	s1 =	rddreg [dreg:$0x1];
	p0 =	sne.s32 s2, $0x0  }
0x118: {  	s3 =	rddreg [dreg:$0x2];
	[bflag:$0x3] =	sbarrier.arrive $0xFFFF;
	s2 =	simm.s32 @!p0 $0x1C10  }
0x119: {  	[timem:s3], [sflag:s2] =	dma.local @!p0 [hbm:s0], s1  }
0x11a: {  	s0 =	simm.s32 @!p0 $0x10  }
0x11b: {  	_ =	swait.ge @!p0 [sflag:s0], s1  }
0x11c: {  	s1 =	ssub.s32 @!p0 $0x0, s1;
	[sflag:s0] =	ssyncset.done @!p0 $0x0  }
0x11d: {  	[sflag:s0] =	ssyncadd.s32 @!p0 s1  }
0x11e: {  	[bflag:$0x3] =	sbarrier.arrive $0xFFFF  }
0x11f: {  	_ =	shalt  }

// kernel: kernel.18.cloned.1.call-start
scs
__scs_entry_jumppad:
0x0: {  	(pc) =	sbr.rel $0x88, $3  }
0x1: {  	(tag) =	ssettag $0x0;
	lr =	simm.s32 $0x1  }
0x2: {  	[smem:$0x3F9F] =	sst lr;
	_ =	strace $0xD0000000  }
0x3: {  	_ = 	snop  }
0x4: {  	_ = 	snop  }
0x5: {  	_ = 	snop  }
0x6: {  	_ = 	snop  }
0x7: {  	_ = 	snop  }
__scs_overlays_trampoline_lowered:
0x8: {  	[smem:$0x3FAE] =	sst s0  }
0x9: {  	[smem:$0x3FAF] =	sst s1  }
0xa: {  	[smem:$0x3FB0] =	sst s2  }
0xb: {  	[smem:$0x3FB1] =	sst s3  }
0xc: {  	[smem:$0x3FB2] =	sst s4  }
0xd: {  	[smem:$0x3FB3] =	sst s5  }
0xe: {  	[smem:$0x3FB4] =	sst s6  }
0xf: {  	[smem:$0x3FB5] =	sst s7  }
0x10: {  	[smem:$0x3FB6] =	sst s8  }
0x11: {  	[smem:$0x3FB7] =	sst s9;
	s0 =	simm.s32 @!p0 $0x0  }
0x12: {  	s1 =	sld [smem:$0x3F9D];
	s0 =	simm.s32 @p0 $0x1  }
0x13: {  	[smem:$0x3FB8] =	sst s0;
	s0 =	simm.s32 @!p1 $0x0  }
0x14: {  	s2 =	sld [smem:$0x3F9C];
	s0 =	simm.s32 @p1 $0x1  }
0x15: {  	[smem:$0x3FB9] =	sst s0;
	s0 =	simm.s32 @!p2 $0x0  }
0x16: {  	s3 =	sld [smem:$0x3FDB];
	s0 =	simm.s32 @p2 $0x1  }
0x17: {  	s4 =	simm.s32 $0x1BF5;
	[smem:$0x3FBB] =	sst s0  }
0x18: {  	s0 =	sld [smem:$0x3F9E];
	_ =	swait.ge [sflag:s4], $0x0  }
0x19: {  	s7 =	sld [smem:$0x3F9F]  }
0x1a: {  	s8 =	sadd.s32 $0xFFFFE003, lr  }
0x1b: {  	s9 =	sadd.s32 $0xFFFFFEF7, lr;
	s5 =	simm.s32 $0xFFFFFFFF;
	p2 =	slt.u32 s8, $0xFFFFF086  }
0x1c: {  	p1 =	slt.u32 s9, $0xF7A;
	s5 =	simm.s32 @!p2 $0x0  }
0x1d: {  	s5 =	simm.s32 @p1 $0x1;
	p0 =	seq.s32 s7, s2  }
0x1e: {  	s7 =	smul.u32 @!p0 $0xF7A, s2;
	p2 =	seq.s32 @!p0 s5, $0x0  }
0x1f: {  	s9 =	smul.u32 $0xF7A, s1;
	s8 =	simm.s32 @!p0 $0x1BF5;
	p2 =	por !p2, p0  }
0x20: {  	[sflag:s8] =	ssyncset.s32 @!p0 $0xFFFFF086;
	s6 =	sadd.s32 @!p0 s3, s7;
	s7 =	simm.s32 @!p0 $0x108  }
0x21: {  	s3 =	sadd.s32 s3, s9;
	s6 =	sadd.s32 @!p0 $0x88, s6;
	s7 =	simm.s32 @p2 $0x1082  }
0x22: {  	[simem:s7], [sflag:s8] =	dma.local @!p0 [hbm:s6], $0xF7A  }
0x23: {  	s9 =	sor.u32 $0xD0000000, s2;
	s6 =	simm.s32 $0x108;
	_ =	swait.ge @!p0 [sflag:s8], $0x0  }
0x24: {  	s3 =	sadd.s32 $0x88, s3;
	s6 =	simm.s32 @!p1 $0x1082;
	[sflag:s4] =	ssyncset.s32 $0xFFFFF086  }
0x25: {  	[simem:s6], [sflag:s4] =	dma.local [hbm:s3], $0xF7A  }
0x26: {  	[smem:$0x3F9F] =	sst s1;
	(tag) =	ssettag s2;
	_ =	strace s9  }
0x27: {  	s1 =	sld [smem:$0x3FAF]  }
0x28: {  	s2 =	sld [smem:$0x3FB0]  }
0x29: {  	s4 =	sld [smem:$0x3FB2]  }
0x2a: {  	p0 =	seq.s32 s5, $0x0;
	s5 =	sld [smem:$0x3FB3]  }
0x2b: {  	s6 =	sld [smem:$0x3FB4]  }
0x2c: {  	s7 =	sld [smem:$0x3FB5]  }
0x2d: {  	s3 =	simm.s32 $0x108;
	s8 =	sld [smem:$0x3FB6]  }
0x2e: {  	s3 =	simm.s32 @!p0 $0x1082;
	s9 =	sld [smem:$0x3FB7]  }
0x2f: {  	lr =	sadd.s32 s0, s3;
	s0 =	sld [smem:$0x3FAE]  }
0x30: {  	s3 =	sld [smem:$0x3FB1]  }
0x31: {  	[smem:$0x3FBA] =	sst s10  }
0x32: {  	s10 =	sld [smem:$0x3FB8];
	_ =	sdelay $0x3  }
0x33: {  	p0 =	seq.s32 s10, $0x1;
	s10 =	sld [smem:$0x3FBA];
	_ =	sdelay $0x3  }
0x34: {  	[smem:$0x3FBA] =	sst s10  }
0x35: {  	s10 =	sld [smem:$0x3FB9];
	_ =	sdelay $0x3  }
0x36: {  	p1 =	seq.s32 s10, $0x1;
	s10 =	sld [smem:$0x3FBA];
	_ =	sdelay $0x3  }
0x37: {  	[smem:$0x3FBA] =	sst s10  }
0x38: {  	s10 =	sld [smem:$0x3FBB]  }
0x39: {  	_ = 	snop;
	(pc) =	sbr.ind lr, $3  }
0x3a: {  	_ = 	snop  }
0x3b: {  	_ = 	snop  }
0x3c: {  	p2 =	seq.s32 s10, $0x1;
	s10 =	sld [smem:$0x3FBA]  }
0x3d: {  	_ =	shalt  }
0x3e: {  	_ =	shalt  }
0x3f: {  	_ =	shalt  }
0x40: {  	_ =	shalt  }
0x41: {  	_ =	shalt  }
0x42: {  	_ =	shalt  }
0x43: {  	_ =	shalt  }
0x44: {  	_ =	shalt  }
0x45: {  	_ =	shalt  }
0x46: {  	_ =	shalt  }
0x47: {  	_ =	shalt  }
0x48: {  	_ =	shalt  }
0x49: {  	_ =	shalt  }
0x4a: {  	_ =	shalt  }
0x4b: {  	_ =	shalt  }
0x4c: {  	_ =	shalt  }
0x4d: {  	_ =	shalt  }
0x4e: {  	_ =	shalt  }
0x4f: {  	_ =	shalt  }
0x50: {  	_ =	shalt  }
0x51: {  	_ =	shalt  }
0x52: {  	_ =	shalt  }
0x53: {  	_ =	shalt  }
0x54: {  	_ =	shalt  }
0x55: {  	_ =	shalt  }
0x56: {  	_ =	shalt  }
0x57: {  	_ =	shalt  }
0x58: {  	_ =	shalt  }
0x59: {  	_ =	shalt  }
0x5a: {  	_ =	shalt  }
0x5b: {  	_ =	shalt  }
0x5c: {  	_ =	shalt  }
0x5d: {  	_ =	shalt  }
0x5e: {  	_ =	shalt  }
0x5f: {  	_ =	shalt  }
0x60: {  	_ =	shalt  }
0x61: {  	_ =	shalt  }
0x62: {  	_ =	shalt  }
0x63: {  	_ =	shalt  }
0x64: {  	_ =	shalt  }
0x65: {  	_ =	shalt  }
0x66: {  	_ =	shalt  }
0x67: {  	_ =	shalt  }
0x68: {  	_ =	shalt  }
0x69: {  	_ =	shalt  }
0x6a: {  	_ =	shalt  }
0x6b: {  	_ =	shalt  }
0x6c: {  	_ =	shalt  }
0x6d: {  	_ =	shalt  }
0x6e: {  	_ =	shalt  }
0x6f: {  	_ =	shalt  }
0x70: {  	_ =	shalt  }
0x71: {  	_ =	shalt  }
0x72: {  	_ =	shalt  }
0x73: {  	_ =	shalt  }
0x74: {  	_ =	shalt  }
0x75: {  	_ =	shalt  }
0x76: {  	_ =	shalt  }
0x77: {  	_ =	shalt  }
0x78: {  	_ =	shalt  }
0x79: {  	_ =	shalt  }
0x7a: {  	_ =	shalt  }
0x7b: {  	_ =	shalt  }
0x7c: {  	_ =	shalt  }
0x7d: {  	_ =	shalt  }
0x7e: {  	_ =	shalt  }
0x7f: {  	_ =	shalt  }
0x80: {  	_ =	shalt  }
0x81: {  	_ =	shalt  }
0x82: {  	_ =	shalt  }
0x83: {  	_ =	shalt  }
0x84: {  	_ =	shalt  }
0x85: {  	_ =	shalt  }
0x86: {  	_ =	shalt  }
0x87: {  	_ =	shalt  }
.Lfunc_end0:
.L_simem_size_0:
called_computation.2_lowered:
.L_overlay_start_0:
0x88: {  	s2 =	sld [smem:$0x3FD9]  }
0x89: {  	s3 =	sld [smem:$0x3FFE];
	_ =	sdelay $0x1  }
0x8a: {  	s1 =	srdreg.scid  }
0x8b: {  	s0 =	sand.u32 $0x1, s1  }
0x8c: {  	s17 =	sshll.u32 s0, $0xA;
	s2 =	sadd.s32 s3, s2  }
0x8d: {  	s2 =	sadd.s32 s2, s17  }
0x8e: {  	[smem:$0x3FC6] =	sst s2  }
0x8f: {  	_ = 	snop  }
0x90: {  	s18 =	sld [smem:$0x3FC8];
	(tm) =	ssettm $0x1  }
0x91: {  	s19 =	sld [smem:$0x3FFB];
	_ =	sdelay $0x3  }
0x92: {  	_ =	strace s19  }
0x93: {  	s2 =	sld [smem:$0x3FFC];
	_ =	sdelay $0x3  }
0x94: {  	_ =	strace s2  }
0x95: {  	s2 =	sld [smem:$0x3FFD];
	_ =	sdelay $0x3  }
0x96: {  	_ =	strace s2  }
0x97: {  	_ =	strace $0x8FFFFFFF  }
0x98: {  	s20 =	sld [smem:$0x3FDB];
	_ =	sdelay $0x1  }
0x99: {  	s4 =	simm.s32 $_scs_section_size  }
0x9a: {  	s5 =	simm.s32 $_size__tile_overlayer_lowered;
	s6 =	simm.s32 $_tile_overlayer_lowered  }
0x9b: {  	s7 =	simm.s32 $0x1BFF;
	s21 =	sshll.u32 s6, $0x1;
	s4 =	sadd.s32 s4, s20  }
0x9c: {  	s22 =	simm.s32 $0x0;
	s5 =	sshll.u32 s5, $0x1;
	s6 =	sadd.s32 s21, s4  }
0x9d: {  	[timem:s22], [sflag:s7] =	dma.local [hbm:s6], s5  }
0x9e: {  	_ =	swait.ge [sflag:s7], s5  }
0x9f: {  	s5 =	ssub.s32 $0x0, s5;
	[sflag:s7] =	ssyncset.done $0x0  }
0xa0: {  	[sflag:s7] =	ssyncadd.s32 s5;
	_ =	sdelay $0x1  }
0xa1: {  	s23 =	simm.s32 $0x1B8B  }
0xa2: {  	_ =	swait.ge [sflag:s23], $0x1  }
0xa3: {  	[sflag:s23] =	ssyncset.done $0x0  }
0xa4: {  	[sflag:s23] =	ssyncadd.s32 $0xFFFFFFFF  }
0xa5: {  	s5 =	sld [smem:$0x0]  }
0xa6: {  	s6 =	sand.u32 $0xFFFFFFFE, s1  }
0xa7: {  	p0 =	sne.s32 s1, s6  }
0xa8: {  	s6 =	sshll.u32 @p0 s6, $0xE  }
0xa9: {  	s6 =	sadd.s32 @p0 $0x11B8D, s6;
	s7 =	sshll.u32 @p0 s5, $0x11  }
0xaa: {  	s6 =	sor.u32 @p0 s7, s6  }
0xab: {  	[sflag:s6] =	ssyncadd.remote.s32 @p0 $0x1;
	_ =	sdelay $0x1  }
0xac: {  	s6 =	simm.s32 @p0 $0x1B8D  }
0xad: {  	_ =	swait.eq @p0 [sflag:s6], $0x1  }
0xae: {  	[sflag:s6] =	ssyncadd.s32 @p0 $0xFFFFFFFF  }
0xaf: {  	s7 =	sshll.u32 @!p0 s1, $0xE  }
0xb0: {  	s7 =	sor.u32 @!p0 $0x4000, s7;
	s6 =	simm.s32 @!p0 $0x1B8D  }
0xb1: {  	s5 =	sshll.u32 @!p0 s5, $0x11;
	s7 =	sadd.s32 @!p0 $0x11B8D, s7;
	_ =	swait.eq @!p0 [sflag:s6], $0x1  }
0xb2: {  	s5 =	sor.u32 @!p0 s5, s7;
	[sflag:s6] =	ssyncadd.s32 @!p0 $0xFFFFFFFF  }
0xb3: {  	s25 =	simm.s32 $0x1B8E;
	s24 =	sld [smem:$0x3FFE];
	[sflag:s5] =	ssyncadd.remote.s32 @!p0 $0x1  }
0xb4: {  	s26 =	simm.s32 $execute0_lowered;
	[smem:$0x3FD2] =	sst s25  }
0xb5: {  	s6 =	sshll.u32 s26, $0x1;
	_ =	strace $0x8000004F;
	[dreg:$0x1] =	wrdreg $0xFFFFFFFF  }
0xb6: {  	s28 =	simm.s32 $_size_execute0_lowered;
	s4 =	sadd.s32 s4, s6;
	[dreg:$0x0] =	wrdreg $0x0  }
0xb7: {  	s6 =	sshll.u32 s28, $0x1;
	[dreg:$0x2] =	wrdreg s4  }
0xb8: {  	[dreg:$0x3] =	wrdreg s6  }
0xb9: {  	[dreg:$0x4] =	wrdreg $0xC0  }
0xba: {  	_ =	task [dreg:s22], $0x5FFFF  }
0xbb: {  	[dreg:$0x1] =	wrdreg $0xFFFFFFFF  }
0xbc: {  	[dreg:$0x0] =	wrdreg $0x60  }
0xbd: {  	[dreg:$0x2] =	wrdreg s24  }
0xbe: {  	[dreg:$0x3] =	wrdreg s18  }
0xbf: {  	[dreg:$0x4] =	wrdreg $0x0  }
0xc0: {  	[dreg:$0x5] =	wrdreg $0xA  }
0xc1: {  	_ =	task.clear_ibuf [dreg:s22], $0x6FFFF;
	_ =	strace $0x9000004F  }
0xc2: {  	s29 =	simm.s32 $0xA;
	_ =	strace $0x80000051  }
0xc3: {  	_ =	swait.ge [sflag:s29], $0x1  }
0xc4: {  	[sflag:s29] =	ssyncadd.s32 $0xFFFFFFFF  }
0xc5: {  	_ =	strace $0x90000051  }
0xc6: {  	_ =	sfence  }
0xc7: {  	s30 =	sld [smem:$0x0];
	_ =	sdelay $0x2  }
0xc8: {  	s31 =	sshll.u32 s1, $0xD;
	s1 =	sshrl.u32 s1, $0x2  }
0xc9: {  	s4 =	sand.u32 $0x4000, s31;
	s1 =	sadd.s32 s1, s30  }
0xca: {  	s0 =	sor.u32 s4, s0;
	s1 =	sshll.u32 s1, $0x11  }
0xcb: {  	s0 =	sor.u32 s1, s0  }
0xcc: {  	s0 =	sadd.s32 $0x8F2B, s0  }
0xcd: {  	[sflag:s0] =	ssyncadd.remote.s32 $0x1  }
0xce: {  	_ =	sfence.sel $0xFFFF  }
0xcf: {  	[dreg:$0x0] =	wrdreg $0xFFFFFFFF;
	(pc) =	sbr.abs _section_cstart, $3  }
0xd0: {  	[dreg:$0x1] =	wrdreg $0xFFFFFFFF  }
0xd1: {  	_ =	task.clear_ibuf [dreg:s22], $0x2FFFF;
	_ =	strace $0x9FFFFFFF  }
0xd2: {  	(tm) =	ssettm $0x7FFFFFFF  }
0xd3: {  	_ =	shalt  }
tec
execute0_lowered:
.L_overlay_start_1:
0x0: {  	(tag) =	ssettag $0x1  }
0x1: {  	s0 =	rddreg [dreg:$0x0]  }
0x2: {  	s3 =	rddreg [dreg:$0x1]  }
0x3: {  	s2 =	srdreg.scid;
	s1 =	rddreg [dreg:$0x2]  }
0x4: {  	s11 =	stileid.u32;
	s28 =	simm.s32 $0x9;
	s29 =	simm.s32 $0x4  }
0x5: {  	s30 =	simm.s32 $0xA;
	s31 =	simm.s32 $0x5;
	s4 =	sand.u32 $0x1, s2  }
0x6: {  	s2 =	simm.s32 $0x0;
	s6 =	sshll.u32 s11, $0xC;
	s9 =	smul.u32 $0xC80, s11  }
0x7: {  	s12 =	sshll.u32 s11, $0xF;
	s22 =	smul.u32 $0xC800, s11;
	s11 =	simm.s32 $0x18000  }
0x8: {  	s5 =	smul.u32 $0xC8000, s4;
	[smem:$0x7FF] =	sst s2;
	s7 =	ssub.s32 $0x2, s4  }
0x9: {  	s8 =	smul.u32 $0xC800, s4;
	s13 =	sadd.s32 s12, s1;
	s12 =	simm.s32 $0x18080  }
0xa: {  	_ =	strace $0x80000050;
	s10 =	sshrl.u32 s7, $0x1;
	[dreg:$0x9] =	wrdreg s13  }
0xb: {  	s5 =	sadd.s32 s5, s0;
	s0 =	sadd.s32 s6, s0;
	s6 =	ssub.s32 s7, s10  }
0xc: {  	s10 =	sshll.u32 s4, $0x10;
	s14 =	sadd.s32 s9, s8;
	s4 =	sadd.s32 $0x4000, s13  }
0xd: {  	s9 =	simm.s32 $0x4000;
	s13 =	simm.s32 $0x8000;
	s0 =	sadd.s32 s10, s0  }
0xe: {  	[dreg:$0xa] =	wrdreg s4;
	s15 =	sadd.s32 $0x19000, s14;
	s16 =	smax.u32 s6, $0x1  }
0xf: {  	s17 =	sadd.s32 $0x19200, s14;
	s8 =	sadd.s32 $0x19180, s14;
	s21 =	sadd.s32 $0x19100, s14  }
0x10: {  	s7 =	sadd.s32 $0x19080, s14;
	s26 =	sadd.s32 s22, s5;
	s4 =	simm.s32 $0x10  }
0x11: {  	s14 =	simm.s32 $0x18100;
	s22 =	simm.s32 $0x80;
	s0 =	sadd.s32 $0x511C00, s0  }
0x12: {  	[dreg:$0xc] =	wrdreg s16;
	s6 =	sshrl.u32 s17, $0x3;
	s19 =	sshrl.u32 s8, $0x3  }
0x13: {  	s24 =	sshrl.u32 s7, $0x3;
	s8 =	sadd.s32 $0x383C00, s26;
	s16 =	simm.s32 $0x18180  }
0x14: {  	s17 =	simm.s32 $0x10000;
	s26 =	simm.s32 $0x3;
	[dreg:$0xb] =	wrdreg s0  }
0x15: {  	s0 =	sshrl.u32 s15, $0x3;
	s18 =	sadd.s32 s6, s3;
	s20 =	sadd.s32 s19, s3  }
0x16: {  	s6 =	sshrl.u32 s21, $0x3;
	s25 =	sadd.s32 s24, s3;
	s15 =	simm.s32 $0xC000  }
0x17: {  	s19 =	simm.s32 $0x14000;
	s21 =	simm.s32 $0x1;
	[dreg:$0x5] =	wrdreg s18  }
0x18: {  	s24 =	simm.s32 $0x2;
	s0 =	sadd.s32 s0, s3;
	[dreg:$0x6] =	wrdreg s20  }
0x19: {  	s23 =	sadd.s32 s6, s3;
	[dreg:$0x8] =	wrdreg s25;
	s18 =	simm.s32 $0x18200  }
0x1a: {  	s20 =	simm.s32 $0x6;
	s25 =	simm.s32 $0x8;
	[dreg:$0x4] =	wrdreg s0  }
0x1b: {  	v0 =	vimm.f32 $0.0e+00;
	[dreg:$0x7] =	wrdreg s23;
	s23 =	simm.s32 $0x7;
	s0 =	simm.s32 $0x0  }
.LBB2_1:
0x1c: {  	s5 =	simm.s32 $0x200;
	s3 =	simm.s32 $0x0  }
.LBB2_2:
0x1d: {  	p0 =	sne.s32 s5, $0xFE00;
	[tilespmem:s3+$0x4030] =	vst v0;
	s6 =	smov.u32 s5;
	s5 =	sadd.s32 $0x200, s5  }
.Ltmp0:
0x1e: {  	[tilespmem:s3+$0x4020] =	vst v0;
	(pc) =	sbr.rel @p0 .LBB2_2-.Ltmp0, $3  }
0x1f: {  	[tilespmem:s3+$0x4000] =	vst v0  }
0x20: {  	[tilespmem:s3+$0x4010] =	vst v0;
	_ =	sdelay $0x1  }
0x21: {  	s3 =	sshra.s32 s6, $0x2  }
0x22: {  	[tilespmem:s3+$0x4030] =	vst v0  }
0x23: {  	[tilespmem:s3+$0x4020] =	vst v0  }
0x24: {  	[tilespmem:s3+$0x4000] =	vst v0  }
0x25: {  	[tilespmem:s3+$0x4010] =	vst v0;
	s6 =	rddreg [dreg:$0x9]  }
0x26: {  	[spmem:s6] =	stream.linear.scatter [tilespmem:s9], [sflag:$0x10], $0x4000, $0x38;
	[tilespmem:$0x18280] =	vst v63  }
0x27: {  	_ =	swait.ge [sflag:s4], $0x4000  }
0x28: {  	[sflag:s4] =	ssyncset.done $0x0  }
0x29: {  	s7 =	rddreg [dreg:$0xa];
	[sflag:s4] =	ssyncadd.s32 $0xFFFFC000  }
0x2a: {  	[spmem:s7] =	stream.linear.scatter [tilespmem:s9], [sflag:$0x10], $0x4000, $0x38;
	[tilespmem:$0x18280] =	vst v63  }
0x2b: {  	_ =	swait.ge [sflag:s4], $0x4000  }
0x2c: {  	[sflag:s4] =	ssyncset.done $0x0  }
0x2d: {  	p0 =	por $0x1, $0x1;
	[sflag:s4] =	ssyncadd.s32 $0xFFFFC000  }
0x2e: {  	s3 =	simm.s32 @!p0 $0xB;
	[bflag:$0x0] =	sbarrier.arrive $0xFFFF  }
0x2f: {  	_ =	swait.ge @!p0 [sflag:s3], $0x2000  }
0x30: {  	s5 =	rddreg [dreg:$0x4];
	[sflag:s3] =	ssyncset.done @!p0 $0x0  }
0x31: {  	[sflag:s3] =	ssyncadd.s32 @!p0 $0xFFFFE000;
	s10 =	sadd.s32 $0x0, s5  }
0x32: {  	[tilespmem:s11], [sflag:$0x6] =	stream.linear.gather [hbm4b:s10+s2], $0x80, $0x38;
	[tilespmem:$0x18280] =	vst v63  }
0x33: {  	s4 =	sadd.s32 $0xFFFFE000, s8;
	s5 =	simm.s32 @!p0 $0xC  }
0x34: {  	[tilespmem:s9], [sflag:$0x1] =	stream.linear.gather [hbm4b:s4+s2], $0x4000, $0x38;
	[tilespmem:$0x18280] =	vst v63  }
0x35: {  	_ =	swait.ge @!p0 [sflag:s5], $0x2000  }
0x36: {  	s6 =	rddreg [dreg:$0x8];
	[sflag:s5] =	ssyncset.done @!p0 $0x0  }
0x37: {  	[sflag:s5] =	ssyncadd.s32 @!p0 $0xFFFFE000;
	s3 =	sadd.s32 $0x0, s6  }
0x38: {  	[tilespmem:s12], [sflag:$0x7] =	stream.linear.gather [hbm4b:s3+s2], $0x80, $0x38;
	[tilespmem:$0x18280] =	vst v63  }
0x39: {  	s7 =	sadd.s32 $0xFFFFE800, s8;
	s5 =	simm.s32 @!p0 $0xD  }
0x3a: {  	[tilespmem:s13], [sflag:$0x2] =	stream.linear.gather [hbm4b:s7+s2], $0x4000, $0x38;
	[tilespmem:$0x18280] =	vst v63  }
0x3b: {  	_ =	swait.ge @!p0 [sflag:s5], $0x2000  }
0x3c: {  	s10 =	rddreg [dreg:$0x7];
	[sflag:s5] =	ssyncset.done @!p0 $0x0  }
0x3d: {  	[sflag:s5] =	ssyncadd.s32 @!p0 $0xFFFFE000;
	s3 =	sadd.s32 $0x0, s10  }
0x3e: {  	[tilespmem:s14], [sflag:$0x8] =	stream.linear.gather [hbm4b:s3+s2], $0x80, $0x38;
	[tilespmem:$0x18280] =	vst v63  }
0x3f: {  	s4 =	sadd.s32 $0xFFFFF000, s8;
	s5 =	simm.s32 @!p0 $0xE  }
0x40: {  	[tilespmem:s15], [sflag:$0x3] =	stream.linear.gather [hbm4b:s4+s2], $0x4000, $0x38;
	[tilespmem:$0x18280] =	vst v63  }
0x41: {  	_ =	swait.ge @!p0 [sflag:s5], $0x2000  }
0x42: {  	s6 =	rddreg [dreg:$0x6];
	[sflag:s5] =	ssyncset.done @!p0 $0x0  }
0x43: {  	[sflag:s5] =	ssyncadd.s32 @!p0 $0xFFFFE000;
	s3 =	sadd.s32 $0x0, s6  }
0x44: {  	[tilespmem:s16], [sflag:$0x9] =	stream.linear.gather [hbm4b:s3+s2], $0x80, $0x38;
	[tilespmem:$0x18280] =	vst v63  }
0x45: {  	s7 =	sadd.s32 $0xFFFFF800, s8;
	s5 =	simm.s32 @!p0 $0xF  }
0x46: {  	[tilespmem:s17], [sflag:$0x4] =	stream.linear.gather [hbm4b:s7+s2], $0x4000, $0x38;
	[tilespmem:$0x18280] =	vst v63  }
0x47: {  	_ =	swait.ge @!p0 [sflag:s5], $0x2000  }
0x48: {  	s10 =	rddreg [dreg:$0x5];
	[sflag:s5] =	ssyncset.done @!p0 $0x0  }
0x49: {  	[sflag:s5] =	ssyncadd.s32 @!p0 $0xFFFFE000;
	s3 =	sadd.s32 $0x0, s10  }
0x4a: {  	[tilespmem:s18], [sflag:$0xA] =	stream.linear.gather [hbm4b:s3+s2], $0x80, $0x38;
	[tilespmem:$0x18280] =	vst v63  }
0x4b: {  	_ = 	snop  }
0x4c: {  	[tilespmem:s19], [sflag:$0x5] =	stream.linear.gather [hbm4b:s8+s2], $0x4000, $0x38;
	[tilespmem:$0x18280] =	vst v63  }
0x4d: {  	_ =	swait.ge [sflag:s20], $0x80  }
0x4e: {  	[sflag:s20] =	ssyncset.done $0x0  }
0x4f: {  	[sflag:s20] =	ssyncadd.s32 $0xFFFFFF80  }
0x50: {  	_ =	swait.ge [sflag:s21], $0x4000  }
0x51: {  	[sflag:s21] =	ssyncset.done $0x0  }
0x52: {  	[sflag:s21] =	ssyncadd.s32 $0xFFFFC000  }
0x53: {  	[spmem:s1] =	stream.indirect.scatter.add.f32 [tilespmem:s9], [sflag:$0xB], $0x40, s11, s22, $0xb8;
	[tilespmem:$0x18280] =	vst v63  }
0x54: {  	_ =	swait.ge [sflag:s23], $0x80  }
0x55: {  	[sflag:s23] =	ssyncset.done $0x0  }
0x56: {  	[sflag:s23] =	ssyncadd.s32 $0xFFFFFF80  }
0x57: {  	_ =	swait.ge [sflag:s24], $0x4000  }
0x58: {  	[sflag:s24] =	ssyncset.done $0x0  }
0x59: {  	[sflag:s24] =	ssyncadd.s32 $0xFFFFC000  }
0x5a: {  	[spmem:s1] =	stream.indirect.scatter.add.f32 [tilespmem:s13], [sflag:$0xC], $0x40, s12, s22, $0xb8;
	[tilespmem:$0x18280] =	vst v63  }
0x5b: {  	_ =	swait.ge [sflag:s25], $0x80  }
0x5c: {  	[sflag:s25] =	ssyncset.done $0x0  }
0x5d: {  	[sflag:s25] =	ssyncadd.s32 $0xFFFFFF80  }
0x5e: {  	_ =	swait.ge [sflag:s26], $0x4000  }
0x5f: {  	[sflag:s26] =	ssyncset.done $0x0  }
0x60: {  	[sflag:s26] =	ssyncadd.s32 $0xFFFFC000  }
0x61: {  	[spmem:s1] =	stream.indirect.scatter.add.f32 [tilespmem:s15], [sflag:$0xD], $0x40, s14, s22, $0xb8;
	[tilespmem:$0x18280] =	vst v63  }
0x62: {  	_ =	swait.ge [sflag:s28], $0x80  }
0x63: {  	[sflag:s28] =	ssyncset.done $0x0  }
0x64: {  	[sflag:s28] =	ssyncadd.s32 $0xFFFFFF80  }
0x65: {  	_ =	swait.ge [sflag:s29], $0x4000  }
0x66: {  	[sflag:s29] =	ssyncset.done $0x0  }
0x67: {  	[sflag:s29] =	ssyncadd.s32 $0xFFFFC000  }
0x68: {  	[spmem:s1] =	stream.indirect.scatter.add.f32 [tilespmem:s17], [sflag:$0xE], $0x40, s16, s22, $0xb8;
	[tilespmem:$0x18280] =	vst v63  }
0x69: {  	_ =	swait.ge [sflag:s30], $0x80  }
0x6a: {  	[sflag:s30] =	ssyncset.done $0x0  }
0x6b: {  	[sflag:s30] =	ssyncadd.s32 $0xFFFFFF80  }
0x6c: {  	p1 =	por $0x0, $0x0;
	s6 =	simm.s32 $0xA0;
	_ =	swait.ge [sflag:s31], $0x4000  }
0x6d: {  	s5 =	sadd.s32 $0x2800, s8;
	s3 =	simm.s32 $0x50;
	[sflag:s31] =	ssyncset.done $0x0  }
.LBB2_4:
0x6e: {  	s4 =	simm.s32 @!p1 $0xB;
	[sflag:s31] =	ssyncadd.s32 $0xFFFFC000  }
0x6f: {  	[spmem:s1] =	stream.indirect.scatter.add.f32 [tilespmem:s19], [sflag:$0xF], $0x40, s18, s22, $0xb8;
	[tilespmem:$0x18280] =	vst v63  }
0x70: {  	_ =	swait.ge @!p1 [sflag:s4], $0x2000  }
0x71: {  	[sflag:s4] =	ssyncset.done @!p1 $0x0;
	s10 =	rddreg [dreg:$0x4]  }
0x72: {  	[sflag:s4] =	ssyncadd.s32 @!p1 $0xFFFFE000;
	s10 =	sadd.s32 s3, s10  }
0x73: {  	[tilespmem:s11], [sflag:$0x6] =	stream.linear.gather [hbm4b:s10+s2], $0x80, $0x38;
	[tilespmem:$0x18280] =	vst v63  }
0x74: {  	s4 =	sadd.s32 $0xFFFFE000, s5;
	s10 =	simm.s32 @!p1 $0xC  }
0x75: {  	[tilespmem:s9], [sflag:$0x1] =	stream.linear.gather [hbm4b:s4+s2], $0x4000, $0x38;
	[tilespmem:$0x18280] =	vst v63  }
0x76: {  	_ =	swait.ge @!p1 [sflag:s10], $0x2000  }
0x77: {  	s4 =	rddreg [dreg:$0x8];
	[sflag:s10] =	ssyncset.done @!p1 $0x0  }
0x78: {  	[sflag:s10] =	ssyncadd.s32 @!p1 $0xFFFFE000;
	s4 =	sadd.s32 s3, s4  }
0x79: {  	[tilespmem:s12], [sflag:$0x7] =	stream.linear.gather [hbm4b:s4+s2], $0x80, $0x38;
	[tilespmem:$0x18280] =	vst v63  }
0x7a: {  	s10 =	simm.s32 @!p1 $0xD;
	s4 =	sadd.s32 $0xFFFFE800, s5  }
0x7b: {  	[tilespmem:s13], [sflag:$0x2] =	stream.linear.gather [hbm4b:s4+s2], $0x4000, $0x38;
	[tilespmem:$0x18280] =	vst v63  }
0x7c: {  	_ =	swait.ge @!p1 [sflag:s10], $0x2000  }
0x7d: {  	s4 =	rddreg [dreg:$0x7];
	[sflag:s10] =	ssyncset.done @!p1 $0x0  }
0x7e: {  	[sflag:s10] =	ssyncadd.s32 @!p1 $0xFFFFE000;
	s4 =	sadd.s32 s3, s4  }
0x7f: {  	[tilespmem:s14], [sflag:$0x8] =	stream.linear.gather [hbm4b:s4+s2], $0x80, $0x38;
	[tilespmem:$0x18280] =	vst v63  }
0x80: {  	s10 =	simm.s32 @!p1 $0xE;
	s4 =	sadd.s32 $0xFFFFF000, s5  }
0x81: {  	[tilespmem:s15], [sflag:$0x3] =	stream.linear.gather [hbm4b:s4+s2], $0x4000, $0x38;
	[tilespmem:$0x18280] =	vst v63  }
0x82: {  	_ =	swait.ge @!p1 [sflag:s10], $0x2000  }
0x83: {  	s4 =	rddreg [dreg:$0x6];
	[sflag:s10] =	ssyncset.done @!p1 $0x0  }
0x84: {  	[sflag:s10] =	ssyncadd.s32 @!p1 $0xFFFFE000;
	s4 =	sadd.s32 s3, s4  }
0x85: {  	[tilespmem:s16], [sflag:$0x9] =	stream.linear.gather [hbm4b:s4+s2], $0x80, $0x38;
	[tilespmem:$0x18280] =	vst v63  }
0x86: {  	s10 =	simm.s32 @!p1 $0xF;
	s4 =	sadd.s32 $0xFFFFF800, s5  }
0x87: {  	[tilespmem:s17], [sflag:$0x4] =	stream.linear.gather [hbm4b:s4+s2], $0x4000, $0x38;
	[tilespmem:$0x18280] =	vst v63  }
0x88: {  	_ =	swait.ge @!p1 [sflag:s10], $0x2000  }
0x89: {  	s4 =	rddreg [dreg:$0x5];
	[sflag:s10] =	ssyncset.done @!p1 $0x0  }
0x8a: {  	[sflag:s10] =	ssyncadd.s32 @!p1 $0xFFFFE000;
	s4 =	sadd.s32 s3, s4  }
0x8b: {  	[tilespmem:s18], [sflag:$0xA] =	stream.linear.gather [hbm4b:s4+s2], $0x80, $0x38;
	[tilespmem:$0x18280] =	vst v63  }
0x8c: {  	_ = 	snop  }
0x8d: {  	[tilespmem:s19], [sflag:$0x5] =	stream.linear.gather [hbm4b:s5+s2], $0x4000, $0x38;
	[tilespmem:$0x18280] =	vst v63  }
0x8e: {  	_ =	swait.ge [sflag:s20], $0x80  }
0x8f: {  	[sflag:s20] =	ssyncset.done $0x0  }
0x90: {  	[sflag:s20] =	ssyncadd.s32 $0xFFFFFF80  }
0x91: {  	_ =	swait.ge [sflag:s21], $0x4000  }
0x92: {  	[sflag:s21] =	ssyncset.done $0x0  }
0x93: {  	[sflag:s21] =	ssyncadd.s32 $0xFFFFC000  }
0x94: {  	[spmem:s1] =	stream.indirect.scatter.add.f32 [tilespmem:s9], [sflag:$0xB], $0x40, s11, s22, $0xb8;
	[tilespmem:$0x18280] =	vst v63  }
0x95: {  	_ =	swait.ge [sflag:s23], $0x80  }
0x96: {  	[sflag:s23] =	ssyncset.done $0x0  }
0x97: {  	[sflag:s23] =	ssyncadd.s32 $0xFFFFFF80  }
0x98: {  	_ =	swait.ge [sflag:s24], $0x4000  }
0x99: {  	[sflag:s24] =	ssyncset.done $0x0  }
0x9a: {  	[sflag:s24] =	ssyncadd.s32 $0xFFFFC000  }
0x9b: {  	[spmem:s1] =	stream.indirect.scatter.add.f32 [tilespmem:s13], [sflag:$0xC], $0x40, s12, s22, $0xb8;
	[tilespmem:$0x18280] =	vst v63  }
0x9c: {  	_ =	swait.ge [sflag:s25], $0x80  }
0x9d: {  	[sflag:s25] =	ssyncset.done $0x0  }
0x9e: {  	[sflag:s25] =	ssyncadd.s32 $0xFFFFFF80  }
0x9f: {  	_ =	swait.ge [sflag:s26], $0x4000  }
0xa0: {  	[sflag:s26] =	ssyncset.done $0x0  }
0xa1: {  	[sflag:s26] =	ssyncadd.s32 $0xFFFFC000  }
0xa2: {  	[spmem:s1] =	stream.indirect.scatter.add.f32 [tilespmem:s15], [sflag:$0xD], $0x40, s14, s22, $0xb8;
	[tilespmem:$0x18280] =	vst v63  }
0xa3: {  	_ =	swait.ge [sflag:s28], $0x80  }
0xa4: {  	[sflag:s28] =	ssyncset.done $0x0  }
0xa5: {  	[sflag:s28] =	ssyncadd.s32 $0xFFFFFF80  }
0xa6: {  	_ =	swait.ge [sflag:s29], $0x4000  }
0xa7: {  	s7 =	smov.u32 s6;
	s6 =	sadd.s32 $0x50, s6;
	[sflag:s29] =	ssyncset.done $0x0  }
0xa8: {  	p0 =	sne.s32 s6, $0x190;
	[sflag:s29] =	ssyncadd.s32 $0xFFFFC000  }
0xa9: {  	[spmem:s1] =	stream.indirect.scatter.add.f32 [tilespmem:s17], [sflag:$0xE], $0x40, s16, s22, $0xb8;
	[tilespmem:$0x18280] =	vst v63  }
.Ltmp1:
0xaa: {  	_ =	swait.ge [sflag:s30], $0x80;
	(pc) =	sbr.rel @p0 .LBB2_4-.Ltmp1, $4  }
0xab: {  	[sflag:s30] =	ssyncset.done $0x0  }
0xac: {  	[sflag:s30] =	ssyncadd.s32 $0xFFFFFF80  }
0xad: {  	s3 =	smov.u32 s7;
	_ =	swait.ge [sflag:s31], $0x4000  }
0xae: {  	p1 =	seq.s32 s3, $0x0;
	s5 =	sadd.s32 $0x2800, s5;
	[sflag:s31] =	ssyncset.done $0x0  }
0xaf: {  	s4 =	simm.s32 @!p1 $0xB;
	[sflag:s31] =	ssyncadd.s32 $0xFFFFC000  }
0xb0: {  	[spmem:s1] =	stream.indirect.scatter.add.f32 [tilespmem:s19], [sflag:$0xF], $0x40, s18, s22, $0xb8;
	[tilespmem:$0x18280] =	vst v63  }
0xb1: {  	_ =	swait.ge @!p1 [sflag:s4], $0x2000  }
0xb2: {  	s6 =	rddreg [dreg:$0x4];
	[sflag:s4] =	ssyncset.done @!p1 $0x0  }
0xb3: {  	[sflag:s4] =	ssyncadd.s32 @!p1 $0xFFFFE000;
	s6 =	sadd.s32 s3, s6  }
0xb4: {  	[tilespmem:s11], [sflag:$0x6] =	stream.linear.gather [hbm4b:s6+s2], $0x80, $0x38;
	[tilespmem:$0x18280] =	vst v63  }
0xb5: {  	s7 =	sadd.s32 $0xFFFFE000, s5;
	s6 =	simm.s32 @!p1 $0xC  }
0xb6: {  	[tilespmem:s9], [sflag:$0x1] =	stream.linear.gather [hbm4b:s7+s2], $0x4000, $0x38;
	[tilespmem:$0x18280] =	vst v63  }
0xb7: {  	_ =	swait.ge @!p1 [sflag:s6], $0x2000  }
0xb8: {  	s10 =	rddreg [dreg:$0x8];
	[sflag:s6] =	ssyncset.done @!p1 $0x0  }
0xb9: {  	[sflag:s6] =	ssyncadd.s32 @!p1 $0xFFFFE000;
	s4 =	sadd.s32 s3, s10  }
0xba: {  	[tilespmem:s12], [sflag:$0x7] =	stream.linear.gather [hbm4b:s4+s2], $0x80, $0x38;
	[tilespmem:$0x18280] =	vst v63  }
0xbb: {  	s7 =	sadd.s32 $0xFFFFE800, s5;
	s6 =	simm.s32 @!p1 $0xD  }
0xbc: {  	[tilespmem:s13], [sflag:$0x2] =	stream.linear.gather [hbm4b:s7+s2], $0x4000, $0x38;
	[tilespmem:$0x18280] =	vst v63  }
0xbd: {  	_ =	swait.ge @!p1 [sflag:s6], $0x2000  }
0xbe: {  	s10 =	rddreg [dreg:$0x7];
	[sflag:s6] =	ssyncset.done @!p1 $0x0  }
0xbf: {  	[sflag:s6] =	ssyncadd.s32 @!p1 $0xFFFFE000;
	s4 =	sadd.s32 s3, s10  }
0xc0: {  	[tilespmem:s14], [sflag:$0x8] =	stream.linear.gather [hbm4b:s4+s2], $0x80, $0x38;
	[tilespmem:$0x18280] =	vst v63  }
0xc1: {  	s7 =	sadd.s32 $0xFFFFF000, s5;
	s6 =	simm.s32 @!p1 $0xE  }
0xc2: {  	[tilespmem:s15], [sflag:$0x3] =	stream.linear.gather [hbm4b:s7+s2], $0x4000, $0x38;
	[tilespmem:$0x18280] =	vst v63  }
0xc3: {  	_ =	swait.ge @!p1 [sflag:s6], $0x2000  }
0xc4: {  	s10 =	rddreg [dreg:$0x6];
	[sflag:s6] =	ssyncset.done @!p1 $0x0  }
0xc5: {  	[sflag:s6] =	ssyncadd.s32 @!p1 $0xFFFFE000;
	s4 =	sadd.s32 s3, s10  }
0xc6: {  	[tilespmem:s16], [sflag:$0x9] =	stream.linear.gather [hbm4b:s4+s2], $0x80, $0x38;
	[tilespmem:$0x18280] =	vst v63  }
0xc7: {  	s7 =	sadd.s32 $0xFFFFF800, s5;
	s6 =	simm.s32 @!p1 $0xF  }
0xc8: {  	[tilespmem:s17], [sflag:$0x4] =	stream.linear.gather [hbm4b:s7+s2], $0x4000, $0x38;
	[tilespmem:$0x18280] =	vst v63  }
0xc9: {  	_ =	swait.ge @!p1 [sflag:s6], $0x2000  }
0xca: {  	s10 =	rddreg [dreg:$0x5];
	[sflag:s6] =	ssyncset.done @!p1 $0x0  }
0xcb: {  	[sflag:s6] =	ssyncadd.s32 @!p1 $0xFFFFE000;
	s4 =	sadd.s32 s3, s10  }
0xcc: {  	[tilespmem:s18], [sflag:$0xA] =	stream.linear.gather [hbm4b:s4+s2], $0x80, $0x38;
	[tilespmem:$0x18280] =	vst v63  }
0xcd: {  	_ = 	snop  }
0xce: {  	[tilespmem:s19], [sflag:$0x5] =	stream.linear.gather [hbm4b:s5+s2], $0x4000, $0x38;
	[tilespmem:$0x18280] =	vst v63  }
0xcf: {  	_ =	swait.ge [sflag:s20], $0x80  }
0xd0: {  	[sflag:s20] =	ssyncset.done $0x0  }
0xd1: {  	[sflag:s20] =	ssyncadd.s32 $0xFFFFFF80  }
0xd2: {  	_ =	swait.ge [sflag:s21], $0x4000  }
0xd3: {  	[sflag:s21] =	ssyncset.done $0x0  }
0xd4: {  	[sflag:s21] =	ssyncadd.s32 $0xFFFFC000  }
0xd5: {  	[spmem:s1] =	stream.indirect.scatter.add.f32 [tilespmem:s9], [sflag:$0xB], $0x40, s11, s22, $0xb8;
	[tilespmem:$0x18280] =	vst v63  }
0xd6: {  	_ =	swait.ge [sflag:s23], $0x80  }
0xd7: {  	[sflag:s23] =	ssyncset.done $0x0  }
0xd8: {  	[sflag:s23] =	ssyncadd.s32 $0xFFFFFF80  }
0xd9: {  	_ =	swait.ge [sflag:s24], $0x4000  }
0xda: {  	[sflag:s24] =	ssyncset.done $0x0  }
0xdb: {  	[sflag:s24] =	ssyncadd.s32 $0xFFFFC000  }
0xdc: {  	[spmem:s1] =	stream.indirect.scatter.add.f32 [tilespmem:s13], [sflag:$0xC], $0x40, s12, s22, $0xb8;
	[tilespmem:$0x18280] =	vst v63  }
0xdd: {  	_ =	swait.ge [sflag:s25], $0x80  }
0xde: {  	[sflag:s25] =	ssyncset.done $0x0  }
0xdf: {  	[sflag:s25] =	ssyncadd.s32 $0xFFFFFF80  }
0xe0: {  	_ =	swait.ge [sflag:s26], $0x4000  }
0xe1: {  	[sflag:s26] =	ssyncset.done $0x0  }
0xe2: {  	[sflag:s26] =	ssyncadd.s32 $0xFFFFC000  }
0xe3: {  	[spmem:s1] =	stream.indirect.scatter.add.f32 [tilespmem:s15], [sflag:$0xD], $0x40, s14, s22, $0xb8;
	[tilespmem:$0x18280] =	vst v63  }
0xe4: {  	_ =	swait.ge [sflag:s28], $0x80  }
0xe5: {  	[sflag:s28] =	ssyncset.done $0x0  }
0xe6: {  	[sflag:s28] =	ssyncadd.s32 $0xFFFFFF80  }
0xe7: {  	_ =	swait.ge [sflag:s29], $0x4000  }
0xe8: {  	[sflag:s29] =	ssyncset.done $0x0  }
0xe9: {  	[sflag:s29] =	ssyncadd.s32 $0xFFFFC000  }
0xea: {  	[spmem:s1] =	stream.indirect.scatter.add.f32 [tilespmem:s17], [sflag:$0xE], $0x40, s16, s22, $0xb8;
	[tilespmem:$0x18280] =	vst v63  }
0xeb: {  	_ =	swait.ge [sflag:s30], $0x80  }
0xec: {  	[sflag:s30] =	ssyncset.done $0x0  }
0xed: {  	[sflag:s30] =	ssyncadd.s32 $0xFFFFFF80  }
0xee: {  	_ =	swait.ge [sflag:s31], $0x4000  }
0xef: {  	[sflag:s31] =	ssyncset.done $0x0  }
0xf0: {  	s5 =	simm.s32 $0xB;
	[sflag:s31] =	ssyncadd.s32 $0xFFFFC000  }
0xf1: {  	[spmem:s1] =	stream.indirect.scatter.add.f32 [tilespmem:s19], [sflag:$0xF], $0x40, s18, s22, $0xb8;
	[tilespmem:$0x18280] =	vst v63  }
0xf2: {  	_ =	swait.ge [sflag:s5], $0x2000  }
0xf3: {  	[sflag:s5] =	ssyncset.done $0x0  }
0xf4: {  	s6 =	simm.s32 $0xC;
	[sflag:s5] =	ssyncadd.s32 $0xFFFFE000  }
0xf5: {  	_ =	swait.ge [sflag:s6], $0x2000  }
0xf6: {  	[sflag:s6] =	ssyncset.done $0x0  }
0xf7: {  	s7 =	simm.s32 $0xD;
	[sflag:s6] =	ssyncadd.s32 $0xFFFFE000  }
0xf8: {  	_ =	swait.ge [sflag:s7], $0x2000  }
0xf9: {  	[sflag:s7] =	ssyncset.done $0x0  }
0xfa: {  	s10 =	simm.s32 $0xE;
	[sflag:s7] =	ssyncadd.s32 $0xFFFFE000  }
0xfb: {  	_ =	swait.ge [sflag:s10], $0x2000  }
0xfc: {  	[sflag:s10] =	ssyncset.done $0x0  }
0xfd: {  	s4 =	simm.s32 $0xF;
	[sflag:s10] =	ssyncadd.s32 $0xFFFFE000  }
0xfe: {  	_ =	swait.ge [sflag:s4], $0x2000  }
0xff: {  	[sflag:s4] =	ssyncset.done $0x0  }
0x100: {  	[sflag:s4] =	ssyncadd.s32 $0xFFFFE000  }
0x101: {  	s5 =	stileid.u32;
	[bflag:$0x0] =	sbarrier.arrive $0xFFFF  }
0x102: {  	s3 =	sshll.u32 s5, $0x6;
	s6 =	rddreg [dreg:$0x9]  }
0x103: {  	s3 =	sor.u32 $0x1C10, s3;
	s7 =	rddreg [dreg:$0xb];
	s4 =	sshrl.u32 s6, $0x3  }
0x104: {  	[hbm:s7], [sflag:s3] =	dma.local [spmem:s4], $0x1000  }
0x105: {  	s4 =	simm.s32 $0x10  }
0x106: {  	_ =	swait.ge [sflag:s4], $0x1000  }
0x107: {  	s0 =	sadd.s32 $0x1, s0;
	s10 =	rddreg [dreg:$0xc]  }
0x108: {  	p0 =	sne.s32 s0, s10  }
.Ltmp2:
0x109: {  	_ = 	snop;
	(pc) =	sbr.rel @p0 .LBB2_1-.Ltmp2, $3  }
0x10a: {  	_ =	sdelay $0x1  }
0x10b: {  	[sflag:s4] =	ssyncset.done $0x0  }
0x10c: {  	[sflag:s4] =	ssyncadd.s32 $0xFFFFF000  }
0x10d: {  	_ =	sfence.sel $0x180000  }
0x10e: {  	[bflag:$0x0] =	sbarrier.arrive $0xFFFF  }
0x10f: {  	_ =	strace $0x90000050  }
0x110: {  	s0 =	stileid.u32;
	[bflag:$0x2] =	sbarrier.arrive $0xFFFF  }
0x111: {  	p0 =	sne.s32 s0, $0x0;
	s0 =	rddreg [dreg:$0x3]  }
0x112: {  	s0 =	sadd.s32 @!p0 $0x100000, s0  }
0x113: {  	[sflag:s0] =	ssyncadd.tile.s32 @!p0 $0x1;
	_ =	shalt  }
.Lfunc_end2:
_tile_overlayer_lowered:
.L_overlay_start_2:
0x114: {  	(tag) =	ssettag $0x2  }
0x115: {  	s0 =	rddreg [dreg:$0x0];
	s2 =	stileid.u32  }
0x116: {  	s1 =	rddreg [dreg:$0x1];
	p0 =	sne.s32 s2, $0x0  }
0x117: {  	s3 =	rddreg [dreg:$0x2];
	[bflag:$0x3] =	sbarrier.arrive $0xFFFF;
	s2 =	simm.s32 @!p0 $0x1C10  }
0x118: {  	[timem:s3], [sflag:s2] =	dma.local @!p0 [hbm:s0], s1  }
0x119: {  	s0 =	simm.s32 @!p0 $0x10  }
0x11a: {  	_ =	swait.ge @!p0 [sflag:s0], s1  }
0x11b: {  	s1 =	ssub.s32 @!p0 $0x0, s1;
	[sflag:s0] =	ssyncset.done @!p0 $0x0  }
0x11c: {  	[sflag:s0] =	ssyncadd.s32 @!p0 s1  }
0x11d: {  	[bflag:$0x3] =	sbarrier.arrive $0xFFFF  }
0x11e: {  	_ =	shalt  }

// kernel: kernel.21.cloned.1.call-start
scs
__scs_entry_jumppad:
0x0: {  	(pc) =	sbr.rel $0x88, $3  }
0x1: {  	(tag) =	ssettag $0x0;
	lr =	simm.s32 $0x1  }
0x2: {  	[smem:$0x3F9F] =	sst lr;
	_ =	strace $0xD0000000  }
0x3: {  	_ = 	snop  }
0x4: {  	_ = 	snop  }
0x5: {  	_ = 	snop  }
0x6: {  	_ = 	snop  }
0x7: {  	_ = 	snop  }
__scs_overlays_trampoline_lowered:
0x8: {  	[smem:$0x3FAE] =	sst s0  }
0x9: {  	[smem:$0x3FAF] =	sst s1  }
0xa: {  	[smem:$0x3FB0] =	sst s2  }
0xb: {  	[smem:$0x3FB1] =	sst s3  }
0xc: {  	[smem:$0x3FB2] =	sst s4  }
0xd: {  	[smem:$0x3FB3] =	sst s5  }
0xe: {  	[smem:$0x3FB4] =	sst s6  }
0xf: {  	[smem:$0x3FB5] =	sst s7  }
0x10: {  	[smem:$0x3FB6] =	sst s8  }
0x11: {  	[smem:$0x3FB7] =	sst s9;
	s0 =	simm.s32 @!p0 $0x0  }
0x12: {  	s1 =	sld [smem:$0x3F9D];
	s0 =	simm.s32 @p0 $0x1  }
0x13: {  	[smem:$0x3FB8] =	sst s0;
	s0 =	simm.s32 @!p1 $0x0  }
0x14: {  	s2 =	sld [smem:$0x3F9C];
	s0 =	simm.s32 @p1 $0x1  }
0x15: {  	[smem:$0x3FB9] =	sst s0;
	s0 =	simm.s32 @!p2 $0x0  }
0x16: {  	s3 =	sld [smem:$0x3FDB];
	s0 =	simm.s32 @p2 $0x1  }
0x17: {  	s4 =	simm.s32 $0x1BF5;
	[smem:$0x3FBB] =	sst s0  }
0x18: {  	s0 =	sld [smem:$0x3F9E];
	_ =	swait.ge [sflag:s4], $0x0  }
0x19: {  	s7 =	sld [smem:$0x3F9F]  }
0x1a: {  	s8 =	sadd.s32 $0xFFFFE003, lr  }
0x1b: {  	s9 =	sadd.s32 $0xFFFFFEF7, lr;
	s5 =	simm.s32 $0xFFFFFFFF;
	p2 =	slt.u32 s8, $0xFFFFF086  }
0x1c: {  	p1 =	slt.u32 s9, $0xF7A;
	s5 =	simm.s32 @!p2 $0x0  }
0x1d: {  	s5 =	simm.s32 @p1 $0x1;
	p0 =	seq.s32 s7, s2  }
0x1e: {  	s7 =	smul.u32 @!p0 $0xF7A, s2;
	p2 =	seq.s32 @!p0 s5, $0x0  }
0x1f: {  	s9 =	smul.u32 $0xF7A, s1;
	s8 =	simm.s32 @!p0 $0x1BF5;
	p2 =	por !p2, p0  }
0x20: {  	[sflag:s8] =	ssyncset.s32 @!p0 $0xFFFFF086;
	s6 =	sadd.s32 @!p0 s3, s7;
	s7 =	simm.s32 @!p0 $0x108  }
0x21: {  	s3 =	sadd.s32 s3, s9;
	s6 =	sadd.s32 @!p0 $0x88, s6;
	s7 =	simm.s32 @p2 $0x1082  }
0x22: {  	[simem:s7], [sflag:s8] =	dma.local @!p0 [hbm:s6], $0xF7A  }
0x23: {  	s9 =	sor.u32 $0xD0000000, s2;
	s6 =	simm.s32 $0x108;
	_ =	swait.ge @!p0 [sflag:s8], $0x0  }
0x24: {  	s3 =	sadd.s32 $0x88, s3;
	s6 =	simm.s32 @!p1 $0x1082;
	[sflag:s4] =	ssyncset.s32 $0xFFFFF086  }
0x25: {  	[simem:s6], [sflag:s4] =	dma.local [hbm:s3], $0xF7A  }
0x26: {  	[smem:$0x3F9F] =	sst s1;
	(tag) =	ssettag s2;
	_ =	strace s9  }
0x27: {  	s1 =	sld [smem:$0x3FAF]  }
0x28: {  	s2 =	sld [smem:$0x3FB0]  }
0x29: {  	s4 =	sld [smem:$0x3FB2]  }
0x2a: {  	p0 =	seq.s32 s5, $0x0;
	s5 =	sld [smem:$0x3FB3]  }
0x2b: {  	s6 =	sld [smem:$0x3FB4]  }
0x2c: {  	s7 =	sld [smem:$0x3FB5]  }
0x2d: {  	s3 =	simm.s32 $0x108;
	s8 =	sld [smem:$0x3FB6]  }
0x2e: {  	s3 =	simm.s32 @!p0 $0x1082;
	s9 =	sld [smem:$0x3FB7]  }
0x2f: {  	lr =	sadd.s32 s0, s3;
	s0 =	sld [smem:$0x3FAE]  }
0x30: {  	s3 =	sld [smem:$0x3FB1]  }
0x31: {  	[smem:$0x3FBA] =	sst s10  }
0x32: {  	s10 =	sld [smem:$0x3FB8];
	_ =	sdelay $0x3  }
0x33: {  	p0 =	seq.s32 s10, $0x1;
	s10 =	sld [smem:$0x3FBA];
	_ =	sdelay $0x3  }
0x34: {  	[smem:$0x3FBA] =	sst s10  }
0x35: {  	s10 =	sld [smem:$0x3FB9];
	_ =	sdelay $0x3  }
0x36: {  	p1 =	seq.s32 s10, $0x1;
	s10 =	sld [smem:$0x3FBA];
	_ =	sdelay $0x3  }
0x37: {  	[smem:$0x3FBA] =	sst s10  }
0x38: {  	s10 =	sld [smem:$0x3FBB]  }
0x39: {  	_ = 	snop;
	(pc) =	sbr.ind lr, $3  }
0x3a: {  	_ = 	snop  }
0x3b: {  	_ = 	snop  }
0x3c: {  	p2 =	seq.s32 s10, $0x1;
	s10 =	sld [smem:$0x3FBA]  }
0x3d: {  	_ =	shalt  }
0x3e: {  	_ =	shalt  }
0x3f: {  	_ =	shalt  }
0x40: {  	_ =	shalt  }
0x41: {  	_ =	shalt  }
0x42: {  	_ =	shalt  }
0x43: {  	_ =	shalt  }
0x44: {  	_ =	shalt  }
0x45: {  	_ =	shalt  }
0x46: {  	_ =	shalt  }
0x47: {  	_ =	shalt  }
0x48: {  	_ =	shalt  }
0x49: {  	_ =	shalt  }
0x4a: {  	_ =	shalt  }
0x4b: {  	_ =	shalt  }
0x4c: {  	_ =	shalt  }
0x4d: {  	_ =	shalt  }
0x4e: {  	_ =	shalt  }
0x4f: {  	_ =	shalt  }
0x50: {  	_ =	shalt  }
0x51: {  	_ =	shalt  }
0x52: {  	_ =	shalt  }
0x53: {  	_ =	shalt  }
0x54: {  	_ =	shalt  }
0x55: {  	_ =	shalt  }
0x56: {  	_ =	shalt  }
0x57: {  	_ =	shalt  }
0x58: {  	_ =	shalt  }
0x59: {  	_ =	shalt  }
0x5a: {  	_ =	shalt  }
0x5b: {  	_ =	shalt  }
0x5c: {  	_ =	shalt  }
0x5d: {  	_ =	shalt  }
0x5e: {  	_ =	shalt  }
0x5f: {  	_ =	shalt  }
0x60: {  	_ =	shalt  }
0x61: {  	_ =	shalt  }
0x62: {  	_ =	shalt  }
0x63: {  	_ =	shalt  }
0x64: {  	_ =	shalt  }
0x65: {  	_ =	shalt  }
0x66: {  	_ =	shalt  }
0x67: {  	_ =	shalt  }
0x68: {  	_ =	shalt  }
0x69: {  	_ =	shalt  }
0x6a: {  	_ =	shalt  }
0x6b: {  	_ =	shalt  }
0x6c: {  	_ =	shalt  }
0x6d: {  	_ =	shalt  }
0x6e: {  	_ =	shalt  }
0x6f: {  	_ =	shalt  }
0x70: {  	_ =	shalt  }
0x71: {  	_ =	shalt  }
0x72: {  	_ =	shalt  }
0x73: {  	_ =	shalt  }
0x74: {  	_ =	shalt  }
0x75: {  	_ =	shalt  }
0x76: {  	_ =	shalt  }
0x77: {  	_ =	shalt  }
0x78: {  	_ =	shalt  }
0x79: {  	_ =	shalt  }
0x7a: {  	_ =	shalt  }
0x7b: {  	_ =	shalt  }
0x7c: {  	_ =	shalt  }
0x7d: {  	_ =	shalt  }
0x7e: {  	_ =	shalt  }
0x7f: {  	_ =	shalt  }
0x80: {  	_ =	shalt  }
0x81: {  	_ =	shalt  }
0x82: {  	_ =	shalt  }
0x83: {  	_ =	shalt  }
0x84: {  	_ =	shalt  }
0x85: {  	_ =	shalt  }
0x86: {  	_ =	shalt  }
0x87: {  	_ =	shalt  }
.Lfunc_end0:
.L_simem_size_0:
called_computation.3_lowered:
.L_overlay_start_0:
0x88: {  	s2 =	sld [smem:$0x3FD9]  }
0x89: {  	s3 =	sld [smem:$0x3FFE];
	_ =	sdelay $0x1  }
0x8a: {  	s1 =	srdreg.scid  }
0x8b: {  	s0 =	sand.u32 $0x1, s1  }
0x8c: {  	s17 =	sshll.u32 s0, $0xA;
	s2 =	sadd.s32 s3, s2  }
0x8d: {  	s2 =	sadd.s32 s2, s17  }
0x8e: {  	[smem:$0x3FC6] =	sst s2  }
0x8f: {  	_ = 	snop  }
0x90: {  	s18 =	sld [smem:$0x3FC8];
	(tm) =	ssettm $0x1  }
0x91: {  	s19 =	sld [smem:$0x3FFB];
	_ =	sdelay $0x3  }
0x92: {  	_ =	strace s19  }
0x93: {  	s2 =	sld [smem:$0x3FFC];
	_ =	sdelay $0x3  }
0x94: {  	_ =	strace s2  }
0x95: {  	s2 =	sld [smem:$0x3FFD];
	_ =	sdelay $0x3  }
0x96: {  	_ =	strace s2  }
0x97: {  	_ =	strace $0x8FFFFFFF  }
0x98: {  	s20 =	sld [smem:$0x3FDB];
	_ =	sdelay $0x1  }
0x99: {  	s4 =	simm.s32 $_scs_section_size  }
0x9a: {  	s5 =	simm.s32 $_size__tile_overlayer_lowered;
	s6 =	simm.s32 $_tile_overlayer_lowered  }
0x9b: {  	s7 =	simm.s32 $0x1BFF;
	s21 =	sshll.u32 s6, $0x1;
	s4 =	sadd.s32 s4, s20  }
0x9c: {  	s22 =	simm.s32 $0x0;
	s5 =	sshll.u32 s5, $0x1;
	s6 =	sadd.s32 s21, s4  }
0x9d: {  	[timem:s22], [sflag:s7] =	dma.local [hbm:s6], s5  }
0x9e: {  	_ =	swait.ge [sflag:s7], s5  }
0x9f: {  	s5 =	ssub.s32 $0x0, s5;
	[sflag:s7] =	ssyncset.done $0x0  }
0xa0: {  	[sflag:s7] =	ssyncadd.s32 s5;
	_ =	sdelay $0x1  }
0xa1: {  	s23 =	simm.s32 $0x1B8B  }
0xa2: {  	_ =	swait.ge [sflag:s23], $0x1  }
0xa3: {  	[sflag:s23] =	ssyncset.done $0x0  }
0xa4: {  	[sflag:s23] =	ssyncadd.s32 $0xFFFFFFFF  }
0xa5: {  	s5 =	sld [smem:$0x0]  }
0xa6: {  	s6 =	sand.u32 $0xFFFFFFFE, s1  }
0xa7: {  	p0 =	sne.s32 s1, s6  }
0xa8: {  	s6 =	sshll.u32 @p0 s6, $0xE  }
0xa9: {  	s6 =	sadd.s32 @p0 $0x11B8D, s6;
	s7 =	sshll.u32 @p0 s5, $0x11  }
0xaa: {  	s6 =	sor.u32 @p0 s7, s6  }
0xab: {  	[sflag:s6] =	ssyncadd.remote.s32 @p0 $0x1;
	_ =	sdelay $0x1  }
0xac: {  	s6 =	simm.s32 @p0 $0x1B8D  }
0xad: {  	_ =	swait.eq @p0 [sflag:s6], $0x1  }
0xae: {  	[sflag:s6] =	ssyncadd.s32 @p0 $0xFFFFFFFF  }
0xaf: {  	s7 =	sshll.u32 @!p0 s1, $0xE  }
0xb0: {  	s7 =	sor.u32 @!p0 $0x4000, s7;
	s6 =	simm.s32 @!p0 $0x1B8D  }
0xb1: {  	s5 =	sshll.u32 @!p0 s5, $0x11;
	s7 =	sadd.s32 @!p0 $0x11B8D, s7;
	_ =	swait.eq @!p0 [sflag:s6], $0x1  }
0xb2: {  	s5 =	sor.u32 @!p0 s5, s7;
	[sflag:s6] =	ssyncadd.s32 @!p0 $0xFFFFFFFF  }
0xb3: {  	s25 =	simm.s32 $0x1B8E;
	s24 =	sld [smem:$0x3FFE];
	[sflag:s5] =	ssyncadd.remote.s32 @!p0 $0x1  }
0xb4: {  	s26 =	simm.s32 $execute0_lowered;
	[smem:$0x3FD2] =	sst s25  }
0xb5: {  	s6 =	sshll.u32 s26, $0x1;
	_ =	strace $0x8000004C;
	[dreg:$0x1] =	wrdreg $0xFFFFFFFF  }
0xb6: {  	s28 =	simm.s32 $_size_execute0_lowered;
	s4 =	sadd.s32 s4, s6;
	[dreg:$0x0] =	wrdreg $0x0  }
0xb7: {  	s6 =	sshll.u32 s28, $0x1;
	[dreg:$0x2] =	wrdreg s4  }
0xb8: {  	[dreg:$0x3] =	wrdreg s6  }
0xb9: {  	[dreg:$0x4] =	wrdreg $0xC0  }
0xba: {  	_ =	task [dreg:s22], $0x5FFFF  }
0xbb: {  	[dreg:$0x1] =	wrdreg $0xFFFFFFFF  }
0xbc: {  	[dreg:$0x0] =	wrdreg $0x60  }
0xbd: {  	[dreg:$0x2] =	wrdreg s24  }
0xbe: {  	[dreg:$0x3] =	wrdreg s18  }
0xbf: {  	[dreg:$0x4] =	wrdreg $0x0  }
0xc0: {  	[dreg:$0x5] =	wrdreg $0xB  }
0xc1: {  	_ =	task.clear_ibuf [dreg:s22], $0x6FFFF;
	_ =	strace $0x9000004C  }
0xc2: {  	s29 =	simm.s32 $0xB;
	_ =	strace $0x8000004E  }
0xc3: {  	_ =	swait.ge [sflag:s29], $0x1  }
0xc4: {  	[sflag:s29] =	ssyncadd.s32 $0xFFFFFFFF  }
0xc5: {  	_ =	strace $0x9000004E  }
0xc6: {  	_ =	sfence  }
0xc7: {  	s30 =	sld [smem:$0x0];
	_ =	sdelay $0x2  }
0xc8: {  	s31 =	sshll.u32 s1, $0xD;
	s1 =	sshrl.u32 s1, $0x2  }
0xc9: {  	s4 =	sand.u32 $0x4000, s31;
	s1 =	sadd.s32 s1, s30  }
0xca: {  	s0 =	sor.u32 s4, s0;
	s1 =	sshll.u32 s1, $0x11  }
0xcb: {  	s0 =	sor.u32 s1, s0  }
0xcc: {  	s0 =	sadd.s32 $0x8F2B, s0  }
0xcd: {  	[sflag:s0] =	ssyncadd.remote.s32 $0x1  }
0xce: {  	_ =	sfence.sel $0xFFFF  }
0xcf: {  	[dreg:$0x0] =	wrdreg $0xFFFFFFFF;
	(pc) =	sbr.abs _section_cstart, $3  }
0xd0: {  	[dreg:$0x1] =	wrdreg $0xFFFFFFFF  }
0xd1: {  	_ =	task.clear_ibuf [dreg:s22], $0x2FFFF;
	_ =	strace $0x9FFFFFFF  }
0xd2: {  	(tm) =	ssettm $0x7FFFFFFF  }
0xd3: {  	_ =	shalt  }
tec
execute0_lowered:
.L_overlay_start_1:
0x0: {  	(tag) =	ssettag $0x1  }
0x1: {  	s0 =	rddreg [dreg:$0x0]  }
0x2: {  	s3 =	rddreg [dreg:$0x1]  }
0x3: {  	s2 =	srdreg.scid;
	s1 =	rddreg [dreg:$0x2]  }
0x4: {  	s11 =	stileid.u32;
	s28 =	simm.s32 $0x9;
	s29 =	simm.s32 $0x4  }
0x5: {  	s30 =	simm.s32 $0xA;
	s31 =	simm.s32 $0x5;
	s4 =	sand.u32 $0x1, s2  }
0x6: {  	s2 =	simm.s32 $0x0;
	s6 =	sshll.u32 s11, $0xC;
	s9 =	smul.u32 $0xC80, s11  }
0x7: {  	s12 =	sshll.u32 s11, $0xF;
	s22 =	smul.u32 $0xC800, s11;
	s11 =	simm.s32 $0x18000  }
0x8: {  	s5 =	smul.u32 $0xC8000, s4;
	[smem:$0x7FF] =	sst s2;
	s7 =	ssub.s32 $0x2, s4  }
0x9: {  	s8 =	smul.u32 $0xC800, s4;
	s13 =	sadd.s32 s12, s1;
	s12 =	simm.s32 $0x18080  }
0xa: {  	_ =	strace $0x8000004D;
	s10 =	sshrl.u32 s7, $0x1;
	[dreg:$0x9] =	wrdreg s13  }
0xb: {  	s5 =	sadd.s32 s5, s0;
	s0 =	sadd.s32 s6, s0;
	s6 =	ssub.s32 s7, s10  }
0xc: {  	s10 =	sshll.u32 s4, $0x10;
	s14 =	sadd.s32 s9, s8;
	s4 =	sadd.s32 $0x4000, s13  }
0xd: {  	s9 =	simm.s32 $0x4000;
	s13 =	simm.s32 $0x8000;
	s0 =	sadd.s32 s10, s0  }
0xe: {  	[dreg:$0xa] =	wrdreg s4;
	s15 =	sadd.s32 $0x32000, s14;
	s16 =	smax.u32 s6, $0x1  }
0xf: {  	s17 =	sadd.s32 $0x32200, s14;
	s8 =	sadd.s32 $0x32180, s14;
	s21 =	sadd.s32 $0x32100, s14  }
0x10: {  	s7 =	sadd.s32 $0x32080, s14;
	s26 =	sadd.s32 s22, s5;
	s4 =	simm.s32 $0x10  }
0x11: {  	s14 =	simm.s32 $0x18100;
	s22 =	simm.s32 $0x80;
	s0 =	sadd.s32 $0x361C00, s0  }
0x12: {  	[dreg:$0xc] =	wrdreg s16;
	s6 =	sshrl.u32 s17, $0x3;
	s19 =	sshrl.u32 s8, $0x3  }
0x13: {  	s24 =	sshrl.u32 s7, $0x3;
	s8 =	sadd.s32 $0x1D3C00, s26;
	s16 =	simm.s32 $0x18180  }
0x14: {  	s17 =	simm.s32 $0x10000;
	s26 =	simm.s32 $0x3;
	[dreg:$0xb] =	wrdreg s0  }
0x15: {  	s0 =	sshrl.u32 s15, $0x3;
	s18 =	sadd.s32 s6, s3;
	s20 =	sadd.s32 s19, s3  }
0x16: {  	s6 =	sshrl.u32 s21, $0x3;
	s25 =	sadd.s32 s24, s3;
	s15 =	simm.s32 $0xC000  }
0x17: {  	s19 =	simm.s32 $0x14000;
	s21 =	simm.s32 $0x1;
	[dreg:$0x5] =	wrdreg s18  }
0x18: {  	s24 =	simm.s32 $0x2;
	s0 =	sadd.s32 s0, s3;
	[dreg:$0x6] =	wrdreg s20  }
0x19: {  	s23 =	sadd.s32 s6, s3;
	[dreg:$0x8] =	wrdreg s25;
	s18 =	simm.s32 $0x18200  }
0x1a: {  	s20 =	simm.s32 $0x6;
	s25 =	simm.s32 $0x8;
	[dreg:$0x4] =	wrdreg s0  }
0x1b: {  	v0 =	vimm.f32 $0.0e+00;
	[dreg:$0x7] =	wrdreg s23;
	s23 =	simm.s32 $0x7;
	s0 =	simm.s32 $0x0  }
.LBB2_1:
0x1c: {  	s5 =	simm.s32 $0x200;
	s3 =	simm.s32 $0x0  }
.LBB2_2:
0x1d: {  	p0 =	sne.s32 s5, $0xFE00;
	[tilespmem:s3+$0x4030] =	vst v0;
	s6 =	smov.u32 s5;
	s5 =	sadd.s32 $0x200, s5  }
.Ltmp0:
0x1e: {  	[tilespmem:s3+$0x4020] =	vst v0;
	(pc) =	sbr.rel @p0 .LBB2_2-.Ltmp0, $3  }
0x1f: {  	[tilespmem:s3+$0x4000] =	vst v0  }
0x20: {  	[tilespmem:s3+$0x4010] =	vst v0;
	_ =	sdelay $0x1  }
0x21: {  	s3 =	sshra.s32 s6, $0x2  }
0x22: {  	[tilespmem:s3+$0x4030] =	vst v0  }
0x23: {  	[tilespmem:s3+$0x4020] =	vst v0  }
0x24: {  	[tilespmem:s3+$0x4000] =	vst v0  }
0x25: {  	[tilespmem:s3+$0x4010] =	vst v0;
	s6 =	rddreg [dreg:$0x9]  }
0x26: {  	[spmem:s6] =	stream.linear.scatter [tilespmem:s9], [sflag:$0x10], $0x4000, $0x38;
	[tilespmem:$0x18280] =	vst v63  }
0x27: {  	_ =	swait.ge [sflag:s4], $0x4000  }
0x28: {  	[sflag:s4] =	ssyncset.done $0x0  }
0x29: {  	s7 =	rddreg [dreg:$0xa];
	[sflag:s4] =	ssyncadd.s32 $0xFFFFC000  }
0x2a: {  	[spmem:s7] =	stream.linear.scatter [tilespmem:s9], [sflag:$0x10], $0x4000, $0x38;
	[tilespmem:$0x18280] =	vst v63  }
0x2b: {  	_ =	swait.ge [sflag:s4], $0x4000  }
0x2c: {  	[sflag:s4] =	ssyncset.done $0x0  }
0x2d: {  	p0 =	por $0x1, $0x1;
	[sflag:s4] =	ssyncadd.s32 $0xFFFFC000  }
0x2e: {  	s3 =	simm.s32 @!p0 $0xB;
	[bflag:$0x0] =	sbarrier.arrive $0xFFFF  }
0x2f: {  	_ =	swait.ge @!p0 [sflag:s3], $0x2000  }
0x30: {  	s5 =	rddreg [dreg:$0x4];
	[sflag:s3] =	ssyncset.done @!p0 $0x0  }
0x31: {  	[sflag:s3] =	ssyncadd.s32 @!p0 $0xFFFFE000;
	s10 =	sadd.s32 $0x0, s5  }
0x32: {  	[tilespmem:s11], [sflag:$0x6] =	stream.linear.gather [hbm4b:s10+s2], $0x80, $0x38;
	[tilespmem:$0x18280] =	vst v63  }
0x33: {  	s4 =	sadd.s32 $0xFFFFE000, s8;
	s5 =	simm.s32 @!p0 $0xC  }
0x34: {  	[tilespmem:s9], [sflag:$0x1] =	stream.linear.gather [hbm4b:s4+s2], $0x4000, $0x38;
	[tilespmem:$0x18280] =	vst v63  }
0x35: {  	_ =	swait.ge @!p0 [sflag:s5], $0x2000  }
0x36: {  	s6 =	rddreg [dreg:$0x8];
	[sflag:s5] =	ssyncset.done @!p0 $0x0  }
0x37: {  	[sflag:s5] =	ssyncadd.s32 @!p0 $0xFFFFE000;
	s3 =	sadd.s32 $0x0, s6  }
0x38: {  	[tilespmem:s12], [sflag:$0x7] =	stream.linear.gather [hbm4b:s3+s2], $0x80, $0x38;
	[tilespmem:$0x18280] =	vst v63  }
0x39: {  	s7 =	sadd.s32 $0xFFFFE800, s8;
	s5 =	simm.s32 @!p0 $0xD  }
0x3a: {  	[tilespmem:s13], [sflag:$0x2] =	stream.linear.gather [hbm4b:s7+s2], $0x4000, $0x38;
	[tilespmem:$0x18280] =	vst v63  }
0x3b: {  	_ =	swait.ge @!p0 [sflag:s5], $0x2000  }
0x3c: {  	s10 =	rddreg [dreg:$0x7];
	[sflag:s5] =	ssyncset.done @!p0 $0x0  }
0x3d: {  	[sflag:s5] =	ssyncadd.s32 @!p0 $0xFFFFE000;
	s3 =	sadd.s32 $0x0, s10  }
0x3e: {  	[tilespmem:s14], [sflag:$0x8] =	stream.linear.gather [hbm4b:s3+s2], $0x80, $0x38;
	[tilespmem:$0x18280] =	vst v63  }
0x3f: {  	s4 =	sadd.s32 $0xFFFFF000, s8;
	s5 =	simm.s32 @!p0 $0xE  }
0x40: {  	[tilespmem:s15], [sflag:$0x3] =	stream.linear.gather [hbm4b:s4+s2], $0x4000, $0x38;
	[tilespmem:$0x18280] =	vst v63  }
0x41: {  	_ =	swait.ge @!p0 [sflag:s5], $0x2000  }
0x42: {  	s6 =	rddreg [dreg:$0x6];
	[sflag:s5] =	ssyncset.done @!p0 $0x0  }
0x43: {  	[sflag:s5] =	ssyncadd.s32 @!p0 $0xFFFFE000;
	s3 =	sadd.s32 $0x0, s6  }
0x44: {  	[tilespmem:s16], [sflag:$0x9] =	stream.linear.gather [hbm4b:s3+s2], $0x80, $0x38;
	[tilespmem:$0x18280] =	vst v63  }
0x45: {  	s7 =	sadd.s32 $0xFFFFF800, s8;
	s5 =	simm.s32 @!p0 $0xF  }
0x46: {  	[tilespmem:s17], [sflag:$0x4] =	stream.linear.gather [hbm4b:s7+s2], $0x4000, $0x38;
	[tilespmem:$0x18280] =	vst v63  }
0x47: {  	_ =	swait.ge @!p0 [sflag:s5], $0x2000  }
0x48: {  	s10 =	rddreg [dreg:$0x5];
	[sflag:s5] =	ssyncset.done @!p0 $0x0  }
0x49: {  	[sflag:s5] =	ssyncadd.s32 @!p0 $0xFFFFE000;
	s3 =	sadd.s32 $0x0, s10  }
0x4a: {  	[tilespmem:s18], [sflag:$0xA] =	stream.linear.gather [hbm4b:s3+s2], $0x80, $0x38;
	[tilespmem:$0x18280] =	vst v63  }
0x4b: {  	_ = 	snop  }
0x4c: {  	[tilespmem:s19], [sflag:$0x5] =	stream.linear.gather [hbm4b:s8+s2], $0x4000, $0x38;
	[tilespmem:$0x18280] =	vst v63  }
0x4d: {  	_ =	swait.ge [sflag:s20], $0x80  }
0x4e: {  	[sflag:s20] =	ssyncset.done $0x0  }
0x4f: {  	[sflag:s20] =	ssyncadd.s32 $0xFFFFFF80  }
0x50: {  	_ =	swait.ge [sflag:s21], $0x4000  }
0x51: {  	[sflag:s21] =	ssyncset.done $0x0  }
0x52: {  	[sflag:s21] =	ssyncadd.s32 $0xFFFFC000  }
0x53: {  	[spmem:s1] =	stream.indirect.scatter.add.f32 [tilespmem:s9], [sflag:$0xB], $0x40, s11, s22, $0xb8;
	[tilespmem:$0x18280] =	vst v63  }
0x54: {  	_ =	swait.ge [sflag:s23], $0x80  }
0x55: {  	[sflag:s23] =	ssyncset.done $0x0  }
0x56: {  	[sflag:s23] =	ssyncadd.s32 $0xFFFFFF80  }
0x57: {  	_ =	swait.ge [sflag:s24], $0x4000  }
0x58: {  	[sflag:s24] =	ssyncset.done $0x0  }
0x59: {  	[sflag:s24] =	ssyncadd.s32 $0xFFFFC000  }
0x5a: {  	[spmem:s1] =	stream.indirect.scatter.add.f32 [tilespmem:s13], [sflag:$0xC], $0x40, s12, s22, $0xb8;
	[tilespmem:$0x18280] =	vst v63  }
0x5b: {  	_ =	swait.ge [sflag:s25], $0x80  }
0x5c: {  	[sflag:s25] =	ssyncset.done $0x0  }
0x5d: {  	[sflag:s25] =	ssyncadd.s32 $0xFFFFFF80  }
0x5e: {  	_ =	swait.ge [sflag:s26], $0x4000  }
0x5f: {  	[sflag:s26] =	ssyncset.done $0x0  }
0x60: {  	[sflag:s26] =	ssyncadd.s32 $0xFFFFC000  }
0x61: {  	[spmem:s1] =	stream.indirect.scatter.add.f32 [tilespmem:s15], [sflag:$0xD], $0x40, s14, s22, $0xb8;
	[tilespmem:$0x18280] =	vst v63  }
0x62: {  	_ =	swait.ge [sflag:s28], $0x80  }
0x63: {  	[sflag:s28] =	ssyncset.done $0x0  }
0x64: {  	[sflag:s28] =	ssyncadd.s32 $0xFFFFFF80  }
0x65: {  	_ =	swait.ge [sflag:s29], $0x4000  }
0x66: {  	[sflag:s29] =	ssyncset.done $0x0  }
0x67: {  	[sflag:s29] =	ssyncadd.s32 $0xFFFFC000  }
0x68: {  	[spmem:s1] =	stream.indirect.scatter.add.f32 [tilespmem:s17], [sflag:$0xE], $0x40, s16, s22, $0xb8;
	[tilespmem:$0x18280] =	vst v63  }
0x69: {  	_ =	swait.ge [sflag:s30], $0x80  }
0x6a: {  	[sflag:s30] =	ssyncset.done $0x0  }
0x6b: {  	[sflag:s30] =	ssyncadd.s32 $0xFFFFFF80  }
0x6c: {  	p1 =	por $0x0, $0x0;
	s6 =	simm.s32 $0xA0;
	_ =	swait.ge [sflag:s31], $0x4000  }
0x6d: {  	s5 =	sadd.s32 $0x2800, s8;
	s3 =	simm.s32 $0x50;
	[sflag:s31] =	ssyncset.done $0x0  }
.LBB2_4:
0x6e: {  	s4 =	simm.s32 @!p1 $0xB;
	[sflag:s31] =	ssyncadd.s32 $0xFFFFC000  }
0x6f: {  	[spmem:s1] =	stream.indirect.scatter.add.f32 [tilespmem:s19], [sflag:$0xF], $0x40, s18, s22, $0xb8;
	[tilespmem:$0x18280] =	vst v63  }
0x70: {  	_ =	swait.ge @!p1 [sflag:s4], $0x2000  }
0x71: {  	[sflag:s4] =	ssyncset.done @!p1 $0x0;
	s10 =	rddreg [dreg:$0x4]  }
0x72: {  	[sflag:s4] =	ssyncadd.s32 @!p1 $0xFFFFE000;
	s10 =	sadd.s32 s3, s10  }
0x73: {  	[tilespmem:s11], [sflag:$0x6] =	stream.linear.gather [hbm4b:s10+s2], $0x80, $0x38;
	[tilespmem:$0x18280] =	vst v63  }
0x74: {  	s4 =	sadd.s32 $0xFFFFE000, s5;
	s10 =	simm.s32 @!p1 $0xC  }
0x75: {  	[tilespmem:s9], [sflag:$0x1] =	stream.linear.gather [hbm4b:s4+s2], $0x4000, $0x38;
	[tilespmem:$0x18280] =	vst v63  }
0x76: {  	_ =	swait.ge @!p1 [sflag:s10], $0x2000  }
0x77: {  	s4 =	rddreg [dreg:$0x8];
	[sflag:s10] =	ssyncset.done @!p1 $0x0  }
0x78: {  	[sflag:s10] =	ssyncadd.s32 @!p1 $0xFFFFE000;
	s4 =	sadd.s32 s3, s4  }
0x79: {  	[tilespmem:s12], [sflag:$0x7] =	stream.linear.gather [hbm4b:s4+s2], $0x80, $0x38;
	[tilespmem:$0x18280] =	vst v63  }
0x7a: {  	s10 =	simm.s32 @!p1 $0xD;
	s4 =	sadd.s32 $0xFFFFE800, s5  }
0x7b: {  	[tilespmem:s13], [sflag:$0x2] =	stream.linear.gather [hbm4b:s4+s2], $0x4000, $0x38;
	[tilespmem:$0x18280] =	vst v63  }
0x7c: {  	_ =	swait.ge @!p1 [sflag:s10], $0x2000  }
0x7d: {  	s4 =	rddreg [dreg:$0x7];
	[sflag:s10] =	ssyncset.done @!p1 $0x0  }
0x7e: {  	[sflag:s10] =	ssyncadd.s32 @!p1 $0xFFFFE000;
	s4 =	sadd.s32 s3, s4  }
0x7f: {  	[tilespmem:s14], [sflag:$0x8] =	stream.linear.gather [hbm4b:s4+s2], $0x80, $0x38;
	[tilespmem:$0x18280] =	vst v63  }
0x80: {  	s10 =	simm.s32 @!p1 $0xE;
	s4 =	sadd.s32 $0xFFFFF000, s5  }
0x81: {  	[tilespmem:s15], [sflag:$0x3] =	stream.linear.gather [hbm4b:s4+s2], $0x4000, $0x38;
	[tilespmem:$0x18280] =	vst v63  }
0x82: {  	_ =	swait.ge @!p1 [sflag:s10], $0x2000  }
0x83: {  	s4 =	rddreg [dreg:$0x6];
	[sflag:s10] =	ssyncset.done @!p1 $0x0  }
0x84: {  	[sflag:s10] =	ssyncadd.s32 @!p1 $0xFFFFE000;
	s4 =	sadd.s32 s3, s4  }
0x85: {  	[tilespmem:s16], [sflag:$0x9] =	stream.linear.gather [hbm4b:s4+s2], $0x80, $0x38;
	[tilespmem:$0x18280] =	vst v63  }
0x86: {  	s10 =	simm.s32 @!p1 $0xF;
	s4 =	sadd.s32 $0xFFFFF800, s5  }
0x87: {  	[tilespmem:s17], [sflag:$0x4] =	stream.linear.gather [hbm4b:s4+s2], $0x4000, $0x38;
	[tilespmem:$0x18280] =	vst v63  }
0x88: {  	_ =	swait.ge @!p1 [sflag:s10], $0x2000  }
0x89: {  	s4 =	rddreg [dreg:$0x5];
	[sflag:s10] =	ssyncset.done @!p1 $0x0  }
0x8a: {  	[sflag:s10] =	ssyncadd.s32 @!p1 $0xFFFFE000;
	s4 =	sadd.s32 s3, s4  }
0x8b: {  	[tilespmem:s18], [sflag:$0xA] =	stream.linear.gather [hbm4b:s4+s2], $0x80, $0x38;
	[tilespmem:$0x18280] =	vst v63  }
0x8c: {  	_ = 	snop  }
0x8d: {  	[tilespmem:s19], [sflag:$0x5] =	stream.linear.gather [hbm4b:s5+s2], $0x4000, $0x38;
	[tilespmem:$0x18280] =	vst v63  }
0x8e: {  	_ =	swait.ge [sflag:s20], $0x80  }
0x8f: {  	[sflag:s20] =	ssyncset.done $0x0  }
0x90: {  	[sflag:s20] =	ssyncadd.s32 $0xFFFFFF80  }
0x91: {  	_ =	swait.ge [sflag:s21], $0x4000  }
0x92: {  	[sflag:s21] =	ssyncset.done $0x0  }
0x93: {  	[sflag:s21] =	ssyncadd.s32 $0xFFFFC000  }
0x94: {  	[spmem:s1] =	stream.indirect.scatter.add.f32 [tilespmem:s9], [sflag:$0xB], $0x40, s11, s22, $0xb8;
	[tilespmem:$0x18280] =	vst v63  }
0x95: {  	_ =	swait.ge [sflag:s23], $0x80  }
0x96: {  	[sflag:s23] =	ssyncset.done $0x0  }
0x97: {  	[sflag:s23] =	ssyncadd.s32 $0xFFFFFF80  }
0x98: {  	_ =	swait.ge [sflag:s24], $0x4000  }
0x99: {  	[sflag:s24] =	ssyncset.done $0x0  }
0x9a: {  	[sflag:s24] =	ssyncadd.s32 $0xFFFFC000  }
0x9b: {  	[spmem:s1] =	stream.indirect.scatter.add.f32 [tilespmem:s13], [sflag:$0xC], $0x40, s12, s22, $0xb8;
	[tilespmem:$0x18280] =	vst v63  }
0x9c: {  	_ =	swait.ge [sflag:s25], $0x80  }
0x9d: {  	[sflag:s25] =	ssyncset.done $0x0  }
0x9e: {  	[sflag:s25] =	ssyncadd.s32 $0xFFFFFF80  }
0x9f: {  	_ =	swait.ge [sflag:s26], $0x4000  }
0xa0: {  	[sflag:s26] =	ssyncset.done $0x0  }
0xa1: {  	[sflag:s26] =	ssyncadd.s32 $0xFFFFC000  }
0xa2: {  	[spmem:s1] =	stream.indirect.scatter.add.f32 [tilespmem:s15], [sflag:$0xD], $0x40, s14, s22, $0xb8;
	[tilespmem:$0x18280] =	vst v63  }
0xa3: {  	_ =	swait.ge [sflag:s28], $0x80  }
0xa4: {  	[sflag:s28] =	ssyncset.done $0x0  }
0xa5: {  	[sflag:s28] =	ssyncadd.s32 $0xFFFFFF80  }
0xa6: {  	_ =	swait.ge [sflag:s29], $0x4000  }
0xa7: {  	s7 =	smov.u32 s6;
	s6 =	sadd.s32 $0x50, s6;
	[sflag:s29] =	ssyncset.done $0x0  }
0xa8: {  	p0 =	sne.s32 s6, $0x190;
	[sflag:s29] =	ssyncadd.s32 $0xFFFFC000  }
0xa9: {  	[spmem:s1] =	stream.indirect.scatter.add.f32 [tilespmem:s17], [sflag:$0xE], $0x40, s16, s22, $0xb8;
	[tilespmem:$0x18280] =	vst v63  }
.Ltmp1:
0xaa: {  	_ =	swait.ge [sflag:s30], $0x80;
	(pc) =	sbr.rel @p0 .LBB2_4-.Ltmp1, $4  }
0xab: {  	[sflag:s30] =	ssyncset.done $0x0  }
0xac: {  	[sflag:s30] =	ssyncadd.s32 $0xFFFFFF80  }
0xad: {  	s3 =	smov.u32 s7;
	_ =	swait.ge [sflag:s31], $0x4000  }
0xae: {  	p1 =	seq.s32 s3, $0x0;
	s5 =	sadd.s32 $0x2800, s5;
	[sflag:s31] =	ssyncset.done $0x0  }
0xaf: {  	s4 =	simm.s32 @!p1 $0xB;
	[sflag:s31] =	ssyncadd.s32 $0xFFFFC000  }
0xb0: {  	[spmem:s1] =	stream.indirect.scatter.add.f32 [tilespmem:s19], [sflag:$0xF], $0x40, s18, s22, $0xb8;
	[tilespmem:$0x18280] =	vst v63  }
0xb1: {  	_ =	swait.ge @!p1 [sflag:s4], $0x2000  }
0xb2: {  	s6 =	rddreg [dreg:$0x4];
	[sflag:s4] =	ssyncset.done @!p1 $0x0  }
0xb3: {  	[sflag:s4] =	ssyncadd.s32 @!p1 $0xFFFFE000;
	s6 =	sadd.s32 s3, s6  }
0xb4: {  	[tilespmem:s11], [sflag:$0x6] =	stream.linear.gather [hbm4b:s6+s2], $0x80, $0x38;
	[tilespmem:$0x18280] =	vst v63  }
0xb5: {  	s7 =	sadd.s32 $0xFFFFE000, s5;
	s6 =	simm.s32 @!p1 $0xC  }
0xb6: {  	[tilespmem:s9], [sflag:$0x1] =	stream.linear.gather [hbm4b:s7+s2], $0x4000, $0x38;
	[tilespmem:$0x18280] =	vst v63  }
0xb7: {  	_ =	swait.ge @!p1 [sflag:s6], $0x2000  }
0xb8: {  	s10 =	rddreg [dreg:$0x8];
	[sflag:s6] =	ssyncset.done @!p1 $0x0  }
0xb9: {  	[sflag:s6] =	ssyncadd.s32 @!p1 $0xFFFFE000;
	s4 =	sadd.s32 s3, s10  }
0xba: {  	[tilespmem:s12], [sflag:$0x7] =	stream.linear.gather [hbm4b:s4+s2], $0x80, $0x38;
	[tilespmem:$0x18280] =	vst v63  }
0xbb: {  	s7 =	sadd.s32 $0xFFFFE800, s5;
	s6 =	simm.s32 @!p1 $0xD  }
0xbc: {  	[tilespmem:s13], [sflag:$0x2] =	stream.linear.gather [hbm4b:s7+s2], $0x4000, $0x38;
	[tilespmem:$0x18280] =	vst v63  }
0xbd: {  	_ =	swait.ge @!p1 [sflag:s6], $0x2000  }
0xbe: {  	s10 =	rddreg [dreg:$0x7];
	[sflag:s6] =	ssyncset.done @!p1 $0x0  }
0xbf: {  	[sflag:s6] =	ssyncadd.s32 @!p1 $0xFFFFE000;
	s4 =	sadd.s32 s3, s10  }
0xc0: {  	[tilespmem:s14], [sflag:$0x8] =	stream.linear.gather [hbm4b:s4+s2], $0x80, $0x38;
	[tilespmem:$0x18280] =	vst v63  }
0xc1: {  	s7 =	sadd.s32 $0xFFFFF000, s5;
	s6 =	simm.s32 @!p1 $0xE  }
0xc2: {  	[tilespmem:s15], [sflag:$0x3] =	stream.linear.gather [hbm4b:s7+s2], $0x4000, $0x38;
	[tilespmem:$0x18280] =	vst v63  }
0xc3: {  	_ =	swait.ge @!p1 [sflag:s6], $0x2000  }
0xc4: {  	s10 =	rddreg [dreg:$0x6];
	[sflag:s6] =	ssyncset.done @!p1 $0x0  }
0xc5: {  	[sflag:s6] =	ssyncadd.s32 @!p1 $0xFFFFE000;
	s4 =	sadd.s32 s3, s10  }
0xc6: {  	[tilespmem:s16], [sflag:$0x9] =	stream.linear.gather [hbm4b:s4+s2], $0x80, $0x38;
	[tilespmem:$0x18280] =	vst v63  }
0xc7: {  	s7 =	sadd.s32 $0xFFFFF800, s5;
	s6 =	simm.s32 @!p1 $0xF  }
0xc8: {  	[tilespmem:s17], [sflag:$0x4] =	stream.linear.gather [hbm4b:s7+s2], $0x4000, $0x38;
	[tilespmem:$0x18280] =	vst v63  }
0xc9: {  	_ =	swait.ge @!p1 [sflag:s6], $0x2000  }
0xca: {  	s10 =	rddreg [dreg:$0x5];
	[sflag:s6] =	ssyncset.done @!p1 $0x0  }
0xcb: {  	[sflag:s6] =	ssyncadd.s32 @!p1 $0xFFFFE000;
	s4 =	sadd.s32 s3, s10  }
0xcc: {  	[tilespmem:s18], [sflag:$0xA] =	stream.linear.gather [hbm4b:s4+s2], $0x80, $0x38;
	[tilespmem:$0x18280] =	vst v63  }
0xcd: {  	_ = 	snop  }
0xce: {  	[tilespmem:s19], [sflag:$0x5] =	stream.linear.gather [hbm4b:s5+s2], $0x4000, $0x38;
	[tilespmem:$0x18280] =	vst v63  }
0xcf: {  	_ =	swait.ge [sflag:s20], $0x80  }
0xd0: {  	[sflag:s20] =	ssyncset.done $0x0  }
0xd1: {  	[sflag:s20] =	ssyncadd.s32 $0xFFFFFF80  }
0xd2: {  	_ =	swait.ge [sflag:s21], $0x4000  }
0xd3: {  	[sflag:s21] =	ssyncset.done $0x0  }
0xd4: {  	[sflag:s21] =	ssyncadd.s32 $0xFFFFC000  }
0xd5: {  	[spmem:s1] =	stream.indirect.scatter.add.f32 [tilespmem:s9], [sflag:$0xB], $0x40, s11, s22, $0xb8;
	[tilespmem:$0x18280] =	vst v63  }
0xd6: {  	_ =	swait.ge [sflag:s23], $0x80  }
0xd7: {  	[sflag:s23] =	ssyncset.done $0x0  }
0xd8: {  	[sflag:s23] =	ssyncadd.s32 $0xFFFFFF80  }
0xd9: {  	_ =	swait.ge [sflag:s24], $0x4000  }
0xda: {  	[sflag:s24] =	ssyncset.done $0x0  }
0xdb: {  	[sflag:s24] =	ssyncadd.s32 $0xFFFFC000  }
0xdc: {  	[spmem:s1] =	stream.indirect.scatter.add.f32 [tilespmem:s13], [sflag:$0xC], $0x40, s12, s22, $0xb8;
	[tilespmem:$0x18280] =	vst v63  }
0xdd: {  	_ =	swait.ge [sflag:s25], $0x80  }
0xde: {  	[sflag:s25] =	ssyncset.done $0x0  }
0xdf: {  	[sflag:s25] =	ssyncadd.s32 $0xFFFFFF80  }
0xe0: {  	_ =	swait.ge [sflag:s26], $0x4000  }
0xe1: {  	[sflag:s26] =	ssyncset.done $0x0  }
0xe2: {  	[sflag:s26] =	ssyncadd.s32 $0xFFFFC000  }
0xe3: {  	[spmem:s1] =	stream.indirect.scatter.add.f32 [tilespmem:s15], [sflag:$0xD], $0x40, s14, s22, $0xb8;
	[tilespmem:$0x18280] =	vst v63  }
0xe4: {  	_ =	swait.ge [sflag:s28], $0x80  }
0xe5: {  	[sflag:s28] =	ssyncset.done $0x0  }
0xe6: {  	[sflag:s28] =	ssyncadd.s32 $0xFFFFFF80  }
0xe7: {  	_ =	swait.ge [sflag:s29], $0x4000  }
0xe8: {  	[sflag:s29] =	ssyncset.done $0x0  }
0xe9: {  	[sflag:s29] =	ssyncadd.s32 $0xFFFFC000  }
0xea: {  	[spmem:s1] =	stream.indirect.scatter.add.f32 [tilespmem:s17], [sflag:$0xE], $0x40, s16, s22, $0xb8;
	[tilespmem:$0x18280] =	vst v63  }
0xeb: {  	_ =	swait.ge [sflag:s30], $0x80  }
0xec: {  	[sflag:s30] =	ssyncset.done $0x0  }
0xed: {  	[sflag:s30] =	ssyncadd.s32 $0xFFFFFF80  }
0xee: {  	_ =	swait.ge [sflag:s31], $0x4000  }
0xef: {  	[sflag:s31] =	ssyncset.done $0x0  }
0xf0: {  	s5 =	simm.s32 $0xB;
	[sflag:s31] =	ssyncadd.s32 $0xFFFFC000  }
0xf1: {  	[spmem:s1] =	stream.indirect.scatter.add.f32 [tilespmem:s19], [sflag:$0xF], $0x40, s18, s22, $0xb8;
	[tilespmem:$0x18280] =	vst v63  }
0xf2: {  	_ =	swait.ge [sflag:s5], $0x2000  }
0xf3: {  	[sflag:s5] =	ssyncset.done $0x0  }
0xf4: {  	s6 =	simm.s32 $0xC;
	[sflag:s5] =	ssyncadd.s32 $0xFFFFE000  }
0xf5: {  	_ =	swait.ge [sflag:s6], $0x2000  }
0xf6: {  	[sflag:s6] =	ssyncset.done $0x0  }
0xf7: {  	s7 =	simm.s32 $0xD;
	[sflag:s6] =	ssyncadd.s32 $0xFFFFE000  }
0xf8: {  	_ =	swait.ge [sflag:s7], $0x2000  }
0xf9: {  	[sflag:s7] =	ssyncset.done $0x0  }
0xfa: {  	s10 =	simm.s32 $0xE;
	[sflag:s7] =	ssyncadd.s32 $0xFFFFE000  }
0xfb: {  	_ =	swait.ge [sflag:s10], $0x2000  }
0xfc: {  	[sflag:s10] =	ssyncset.done $0x0  }
0xfd: {  	s4 =	simm.s32 $0xF;
	[sflag:s10] =	ssyncadd.s32 $0xFFFFE000  }
0xfe: {  	_ =	swait.ge [sflag:s4], $0x2000  }
0xff: {  	[sflag:s4] =	ssyncset.done $0x0  }
0x100: {  	[sflag:s4] =	ssyncadd.s32 $0xFFFFE000  }
0x101: {  	s5 =	stileid.u32;
	[bflag:$0x0] =	sbarrier.arrive $0xFFFF  }
0x102: {  	s3 =	sshll.u32 s5, $0x6;
	s6 =	rddreg [dreg:$0x9]  }
0x103: {  	s3 =	sor.u32 $0x1C10, s3;
	s7 =	rddreg [dreg:$0xb];
	s4 =	sshrl.u32 s6, $0x3  }
0x104: {  	[hbm:s7], [sflag:s3] =	dma.local [spmem:s4], $0x1000  }
0x105: {  	s4 =	simm.s32 $0x10  }
0x106: {  	_ =	swait.ge [sflag:s4], $0x1000  }
0x107: {  	s0 =	sadd.s32 $0x1, s0;
	s10 =	rddreg [dreg:$0xc]  }
0x108: {  	p0 =	sne.s32 s0, s10  }
.Ltmp2:
0x109: {  	_ = 	snop;
	(pc) =	sbr.rel @p0 .LBB2_1-.Ltmp2, $3  }
0x10a: {  	_ =	sdelay $0x1  }
0x10b: {  	[sflag:s4] =	ssyncset.done $0x0  }
0x10c: {  	[sflag:s4] =	ssyncadd.s32 $0xFFFFF000  }
0x10d: {  	_ =	sfence.sel $0x180000  }
0x10e: {  	[bflag:$0x0] =	sbarrier.arrive $0xFFFF  }
0x10f: {  	_ =	strace $0x9000004D  }
0x110: {  	s0 =	stileid.u32;
	[bflag:$0x2] =	sbarrier.arrive $0xFFFF  }
0x111: {  	p0 =	sne.s32 s0, $0x0;
	s0 =	rddreg [dreg:$0x3]  }
0x112: {  	s0 =	sadd.s32 @!p0 $0x100000, s0  }
0x113: {  	[sflag:s0] =	ssyncadd.tile.s32 @!p0 $0x1;
	_ =	shalt  }
.Lfunc_end2:
_tile_overlayer_lowered:
.L_overlay_start_2:
0x114: {  	(tag) =	ssettag $0x2  }
0x115: {  	s0 =	rddreg [dreg:$0x0];
	s2 =	stileid.u32  }
0x116: {  	s1 =	rddreg [dreg:$0x1];
	p0 =	sne.s32 s2, $0x0  }
0x117: {  	s3 =	rddreg [dreg:$0x2];
	[bflag:$0x3] =	sbarrier.arrive $0xFFFF;
	s2 =	simm.s32 @!p0 $0x1C10  }
0x118: {  	[timem:s3], [sflag:s2] =	dma.local @!p0 [hbm:s0], s1  }
0x119: {  	s0 =	simm.s32 @!p0 $0x10  }
0x11a: {  	_ =	swait.ge @!p0 [sflag:s0], s1  }
0x11b: {  	s1 =	ssub.s32 @!p0 $0x0, s1;
	[sflag:s0] =	ssyncset.done @!p0 $0x0  }
0x11c: {  	[sflag:s0] =	ssyncadd.s32 @!p0 s1  }
0x11d: {  	[bflag:$0x3] =	sbarrier.arrive $0xFFFF  }
0x11e: {  	_ =	shalt  }

// kernel: kernel.24.cloned.1.call-start
scs
__scs_entry_jumppad:
0x0: {  	(pc) =	sbr.rel $0x88, $3  }
0x1: {  	(tag) =	ssettag $0x0;
	lr =	simm.s32 $0x1  }
0x2: {  	[smem:$0x3F9F] =	sst lr;
	_ =	strace $0xD0000000  }
0x3: {  	_ = 	snop  }
0x4: {  	_ = 	snop  }
0x5: {  	_ = 	snop  }
0x6: {  	_ = 	snop  }
0x7: {  	_ = 	snop  }
__scs_overlays_trampoline_lowered:
0x8: {  	[smem:$0x3FAE] =	sst s0  }
0x9: {  	[smem:$0x3FAF] =	sst s1  }
0xa: {  	[smem:$0x3FB0] =	sst s2  }
0xb: {  	[smem:$0x3FB1] =	sst s3  }
0xc: {  	[smem:$0x3FB2] =	sst s4  }
0xd: {  	[smem:$0x3FB3] =	sst s5  }
0xe: {  	[smem:$0x3FB4] =	sst s6  }
0xf: {  	[smem:$0x3FB5] =	sst s7  }
0x10: {  	[smem:$0x3FB6] =	sst s8  }
0x11: {  	[smem:$0x3FB7] =	sst s9;
	s0 =	simm.s32 @!p0 $0x0  }
0x12: {  	s1 =	sld [smem:$0x3F9D];
	s0 =	simm.s32 @p0 $0x1  }
0x13: {  	[smem:$0x3FB8] =	sst s0;
	s0 =	simm.s32 @!p1 $0x0  }
0x14: {  	s2 =	sld [smem:$0x3F9C];
	s0 =	simm.s32 @p1 $0x1  }
0x15: {  	[smem:$0x3FB9] =	sst s0;
	s0 =	simm.s32 @!p2 $0x0  }
0x16: {  	s3 =	sld [smem:$0x3FDB];
	s0 =	simm.s32 @p2 $0x1  }
0x17: {  	s4 =	simm.s32 $0x1BF5;
	[smem:$0x3FBB] =	sst s0  }
0x18: {  	s0 =	sld [smem:$0x3F9E];
	_ =	swait.ge [sflag:s4], $0x0  }
0x19: {  	s7 =	sld [smem:$0x3F9F]  }
0x1a: {  	s8 =	sadd.s32 $0xFFFFE003, lr  }
0x1b: {  	s9 =	sadd.s32 $0xFFFFFEF7, lr;
	s5 =	simm.s32 $0xFFFFFFFF;
	p2 =	slt.u32 s8, $0xFFFFF086  }
0x1c: {  	p1 =	slt.u32 s9, $0xF7A;
	s5 =	simm.s32 @!p2 $0x0  }
0x1d: {  	s5 =	simm.s32 @p1 $0x1;
	p0 =	seq.s32 s7, s2  }
0x1e: {  	s7 =	smul.u32 @!p0 $0xF7A, s2;
	p2 =	seq.s32 @!p0 s5, $0x0  }
0x1f: {  	s9 =	smul.u32 $0xF7A, s1;
	s8 =	simm.s32 @!p0 $0x1BF5;
	p2 =	por !p2, p0  }
0x20: {  	[sflag:s8] =	ssyncset.s32 @!p0 $0xFFFFF086;
	s6 =	sadd.s32 @!p0 s3, s7;
	s7 =	simm.s32 @!p0 $0x108  }
0x21: {  	s3 =	sadd.s32 s3, s9;
	s6 =	sadd.s32 @!p0 $0x88, s6;
	s7 =	simm.s32 @p2 $0x1082  }
0x22: {  	[simem:s7], [sflag:s8] =	dma.local @!p0 [hbm:s6], $0xF7A  }
0x23: {  	s9 =	sor.u32 $0xD0000000, s2;
	s6 =	simm.s32 $0x108;
	_ =	swait.ge @!p0 [sflag:s8], $0x0  }
0x24: {  	s3 =	sadd.s32 $0x88, s3;
	s6 =	simm.s32 @!p1 $0x1082;
	[sflag:s4] =	ssyncset.s32 $0xFFFFF086  }
0x25: {  	[simem:s6], [sflag:s4] =	dma.local [hbm:s3], $0xF7A  }
0x26: {  	[smem:$0x3F9F] =	sst s1;
	(tag) =	ssettag s2;
	_ =	strace s9  }
0x27: {  	s1 =	sld [smem:$0x3FAF]  }
0x28: {  	s2 =	sld [smem:$0x3FB0]  }
0x29: {  	s4 =	sld [smem:$0x3FB2]  }
0x2a: {  	p0 =	seq.s32 s5, $0x0;
	s5 =	sld [smem:$0x3FB3]  }
0x2b: {  	s6 =	sld [smem:$0x3FB4]  }
0x2c: {  	s7 =	sld [smem:$0x3FB5]  }
0x2d: {  	s3 =	simm.s32 $0x108;
	s8 =	sld [smem:$0x3FB6]  }
0x2e: {  	s3 =	simm.s32 @!p0 $0x1082;
	s9 =	sld [smem:$0x3FB7]  }
0x2f: {  	lr =	sadd.s32 s0, s3;
	s0 =	sld [smem:$0x3FAE]  }
0x30: {  	s3 =	sld [smem:$0x3FB1]  }
0x31: {  	[smem:$0x3FBA] =	sst s10  }
0x32: {  	s10 =	sld [smem:$0x3FB8];
	_ =	sdelay $0x3  }
0x33: {  	p0 =	seq.s32 s10, $0x1;
	s10 =	sld [smem:$0x3FBA];
	_ =	sdelay $0x3  }
0x34: {  	[smem:$0x3FBA] =	sst s10  }
0x35: {  	s10 =	sld [smem:$0x3FB9];
	_ =	sdelay $0x3  }
0x36: {  	p1 =	seq.s32 s10, $0x1;
	s10 =	sld [smem:$0x3FBA];
	_ =	sdelay $0x3  }
0x37: {  	[smem:$0x3FBA] =	sst s10  }
0x38: {  	s10 =	sld [smem:$0x3FBB]  }
0x39: {  	_ = 	snop;
	(pc) =	sbr.ind lr, $3  }
0x3a: {  	_ = 	snop  }
0x3b: {  	_ = 	snop  }
0x3c: {  	p2 =	seq.s32 s10, $0x1;
	s10 =	sld [smem:$0x3FBA]  }
0x3d: {  	_ =	shalt  }
0x3e: {  	_ =	shalt  }
0x3f: {  	_ =	shalt  }
0x40: {  	_ =	shalt  }
0x41: {  	_ =	shalt  }
0x42: {  	_ =	shalt  }
0x43: {  	_ =	shalt  }
0x44: {  	_ =	shalt  }
0x45: {  	_ =	shalt  }
0x46: {  	_ =	shalt  }
0x47: {  	_ =	shalt  }
0x48: {  	_ =	shalt  }
0x49: {  	_ =	shalt  }
0x4a: {  	_ =	shalt  }
0x4b: {  	_ =	shalt  }
0x4c: {  	_ =	shalt  }
0x4d: {  	_ =	shalt  }
0x4e: {  	_ =	shalt  }
0x4f: {  	_ =	shalt  }
0x50: {  	_ =	shalt  }
0x51: {  	_ =	shalt  }
0x52: {  	_ =	shalt  }
0x53: {  	_ =	shalt  }
0x54: {  	_ =	shalt  }
0x55: {  	_ =	shalt  }
0x56: {  	_ =	shalt  }
0x57: {  	_ =	shalt  }
0x58: {  	_ =	shalt  }
0x59: {  	_ =	shalt  }
0x5a: {  	_ =	shalt  }
0x5b: {  	_ =	shalt  }
0x5c: {  	_ =	shalt  }
0x5d: {  	_ =	shalt  }
0x5e: {  	_ =	shalt  }
0x5f: {  	_ =	shalt  }
0x60: {  	_ =	shalt  }
0x61: {  	_ =	shalt  }
0x62: {  	_ =	shalt  }
0x63: {  	_ =	shalt  }
0x64: {  	_ =	shalt  }
0x65: {  	_ =	shalt  }
0x66: {  	_ =	shalt  }
0x67: {  	_ =	shalt  }
0x68: {  	_ =	shalt  }
0x69: {  	_ =	shalt  }
0x6a: {  	_ =	shalt  }
0x6b: {  	_ =	shalt  }
0x6c: {  	_ =	shalt  }
0x6d: {  	_ =	shalt  }
0x6e: {  	_ =	shalt  }
0x6f: {  	_ =	shalt  }
0x70: {  	_ =	shalt  }
0x71: {  	_ =	shalt  }
0x72: {  	_ =	shalt  }
0x73: {  	_ =	shalt  }
0x74: {  	_ =	shalt  }
0x75: {  	_ =	shalt  }
0x76: {  	_ =	shalt  }
0x77: {  	_ =	shalt  }
0x78: {  	_ =	shalt  }
0x79: {  	_ =	shalt  }
0x7a: {  	_ =	shalt  }
0x7b: {  	_ =	shalt  }
0x7c: {  	_ =	shalt  }
0x7d: {  	_ =	shalt  }
0x7e: {  	_ =	shalt  }
0x7f: {  	_ =	shalt  }
0x80: {  	_ =	shalt  }
0x81: {  	_ =	shalt  }
0x82: {  	_ =	shalt  }
0x83: {  	_ =	shalt  }
0x84: {  	_ =	shalt  }
0x85: {  	_ =	shalt  }
0x86: {  	_ =	shalt  }
0x87: {  	_ =	shalt  }
.Lfunc_end0:
.L_simem_size_0:
called_computation.4_lowered:
.L_overlay_start_0:
0x88: {  	s2 =	sld [smem:$0x3FD9]  }
0x89: {  	s3 =	sld [smem:$0x3FFE];
	_ =	sdelay $0x1  }
0x8a: {  	s1 =	srdreg.scid  }
0x8b: {  	s0 =	sand.u32 $0x1, s1  }
0x8c: {  	s17 =	sshll.u32 s0, $0xA;
	s2 =	sadd.s32 s3, s2  }
0x8d: {  	s2 =	sadd.s32 s2, s17  }
0x8e: {  	[smem:$0x3FC6] =	sst s2  }
0x8f: {  	_ = 	snop  }
0x90: {  	s2 =	sld [smem:$0x3FC8];
	(tm) =	ssettm $0x1  }
0x91: {  	s18 =	sld [smem:$0x3FFB];
	_ =	sdelay $0x3  }
0x92: {  	_ =	strace s18  }
0x93: {  	s3 =	sld [smem:$0x3FFC];
	_ =	sdelay $0x3  }
0x94: {  	_ =	strace s3  }
0x95: {  	s3 =	sld [smem:$0x3FFD];
	_ =	sdelay $0x3  }
0x96: {  	_ =	strace s3  }
0x97: {  	_ =	strace $0x8FFFFFFF  }
0x98: {  	s19 =	sld [smem:$0x3FDB];
	_ =	sdelay $0x1  }
0x99: {  	s4 =	simm.s32 $_scs_section_size  }
0x9a: {  	s5 =	simm.s32 $_size__tile_overlayer_lowered;
	s6 =	simm.s32 $_tile_overlayer_lowered  }
0x9b: {  	s22 =	simm.s32 $0x1BFF;
	s21 =	sshll.u32 s6, $0x1;
	s3 =	sadd.s32 s4, s19  }
0x9c: {  	s7 =	simm.s32 $0x0;
	s20 =	sshll.u32 s5, $0x1;
	s5 =	sadd.s32 s21, s3  }
0x9d: {  	[timem:s7], [sflag:s22] =	dma.local [hbm:s5], s20  }
0x9e: {  	_ =	swait.ge [sflag:s22], s20  }
0x9f: {  	s4 =	ssub.s32 $0x0, s20;
	[sflag:s22] =	ssyncset.done $0x0  }
0xa0: {  	[sflag:s22] =	ssyncadd.s32 s4;
	_ =	sdelay $0x1  }
0xa1: {  	s23 =	simm.s32 $0x1B8B  }
0xa2: {  	_ =	swait.ge [sflag:s23], $0x1  }
0xa3: {  	[sflag:s23] =	ssyncset.done $0x0  }
0xa4: {  	s25 =	simm.s32 $0x1B8E;
	s24 =	sld [smem:$0x3FFE];
	[sflag:s23] =	ssyncadd.s32 $0xFFFFFFFF  }
0xa5: {  	s26 =	simm.s32 $execute0_lowered;
	[smem:$0x3FD2] =	sst s25  }
0xa6: {  	s5 =	sshll.u32 s26, $0x1;
	_ =	strace $0x80000049;
	[dreg:$0x1] =	wrdreg $0xFFFFFFFF  }
0xa7: {  	s28 =	simm.s32 $_size_execute0_lowered;
	s3 =	sadd.s32 s3, s5;
	[dreg:$0x0] =	wrdreg $0x0  }
0xa8: {  	s5 =	sshll.u32 s28, $0x1;
	[dreg:$0x2] =	wrdreg s3  }
0xa9: {  	[dreg:$0x3] =	wrdreg s5  }
0xaa: {  	[dreg:$0x4] =	wrdreg $0xC0  }
0xab: {  	_ =	task [dreg:s7], $0x5FFFF  }
0xac: {  	[dreg:$0x1] =	wrdreg $0xFFFFFFFF  }
0xad: {  	[dreg:$0x0] =	wrdreg $0x60  }
0xae: {  	[dreg:$0x2] =	wrdreg s24  }
0xaf: {  	[dreg:$0x3] =	wrdreg s2  }
0xb0: {  	[dreg:$0x4] =	wrdreg $0x0  }
0xb1: {  	[dreg:$0x5] =	wrdreg $0xC  }
0xb2: {  	_ =	task.clear_ibuf [dreg:s7], $0x6FFFF;
	_ =	strace $0x90000049  }
0xb3: {  	s29 =	simm.s32 $0xC;
	_ =	strace $0x8000004B  }
0xb4: {  	_ =	swait.ge [sflag:s29], $0x1  }
0xb5: {  	[sflag:s29] =	ssyncadd.s32 $0xFFFFFFFF  }
0xb6: {  	_ =	strace $0x9000004B  }
0xb7: {  	_ =	sfence  }
0xb8: {  	s30 =	sld [smem:$0x0];
	_ =	sdelay $0x2  }
0xb9: {  	s31 =	sshll.u32 s1, $0xD;
	s1 =	sshrl.u32 s1, $0x2  }
0xba: {  	s3 =	sand.u32 $0x4000, s31;
	s1 =	sadd.s32 s1, s30  }
0xbb: {  	s0 =	sor.u32 s3, s0;
	s1 =	sshll.u32 s1, $0x11  }
0xbc: {  	s0 =	sor.u32 s1, s0  }
0xbd: {  	s0 =	sadd.s32 $0x8F2B, s0  }
0xbe: {  	[sflag:s0] =	ssyncadd.remote.s32 $0x1  }
0xbf: {  	_ =	sfence.sel $0xFFFF  }
0xc0: {  	[dreg:$0x0] =	wrdreg $0xFFFFFFFF;
	(pc) =	sbr.abs _section_cstart, $3  }
0xc1: {  	[dreg:$0x1] =	wrdreg $0xFFFFFFFF  }
0xc2: {  	_ =	task.clear_ibuf [dreg:s7], $0x2FFFF;
	_ =	strace $0x9FFFFFFF  }
0xc3: {  	(tm) =	ssettm $0x7FFFFFFF  }
tec
execute0_lowered:
.L_overlay_start_1:
0x0: {  	(tag) =	ssettag $0x1  }
0x1: {  	s0 =	rddreg [dreg:$0x0]  }
0x2: {  	s3 =	rddreg [dreg:$0x1]  }
0x3: {  	s2 =	srdreg.scid;
	s1 =	rddreg [dreg:$0x2]  }
0x4: {  	s11 =	stileid.u32;
	s28 =	simm.s32 $0x9;
	s29 =	simm.s32 $0x4  }
0x5: {  	s30 =	simm.s32 $0xA;
	s31 =	simm.s32 $0x5;
	s4 =	sand.u32 $0x1, s2  }
0x6: {  	s2 =	simm.s32 $0x0;
	s6 =	sshll.u32 s11, $0xC;
	s9 =	smul.u32 $0xC80, s11  }
0x7: {  	s12 =	sshll.u32 s11, $0xF;
	s22 =	smul.u32 $0xC800, s11;
	s11 =	simm.s32 $0x18000  }
0x8: {  	s5 =	smul.u32 $0xC8000, s4;
	[smem:$0x7FF] =	sst s2;
	s7 =	ssub.s32 $0x2, s4  }
0x9: {  	s8 =	smul.u32 $0xC800, s4;
	s13 =	sadd.s32 s12, s1;
	s12 =	simm.s32 $0x18080  }
0xa: {  	_ =	strace $0x8000004A;
	s10 =	sshrl.u32 s7, $0x1;
	[dreg:$0x9] =	wrdreg s13  }
0xb: {  	s5 =	sadd.s32 s5, s0;
	s0 =	sadd.s32 s6, s0;
	s6 =	ssub.s32 s7, s10  }
0xc: {  	s10 =	sshll.u32 s4, $0x10;
	s14 =	sadd.s32 s9, s8;
	s4 =	sadd.s32 $0x4000, s13  }
0xd: {  	s9 =	simm.s32 $0x4000;
	s13 =	simm.s32 $0x8000;
	s0 =	sadd.s32 s10, s0  }
0xe: {  	[dreg:$0xa] =	wrdreg s4;
	s15 =	sadd.s32 $0x4B000, s14;
	s16 =	smax.u32 s6, $0x1  }
0xf: {  	s17 =	sadd.s32 $0x4B200, s14;
	s8 =	sadd.s32 $0x4B180, s14;
	s21 =	sadd.s32 $0x4B100, s14  }
0x10: {  	s7 =	sadd.s32 $0x4B080, s14;
	s26 =	sadd.s32 s22, s5;
	s4 =	simm.s32 $0x10  }
0x11: {  	s14 =	simm.s32 $0x18100;
	s22 =	simm.s32 $0x80;
	s0 =	sadd.s32 $0x1B1C00, s0  }
0x12: {  	[dreg:$0xc] =	wrdreg s16;
	s6 =	sshrl.u32 s17, $0x3;
	s19 =	sshrl.u32 s8, $0x3  }
0x13: {  	s24 =	sshrl.u32 s7, $0x3;
	s8 =	sadd.s32 $0x23C00, s26;
	s16 =	simm.s32 $0x18180  }
0x14: {  	s17 =	simm.s32 $0x10000;
	s26 =	simm.s32 $0x3;
	[dreg:$0xb] =	wrdreg s0  }
0x15: {  	s0 =	sshrl.u32 s15, $0x3;
	s18 =	sadd.s32 s6, s3;
	s20 =	sadd.s32 s19, s3  }
0x16: {  	s6 =	sshrl.u32 s21, $0x3;
	s25 =	sadd.s32 s24, s3;
	s15 =	simm.s32 $0xC000  }
0x17: {  	s19 =	simm.s32 $0x14000;
	s21 =	simm.s32 $0x1;
	[dreg:$0x5] =	wrdreg s18  }
0x18: {  	s24 =	simm.s32 $0x2;
	s0 =	sadd.s32 s0, s3;
	[dreg:$0x6] =	wrdreg s20  }
0x19: {  	s23 =	sadd.s32 s6, s3;
	[dreg:$0x8] =	wrdreg s25;
	s18 =	simm.s32 $0x18200  }
0x1a: {  	s20 =	simm.s32 $0x6;
	s25 =	simm.s32 $0x8;
	[dreg:$0x4] =	wrdreg s0  }
0x1b: {  	v0 =	vimm.f32 $0.0e+00;
	[dreg:$0x7] =	wrdreg s23;
	s23 =	simm.s32 $0x7;
	s0 =	simm.s32 $0x0  }
.LBB2_1:
0x1c: {  	s5 =	simm.s32 $0x200;
	s3 =	simm.s32 $0x0  }
.LBB2_2:
0x1d: {  	p0 =	sne.s32 s5, $0xFE00;
	[tilespmem:s3+$0x4030] =	vst v0;
	s6 =	smov.u32 s5;
	s5 =	sadd.s32 $0x200, s5  }
.Ltmp0:
0x1e: {  	[tilespmem:s3+$0x4020] =	vst v0;
	(pc) =	sbr.rel @p0 .LBB2_2-.Ltmp0, $3  }
0x1f: {  	[tilespmem:s3+$0x4000] =	vst v0  }
0x20: {  	[tilespmem:s3+$0x4010] =	vst v0;
	_ =	sdelay $0x1  }
0x21: {  	s3 =	sshra.s32 s6, $0x2  }
0x22: {  	[tilespmem:s3+$0x4030] =	vst v0  }
0x23: {  	[tilespmem:s3+$0x4020] =	vst v0  }
0x24: {  	[tilespmem:s3+$0x4000] =	vst v0  }
0x25: {  	[tilespmem:s3+$0x4010] =	vst v0;
	s6 =	rddreg [dreg:$0x9]  }
0x26: {  	[spmem:s6] =	stream.linear.scatter [tilespmem:s9], [sflag:$0x10], $0x4000, $0x38;
	[tilespmem:$0x18280] =	vst v63  }
0x27: {  	_ =	swait.ge [sflag:s4], $0x4000  }
0x28: {  	[sflag:s4] =	ssyncset.done $0x0  }
0x29: {  	s7 =	rddreg [dreg:$0xa];
	[sflag:s4] =	ssyncadd.s32 $0xFFFFC000  }
0x2a: {  	[spmem:s7] =	stream.linear.scatter [tilespmem:s9], [sflag:$0x10], $0x4000, $0x38;
	[tilespmem:$0x18280] =	vst v63  }
0x2b: {  	_ =	swait.ge [sflag:s4], $0x4000  }
0x2c: {  	[sflag:s4] =	ssyncset.done $0x0  }
0x2d: {  	p0 =	por $0x1, $0x1;
	[sflag:s4] =	ssyncadd.s32 $0xFFFFC000  }
0x2e: {  	s3 =	simm.s32 @!p0 $0xB;
	[bflag:$0x0] =	sbarrier.arrive $0xFFFF  }
0x2f: {  	_ =	swait.ge @!p0 [sflag:s3], $0x2000  }
0x30: {  	s5 =	rddreg [dreg:$0x4];
	[sflag:s3] =	ssyncset.done @!p0 $0x0  }
0x31: {  	[sflag:s3] =	ssyncadd.s32 @!p0 $0xFFFFE000;
	s10 =	sadd.s32 $0x0, s5  }
0x32: {  	[tilespmem:s11], [sflag:$0x6] =	stream.linear.gather [hbm4b:s10+s2], $0x80, $0x38;
	[tilespmem:$0x18280] =	vst v63  }
0x33: {  	s4 =	sadd.s32 $0xFFFFE000, s8;
	s5 =	simm.s32 @!p0 $0xC  }
0x34: {  	[tilespmem:s9], [sflag:$0x1] =	stream.linear.gather [hbm4b:s4+s2], $0x4000, $0x38;
	[tilespmem:$0x18280] =	vst v63  }
0x35: {  	_ =	swait.ge @!p0 [sflag:s5], $0x2000  }
0x36: {  	s6 =	rddreg [dreg:$0x8];
	[sflag:s5] =	ssyncset.done @!p0 $0x0  }
0x37: {  	[sflag:s5] =	ssyncadd.s32 @!p0 $0xFFFFE000;
	s3 =	sadd.s32 $0x0, s6  }
0x38: {  	[tilespmem:s12], [sflag:$0x7] =	stream.linear.gather [hbm4b:s3+s2], $0x80, $0x38;
	[tilespmem:$0x18280] =	vst v63  }
0x39: {  	s7 =	sadd.s32 $0xFFFFE800, s8;
	s5 =	simm.s32 @!p0 $0xD  }
0x3a: {  	[tilespmem:s13], [sflag:$0x2] =	stream.linear.gather [hbm4b:s7+s2], $0x4000, $0x38;
	[tilespmem:$0x18280] =	vst v63  }
0x3b: {  	_ =	swait.ge @!p0 [sflag:s5], $0x2000  }
0x3c: {  	s10 =	rddreg [dreg:$0x7];
	[sflag:s5] =	ssyncset.done @!p0 $0x0  }
0x3d: {  	[sflag:s5] =	ssyncadd.s32 @!p0 $0xFFFFE000;
	s3 =	sadd.s32 $0x0, s10  }
0x3e: {  	[tilespmem:s14], [sflag:$0x8] =	stream.linear.gather [hbm4b:s3+s2], $0x80, $0x38;
	[tilespmem:$0x18280] =	vst v63  }
0x3f: {  	s4 =	sadd.s32 $0xFFFFF000, s8;
	s5 =	simm.s32 @!p0 $0xE  }
0x40: {  	[tilespmem:s15], [sflag:$0x3] =	stream.linear.gather [hbm4b:s4+s2], $0x4000, $0x38;
	[tilespmem:$0x18280] =	vst v63  }
0x41: {  	_ =	swait.ge @!p0 [sflag:s5], $0x2000  }
0x42: {  	s6 =	rddreg [dreg:$0x6];
	[sflag:s5] =	ssyncset.done @!p0 $0x0  }
0x43: {  	[sflag:s5] =	ssyncadd.s32 @!p0 $0xFFFFE000;
	s3 =	sadd.s32 $0x0, s6  }
0x44: {  	[tilespmem:s16], [sflag:$0x9] =	stream.linear.gather [hbm4b:s3+s2], $0x80, $0x38;
	[tilespmem:$0x18280] =	vst v63  }
0x45: {  	s7 =	sadd.s32 $0xFFFFF800, s8;
	s5 =	simm.s32 @!p0 $0xF  }
0x46: {  	[tilespmem:s17], [sflag:$0x4] =	stream.linear.gather [hbm4b:s7+s2], $0x4000, $0x38;
	[tilespmem:$0x18280] =	vst v63  }
0x47: {  	_ =	swait.ge @!p0 [sflag:s5], $0x2000  }
0x48: {  	s10 =	rddreg [dreg:$0x5];
	[sflag:s5] =	ssyncset.done @!p0 $0x0  }
0x49: {  	[sflag:s5] =	ssyncadd.s32 @!p0 $0xFFFFE000;
	s3 =	sadd.s32 $0x0, s10  }
0x4a: {  	[tilespmem:s18], [sflag:$0xA] =	stream.linear.gather [hbm4b:s3+s2], $0x80, $0x38;
	[tilespmem:$0x18280] =	vst v63  }
0x4b: {  	_ = 	snop  }
0x4c: {  	[tilespmem:s19], [sflag:$0x5] =	stream.linear.gather [hbm4b:s8+s2], $0x4000, $0x38;
	[tilespmem:$0x18280] =	vst v63  }
0x4d: {  	_ =	swait.ge [sflag:s20], $0x80  }
0x4e: {  	[sflag:s20] =	ssyncset.done $0x0  }
0x4f: {  	[sflag:s20] =	ssyncadd.s32 $0xFFFFFF80  }
0x50: {  	_ =	swait.ge [sflag:s21], $0x4000  }
0x51: {  	[sflag:s21] =	ssyncset.done $0x0  }
0x52: {  	[sflag:s21] =	ssyncadd.s32 $0xFFFFC000  }
0x53: {  	[spmem:s1] =	stream.indirect.scatter.add.f32 [tilespmem:s9], [sflag:$0xB], $0x40, s11, s22, $0xb8;
	[tilespmem:$0x18280] =	vst v63  }
0x54: {  	_ =	swait.ge [sflag:s23], $0x80  }
0x55: {  	[sflag:s23] =	ssyncset.done $0x0  }
0x56: {  	[sflag:s23] =	ssyncadd.s32 $0xFFFFFF80  }
0x57: {  	_ =	swait.ge [sflag:s24], $0x4000  }
0x58: {  	[sflag:s24] =	ssyncset.done $0x0  }
0x59: {  	[sflag:s24] =	ssyncadd.s32 $0xFFFFC000  }
0x5a: {  	[spmem:s1] =	stream.indirect.scatter.add.f32 [tilespmem:s13], [sflag:$0xC], $0x40, s12, s22, $0xb8;
	[tilespmem:$0x18280] =	vst v63  }
0x5b: {  	_ =	swait.ge [sflag:s25], $0x80  }
0x5c: {  	[sflag:s25] =	ssyncset.done $0x0  }
0x5d: {  	[sflag:s25] =	ssyncadd.s32 $0xFFFFFF80  }
0x5e: {  	_ =	swait.ge [sflag:s26], $0x4000  }
0x5f: {  	[sflag:s26] =	ssyncset.done $0x0  }
0x60: {  	[sflag:s26] =	ssyncadd.s32 $0xFFFFC000  }
0x61: {  	[spmem:s1] =	stream.indirect.scatter.add.f32 [tilespmem:s15], [sflag:$0xD], $0x40, s14, s22, $0xb8;
	[tilespmem:$0x18280] =	vst v63  }
0x62: {  	_ =	swait.ge [sflag:s28], $0x80  }
0x63: {  	[sflag:s28] =	ssyncset.done $0x0  }
0x64: {  	[sflag:s28] =	ssyncadd.s32 $0xFFFFFF80  }
0x65: {  	_ =	swait.ge [sflag:s29], $0x4000  }
0x66: {  	[sflag:s29] =	ssyncset.done $0x0  }
0x67: {  	[sflag:s29] =	ssyncadd.s32 $0xFFFFC000  }
0x68: {  	[spmem:s1] =	stream.indirect.scatter.add.f32 [tilespmem:s17], [sflag:$0xE], $0x40, s16, s22, $0xb8;
	[tilespmem:$0x18280] =	vst v63  }
0x69: {  	_ =	swait.ge [sflag:s30], $0x80  }
0x6a: {  	[sflag:s30] =	ssyncset.done $0x0  }
0x6b: {  	[sflag:s30] =	ssyncadd.s32 $0xFFFFFF80  }
0x6c: {  	p1 =	por $0x0, $0x0;
	s6 =	simm.s32 $0xA0;
	_ =	swait.ge [sflag:s31], $0x4000  }
0x6d: {  	s5 =	sadd.s32 $0x2800, s8;
	s3 =	simm.s32 $0x50;
	[sflag:s31] =	ssyncset.done $0x0  }
.LBB2_4:
0x6e: {  	s4 =	simm.s32 @!p1 $0xB;
	[sflag:s31] =	ssyncadd.s32 $0xFFFFC000  }
0x6f: {  	[spmem:s1] =	stream.indirect.scatter.add.f32 [tilespmem:s19], [sflag:$0xF], $0x40, s18, s22, $0xb8;
	[tilespmem:$0x18280] =	vst v63  }
0x70: {  	_ =	swait.ge @!p1 [sflag:s4], $0x2000  }
0x71: {  	[sflag:s4] =	ssyncset.done @!p1 $0x0;
	s10 =	rddreg [dreg:$0x4]  }
0x72: {  	[sflag:s4] =	ssyncadd.s32 @!p1 $0xFFFFE000;
	s10 =	sadd.s32 s3, s10  }
0x73: {  	[tilespmem:s11], [sflag:$0x6] =	stream.linear.gather [hbm4b:s10+s2], $0x80, $0x38;
	[tilespmem:$0x18280] =	vst v63  }
0x74: {  	s4 =	sadd.s32 $0xFFFFE000, s5;
	s10 =	simm.s32 @!p1 $0xC  }
0x75: {  	[tilespmem:s9], [sflag:$0x1] =	stream.linear.gather [hbm4b:s4+s2], $0x4000, $0x38;
	[tilespmem:$0x18280] =	vst v63  }
0x76: {  	_ =	swait.ge @!p1 [sflag:s10], $0x2000  }
0x77: {  	s4 =	rddreg [dreg:$0x8];
	[sflag:s10] =	ssyncset.done @!p1 $0x0  }
0x78: {  	[sflag:s10] =	ssyncadd.s32 @!p1 $0xFFFFE000;
	s4 =	sadd.s32 s3, s4  }
0x79: {  	[tilespmem:s12], [sflag:$0x7] =	stream.linear.gather [hbm4b:s4+s2], $0x80, $0x38;
	[tilespmem:$0x18280] =	vst v63  }
0x7a: {  	s10 =	simm.s32 @!p1 $0xD;
	s4 =	sadd.s32 $0xFFFFE800, s5  }
0x7b: {  	[tilespmem:s13], [sflag:$0x2] =	stream.linear.gather [hbm4b:s4+s2], $0x4000, $0x38;
	[tilespmem:$0x18280] =	vst v63  }
0x7c: {  	_ =	swait.ge @!p1 [sflag:s10], $0x2000  }
0x7d: {  	s4 =	rddreg [dreg:$0x7];
	[sflag:s10] =	ssyncset.done @!p1 $0x0  }
0x7e: {  	[sflag:s10] =	ssyncadd.s32 @!p1 $0xFFFFE000;
	s4 =	sadd.s32 s3, s4  }
0x7f: {  	[tilespmem:s14], [sflag:$0x8] =	stream.linear.gather [hbm4b:s4+s2], $0x80, $0x38;
	[tilespmem:$0x18280] =	vst v63  }
0x80: {  	s10 =	simm.s32 @!p1 $0xE;
	s4 =	sadd.s32 $0xFFFFF000, s5  }
0x81: {  	[tilespmem:s15], [sflag:$0x3] =	stream.linear.gather [hbm4b:s4+s2], $0x4000, $0x38;
	[tilespmem:$0x18280] =	vst v63  }
0x82: {  	_ =	swait.ge @!p1 [sflag:s10], $0x2000  }
0x83: {  	s4 =	rddreg [dreg:$0x6];
	[sflag:s10] =	ssyncset.done @!p1 $0x0  }
0x84: {  	[sflag:s10] =	ssyncadd.s32 @!p1 $0xFFFFE000;
	s4 =	sadd.s32 s3, s4  }
0x85: {  	[tilespmem:s16], [sflag:$0x9] =	stream.linear.gather [hbm4b:s4+s2], $0x80, $0x38;
	[tilespmem:$0x18280] =	vst v63  }
0x86: {  	s10 =	simm.s32 @!p1 $0xF;
	s4 =	sadd.s32 $0xFFFFF800, s5  }
0x87: {  	[tilespmem:s17], [sflag:$0x4] =	stream.linear.gather [hbm4b:s4+s2], $0x4000, $0x38;
	[tilespmem:$0x18280] =	vst v63  }
0x88: {  	_ =	swait.ge @!p1 [sflag:s10], $0x2000  }
0x89: {  	s4 =	rddreg [dreg:$0x5];
	[sflag:s10] =	ssyncset.done @!p1 $0x0  }
0x8a: {  	[sflag:s10] =	ssyncadd.s32 @!p1 $0xFFFFE000;
	s4 =	sadd.s32 s3, s4  }
0x8b: {  	[tilespmem:s18], [sflag:$0xA] =	stream.linear.gather [hbm4b:s4+s2], $0x80, $0x38;
	[tilespmem:$0x18280] =	vst v63  }
0x8c: {  	_ = 	snop  }
0x8d: {  	[tilespmem:s19], [sflag:$0x5] =	stream.linear.gather [hbm4b:s5+s2], $0x4000, $0x38;
	[tilespmem:$0x18280] =	vst v63  }
0x8e: {  	_ =	swait.ge [sflag:s20], $0x80  }
0x8f: {  	[sflag:s20] =	ssyncset.done $0x0  }
0x90: {  	[sflag:s20] =	ssyncadd.s32 $0xFFFFFF80  }
0x91: {  	_ =	swait.ge [sflag:s21], $0x4000  }
0x92: {  	[sflag:s21] =	ssyncset.done $0x0  }
0x93: {  	[sflag:s21] =	ssyncadd.s32 $0xFFFFC000  }
0x94: {  	[spmem:s1] =	stream.indirect.scatter.add.f32 [tilespmem:s9], [sflag:$0xB], $0x40, s11, s22, $0xb8;
	[tilespmem:$0x18280] =	vst v63  }
0x95: {  	_ =	swait.ge [sflag:s23], $0x80  }
0x96: {  	[sflag:s23] =	ssyncset.done $0x0  }
0x97: {  	[sflag:s23] =	ssyncadd.s32 $0xFFFFFF80  }
0x98: {  	_ =	swait.ge [sflag:s24], $0x4000  }
0x99: {  	[sflag:s24] =	ssyncset.done $0x0  }
0x9a: {  	[sflag:s24] =	ssyncadd.s32 $0xFFFFC000  }
0x9b: {  	[spmem:s1] =	stream.indirect.scatter.add.f32 [tilespmem:s13], [sflag:$0xC], $0x40, s12, s22, $0xb8;
	[tilespmem:$0x18280] =	vst v63  }
0x9c: {  	_ =	swait.ge [sflag:s25], $0x80  }
0x9d: {  	[sflag:s25] =	ssyncset.done $0x0  }
0x9e: {  	[sflag:s25] =	ssyncadd.s32 $0xFFFFFF80  }
0x9f: {  	_ =	swait.ge [sflag:s26], $0x4000  }
0xa0: {  	[sflag:s26] =	ssyncset.done $0x0  }
0xa1: {  	[sflag:s26] =	ssyncadd.s32 $0xFFFFC000  }
0xa2: {  	[spmem:s1] =	stream.indirect.scatter.add.f32 [tilespmem:s15], [sflag:$0xD], $0x40, s14, s22, $0xb8;
	[tilespmem:$0x18280] =	vst v63  }
0xa3: {  	_ =	swait.ge [sflag:s28], $0x80  }
0xa4: {  	[sflag:s28] =	ssyncset.done $0x0  }
0xa5: {  	[sflag:s28] =	ssyncadd.s32 $0xFFFFFF80  }
0xa6: {  	_ =	swait.ge [sflag:s29], $0x4000  }
0xa7: {  	s7 =	smov.u32 s6;
	s6 =	sadd.s32 $0x50, s6;
	[sflag:s29] =	ssyncset.done $0x0  }
0xa8: {  	p0 =	sne.s32 s6, $0x190;
	[sflag:s29] =	ssyncadd.s32 $0xFFFFC000  }
0xa9: {  	[spmem:s1] =	stream.indirect.scatter.add.f32 [tilespmem:s17], [sflag:$0xE], $0x40, s16, s22, $0xb8;
	[tilespmem:$0x18280] =	vst v63  }
.Ltmp1:
0xaa: {  	_ =	swait.ge [sflag:s30], $0x80;
	(pc) =	sbr.rel @p0 .LBB2_4-.Ltmp1, $4  }
0xab: {  	[sflag:s30] =	ssyncset.done $0x0  }
0xac: {  	[sflag:s30] =	ssyncadd.s32 $0xFFFFFF80  }
0xad: {  	s3 =	smov.u32 s7;
	_ =	swait.ge [sflag:s31], $0x4000  }
0xae: {  	p1 =	seq.s32 s3, $0x0;
	s5 =	sadd.s32 $0x2800, s5;
	[sflag:s31] =	ssyncset.done $0x0  }
0xaf: {  	s4 =	simm.s32 @!p1 $0xB;
	[sflag:s31] =	ssyncadd.s32 $0xFFFFC000  }
0xb0: {  	[spmem:s1] =	stream.indirect.scatter.add.f32 [tilespmem:s19], [sflag:$0xF], $0x40, s18, s22, $0xb8;
	[tilespmem:$0x18280] =	vst v63  }
0xb1: {  	_ =	swait.ge @!p1 [sflag:s4], $0x2000  }
0xb2: {  	s6 =	rddreg [dreg:$0x4];
	[sflag:s4] =	ssyncset.done @!p1 $0x0  }
0xb3: {  	[sflag:s4] =	ssyncadd.s32 @!p1 $0xFFFFE000;
	s6 =	sadd.s32 s3, s6  }
0xb4: {  	[tilespmem:s11], [sflag:$0x6] =	stream.linear.gather [hbm4b:s6+s2], $0x80, $0x38;
	[tilespmem:$0x18280] =	vst v63  }
0xb5: {  	s7 =	sadd.s32 $0xFFFFE000, s5;
	s6 =	simm.s32 @!p1 $0xC  }
0xb6: {  	[tilespmem:s9], [sflag:$0x1] =	stream.linear.gather [hbm4b:s7+s2], $0x4000, $0x38;
	[tilespmem:$0x18280] =	vst v63  }
0xb7: {  	_ =	swait.ge @!p1 [sflag:s6], $0x2000  }
0xb8: {  	s10 =	rddreg [dreg:$0x8];
	[sflag:s6] =	ssyncset.done @!p1 $0x0  }
0xb9: {  	[sflag:s6] =	ssyncadd.s32 @!p1 $0xFFFFE000;
	s4 =	sadd.s32 s3, s10  }
0xba: {  	[tilespmem:s12], [sflag:$0x7] =	stream.linear.gather [hbm4b:s4+s2], $0x80, $0x38;
	[tilespmem:$0x18280] =	vst v63  }
0xbb: {  	s7 =	sadd.s32 $0xFFFFE800, s5;
	s6 =	simm.s32 @!p1 $0xD  }
0xbc: {  	[tilespmem:s13], [sflag:$0x2] =	stream.linear.gather [hbm4b:s7+s2], $0x4000, $0x38;
	[tilespmem:$0x18280] =	vst v63  }
0xbd: {  	_ =	swait.ge @!p1 [sflag:s6], $0x2000  }
0xbe: {  	s10 =	rddreg [dreg:$0x7];
	[sflag:s6] =	ssyncset.done @!p1 $0x0  }
0xbf: {  	[sflag:s6] =	ssyncadd.s32 @!p1 $0xFFFFE000;
	s4 =	sadd.s32 s3, s10  }
0xc0: {  	[tilespmem:s14], [sflag:$0x8] =	stream.linear.gather [hbm4b:s4+s2], $0x80, $0x38;
	[tilespmem:$0x18280] =	vst v63  }
0xc1: {  	s7 =	sadd.s32 $0xFFFFF000, s5;
	s6 =	simm.s32 @!p1 $0xE  }
0xc2: {  	[tilespmem:s15], [sflag:$0x3] =	stream.linear.gather [hbm4b:s7+s2], $0x4000, $0x38;
	[tilespmem:$0x18280] =	vst v63  }
0xc3: {  	_ =	swait.ge @!p1 [sflag:s6], $0x2000  }
0xc4: {  	s10 =	rddreg [dreg:$0x6];
	[sflag:s6] =	ssyncset.done @!p1 $0x0  }
0xc5: {  	[sflag:s6] =	ssyncadd.s32 @!p1 $0xFFFFE000;
	s4 =	sadd.s32 s3, s10  }
0xc6: {  	[tilespmem:s16], [sflag:$0x9] =	stream.linear.gather [hbm4b:s4+s2], $0x80, $0x38;
	[tilespmem:$0x18280] =	vst v63  }
0xc7: {  	s7 =	sadd.s32 $0xFFFFF800, s5;
	s6 =	simm.s32 @!p1 $0xF  }
0xc8: {  	[tilespmem:s17], [sflag:$0x4] =	stream.linear.gather [hbm4b:s7+s2], $0x4000, $0x38;
	[tilespmem:$0x18280] =	vst v63  }
0xc9: {  	_ =	swait.ge @!p1 [sflag:s6], $0x2000  }
0xca: {  	s10 =	rddreg [dreg:$0x5];
	[sflag:s6] =	ssyncset.done @!p1 $0x0  }
0xcb: {  	[sflag:s6] =	ssyncadd.s32 @!p1 $0xFFFFE000;
	s4 =	sadd.s32 s3, s10  }
0xcc: {  	[tilespmem:s18], [sflag:$0xA] =	stream.linear.gather [hbm4b:s4+s2], $0x80, $0x38;
	[tilespmem:$0x18280] =	vst v63  }
0xcd: {  	_ = 	snop  }
0xce: {  	[tilespmem:s19], [sflag:$0x5] =	stream.linear.gather [hbm4b:s5+s2], $0x4000, $0x38;
	[tilespmem:$0x18280] =	vst v63  }
0xcf: {  	_ =	swait.ge [sflag:s20], $0x80  }
0xd0: {  	[sflag:s20] =	ssyncset.done $0x0  }
0xd1: {  	[sflag:s20] =	ssyncadd.s32 $0xFFFFFF80  }
0xd2: {  	_ =	swait.ge [sflag:s21], $0x4000  }
0xd3: {  	[sflag:s21] =	ssyncset.done $0x0  }
0xd4: {  	[sflag:s21] =	ssyncadd.s32 $0xFFFFC000  }
0xd5: {  	[spmem:s1] =	stream.indirect.scatter.add.f32 [tilespmem:s9], [sflag:$0xB], $0x40, s11, s22, $0xb8;
	[tilespmem:$0x18280] =	vst v63  }
0xd6: {  	_ =	swait.ge [sflag:s23], $0x80  }
0xd7: {  	[sflag:s23] =	ssyncset.done $0x0  }
0xd8: {  	[sflag:s23] =	ssyncadd.s32 $0xFFFFFF80  }
0xd9: {  	_ =	swait.ge [sflag:s24], $0x4000  }
0xda: {  	[sflag:s24] =	ssyncset.done $0x0  }
0xdb: {  	[sflag:s24] =	ssyncadd.s32 $0xFFFFC000  }
0xdc: {  	[spmem:s1] =	stream.indirect.scatter.add.f32 [tilespmem:s13], [sflag:$0xC], $0x40, s12, s22, $0xb8;
	[tilespmem:$0x18280] =	vst v63  }
0xdd: {  	_ =	swait.ge [sflag:s25], $0x80  }
0xde: {  	[sflag:s25] =	ssyncset.done $0x0  }
0xdf: {  	[sflag:s25] =	ssyncadd.s32 $0xFFFFFF80  }
0xe0: {  	_ =	swait.ge [sflag:s26], $0x4000  }
0xe1: {  	[sflag:s26] =	ssyncset.done $0x0  }
0xe2: {  	[sflag:s26] =	ssyncadd.s32 $0xFFFFC000  }
0xe3: {  	[spmem:s1] =	stream.indirect.scatter.add.f32 [tilespmem:s15], [sflag:$0xD], $0x40, s14, s22, $0xb8;
	[tilespmem:$0x18280] =	vst v63  }
0xe4: {  	_ =	swait.ge [sflag:s28], $0x80  }
0xe5: {  	[sflag:s28] =	ssyncset.done $0x0  }
0xe6: {  	[sflag:s28] =	ssyncadd.s32 $0xFFFFFF80  }
0xe7: {  	_ =	swait.ge [sflag:s29], $0x4000  }
0xe8: {  	[sflag:s29] =	ssyncset.done $0x0  }
0xe9: {  	[sflag:s29] =	ssyncadd.s32 $0xFFFFC000  }
0xea: {  	[spmem:s1] =	stream.indirect.scatter.add.f32 [tilespmem:s17], [sflag:$0xE], $0x40, s16, s22, $0xb8;
	[tilespmem:$0x18280] =	vst v63  }
0xeb: {  	_ =	swait.ge [sflag:s30], $0x80  }
0xec: {  	[sflag:s30] =	ssyncset.done $0x0  }
0xed: {  	[sflag:s30] =	ssyncadd.s32 $0xFFFFFF80  }
0xee: {  	_ =	swait.ge [sflag:s31], $0x4000  }
0xef: {  	[sflag:s31] =	ssyncset.done $0x0  }
0xf0: {  	s5 =	simm.s32 $0xB;
	[sflag:s31] =	ssyncadd.s32 $0xFFFFC000  }
0xf1: {  	[spmem:s1] =	stream.indirect.scatter.add.f32 [tilespmem:s19], [sflag:$0xF], $0x40, s18, s22, $0xb8;
	[tilespmem:$0x18280] =	vst v63  }
0xf2: {  	_ =	swait.ge [sflag:s5], $0x2000  }
0xf3: {  	[sflag:s5] =	ssyncset.done $0x0  }
0xf4: {  	s6 =	simm.s32 $0xC;
	[sflag:s5] =	ssyncadd.s32 $0xFFFFE000  }
0xf5: {  	_ =	swait.ge [sflag:s6], $0x2000  }
0xf6: {  	[sflag:s6] =	ssyncset.done $0x0  }
0xf7: {  	s7 =	simm.s32 $0xD;
	[sflag:s6] =	ssyncadd.s32 $0xFFFFE000  }
0xf8: {  	_ =	swait.ge [sflag:s7], $0x2000  }
0xf9: {  	[sflag:s7] =	ssyncset.done $0x0  }
0xfa: {  	s10 =	simm.s32 $0xE;
	[sflag:s7] =	ssyncadd.s32 $0xFFFFE000  }
0xfb: {  	_ =	swait.ge [sflag:s10], $0x2000  }
0xfc: {  	[sflag:s10] =	ssyncset.done $0x0  }
0xfd: {  	s4 =	simm.s32 $0xF;
	[sflag:s10] =	ssyncadd.s32 $0xFFFFE000  }
0xfe: {  	_ =	swait.ge [sflag:s4], $0x2000  }
0xff: {  	[sflag:s4] =	ssyncset.done $0x0  }
0x100: {  	[sflag:s4] =	ssyncadd.s32 $0xFFFFE000  }
0x101: {  	s5 =	stileid.u32;
	[bflag:$0x0] =	sbarrier.arrive $0xFFFF  }
0x102: {  	s3 =	sshll.u32 s5, $0x6;
	s6 =	rddreg [dreg:$0x9]  }
0x103: {  	s3 =	sor.u32 $0x1C10, s3;
	s7 =	rddreg [dreg:$0xb];
	s4 =	sshrl.u32 s6, $0x3  }
0x104: {  	[hbm:s7], [sflag:s3] =	dma.local [spmem:s4], $0x1000  }
0x105: {  	s4 =	simm.s32 $0x10  }
0x106: {  	_ =	swait.ge [sflag:s4], $0x1000  }
0x107: {  	s0 =	sadd.s32 $0x1, s0;
	s10 =	rddreg [dreg:$0xc]  }
0x108: {  	p0 =	sne.s32 s0, s10  }
.Ltmp2:
0x109: {  	_ = 	snop;
	(pc) =	sbr.rel @p0 .LBB2_1-.Ltmp2, $3  }
0x10a: {  	_ =	sdelay $0x1  }
0x10b: {  	[sflag:s4] =	ssyncset.done $0x0  }
0x10c: {  	[sflag:s4] =	ssyncadd.s32 $0xFFFFF000  }
0x10d: {  	_ =	sfence.sel $0x180000  }
0x10e: {  	[bflag:$0x0] =	sbarrier.arrive $0xFFFF  }
0x10f: {  	_ =	strace $0x9000004A  }
0x110: {  	s0 =	stileid.u32;
	[bflag:$0x2] =	sbarrier.arrive $0xFFFF  }
0x111: {  	p0 =	sne.s32 s0, $0x0;
	s0 =	rddreg [dreg:$0x3]  }
0x112: {  	s0 =	sadd.s32 @!p0 $0x100000, s0  }
0x113: {  	[sflag:s0] =	ssyncadd.tile.s32 @!p0 $0x1;
	_ =	shalt  }
.Lfunc_end2:
_tile_overlayer_lowered:
.L_overlay_start_2:
0x114: {  	(tag) =	ssettag $0x2  }
0x115: {  	s0 =	rddreg [dreg:$0x0];
	s2 =	stileid.u32  }
0x116: {  	s1 =	rddreg [dreg:$0x1];
	p0 =	sne.s32 s2, $0x0  }
0x117: {  	s3 =	rddreg [dreg:$0x2];
	[bflag:$0x3] =	sbarrier.arrive $0xFFFF;
	s2 =	simm.s32 @!p0 $0x1C10  }
0x118: {  	[timem:s3], [sflag:s2] =	dma.local @!p0 [hbm:s0], s1  }
0x119: {  	s0 =	simm.s32 @!p0 $0x10  }
0x11a: {  	_ =	swait.ge @!p0 [sflag:s0], s1  }
0x11b: {  	s1 =	ssub.s32 @!p0 $0x0, s1;
	[sflag:s0] =	ssyncset.done @!p0 $0x0  }
0x11c: {  	[sflag:s0] =	ssyncadd.s32 @!p0 s1  }
0x11d: {  	[bflag:$0x3] =	sbarrier.arrive $0xFFFF  }
0x11e: {  	_ =	shalt  }

</sc_bundles>
